<compile_context>
chip_gen: v7x
topology: tpu7x:2x2x1
jax: 0.10.2.dev20260603
libtpu: 0.0.44.dev20260713+nightly
codegen_flags: <defaults>
</compile_context>

<pallas_src>
import functools

import jax
import jax.numpy as jnp
from jax import lax
from jax.experimental import pallas as pl
from jax.experimental.pallas import tpu as pltpu
from jax.experimental.pallas import tpu_sc as plsc

NC = 2
NS = 16
LANES = 16
C = 80
RING = 4


def _sget(ref, k):
    return plsc.load_gather(ref, [jnp.full((LANES,), k, jnp.int32)])[0]


def _sc_body(nn, npairs, feat_hbm, dist_hbm, cos_hbm, node_hbm, i_hbm, j_hbm,
             zeros_hbm, out_hbm,
             nodeb, ib, jb, cosb, scidx, runs_v, d1_v, w_v, fi_v, fj_v,
             sc_v, rowbuf, bin_v, agg_sh,
             sem_fi, sem_fj, sem_idx, sem_row, sem_sc):
    d = fi_v.shape[1]
    cid = lax.axis_index("c")
    sid = lax.axis_index("s")
    half_n = nn // 2
    lane = jnp.arange(LANES, dtype=jnp.int32)

    rpt = (half_n // NS) // 8 * 8
    tail = half_n - rpt * NS
    row0 = sid * rpt
    pltpu.sync_copy(zeros_hbm.at[pl.ds(0, rpt)], agg_sh.at[pl.ds(row0, rpt)])

    @pl.when(sid == NS - 1)
    def _zero_tail():
        pltpu.sync_copy(zeros_hbm.at[pl.ds(0, tail)],
                        agg_sh.at[pl.ds(rpt * NS, tail)])

    def bs_body(_, lohi):
        lo, hi = lohi
        cont = lo < hi
        mid = (lo + hi) >> 1
        off = jnp.minimum((mid >> 3) << 3, npairs - LANES)
        pltpu.sync_copy(node_hbm.at[pl.ds(pl.multiple_of(off, 8), LANES)],
                        bin_v)
        val = _sget(bin_v, mid - off)
        lo2 = jnp.where(val < half_n, mid + 1, lo)
        hi2 = jnp.where(val < half_n, hi, mid)
        return (jnp.where(cont, lo2, lo), jnp.where(cont, hi2, hi))

    bnd, _ = lax.fori_loop(0, 18, bs_body,
                           (jnp.int32(0), jnp.int32(npairs)))

    lo_sc = jnp.where(cid == 0, 0, (bnd >> 3) << 3)
    hi_sc = jnp.where(cid == 0,
                      jnp.minimum(((bnd + 7) >> 3) << 3, npairs), npairs)
    span = hi_sc - lo_sc
    sz = (span + NS - 1) // NS

    def bound(s):
        return (jnp.minimum(lo_sc + s * sz, hi_sc) >> 3) << 3

    start = bound(sid)
    end = jnp.where(sid == NS - 1, hi_sc, bound(sid + 1))
    nchunks = (end - start + C - 1) // C
    node_base = cid * half_n

    def stage_idx(c):
        par = c & 1
        b = pl.multiple_of(jnp.minimum(start + c * C, npairs - C), 8)
        pltpu.async_copy(node_hbm.at[pl.ds(b, C)], nodeb.at[par], sem_idx)
        pltpu.async_copy(i_hbm.at[pl.ds(b, C)], ib.at[par], sem_idx)
        pltpu.async_copy(j_hbm.at[pl.ds(b, C)], jb.at[par], sem_idx)
        pltpu.async_copy(cos_hbm.at[pl.ds(b, C)], cosb.at[par], sem_idx)

    def wait_idx(c):
        par = c & 1
        b = pl.multiple_of(jnp.minimum(start + c * C, npairs - C), 8)
        pltpu.make_async_copy(node_hbm.at[pl.ds(b, C)], nodeb.at[par],
                              sem_idx).wait()
        pltpu.make_async_copy(i_hbm.at[pl.ds(b, C)], ib.at[par],
                              sem_idx).wait()
        pltpu.make_async_copy(j_hbm.at[pl.ds(b, C)], jb.at[par],
                              sem_idx).wait()
        pltpu.make_async_copy(cos_hbm.at[pl.ds(b, C)], cosb.at[par],
                              sem_idx).wait()

    def build_runs(c, reuse):
        par = c & 1
        nrun = jnp.int32(0)
        for g in range(C // LANES):
            s = pl.ds(g * LANES, LANES)
            nodes_g = nodeb[par, s]
            if g == 0:
                prev = plsc.load_gather(
                    nodeb.at[par], [jnp.maximum(lane - 1, 0)])
                m = (nodes_g != prev) | ((lane == 0) & (reuse == 0))
            else:
                prev = nodeb[par, pl.ds(g * LANES - 1, LANES)]
                m = nodes_g != prev
            plsc.store_compressed(runs_v.at[par, pl.ds(nrun, LANES)],
                                  nodes_g, mask=m)
            nrun = nrun + plsc.all_reduce_population_count(m)[0]
        return nrun

    def row_dma(c, klist, slot):
        row = _sget(runs_v.at[c & 1], klist)
        return pltpu.async_copy(dist_hbm.at[row], rowbuf.at[slot], sem_row)

    def fire_rows(c, nrun, reuse, g4):
        for kk in range(RING):
            @pl.when((kk >= reuse) & (kk < nrun + reuse))
            def _(kk=kk):
                row_dma(c, jnp.int32(kk) - reuse, (g4 + kk) & (RING - 1))

    @pl.when(nchunks > 0)
    def _stage0():
        stage_idx(jnp.int32(0))

    plsc.subcore_barrier()

    def _pro2():
        wait_idx(jnp.int32(0))
        nr0 = build_runs(jnp.int32(0), jnp.int32(0))
        fire_rows(jnp.int32(0), nr0, jnp.int32(0), jnp.int32(0))

        @pl.when(nchunks > 1)
        def _():
            stage_idx(jnp.int32(1))

        return nr0

    nrun0 = lax.cond(nchunks > 0, _pro2, lambda: jnp.int32(0))

    def chunk_body(c, carry):
        nrun_c, reuse_c, g4_c, prevl_c = carry
        par = c & 1
        nb = nodeb.at[par]
        ibr = ib.at[par]
        jbr = jb.at[par]
        cp_fi = pltpu.async_copy(feat_hbm.at[ibr], fi_v, sem_fi)
        cp_fj = pltpu.async_copy(feat_hbm.at[jbr], fj_v, sem_fj)

        lastc = nb[pl.ds(C - LANES, LANES)][LANES - 1]

        def _prep_next():
            with jax.named_scope("phase_idxwait"):
                wait_idx(c + 1)
            parn = 1 - par
            firstn = nodeb[parn, pl.ds(0, LANES)][0]
            bc = jnp.minimum(start + c * C, npairs - C)
            bn = jnp.minimum(start + (c + 1) * C, npairs - C)
            reuse_n = jnp.where((bn == bc + C) & (firstn == lastc),
                                jnp.int32(1), jnp.int32(0))
            return build_runs(c + 1, reuse_n), reuse_n

        nrun_next, reuse_next = lax.cond(
            c + 1 < nchunks, _prep_next,
            lambda: (jnp.int32(0), jnp.int32(0)))

        nloc = nrun_c + reuse_c

        def run_body(k, carry2):
            slot = (g4_c + k) & (RING - 1)
            row = jnp.where(reuse_c & (k == 0), prevl_c,
                            _sget(runs_v.at[par], k - reuse_c))

            @pl.when(k >= reuse_c)
            def _():
                pltpu.make_async_copy(dist_hbm.at[row], rowbuf.at[slot],
                                      sem_row).wait()

            rowsel = jnp.full((LANES,), slot, jnp.int32)
            for g in range(C // LANES):
                s = pl.ds(g * LANES, LANES)
                m = nb[s] == row
                d1g = plsc.load_gather(rowbuf, [rowsel, ibr[s]])
                d2g = plsc.load_gather(rowbuf, [rowsel, jbr[s]])
                d1_v[s] = jnp.where(m, d1g, d1_v[s])
                w_v[s] = jnp.where(m, d2g, w_v[s])

            @pl.when(k + RING < nloc)
            def _():
                row_dma(c, k + RING - reuse_c, slot)

            return carry2

        with jax.named_scope("phase_rows"):
            lax.fori_loop(0, nloc, run_body, 0)

        g4_next = (g4_c + nloc - reuse_next) & (RING - 1)

        @pl.when(c + 1 < nchunks)
        def _():
            fire_rows(c + 1, nrun_next, reuse_next, g4_next)

        b = jnp.minimum(start + c * C, npairs - C)
        b_raw = start + c * C
        cbr = cosb.at[par]
        sxr = scidx.at[par]
        for g in range(C // LANES):
            s = pl.ds(g * LANES, LANES)
            pos = b + (g * LANES) + lane
            rel = nb[s] - node_base
            valid = ((pos >= b_raw) & (pos < end)
                     & (rel >= 0) & (rel < half_n))
            w_v[s] = jnp.where(valid, cbr[s] * d1_v[s] * w_v[s], 0.0)
            sxr[s] = jnp.clip(rel, 0, half_n - 1)

        with jax.named_scope("phase_featwait"):
            cp_fi.wait()
            cp_fj.wait()

        @pl.when(c + 2 < nchunks)
        def _():
            stage_idx(c + 2)

        @pl.when(c > 0)
        def _():
            parp = 1 - par
            pltpu.make_async_copy(
                sc_v.at[parp], agg_sh.at[scidx.at[parp]], sem_sc).wait()

        with jax.named_scope("phase_scale"):
            @plsc.parallel_loop(0, C, unroll=4)
            def scale_row(p):
                fir = fi_v.at[p]
                fjr = fj_v.at[p]
                scr = sc_v.at[par, p]
                wv = plsc.load_gather(w_v,
                                      [jnp.full((LANES,), p, jnp.int32)])
                for k in range(d // LANES):
                    s = pl.ds(k * LANES, LANES)
                    scr[s] = (fir[s] + fjr[s]) * wv
        pltpu.async_copy(sc_v.at[par], agg_sh.at[scidx.at[par]], sem_sc,
                         add=True)
        return (nrun_next, reuse_next, g4_next, lastc)

    lax.fori_loop(0, nchunks, chunk_body,
                  (nrun0, jnp.int32(0), jnp.int32(0), jnp.int32(-1)))

    @pl.when(nchunks > 0)
    def _drain():
        parl = (nchunks - 1) & 1
        pltpu.make_async_copy(sc_v.at[parl], agg_sh.at[scidx.at[parl]],
                              sem_sc).wait()

    plsc.subcore_barrier()
    out_base = pl.multiple_of(node_base + row0, 8)
    pltpu.sync_copy(agg_sh.at[pl.ds(row0, rpt)],
                    out_hbm.at[pl.ds(out_base, rpt)])

    @pl.when(sid == NS - 1)
    def _dump_tail():
        pltpu.sync_copy(
            agg_sh.at[pl.ds(rpt * NS, tail)],
            out_hbm.at[pl.ds(pl.multiple_of(node_base + rpt * NS, 8), tail)])


def _proj_body(agg_ref, w_ref, b_ref, o_ref):
    o_ref[...] = (jnp.dot(agg_ref[...], w_ref[...],
                          preferred_element_type=jnp.float32) + b_ref[...])


def kernel(features, dist, cos_vals, W, b, node_idx, pair_i, pair_j):
    n, d = features.shape
    p = cos_vals.shape[0]
    zeros = jnp.zeros(((n // 2 // NS) // 8 * 8, d), jnp.float32)

    sc_fn = pl.kernel(
        functools.partial(_sc_body, n, p),
        out_type=jax.ShapeDtypeStruct((n, d), jnp.float32),
        mesh=plsc.VectorSubcoreMesh(
            core_axis_name="c", subcore_axis_name="s",
            num_cores=NC, num_subcores=NS),
        compiler_params=pltpu.CompilerParams(needs_layout_passes=False),
        scratch_types=[
            pltpu.VMEM((2, C), jnp.int32),
            pltpu.VMEM((2, C), jnp.int32),
            pltpu.VMEM((2, C), jnp.int32),
            pltpu.VMEM((2, C), jnp.float32),
            pltpu.VMEM((2, C), jnp.int32),
            pltpu.VMEM((2, C + LANES), jnp.int32),
            pltpu.VMEM((C,), jnp.float32),
            pltpu.VMEM((C,), jnp.float32),
            pltpu.VMEM((C, d), jnp.float32),
            pltpu.VMEM((C, d), jnp.float32),
            pltpu.VMEM((2, C, d), jnp.float32),
            pltpu.VMEM((RING, n), jnp.float32),
            pltpu.VMEM((LANES,), jnp.int32),
            pltpu.VMEM_SHARED((n // 2, d), jnp.float32),
            pltpu.SemaphoreType.DMA,
            pltpu.SemaphoreType.DMA,
            pltpu.SemaphoreType.DMA,
            pltpu.SemaphoreType.DMA,
            pltpu.SemaphoreType.DMA,
        ],
    )
    agg = sc_fn(features, dist, cos_vals, node_idx, pair_i, pair_j, zeros)

    blk = 1000
    out = pl.pallas_call(
        _proj_body,
        grid=(n // blk,),
        in_specs=[
            pl.BlockSpec((blk, d), lambda i: (i, 0)),
            pl.BlockSpec((d, d), lambda i: (0, 0)),
            pl.BlockSpec((1, d), lambda i: (0, 0)),
        ],
        out_specs=pl.BlockSpec((blk, d), lambda i: (i, 0)),
        out_shape=jax.ShapeDtypeStruct((n, d), jnp.float32),
    )(agg, W, b.reshape(1, d))
    return out

# --- scband reference (transcript-rebuilt; emitter-appended) ---
"""Pipeline reference for scband-daaagregation-layer-4784593568033 (READ-ONLY COPY).

The authoritative reference and input builder live on the scoring server;
editing this copy changes nothing except your own understanding.
"""

import jax, jax.numpy as jnp
import numpy as np

N = 10000
D = 128
P = 160000


def setup_inputs(seed: int = 0) -> dict:
    key = jax.random.key(seed)
    k1, k2, k3, k4, k5, k6, k7 = jax.random.split(key, 7)
    features = jax.random.normal(k1, (N, D), dtype=jnp.float32)
    dist = jax.random.uniform(k2, (N, N), dtype=jnp.float32)
    # tensorized encoding of adj_relative_cos: for each pair p,
    # node_idx[p] is the center node, (pair_i[p], pair_j[p]) is the neighbor pair,
    # cos_vals[p] is adj_relative_cos[node][(i, j)].
    node_idx = jnp.sort(jax.random.randint(k3, (P,), 0, N))
    pair_i = jax.random.randint(k4, (P,), 0, N)
    pair_j = jax.random.randint(k5, (P,), 0, N)
    cos_vals = jax.random.uniform(k6, (P,), dtype=jnp.float32) * 2.0 - 1.0
    # xavier_uniform for weight, zeros for bias (matches _reset_parameters)
    limit = float(np.sqrt(6.0 / (D + D)))
    W = jax.random.uniform(k7, (D, D), dtype=jnp.float32, minval=-limit, maxval=limit)
    b = jnp.zeros((D,), dtype=jnp.float32)
    return {"features": features, "dist": dist, "cos_vals": cos_vals,
            "W": W, "b": b,
            "node_idx": node_idx, "pair_i": pair_i, "pair_j": pair_j}


def reference(features, dist, cos_vals, W, b, node_idx, pair_i, pair_j):
    # agg[node] = sum over pairs (i, j) of node:
    #   (features[i] + features[j]) * cos(i,j) * dist[node, i] * dist[node, j]
    w = cos_vals * dist[node_idx, pair_i] * dist[node_idx, pair_j]
    contrib = (features[pair_i] + features[pair_j]) * w[:, None]
    agg = jax.ops.segment_sum(contrib, node_idx, num_segments=dist.shape[0])
    # output = agg @ weight + bias
    return agg @ W + b

if __name__ == "__main__":
    import jax
    _d = setup_inputs()
    print(jax.jit(kernel)(*tuple(_d.values())))

</pallas_src>

<mosaic_0001>
#map = affine_map<(d0, d1) -> (0, 0)>
#map1 = affine_map<(d0, d1) -> (0)>
module attributes {stable_mosaic.version = 14 : i64} {
  func.func @_sc_body(%arg0: i32, %arg1: i32, %arg2: memref<10000x128xf32, #tpu.memory_space<hbm>>, %arg3: memref<10000x10000xf32, #tpu.memory_space<hbm>>, %arg4: memref<160000xf32, #tpu.memory_space<hbm>>, %arg5: memref<160000xi32, #tpu.memory_space<hbm>>, %arg6: memref<160000xi32, #tpu.memory_space<hbm>>, %arg7: memref<160000xi32, #tpu.memory_space<hbm>>, %arg8: memref<312x128xf32, #tpu.memory_space<hbm>>, %arg9: memref<10000x128xf32, #tpu.memory_space<hbm>>, %arg10: memref<2x80xi32, #tpu.memory_space<vmem>>, %arg11: memref<2x80xi32, #tpu.memory_space<vmem>>, %arg12: memref<2x80xi32, #tpu.memory_space<vmem>>, %arg13: memref<2x80xf32, #tpu.memory_space<vmem>>, %arg14: memref<2x80xi32, #tpu.memory_space<vmem>>, %arg15: memref<2x96xi32, #tpu.memory_space<vmem>>, %arg16: memref<80xf32, #tpu.memory_space<vmem>>, %arg17: memref<80xf32, #tpu.memory_space<vmem>>, %arg18: memref<80x128xf32, #tpu.memory_space<vmem>>, %arg19: memref<80x128xf32, #tpu.memory_space<vmem>>, %arg20: memref<2x80x128xf32, #tpu.memory_space<vmem>>, %arg21: memref<4x10000xf32, #tpu.memory_space<vmem>>, %arg22: memref<16xi32, #tpu.memory_space<vmem>>, %arg23: memref<5000x128xf32, #tpu.memory_space<vmem_shared>>, %arg24: memref<!tpu.dma_semaphore, #tpu.memory_space<semaphore_mem>>, %arg25: memref<!tpu.dma_semaphore, #tpu.memory_space<semaphore_mem>>, %arg26: memref<!tpu.dma_semaphore, #tpu.memory_space<semaphore_mem>>, %arg27: memref<!tpu.dma_semaphore, #tpu.memory_space<semaphore_mem>>, %arg28: memref<!tpu.dma_semaphore, #tpu.memory_space<semaphore_mem>>) attributes {dimension_semantics = [#tpu.dimension_semantics<core_parallel>, #tpu.dimension_semantics<subcore_parallel>], iteration_bounds = array<i64: 2, 16>, scalar_prefetch = 0 : i64, scratch_operands = 19 : i64, tpu.core_type = #tpu.core_type<sc_vector_subcore>, window_params = [{transform_indices = #map}, {transform_indices = #map}, {transform_indices = #map1}, {transform_indices = #map1}, {transform_indices = #map1}, {transform_indices = #map1}, {transform_indices = #map}, {transform_indices = #map}]} {
    %iota3A = tpu.iota {dimensions = array<i32: 0>} : vector<16xi32>
    %mul3A = arith.constant 312 : i32
    %mul3A_0 = arith.muli %arg1, %mul3A : i32
    "tpu.region"() ({
      %run_scoped3A = tpu.sem_alloc : memref<!tpu.dma_semaphore, #tpu.memory_space<semaphore_mem>>
      %dma_start3A = arith.constant 0 : i32
      %dma_start3A_132 = tpu.memref_slice %arg23[%mul3A_0, %dma_start3A] : memref<5000x128xf32, #tpu.memory_space<vmem_shared>> -> memref<312x128xf32, #tpu.memory_space<vmem_shared>>
      %dma_start3A_133 = arith.constant 0 : i32
      %dma_start3A_134 = arith.constant 0 : i32
      %dma_start3A_135 = tpu.memref_slice %arg8[%dma_start3A_133, %dma_start3A_134] : memref<312x128xf32, #tpu.memory_space<hbm>> -> memref<312x128xf32, #tpu.memory_space<hbm>>
      tpu.enqueue_dma source(%dma_start3A_135 : memref<312x128xf32, #tpu.memory_space<hbm>>) target(%dma_start3A_132 : memref<312x128xf32, #tpu.memory_space<vmem_shared>>) target_semaphore(%run_scoped3A : memref<!tpu.dma_semaphore, #tpu.memory_space<semaphore_mem>>)
      %dma_wait3A = arith.constant 0 : i32
      %dma_wait3A_136 = tpu.memref_slice %arg23[%mul3A_0, %dma_wait3A] : memref<5000x128xf32, #tpu.memory_space<vmem_shared>> -> memref<312x128xf32, #tpu.memory_space<vmem_shared>>
      %dma_wait3A_137 = arith.constant 0 : i32
      %dma_wait3A_138 = arith.constant 0 : i32
      %dma_wait3A_139 = tpu.memref_slice %arg8[%dma_wait3A_137, %dma_wait3A_138] : memref<312x128xf32, #tpu.memory_space<hbm>> -> memref<312x128xf32, #tpu.memory_space<hbm>>
      tpu.wait_dma2 semaphore(%run_scoped3A : memref<!tpu.dma_semaphore, #tpu.memory_space<semaphore_mem>>) src(%dma_wait3A_139 : memref<312x128xf32, #tpu.memory_space<hbm>>) dst(%dma_wait3A_136 : memref<312x128xf32, #tpu.memory_space<vmem_shared>>)
      tpu.yield
    }) : () -> ()
    %eq3A = arith.constant 15 : i32
    %eq3A_1 = arith.cmpi eq, %arg1, %eq3A : i32
    %convert_element_type3A = arith.extui %eq3A_1 : i1 to i32
    %cond3A = arith.constant 0 : i32
    %cond3A_2 = arith.cmpi ne, %convert_element_type3A, %cond3A : i32
    scf.if %cond3A_2 {
      "tpu.region"() ({
        %run_scoped3A = tpu.sem_alloc : memref<!tpu.dma_semaphore, #tpu.memory_space<semaphore_mem>>
        %dma_start3A = arith.constant 4992 : i32
        %dma_start3A_132 = arith.constant 0 : i32
        %dma_start3A_133 = tpu.memref_slice %arg23[%dma_start3A, %dma_start3A_132] : memref<5000x128xf32, #tpu.memory_space<vmem_shared>> -> memref<8x128xf32, #tpu.memory_space<vmem_shared>>
        %dma_start3A_134 = arith.constant 0 : i32
        %dma_start3A_135 = arith.constant 0 : i32
        %dma_start3A_136 = tpu.memref_slice %arg8[%dma_start3A_134, %dma_start3A_135] : memref<312x128xf32, #tpu.memory_space<hbm>> -> memref<8x128xf32, #tpu.memory_space<hbm>>
        tpu.enqueue_dma source(%dma_start3A_136 : memref<8x128xf32, #tpu.memory_space<hbm>>) target(%dma_start3A_133 : memref<8x128xf32, #tpu.memory_space<vmem_shared>>) target_semaphore(%run_scoped3A : memref<!tpu.dma_semaphore, #tpu.memory_space<semaphore_mem>>)
        %dma_wait3A = arith.constant 4992 : i32
        %dma_wait3A_137 = arith.constant 0 : i32
        %dma_wait3A_138 = tpu.memref_slice %arg23[%dma_wait3A, %dma_wait3A_137] : memref<5000x128xf32, #tpu.memory_space<vmem_shared>> -> memref<8x128xf32, #tpu.memory_space<vmem_shared>>
        %dma_wait3A_139 = arith.constant 0 : i32
        %dma_wait3A_140 = arith.constant 0 : i32
        %dma_wait3A_141 = tpu.memref_slice %arg8[%dma_wait3A_139, %dma_wait3A_140] : memref<312x128xf32, #tpu.memory_space<hbm>> -> memref<8x128xf32, #tpu.memory_space<hbm>>
        tpu.wait_dma2 semaphore(%run_scoped3A : memref<!tpu.dma_semaphore, #tpu.memory_space<semaphore_mem>>) src(%dma_wait3A_141 : memref<8x128xf32, #tpu.memory_space<hbm>>) dst(%dma_wait3A_138 : memref<8x128xf32, #tpu.memory_space<vmem_shared>>)
        tpu.yield
      }) : () -> ()
    } else {
    }
    %scan3A = arith.constant 0 : i32
    %scan3A_3 = arith.constant 160000 : i32
    %scan3A_4 = arith.constant 0 : i32
    %scan3A_5 = arith.constant 18 : i32
    %scan3A_6 = arith.addi %scan3A_4, %scan3A_5 : i32
    %scan3A_7 = arith.constant 1 : i32
    %scan3A_8:2 = scf.for %scan3A_132 = %scan3A_4 to %scan3A_6 step %scan3A_7 iter_args(%scan3A_133 = %scan3A, %scan3A_134 = %scan3A_3) -> (i32, i32)  : i32 {
      %lt3A = arith.cmpi slt, %scan3A_133, %scan3A_134 : i32
      %add3A_135 = arith.addi %scan3A_133, %scan3A_134 : i32
      %shift_right_arithmetic3A_136 = arith.constant 1 : i32
      %shift_right_arithmetic3A_137 = arith.shrsi %add3A_135, %shift_right_arithmetic3A_136 : i32
      %shift_right_arithmetic3A_138 = arith.constant 3 : i32
      %shift_right_arithmetic3A_139 = arith.shrsi %shift_right_arithmetic3A_137, %shift_right_arithmetic3A_138 : i32
      %shift_left3A_140 = arith.constant 3 : i32
      %shift_left3A_141 = arith.shli %shift_right_arithmetic3A_139, %shift_left3A_140 : i32
      %min3A_142 = arith.constant 159984 : i32
      %min3A_143 = arith.minsi %shift_left3A_141, %min3A_142 : i32
      %multiple_of3A_144 = tpu.assume_multiple %min3A_143, 8 : i32
      "tpu.region"() ({
        %run_scoped3A = tpu.sem_alloc : memref<!tpu.dma_semaphore, #tpu.memory_space<semaphore_mem>>
        %dma_start3A = tpu.memref_slice %arg5[%multiple_of3A_144] : memref<160000xi32, #tpu.memory_space<hbm>> -> memref<16xi32, #tpu.memory_space<hbm>>
        %dma_start3A_156 = tpu.memref_slice %arg5[%multiple_of3A_144] : memref<160000xi32, #tpu.memory_space<hbm>> -> memref<16xi32, #tpu.memory_space<hbm>>
        tpu.enqueue_dma source(%dma_start3A_156 : memref<16xi32, #tpu.memory_space<hbm>>) target(%arg22 : memref<16xi32, #tpu.memory_space<vmem>>) target_semaphore(%run_scoped3A : memref<!tpu.dma_semaphore, #tpu.memory_space<semaphore_mem>>)
        %dma_wait3A = tpu.memref_slice %arg5[%multiple_of3A_144] : memref<160000xi32, #tpu.memory_space<hbm>> -> memref<16xi32, #tpu.memory_space<hbm>>
        %dma_wait3A_157 = tpu.memref_slice %arg5[%multiple_of3A_144] : memref<160000xi32, #tpu.memory_space<hbm>> -> memref<16xi32, #tpu.memory_space<hbm>>
        tpu.wait_dma2 semaphore(%run_scoped3A : memref<!tpu.dma_semaphore, #tpu.memory_space<semaphore_mem>>) src(%dma_wait3A_157 : memref<16xi32, #tpu.memory_space<hbm>>) dst(%arg22 : memref<16xi32, #tpu.memory_space<vmem>>)
        tpu.yield
      }) : () -> ()
      %sub3A_145 = arith.subi %shift_right_arithmetic3A_137, %min3A_143 : i32
      %broadcast_in_dim3A = vector.broadcast %sub3A_145 : i32 to vector<16xi32>
      %gather3A = tpu.vector_load_idx %arg22[%broadcast_in_dim3A] : memref<16xi32, #tpu.memory_space<vmem>>[vector<16xi32>], vector<16xi32>,
      %slice3A = vector.extract_strided_slice %gather3A {offsets = [0], sizes = [1], strides = [1]} : vector<16xi32> to vector<1xi32>
      %squeeze3A = vector.extract %slice3A[0] : i32 from vector<1xi32>
      %lt3A_146 = arith.constant 5000 : i32
      %lt3A_147 = arith.cmpi slt, %squeeze3A, %lt3A_146 : i32
      %add3A_148 = arith.constant 1 : i32
      %add3A_149 = arith.addi %shift_right_arithmetic3A_137, %add3A_148 : i32
      %select_n3A_150 = arith.select %lt3A_147, %add3A_149, %scan3A_133 : i32
      %lt3A_151 = arith.constant 5000 : i32
      %lt3A_152 = arith.cmpi slt, %squeeze3A, %lt3A_151 : i32
      %select_n3A_153 = arith.select %lt3A_152, %scan3A_134, %shift_right_arithmetic3A_137 : i32
      %select_n3A_154 = arith.select %lt3A, %select_n3A_150, %scan3A_133 : i32
      %select_n3A_155 = arith.select %lt3A, %select_n3A_153, %scan3A_134 : i32
      scf.yield %select_n3A_154, %select_n3A_155 : i32, i32
    }
    %scan3A_9 = arith.constant 18 : i32
    %eq3A_10 = arith.constant 0 : i32
    %eq3A_11 = arith.cmpi eq, %arg0, %eq3A_10 : i32
    %shift_right_arithmetic3A = arith.constant 3 : i32
    %shift_right_arithmetic3A_12 = arith.shrsi %scan3A_8#0, %shift_right_arithmetic3A : i32
    %shift_left3A = arith.constant 3 : i32
    %shift_left3A_13 = arith.shli %shift_right_arithmetic3A_12, %shift_left3A : i32
    %jit3A = arith.constant 0 : i32
    %select_n3A = arith.select %eq3A_11, %jit3A, %shift_left3A_13 : i32
    %eq3A_14 = arith.constant 0 : i32
    %eq3A_15 = arith.cmpi eq, %arg0, %eq3A_14 : i32
    %add3A = arith.constant 7 : i32
    %add3A_16 = arith.addi %scan3A_8#0, %add3A : i32
    %shift_right_arithmetic3A_17 = arith.constant 3 : i32
    %shift_right_arithmetic3A_18 = arith.shrsi %add3A_16, %shift_right_arithmetic3A_17 : i32
    %shift_left3A_19 = arith.constant 3 : i32
    %shift_left3A_20 = arith.shli %shift_right_arithmetic3A_18, %shift_left3A_19 : i32
    %min3A = arith.constant 160000 : i32
    %min3A_21 = arith.minsi %shift_left3A_20, %min3A : i32
    %jit3A_22 = arith.constant 160000 : i32
    %select_n3A_23 = arith.select %eq3A_15, %min3A_21, %jit3A_22 : i32
    %sub3A = arith.subi %select_n3A_23, %select_n3A : i32
    %add3A_24 = arith.constant 16 : i32
    %add3A_25 = arith.addi %sub3A, %add3A_24 : i32
    %sub3A_26 = arith.constant 1 : i32
    %sub3A_27 = arith.subi %add3A_25, %sub3A_26 : i32
    %jit3A_28 = arith.constant 16 : i32
    %div3A = arith.divsi %sub3A_27, %jit3A_28 : i32
    %sign3A = arith.constant 0 : i32
    %sign3A_29 = arith.cmpi sgt, %sub3A_27, %sign3A : i32
    %sign3A_30 = arith.extui %sign3A_29 : i1 to i32
    %sign3A_31 = arith.constant 0 : i32
    %sign3A_32 = arith.cmpi slt, %sub3A_27, %sign3A_31 : i32
    %sign3A_33 = arith.extui %sign3A_32 : i1 to i32
    %sign3A_34 = arith.subi %sign3A_30, %sign3A_33 : i32
    %sign3A_35 = arith.constant 0 : i32
    %sign3A_36 = arith.cmpi sgt, %jit3A_28, %sign3A_35 : i32
    %sign3A_37 = arith.extui %sign3A_36 : i1 to i32
    %sign3A_38 = arith.constant 0 : i32
    %sign3A_39 = arith.cmpi slt, %jit3A_28, %sign3A_38 : i32
    %sign3A_40 = arith.extui %sign3A_39 : i1 to i32
    %sign3A_41 = arith.subi %sign3A_37, %sign3A_40 : i32
    %ne3A = arith.cmpi ne, %sign3A_34, %sign3A_41 : i32
    %rem3A = arith.remsi %sub3A_27, %jit3A_28 : i32
    %ne3A_42 = arith.constant 0 : i32
    %ne3A_43 = arith.cmpi ne, %rem3A, %ne3A_42 : i32
    %and3A = arith.andi %ne3A, %ne3A_43 : i1
    %sub3A_44 = arith.constant 1 : i32
    %sub3A_45 = arith.subi %div3A, %sub3A_44 : i32
    %select_n3A_46 = arith.select %and3A, %sub3A_45, %div3A : i32
    %mul3A_47 = arith.muli %arg1, %select_n3A_46 : i32
    %add3A_48 = arith.addi %select_n3A, %mul3A_47 : i32
    %min3A_49 = arith.minsi %add3A_48, %select_n3A_23 : i32
    %shift_right_arithmetic3A_50 = arith.constant 3 : i32
    %shift_right_arithmetic3A_51 = arith.shrsi %min3A_49, %shift_right_arithmetic3A_50 : i32
    %shift_left3A_52 = arith.constant 3 : i32
    %shift_left3A_53 = arith.shli %shift_right_arithmetic3A_51, %shift_left3A_52 : i32
    %eq3A_54 = arith.constant 15 : i32
    %eq3A_55 = arith.cmpi eq, %arg1, %eq3A_54 : i32
    %add3A_56 = arith.constant 1 : i32
    %add3A_57 = arith.addi %arg1, %add3A_56 : i32
    %mul3A_58 = arith.muli %add3A_57, %select_n3A_46 : i32
    %add3A_59 = arith.addi %select_n3A, %mul3A_58 : i32
    %min3A_60 = arith.minsi %add3A_59, %select_n3A_23 : i32
    %shift_right_arithmetic3A_61 = arith.constant 3 : i32
    %shift_right_arithmetic3A_62 = arith.shrsi %min3A_60, %shift_right_arithmetic3A_61 : i32
    %shift_left3A_63 = arith.constant 3 : i32
    %shift_left3A_64 = arith.shli %shift_right_arithmetic3A_62, %shift_left3A_63 : i32
    %select_n3A_65 = arith.select %eq3A_55, %select_n3A_23, %shift_left3A_64 : i32
    %sub3A_66 = arith.subi %select_n3A_65, %shift_left3A_53 : i32
    %add3A_67 = arith.constant 80 : i32
    %add3A_68 = arith.addi %sub3A_66, %add3A_67 : i32
    %sub3A_69 = arith.constant 1 : i32
    %sub3A_70 = arith.subi %add3A_68, %sub3A_69 : i32
    %jit3A_71 = arith.constant 80 : i32
    %div3A_72 = arith.divsi %sub3A_70, %jit3A_71 : i32
    %sign3A_73 = arith.constant 0 : i32
    %sign3A_74 = arith.cmpi sgt, %sub3A_70, %sign3A_73 : i32
    %sign3A_75 = arith.extui %sign3A_74 : i1 to i32
    %sign3A_76 = arith.constant 0 : i32
    %sign3A_77 = arith.cmpi slt, %sub3A_70, %sign3A_76 : i32
    %sign3A_78 = arith.extui %sign3A_77 : i1 to i32
    %sign3A_79 = arith.subi %sign3A_75, %sign3A_78 : i32
    %sign3A_80 = arith.constant 0 : i32
    %sign3A_81 = arith.cmpi sgt, %jit3A_71, %sign3A_80 : i32
    %sign3A_82 = arith.extui %sign3A_81 : i1 to i32
    %sign3A_83 = arith.constant 0 : i32
    %sign3A_84 = arith.cmpi slt, %jit3A_71, %sign3A_83 : i32
    %sign3A_85 = arith.extui %sign3A_84 : i1 to i32
    %sign3A_86 = arith.subi %sign3A_82, %sign3A_85 : i32
    %ne3A_87 = arith.cmpi ne, %sign3A_79, %sign3A_86 : i32
    %rem3A_88 = arith.remsi %sub3A_70, %jit3A_71 : i32
    %ne3A_89 = arith.constant 0 : i32
    %ne3A_90 = arith.cmpi ne, %rem3A_88, %ne3A_89 : i32
    %and3A_91 = arith.andi %ne3A_87, %ne3A_90 : i1
    %sub3A_92 = arith.constant 1 : i32
    %sub3A_93 = arith.subi %div3A_72, %sub3A_92 : i32
    %select_n3A_94 = arith.select %and3A_91, %sub3A_93, %div3A_72 : i32
    %mul3A_95 = arith.constant 5000 : i32
    %mul3A_96 = arith.muli %arg0, %mul3A_95 : i32
    %gt3A = arith.constant 0 : i32
    %gt3A_97 = arith.cmpi sgt, %select_n3A_94, %gt3A : i32
    %convert_element_type3A_98 = arith.extui %gt3A_97 : i1 to i32
    %cond3A_99 = arith.constant 0 : i32
    %cond3A_100 = arith.cmpi ne, %convert_element_type3A_98, %cond3A_99 : i32
    scf.if %cond3A_100 {
      %and3A_132 = arith.constant 0 : i32
      %and3A_133 = arith.constant 1 : i32
      %and3A_134 = arith.andi %and3A_132, %and3A_133 : i32
      %mul3A_135 = arith.constant 0 : i32
      %mul3A_136 = arith.constant 80 : i32
      %mul3A_137 = arith.muli %mul3A_135, %mul3A_136 : i32
      %add3A_138 = arith.addi %shift_left3A_53, %mul3A_137 : i32
      %min3A_139 = arith.constant 159920 : i32
      %min3A_140 = arith.minsi %add3A_138, %min3A_139 : i32
      %multiple_of3A_141 = tpu.assume_multiple %min3A_140, 8 : i32
      %dma_start3A = arith.constant 0 : i32
      %dma_start3A_142 = tpu.memref_slice %arg10[%and3A_134, %dma_start3A] : memref<2x80xi32, #tpu.memory_space<vmem>> -> memref<1x80xi32, #tpu.memory_space<vmem>>
      %dma_start3A_143 = tpu.memref_squeeze %dma_start3A_142 : memref<1x80xi32, #tpu.memory_space<vmem>> -> memref<80xi32, #tpu.memory_space<vmem>>
      %dma_start3A_144 = tpu.memref_slice %arg5[%multiple_of3A_141] : memref<160000xi32, #tpu.memory_space<hbm>> -> memref<80xi32, #tpu.memory_space<hbm>>
      %dma_start3A_145 = arith.constant 0 : i32
      %dma_start3A_146 = tpu.memref_slice %arg10[%and3A_134, %dma_start3A_145] : memref<2x80xi32, #tpu.memory_space<vmem>> -> memref<1x80xi32, #tpu.memory_space<vmem>>
      %dma_start3A_147 = tpu.memref_squeeze %dma_start3A_146 : memref<1x80xi32, #tpu.memory_space<vmem>> -> memref<80xi32, #tpu.memory_space<vmem>>
      %dma_start3A_148 = tpu.memref_slice %arg5[%multiple_of3A_141] : memref<160000xi32, #tpu.memory_space<hbm>> -> memref<80xi32, #tpu.memory_space<hbm>>
      tpu.enqueue_dma source(%dma_start3A_148 : memref<80xi32, #tpu.memory_space<hbm>>) target(%dma_start3A_147 : memref<80xi32, #tpu.memory_space<vmem>>) target_semaphore(%arg26 : memref<!tpu.dma_semaphore, #tpu.memory_space<semaphore_mem>>)
      %dma_start3A_149 = arith.constant 0 : i32
      %dma_start3A_150 = tpu.memref_slice %arg11[%and3A_134, %dma_start3A_149] : memref<2x80xi32, #tpu.memory_space<vmem>> -> memref<1x80xi32, #tpu.memory_space<vmem>>
      %dma_start3A_151 = tpu.memref_squeeze %dma_start3A_150 : memref<1x80xi32, #tpu.memory_space<vmem>> -> memref<80xi32, #tpu.memory_space<vmem>>
      %dma_start3A_152 = tpu.memref_slice %arg6[%multiple_of3A_141] : memref<160000xi32, #tpu.memory_space<hbm>> -> memref<80xi32, #tpu.memory_space<hbm>>
      %dma_start3A_153 = arith.constant 0 : i32
      %dma_start3A_154 = tpu.memref_slice %arg11[%and3A_134, %dma_start3A_153] : memref<2x80xi32, #tpu.memory_space<vmem>> -> memref<1x80xi32, #tpu.memory_space<vmem>>
      %dma_start3A_155 = tpu.memref_squeeze %dma_start3A_154 : memref<1x80xi32, #tpu.memory_space<vmem>> -> memref<80xi32, #tpu.memory_space<vmem>>
      %dma_start3A_156 = tpu.memref_slice %arg6[%multiple_of3A_141] : memref<160000xi32, #tpu.memory_space<hbm>> -> memref<80xi32, #tpu.memory_space<hbm>>
      tpu.enqueue_dma source(%dma_start3A_156 : memref<80xi32, #tpu.memory_space<hbm>>) target(%dma_start3A_155 : memref<80xi32, #tpu.memory_space<vmem>>) target_semaphore(%arg26 : memref<!tpu.dma_semaphore, #tpu.memory_space<semaphore_mem>>)
      %dma_start3A_157 = arith.constant 0 : i32
      %dma_start3A_158 = tpu.memref_slice %arg12[%and3A_134, %dma_start3A_157] : memref<2x80xi32, #tpu.memory_space<vmem>> -> memref<1x80xi32, #tpu.memory_space<vmem>>
      %dma_start3A_159 = tpu.memref_squeeze %dma_start3A_158 : memref<1x80xi32, #tpu.memory_space<vmem>> -> memref<80xi32, #tpu.memory_space<vmem>>
      %dma_start3A_160 = tpu.memref_slice %arg7[%multiple_of3A_141] : memref<160000xi32, #tpu.memory_space<hbm>> -> memref<80xi32, #tpu.memory_space<hbm>>
      %dma_start3A_161 = arith.constant 0 : i32
      %dma_start3A_162 = tpu.memref_slice %arg12[%and3A_134, %dma_start3A_161] : memref<2x80xi32, #tpu.memory_space<vmem>> -> memref<1x80xi32, #tpu.memory_space<vmem>>
      %dma_start3A_163 = tpu.memref_squeeze %dma_start3A_162 : memref<1x80xi32, #tpu.memory_space<vmem>> -> memref<80xi32, #tpu.memory_space<vmem>>
      %dma_start3A_164 = tpu.memref_slice %arg7[%multiple_of3A_141] : memref<160000xi32, #tpu.memory_space<hbm>> -> memref<80xi32, #tpu.memory_space<hbm>>
      tpu.enqueue_dma source(%dma_start3A_164 : memref<80xi32, #tpu.memory_space<hbm>>) target(%dma_start3A_163 : memref<80xi32, #tpu.memory_space<vmem>>) target_semaphore(%arg26 : memref<!tpu.dma_semaphore, #tpu.memory_space<semaphore_mem>>)
      %dma_start3A_165 = arith.constant 0 : i32
      %dma_start3A_166 = tpu.memref_slice %arg13[%and3A_134, %dma_start3A_165] : memref<2x80xf32, #tpu.memory_space<vmem>> -> memref<1x80xf32, #tpu.memory_space<vmem>>
      %dma_start3A_167 = tpu.memref_squeeze %dma_start3A_166 : memref<1x80xf32, #tpu.memory_space<vmem>> -> memref<80xf32, #tpu.memory_space<vmem>>
      %dma_start3A_168 = tpu.memref_slice %arg4[%multiple_of3A_141] : memref<160000xf32, #tpu.memory_space<hbm>> -> memref<80xf32, #tpu.memory_space<hbm>>
      %dma_start3A_169 = arith.constant 0 : i32
      %dma_start3A_170 = tpu.memref_slice %arg13[%and3A_134, %dma_start3A_169] : memref<2x80xf32, #tpu.memory_space<vmem>> -> memref<1x80xf32, #tpu.memory_space<vmem>>
      %dma_start3A_171 = tpu.memref_squeeze %dma_start3A_170 : memref<1x80xf32, #tpu.memory_space<vmem>> -> memref<80xf32, #tpu.memory_space<vmem>>
      %dma_start3A_172 = tpu.memref_slice %arg4[%multiple_of3A_141] : memref<160000xf32, #tpu.memory_space<hbm>> -> memref<80xf32, #tpu.memory_space<hbm>>
      tpu.enqueue_dma source(%dma_start3A_172 : memref<80xf32, #tpu.memory_space<hbm>>) target(%dma_start3A_171 : memref<80xf32, #tpu.memory_space<vmem>>) target_semaphore(%arg26 : memref<!tpu.dma_semaphore, #tpu.memory_space<semaphore_mem>>)
    } else {
    }
    %barrier3A = arith.constant 0 : index
    tpu.barrier barrier_id(%barrier3A)
    %gt3A_101 = arith.constant 0 : i32
    %gt3A_102 = arith.cmpi sgt, %select_n3A_94, %gt3A_101 : i32
    %convert_element_type3A_103 = arith.extui %gt3A_102 : i1 to i32
    %cond3A_104 = arith.constant 0 : i32
    %cond3A_105 = arith.cmpi ne, %convert_element_type3A_103, %cond3A_104 : i32
    %cond3A_106 = scf.if %cond3A_105 -> (i32) {
      %and3A_132 = arith.constant 0 : i32
      %and3A_133 = arith.constant 1 : i32
      %and3A_134 = arith.andi %and3A_132, %and3A_133 : i32
      %mul3A_135 = arith.constant 0 : i32
      %mul3A_136 = arith.constant 80 : i32
      %mul3A_137 = arith.muli %mul3A_135, %mul3A_136 : i32
      %add3A_138 = arith.addi %shift_left3A_53, %mul3A_137 : i32
      %min3A_139 = arith.constant 159920 : i32
      %min3A_140 = arith.minsi %add3A_138, %min3A_139 : i32
      %multiple_of3A_141 = tpu.assume_multiple %min3A_140, 8 : i32
      %dma_wait3A = arith.constant 0 : i32
      %dma_wait3A_142 = tpu.memref_slice %arg10[%and3A_134, %dma_wait3A] : memref<2x80xi32, #tpu.memory_space<vmem>> -> memref<1x80xi32, #tpu.memory_space<vmem>>
      %dma_wait3A_143 = tpu.memref_squeeze %dma_wait3A_142 : memref<1x80xi32, #tpu.memory_space<vmem>> -> memref<80xi32, #tpu.memory_space<vmem>>
      %dma_wait3A_144 = tpu.memref_slice %arg5[%multiple_of3A_141] : memref<160000xi32, #tpu.memory_space<hbm>> -> memref<80xi32, #tpu.memory_space<hbm>>
      %dma_wait3A_145 = arith.constant 0 : i32
      %dma_wait3A_146 = tpu.memref_slice %arg10[%and3A_134, %dma_wait3A_145] : memref<2x80xi32, #tpu.memory_space<vmem>> -> memref<1x80xi32, #tpu.memory_space<vmem>>
      %dma_wait3A_147 = tpu.memref_squeeze %dma_wait3A_146 : memref<1x80xi32, #tpu.memory_space<vmem>> -> memref<80xi32, #tpu.memory_space<vmem>>
      %dma_wait3A_148 = tpu.memref_slice %arg5[%multiple_of3A_141] : memref<160000xi32, #tpu.memory_space<hbm>> -> memref<80xi32, #tpu.memory_space<hbm>>
      tpu.wait_dma2 semaphore(%arg26 : memref<!tpu.dma_semaphore, #tpu.memory_space<semaphore_mem>>) src(%dma_wait3A_148 : memref<80xi32, #tpu.memory_space<hbm>>) dst(%dma_wait3A_147 : memref<80xi32, #tpu.memory_space<vmem>>)
      %dma_wait3A_149 = arith.constant 0 : i32
      %dma_wait3A_150 = tpu.memref_slice %arg11[%and3A_134, %dma_wait3A_149] : memref<2x80xi32, #tpu.memory_space<vmem>> -> memref<1x80xi32, #tpu.memory_space<vmem>>
      %dma_wait3A_151 = tpu.memref_squeeze %dma_wait3A_150 : memref<1x80xi32, #tpu.memory_space<vmem>> -> memref<80xi32, #tpu.memory_space<vmem>>
      %dma_wait3A_152 = tpu.memref_slice %arg6[%multiple_of3A_141] : memref<160000xi32, #tpu.memory_space<hbm>> -> memref<80xi32, #tpu.memory_space<hbm>>
      %dma_wait3A_153 = arith.constant 0 : i32
      %dma_wait3A_154 = tpu.memref_slice %arg11[%and3A_134, %dma_wait3A_153] : memref<2x80xi32, #tpu.memory_space<vmem>> -> memref<1x80xi32, #tpu.memory_space<vmem>>
      %dma_wait3A_155 = tpu.memref_squeeze %dma_wait3A_154 : memref<1x80xi32, #tpu.memory_space<vmem>> -> memref<80xi32, #tpu.memory_space<vmem>>
      %dma_wait3A_156 = tpu.memref_slice %arg6[%multiple_of3A_141] : memref<160000xi32, #tpu.memory_space<hbm>> -> memref<80xi32, #tpu.memory_space<hbm>>
      tpu.wait_dma2 semaphore(%arg26 : memref<!tpu.dma_semaphore, #tpu.memory_space<semaphore_mem>>) src(%dma_wait3A_156 : memref<80xi32, #tpu.memory_space<hbm>>) dst(%dma_wait3A_155 : memref<80xi32, #tpu.memory_space<vmem>>)
      %dma_wait3A_157 = arith.constant 0 : i32
      %dma_wait3A_158 = tpu.memref_slice %arg12[%and3A_134, %dma_wait3A_157] : memref<2x80xi32, #tpu.memory_space<vmem>> -> memref<1x80xi32, #tpu.memory_space<vmem>>
      %dma_wait3A_159 = tpu.memref_squeeze %dma_wait3A_158 : memref<1x80xi32, #tpu.memory_space<vmem>> -> memref<80xi32, #tpu.memory_space<vmem>>
      %dma_wait3A_160 = tpu.memref_slice %arg7[%multiple_of3A_141] : memref<160000xi32, #tpu.memory_space<hbm>> -> memref<80xi32, #tpu.memory_space<hbm>>
      %dma_wait3A_161 = arith.constant 0 : i32
      %dma_wait3A_162 = tpu.memref_slice %arg12[%and3A_134, %dma_wait3A_161] : memref<2x80xi32, #tpu.memory_space<vmem>> -> memref<1x80xi32, #tpu.memory_space<vmem>>
      %dma_wait3A_163 = tpu.memref_squeeze %dma_wait3A_162 : memref<1x80xi32, #tpu.memory_space<vmem>> -> memref<80xi32, #tpu.memory_space<vmem>>
      %dma_wait3A_164 = tpu.memref_slice %arg7[%multiple_of3A_141] : memref<160000xi32, #tpu.memory_space<hbm>> -> memref<80xi32, #tpu.memory_space<hbm>>
      tpu.wait_dma2 semaphore(%arg26 : memref<!tpu.dma_semaphore, #tpu.memory_space<semaphore_mem>>) src(%dma_wait3A_164 : memref<80xi32, #tpu.memory_space<hbm>>) dst(%dma_wait3A_163 : memref<80xi32, #tpu.memory_space<vmem>>)
      %dma_wait3A_165 = arith.constant 0 : i32
      %dma_wait3A_166 = tpu.memref_slice %arg13[%and3A_134, %dma_wait3A_165] : memref<2x80xf32, #tpu.memory_space<vmem>> -> memref<1x80xf32, #tpu.memory_space<vmem>>
      %dma_wait3A_167 = tpu.memref_squeeze %dma_wait3A_166 : memref<1x80xf32, #tpu.memory_space<vmem>> -> memref<80xf32, #tpu.memory_space<vmem>>
      %dma_wait3A_168 = tpu.memref_slice %arg4[%multiple_of3A_141] : memref<160000xf32, #tpu.memory_space<hbm>> -> memref<80xf32, #tpu.memory_space<hbm>>
      %dma_wait3A_169 = arith.constant 0 : i32
      %dma_wait3A_170 = tpu.memref_slice %arg13[%and3A_134, %dma_wait3A_169] : memref<2x80xf32, #tpu.memory_space<vmem>> -> memref<1x80xf32, #tpu.memory_space<vmem>>
      %dma_wait3A_171 = tpu.memref_squeeze %dma_wait3A_170 : memref<1x80xf32, #tpu.memory_space<vmem>> -> memref<80xf32, #tpu.memory_space<vmem>>
      %dma_wait3A_172 = tpu.memref_slice %arg4[%multiple_of3A_141] : memref<160000xf32, #tpu.memory_space<hbm>> -> memref<80xf32, #tpu.memory_space<hbm>>
      tpu.wait_dma2 semaphore(%arg26 : memref<!tpu.dma_semaphore, #tpu.memory_space<semaphore_mem>>) src(%dma_wait3A_172 : memref<80xf32, #tpu.memory_space<hbm>>) dst(%dma_wait3A_171 : memref<80xf32, #tpu.memory_space<vmem>>)
      %and3A_173 = arith.constant 0 : i32
      %and3A_174 = arith.constant 1 : i32
      %and3A_175 = arith.andi %and3A_173, %and3A_174 : i32
      %get3A = arith.index_cast %and3A_175 : i32 to index
      %get3A_176 = arith.constant 0 : index
      %get3A_177 = tpu.vector_load %arg10[%get3A, %get3A_176] {strides = array<i32>} : memref<2x80xi32, #tpu.memory_space<vmem>>, vector<16xi32>,
      %sub3A_178 = arith.constant 1 : i32
      %sub3A_179 = vector.broadcast %sub3A_178 : i32 to vector<16xi32>
      %sub3A_180 = arith.subi %iota3A, %sub3A_179 : vector<16xi32>
      %max3A = arith.constant 0 : i32
      %max3A_181 = vector.broadcast %max3A : i32 to vector<16xi32>
      %max3A_182 = arith.maxsi %sub3A_180, %max3A_181 : vector<16xi32>
      %gather3A = arith.constant 0 : i32
      %gather3A_183 = tpu.memref_slice %arg10[%and3A_175, %gather3A] : memref<2x80xi32, #tpu.memory_space<vmem>> -> memref<1x80xi32, #tpu.memory_space<vmem>>
      %gather3A_184 = tpu.memref_squeeze %gather3A_183 : memref<1x80xi32, #tpu.memory_space<vmem>> -> memref<80xi32, #tpu.memory_space<vmem>>
      %gather3A_185 = tpu.vector_load_idx %gather3A_184[%max3A_182] : memref<80xi32, #tpu.memory_space<vmem>>[vector<16xi32>], vector<16xi32>,
      %ne3A_186 = arith.cmpi ne, %get3A_177, %gather3A_185 : vector<16xi32>
      %eq3A_187 = arith.constant 0 : i32
      %eq3A_188 = vector.broadcast %eq3A_187 : i32 to vector<16xi32>
      %eq3A_189 = arith.cmpi eq, %iota3A, %eq3A_188 : vector<16xi32>
      %eq3A_190 = arith.constant 0 : i32
      %eq3A_191 = arith.constant 0 : i32
      %eq3A_192 = arith.cmpi eq, %eq3A_190, %eq3A_191 : i32
      %and3A_193 = vector.broadcast %eq3A_192 : i1 to vector<16xi1>
      %and3A_194 = arith.andi %eq3A_189, %and3A_193 : vector<16xi1>
      %or3A = arith.ori %ne3A_186, %and3A_194 : vector<16xi1>
      %swap3A = arith.constant 0 : i32
      %swap3A_195 = arith.index_cast %and3A_175 : i32 to index
      %swap3A_196 = arith.index_cast %swap3A : i32 to index
      %swap3A_197 = tpu.vector_load %arg15[%swap3A_195, %swap3A_196] masked %or3A {strides = array<i32>} : memref<2x96xi32, #tpu.memory_space<vmem>>, vector<16xi32>, vector<16xi1>
      tpu.vector_store %arg15[%swap3A_195, %swap3A_196], %get3A_177 masked %or3A {strides = array<i32>} : memref<2x96xi32, #tpu.memory_space<vmem>>, vector<16xi32>, vector<16xi1>
      %all_reduce_population_count3A = tpu.all_reduce %or3A {dim = 0 : i64, kind = #tpu.reduction_kind<sum>} : vector<16xi1> -> vector<16xi32>
      %slice3A = vector.extract_strided_slice %all_reduce_population_count3A {offsets = [0], sizes = [1], strides = [1]} : vector<16xi32> to vector<1xi32>
      %squeeze3A = vector.extract %slice3A[0] : i32 from vector<1xi32>
      %add3A_198 = arith.constant 0 : i32
      %add3A_199 = arith.addi %add3A_198, %squeeze3A : i32
      %get3A_200 = arith.index_cast %and3A_175 : i32 to index
      %get3A_201 = arith.constant 16 : index
      %get3A_202 = tpu.vector_load %arg10[%get3A_200, %get3A_201] {strides = array<i32>} : memref<2x80xi32, #tpu.memory_space<vmem>>, vector<16xi32>,
      %get3A_203 = arith.index_cast %and3A_175 : i32 to index
      %get3A_204 = arith.constant 15 : index
      %get3A_205 = tpu.vector_load %arg10[%get3A_203, %get3A_204] {strides = array<i32>} : memref<2x80xi32, #tpu.memory_space<vmem>>, vector<16xi32>,
      %ne3A_206 = arith.cmpi ne, %get3A_202, %get3A_205 : vector<16xi32>
      %swap3A_207 = arith.index_cast %and3A_175 : i32 to index
      %swap3A_208 = arith.index_cast %add3A_199 : i32 to index
      %swap3A_209 = tpu.vector_load %arg15[%swap3A_207, %swap3A_208] masked %ne3A_206 {strides = array<i32>} : memref<2x96xi32, #tpu.memory_space<vmem>>, vector<16xi32>, vector<16xi1>
      tpu.vector_store %arg15[%swap3A_207, %swap3A_208], %get3A_202 masked %ne3A_206 {strides = array<i32>} : memref<2x96xi32, #tpu.memory_space<vmem>>, vector<16xi32>, vector<16xi1>
      %all_reduce_population_count3A_210 = tpu.all_reduce %ne3A_206 {dim = 0 : i64, kind = #tpu.reduction_kind<sum>} : vector<16xi1> -> vector<16xi32>
      %slice3A_211 = vector.extract_strided_slice %all_reduce_population_count3A_210 {offsets = [0], sizes = [1], strides = [1]} : vector<16xi32> to vector<1xi32>
      %squeeze3A_212 = vector.extract %slice3A_211[0] : i32 from vector<1xi32>
      %add3A_213 = arith.addi %add3A_199, %squeeze3A_212 : i32
      %get3A_214 = arith.index_cast %and3A_175 : i32 to index
      %get3A_215 = arith.constant 32 : index
      %get3A_216 = tpu.vector_load %arg10[%get3A_214, %get3A_215] {strides = array<i32>} : memref<2x80xi32, #tpu.memory_space<vmem>>, vector<16xi32>,
      %get3A_217 = arith.index_cast %and3A_175 : i32 to index
      %get3A_218 = arith.constant 31 : index
      %get3A_219 = tpu.vector_load %arg10[%get3A_217, %get3A_218] {strides = array<i32>} : memref<2x80xi32, #tpu.memory_space<vmem>>, vector<16xi32>,
      %ne3A_220 = arith.cmpi ne, %get3A_216, %get3A_219 : vector<16xi32>
      %swap3A_221 = arith.index_cast %and3A_175 : i32 to index
      %swap3A_222 = arith.index_cast %add3A_213 : i32 to index
      %swap3A_223 = tpu.vector_load %arg15[%swap3A_221, %swap3A_222] masked %ne3A_220 {strides = array<i32>} : memref<2x96xi32, #tpu.memory_space<vmem>>, vector<16xi32>, vector<16xi1>
      tpu.vector_store %arg15[%swap3A_221, %swap3A_222], %get3A_216 masked %ne3A_220 {strides = array<i32>} : memref<2x96xi32, #tpu.memory_space<vmem>>, vector<16xi32>, vector<16xi1>
      %all_reduce_population_count3A_224 = tpu.all_reduce %ne3A_220 {dim = 0 : i64, kind = #tpu.reduction_kind<sum>} : vector<16xi1> -> vector<16xi32>
      %slice3A_225 = vector.extract_strided_slice %all_reduce_population_count3A_224 {offsets = [0], sizes = [1], strides = [1]} : vector<16xi32> to vector<1xi32>
      %squeeze3A_226 = vector.extract %slice3A_225[0] : i32 from vector<1xi32>
      %add3A_227 = arith.addi %add3A_213, %squeeze3A_226 : i32
      %get3A_228 = arith.index_cast %and3A_175 : i32 to index
      %get3A_229 = arith.constant 48 : index
      %get3A_230 = tpu.vector_load %arg10[%get3A_228, %get3A_229] {strides = array<i32>} : memref<2x80xi32, #tpu.memory_space<vmem>>, vector<16xi32>,
      %get3A_231 = arith.index_cast %and3A_175 : i32 to index
      %get3A_232 = arith.constant 47 : index
      %get3A_233 = tpu.vector_load %arg10[%get3A_231, %get3A_232] {strides = array<i32>} : memref<2x80xi32, #tpu.memory_space<vmem>>, vector<16xi32>,
      %ne3A_234 = arith.cmpi ne, %get3A_230, %get3A_233 : vector<16xi32>
      %swap3A_235 = arith.index_cast %and3A_175 : i32 to index
      %swap3A_236 = arith.index_cast %add3A_227 : i32 to index
      %swap3A_237 = tpu.vector_load %arg15[%swap3A_235, %swap3A_236] masked %ne3A_234 {strides = array<i32>} : memref<2x96xi32, #tpu.memory_space<vmem>>, vector<16xi32>, vector<16xi1>
      tpu.vector_store %arg15[%swap3A_235, %swap3A_236], %get3A_230 masked %ne3A_234 {strides = array<i32>} : memref<2x96xi32, #tpu.memory_space<vmem>>, vector<16xi32>, vector<16xi1>
      %all_reduce_population_count3A_238 = tpu.all_reduce %ne3A_234 {dim = 0 : i64, kind = #tpu.reduction_kind<sum>} : vector<16xi1> -> vector<16xi32>
      %slice3A_239 = vector.extract_strided_slice %all_reduce_population_count3A_238 {offsets = [0], sizes = [1], strides = [1]} : vector<16xi32> to vector<1xi32>
      %squeeze3A_240 = vector.extract %slice3A_239[0] : i32 from vector<1xi32>
      %add3A_241 = arith.addi %add3A_227, %squeeze3A_240 : i32
      %get3A_242 = arith.index_cast %and3A_175 : i32 to index
      %get3A_243 = arith.constant 64 : index
      %get3A_244 = tpu.vector_load %arg10[%get3A_242, %get3A_243] {strides = array<i32>} : memref<2x80xi32, #tpu.memory_space<vmem>>, vector<16xi32>,
      %get3A_245 = arith.index_cast %and3A_175 : i32 to index
      %get3A_246 = arith.constant 63 : index
      %get3A_247 = tpu.vector_load %arg10[%get3A_245, %get3A_246] {strides = array<i32>} : memref<2x80xi32, #tpu.memory_space<vmem>>, vector<16xi32>,
      %ne3A_248 = arith.cmpi ne, %get3A_244, %get3A_247 : vector<16xi32>
      %swap3A_249 = arith.index_cast %and3A_175 : i32 to index
      %swap3A_250 = arith.index_cast %add3A_241 : i32 to index
      %swap3A_251 = tpu.vector_load %arg15[%swap3A_249, %swap3A_250] masked %ne3A_248 {strides = array<i32>} : memref<2x96xi32, #tpu.memory_space<vmem>>, vector<16xi32>, vector<16xi1>
      tpu.vector_store %arg15[%swap3A_249, %swap3A_250], %get3A_244 masked %ne3A_248 {strides = array<i32>} : memref<2x96xi32, #tpu.memory_space<vmem>>, vector<16xi32>, vector<16xi1>
      %all_reduce_population_count3A_252 = tpu.all_reduce %ne3A_248 {dim = 0 : i64, kind = #tpu.reduction_kind<sum>} : vector<16xi1> -> vector<16xi32>
      %slice3A_253 = vector.extract_strided_slice %all_reduce_population_count3A_252 {offsets = [0], sizes = [1], strides = [1]} : vector<16xi32> to vector<1xi32>
      %squeeze3A_254 = vector.extract %slice3A_253[0] : i32 from vector<1xi32>
      %add3A_255 = arith.addi %add3A_241, %squeeze3A_254 : i32
      %le3A = arith.constant 0 : i32
      %le3A_256 = arith.constant 0 : i32
      %le3A_257 = arith.cmpi sle, %le3A, %le3A_256 : i32
      %add3A_258 = arith.constant 0 : i32
      %add3A_259 = arith.addi %add3A_255, %add3A_258 : i32
      %gt3A_260 = arith.constant 0 : i32
      %gt3A_261 = arith.cmpi sgt, %add3A_259, %gt3A_260 : i32
      %and3A_262 = arith.andi %le3A_257, %gt3A_261 : i1
      %convert_element_type3A_263 = arith.extui %and3A_262 : i1 to i32
      %cond3A_264 = arith.constant 0 : i32
      %cond3A_265 = arith.constant 0 : i32
      %cond3A_266 = arith.constant 0 : i32
      %cond3A_267 = arith.constant 0 : i32
      %cond3A_268 = arith.cmpi ne, %convert_element_type3A_263, %cond3A_267 : i32
      scf.if %cond3A_268 {
        %sub3A_316 = arith.constant 0 : i32
        %sub3A_317 = arith.subi %sub3A_316, %cond3A_264 : i32
        %add3A_318 = arith.constant 0 : i32
        %add3A_319 = arith.addi %cond3A_265, %add3A_318 : i32
        %and3A_320 = arith.constant 3 : i32
        %and3A_321 = arith.andi %add3A_319, %and3A_320 : i32
        %and3A_322 = arith.constant 1 : i32
        %and3A_323 = arith.andi %cond3A_266, %and3A_322 : i32
        %broadcast_in_dim3A = vector.broadcast %sub3A_317 : i32 to vector<16xi32>
        %gather3A_324 = arith.constant 0 : i32
        %gather3A_325 = tpu.memref_slice %arg15[%and3A_323, %gather3A_324] : memref<2x96xi32, #tpu.memory_space<vmem>> -> memref<1x96xi32, #tpu.memory_space<vmem>>
        %gather3A_326 = tpu.memref_squeeze %gather3A_325 : memref<1x96xi32, #tpu.memory_space<vmem>> -> memref<96xi32, #tpu.memory_space<vmem>>
        %gather3A_327 = tpu.vector_load_idx %gather3A_326[%broadcast_in_dim3A] : memref<96xi32, #tpu.memory_space<vmem>>[vector<16xi32>], vector<16xi32>,
        %slice3A_328 = vector.extract_strided_slice %gather3A_327 {offsets = [0], sizes = [1], strides = [1]} : vector<16xi32> to vector<1xi32>
        %squeeze3A_329 = vector.extract %slice3A_328[0] : i32 from vector<1xi32>
        %dma_start3A = arith.constant 0 : i32
        %dma_start3A_330 = tpu.memref_slice %arg21[%and3A_321, %dma_start3A] : memref<4x10000xf32, #tpu.memory_space<vmem>> -> memref<1x10000xf32, #tpu.memory_space<vmem>>
        %dma_start3A_331 = tpu.memref_squeeze %dma_start3A_330 : memref<1x10000xf32, #tpu.memory_space<vmem>> -> memref<10000xf32, #tpu.memory_space<vmem>>
        %dma_start3A_332 = arith.constant 0 : i32
        %dma_start3A_333 = tpu.memref_slice %arg3[%squeeze3A_329, %dma_start3A_332] : memref<10000x10000xf32, #tpu.memory_space<hbm>> -> memref<1x10000xf32, #tpu.memory_space<hbm>>
        %dma_start3A_334 = tpu.memref_squeeze %dma_start3A_333 : memref<1x10000xf32, #tpu.memory_space<hbm>> -> memref<10000xf32, #tpu.memory_space<hbm>>
        %dma_start3A_335 = arith.constant 0 : i32
        %dma_start3A_336 = tpu.memref_slice %arg21[%and3A_321, %dma_start3A_335] : memref<4x10000xf32, #tpu.memory_space<vmem>> -> memref<1x10000xf32, #tpu.memory_space<vmem>>
        %dma_start3A_337 = tpu.memref_squeeze %dma_start3A_336 : memref<1x10000xf32, #tpu.memory_space<vmem>> -> memref<10000xf32, #tpu.memory_space<vmem>>
        %dma_start3A_338 = arith.constant 0 : i32
        %dma_start3A_339 = tpu.memref_slice %arg3[%squeeze3A_329, %dma_start3A_338] : memref<10000x10000xf32, #tpu.memory_space<hbm>> -> memref<1x10000xf32, #tpu.memory_space<hbm>>
        %dma_start3A_340 = tpu.memref_squeeze %dma_start3A_339 : memref<1x10000xf32, #tpu.memory_space<hbm>> -> memref<10000xf32, #tpu.memory_space<hbm>>
        tpu.enqueue_dma source(%dma_start3A_340 : memref<10000xf32, #tpu.memory_space<hbm>>) target(%dma_start3A_337 : memref<10000xf32, #tpu.memory_space<vmem>>) target_semaphore(%arg27 : memref<!tpu.dma_semaphore, #tpu.memory_space<semaphore_mem>>)
      } else {
      }
      %le3A_269 = arith.constant 0 : i32
      %le3A_270 = arith.constant 1 : i32
      %le3A_271 = arith.cmpi sle, %le3A_269, %le3A_270 : i32
      %add3A_272 = arith.constant 0 : i32
      %add3A_273 = arith.addi %add3A_255, %add3A_272 : i32
      %gt3A_274 = arith.constant 1 : i32
      %gt3A_275 = arith.cmpi sgt, %add3A_273, %gt3A_274 : i32
      %and3A_276 = arith.andi %le3A_271, %gt3A_275 : i1
      %convert_element_type3A_277 = arith.extui %and3A_276 : i1 to i32
      %cond3A_278 = arith.constant 0 : i32
      %cond3A_279 = arith.constant 0 : i32
      %cond3A_280 = arith.constant 0 : i32
      %cond3A_281 = arith.constant 0 : i32
      %cond3A_282 = arith.cmpi ne, %convert_element_type3A_277, %cond3A_281 : i32
      scf.if %cond3A_282 {
        %sub3A_316 = arith.constant 1 : i32
        %sub3A_317 = arith.subi %sub3A_316, %cond3A_278 : i32
        %add3A_318 = arith.constant 1 : i32
        %add3A_319 = arith.addi %cond3A_279, %add3A_318 : i32
        %and3A_320 = arith.constant 3 : i32
        %and3A_321 = arith.andi %add3A_319, %and3A_320 : i32
        %and3A_322 = arith.constant 1 : i32
        %and3A_323 = arith.andi %cond3A_280, %and3A_322 : i32
        %broadcast_in_dim3A = vector.broadcast %sub3A_317 : i32 to vector<16xi32>
        %gather3A_324 = arith.constant 0 : i32
        %gather3A_325 = tpu.memref_slice %arg15[%and3A_323, %gather3A_324] : memref<2x96xi32, #tpu.memory_space<vmem>> -> memref<1x96xi32, #tpu.memory_space<vmem>>
        %gather3A_326 = tpu.memref_squeeze %gather3A_325 : memref<1x96xi32, #tpu.memory_space<vmem>> -> memref<96xi32, #tpu.memory_space<vmem>>
        %gather3A_327 = tpu.vector_load_idx %gather3A_326[%broadcast_in_dim3A] : memref<96xi32, #tpu.memory_space<vmem>>[vector<16xi32>], vector<16xi32>,
        %slice3A_328 = vector.extract_strided_slice %gather3A_327 {offsets = [0], sizes = [1], strides = [1]} : vector<16xi32> to vector<1xi32>
        %squeeze3A_329 = vector.extract %slice3A_328[0] : i32 from vector<1xi32>
        %dma_start3A = arith.constant 0 : i32
        %dma_start3A_330 = tpu.memref_slice %arg21[%and3A_321, %dma_start3A] : memref<4x10000xf32, #tpu.memory_space<vmem>> -> memref<1x10000xf32, #tpu.memory_space<vmem>>
        %dma_start3A_331 = tpu.memref_squeeze %dma_start3A_330 : memref<1x10000xf32, #tpu.memory_space<vmem>> -> memref<10000xf32, #tpu.memory_space<vmem>>
        %dma_start3A_332 = arith.constant 0 : i32
        %dma_start3A_333 = tpu.memref_slice %arg3[%squeeze3A_329, %dma_start3A_332] : memref<10000x10000xf32, #tpu.memory_space<hbm>> -> memref<1x10000xf32, #tpu.memory_space<hbm>>
        %dma_start3A_334 = tpu.memref_squeeze %dma_start3A_333 : memref<1x10000xf32, #tpu.memory_space<hbm>> -> memref<10000xf32, #tpu.memory_space<hbm>>
        %dma_start3A_335 = arith.constant 0 : i32
        %dma_start3A_336 = tpu.memref_slice %arg21[%and3A_321, %dma_start3A_335] : memref<4x10000xf32, #tpu.memory_space<vmem>> -> memref<1x10000xf32, #tpu.memory_space<vmem>>
        %dma_start3A_337 = tpu.memref_squeeze %dma_start3A_336 : memref<1x10000xf32, #tpu.memory_space<vmem>> -> memref<10000xf32, #tpu.memory_space<vmem>>
        %dma_start3A_338 = arith.constant 0 : i32
        %dma_start3A_339 = tpu.memref_slice %arg3[%squeeze3A_329, %dma_start3A_338] : memref<10000x10000xf32, #tpu.memory_space<hbm>> -> memref<1x10000xf32, #tpu.memory_space<hbm>>
        %dma_start3A_340 = tpu.memref_squeeze %dma_start3A_339 : memref<1x10000xf32, #tpu.memory_space<hbm>> -> memref<10000xf32, #tpu.memory_space<hbm>>
        tpu.enqueue_dma source(%dma_start3A_340 : memref<10000xf32, #tpu.memory_space<hbm>>) target(%dma_start3A_337 : memref<10000xf32, #tpu.memory_space<vmem>>) target_semaphore(%arg27 : memref<!tpu.dma_semaphore, #tpu.memory_space<semaphore_mem>>)
      } else {
      }
      %le3A_283 = arith.constant 0 : i32
      %le3A_284 = arith.constant 2 : i32
      %le3A_285 = arith.cmpi sle, %le3A_283, %le3A_284 : i32
      %add3A_286 = arith.constant 0 : i32
      %add3A_287 = arith.addi %add3A_255, %add3A_286 : i32
      %gt3A_288 = arith.constant 2 : i32
      %gt3A_289 = arith.cmpi sgt, %add3A_287, %gt3A_288 : i32
      %and3A_290 = arith.andi %le3A_285, %gt3A_289 : i1
      %convert_element_type3A_291 = arith.extui %and3A_290 : i1 to i32
      %cond3A_292 = arith.constant 0 : i32
      %cond3A_293 = arith.constant 0 : i32
      %cond3A_294 = arith.constant 0 : i32
      %cond3A_295 = arith.constant 0 : i32
      %cond3A_296 = arith.cmpi ne, %convert_element_type3A_291, %cond3A_295 : i32
      scf.if %cond3A_296 {
        %sub3A_316 = arith.constant 2 : i32
        %sub3A_317 = arith.subi %sub3A_316, %cond3A_292 : i32
        %add3A_318 = arith.constant 2 : i32
        %add3A_319 = arith.addi %cond3A_293, %add3A_318 : i32
        %and3A_320 = arith.constant 3 : i32
        %and3A_321 = arith.andi %add3A_319, %and3A_320 : i32
        %and3A_322 = arith.constant 1 : i32
        %and3A_323 = arith.andi %cond3A_294, %and3A_322 : i32
        %broadcast_in_dim3A = vector.broadcast %sub3A_317 : i32 to vector<16xi32>
        %gather3A_324 = arith.constant 0 : i32
        %gather3A_325 = tpu.memref_slice %arg15[%and3A_323, %gather3A_324] : memref<2x96xi32, #tpu.memory_space<vmem>> -> memref<1x96xi32, #tpu.memory_space<vmem>>
        %gather3A_326 = tpu.memref_squeeze %gather3A_325 : memref<1x96xi32, #tpu.memory_space<vmem>> -> memref<96xi32, #tpu.memory_space<vmem>>
        %gather3A_327 = tpu.vector_load_idx %gather3A_326[%broadcast_in_dim3A] : memref<96xi32, #tpu.memory_space<vmem>>[vector<16xi32>], vector<16xi32>,
        %slice3A_328 = vector.extract_strided_slice %gather3A_327 {offsets = [0], sizes = [1], strides = [1]} : vector<16xi32> to vector<1xi32>
        %squeeze3A_329 = vector.extract %slice3A_328[0] : i32 from vector<1xi32>
        %dma_start3A = arith.constant 0 : i32
        %dma_start3A_330 = tpu.memref_slice %arg21[%and3A_321, %dma_start3A] : memref<4x10000xf32, #tpu.memory_space<vmem>> -> memref<1x10000xf32, #tpu.memory_space<vmem>>
        %dma_start3A_331 = tpu.memref_squeeze %dma_start3A_330 : memref<1x10000xf32, #tpu.memory_space<vmem>> -> memref<10000xf32, #tpu.memory_space<vmem>>
        %dma_start3A_332 = arith.constant 0 : i32
        %dma_start3A_333 = tpu.memref_slice %arg3[%squeeze3A_329, %dma_start3A_332] : memref<10000x10000xf32, #tpu.memory_space<hbm>> -> memref<1x10000xf32, #tpu.memory_space<hbm>>
        %dma_start3A_334 = tpu.memref_squeeze %dma_start3A_333 : memref<1x10000xf32, #tpu.memory_space<hbm>> -> memref<10000xf32, #tpu.memory_space<hbm>>
        %dma_start3A_335 = arith.constant 0 : i32
        %dma_start3A_336 = tpu.memref_slice %arg21[%and3A_321, %dma_start3A_335] : memref<4x10000xf32, #tpu.memory_space<vmem>> -> memref<1x10000xf32, #tpu.memory_space<vmem>>
        %dma_start3A_337 = tpu.memref_squeeze %dma_start3A_336 : memref<1x10000xf32, #tpu.memory_space<vmem>> -> memref<10000xf32, #tpu.memory_space<vmem>>
        %dma_start3A_338 = arith.constant 0 : i32
        %dma_start3A_339 = tpu.memref_slice %arg3[%squeeze3A_329, %dma_start3A_338] : memref<10000x10000xf32, #tpu.memory_space<hbm>> -> memref<1x10000xf32, #tpu.memory_space<hbm>>
        %dma_start3A_340 = tpu.memref_squeeze %dma_start3A_339 : memref<1x10000xf32, #tpu.memory_space<hbm>> -> memref<10000xf32, #tpu.memory_space<hbm>>
        tpu.enqueue_dma source(%dma_start3A_340 : memref<10000xf32, #tpu.memory_space<hbm>>) target(%dma_start3A_337 : memref<10000xf32, #tpu.memory_space<vmem>>) target_semaphore(%arg27 : memref<!tpu.dma_semaphore, #tpu.memory_space<semaphore_mem>>)
      } else {
      }
      %le3A_297 = arith.constant 0 : i32
      %le3A_298 = arith.constant 3 : i32
      %le3A_299 = arith.cmpi sle, %le3A_297, %le3A_298 : i32
      %add3A_300 = arith.constant 0 : i32
      %add3A_301 = arith.addi %add3A_255, %add3A_300 : i32
      %gt3A_302 = arith.constant 3 : i32
      %gt3A_303 = arith.cmpi sgt, %add3A_301, %gt3A_302 : i32
      %and3A_304 = arith.andi %le3A_299, %gt3A_303 : i1
      %convert_element_type3A_305 = arith.extui %and3A_304 : i1 to i32
      %cond3A_306 = arith.constant 0 : i32
      %cond3A_307 = arith.constant 0 : i32
      %cond3A_308 = arith.constant 0 : i32
      %cond3A_309 = arith.constant 0 : i32
      %cond3A_310 = arith.cmpi ne, %convert_element_type3A_305, %cond3A_309 : i32
      scf.if %cond3A_310 {
        %sub3A_316 = arith.constant 3 : i32
        %sub3A_317 = arith.subi %sub3A_316, %cond3A_306 : i32
        %add3A_318 = arith.constant 3 : i32
        %add3A_319 = arith.addi %cond3A_307, %add3A_318 : i32
        %and3A_320 = arith.constant 3 : i32
        %and3A_321 = arith.andi %add3A_319, %and3A_320 : i32
        %and3A_322 = arith.constant 1 : i32
        %and3A_323 = arith.andi %cond3A_308, %and3A_322 : i32
        %broadcast_in_dim3A = vector.broadcast %sub3A_317 : i32 to vector<16xi32>
        %gather3A_324 = arith.constant 0 : i32
        %gather3A_325 = tpu.memref_slice %arg15[%and3A_323, %gather3A_324] : memref<2x96xi32, #tpu.memory_space<vmem>> -> memref<1x96xi32, #tpu.memory_space<vmem>>
        %gather3A_326 = tpu.memref_squeeze %gather3A_325 : memref<1x96xi32, #tpu.memory_space<vmem>> -> memref<96xi32, #tpu.memory_space<vmem>>
        %gather3A_327 = tpu.vector_load_idx %gather3A_326[%broadcast_in_dim3A] : memref<96xi32, #tpu.memory_space<vmem>>[vector<16xi32>], vector<16xi32>,
        %slice3A_328 = vector.extract_strided_slice %gather3A_327 {offsets = [0], sizes = [1], strides = [1]} : vector<16xi32> to vector<1xi32>
        %squeeze3A_329 = vector.extract %slice3A_328[0] : i32 from vector<1xi32>
        %dma_start3A = arith.constant 0 : i32
        %dma_start3A_330 = tpu.memref_slice %arg21[%and3A_321, %dma_start3A] : memref<4x10000xf32, #tpu.memory_space<vmem>> -> memref<1x10000xf32, #tpu.memory_space<vmem>>
        %dma_start3A_331 = tpu.memref_squeeze %dma_start3A_330 : memref<1x10000xf32, #tpu.memory_space<vmem>> -> memref<10000xf32, #tpu.memory_space<vmem>>
        %dma_start3A_332 = arith.constant 0 : i32
        %dma_start3A_333 = tpu.memref_slice %arg3[%squeeze3A_329, %dma_start3A_332] : memref<10000x10000xf32, #tpu.memory_space<hbm>> -> memref<1x10000xf32, #tpu.memory_space<hbm>>
        %dma_start3A_334 = tpu.memref_squeeze %dma_start3A_333 : memref<1x10000xf32, #tpu.memory_space<hbm>> -> memref<10000xf32, #tpu.memory_space<hbm>>
        %dma_start3A_335 = arith.constant 0 : i32
        %dma_start3A_336 = tpu.memref_slice %arg21[%and3A_321, %dma_start3A_335] : memref<4x10000xf32, #tpu.memory_space<vmem>> -> memref<1x10000xf32, #tpu.memory_space<vmem>>
        %dma_start3A_337 = tpu.memref_squeeze %dma_start3A_336 : memref<1x10000xf32, #tpu.memory_space<vmem>> -> memref<10000xf32, #tpu.memory_space<vmem>>
        %dma_start3A_338 = arith.constant 0 : i32
        %dma_start3A_339 = tpu.memref_slice %arg3[%squeeze3A_329, %dma_start3A_338] : memref<10000x10000xf32, #tpu.memory_space<hbm>> -> memref<1x10000xf32, #tpu.memory_space<hbm>>
        %dma_start3A_340 = tpu.memref_squeeze %dma_start3A_339 : memref<1x10000xf32, #tpu.memory_space<hbm>> -> memref<10000xf32, #tpu.memory_space<hbm>>
        tpu.enqueue_dma source(%dma_start3A_340 : memref<10000xf32, #tpu.memory_space<hbm>>) target(%dma_start3A_337 : memref<10000xf32, #tpu.memory_space<vmem>>) target_semaphore(%arg27 : memref<!tpu.dma_semaphore, #tpu.memory_space<semaphore_mem>>)
      } else {
      }
      %gt3A_311 = arith.constant 1 : i32
      %gt3A_312 = arith.cmpi sgt, %select_n3A_94, %gt3A_311 : i32
      %convert_element_type3A_313 = arith.extui %gt3A_312 : i1 to i32
      %cond3A_314 = arith.constant 0 : i32
      %cond3A_315 = arith.cmpi ne, %convert_element_type3A_313, %cond3A_314 : i32
      scf.if %cond3A_315 {
        %and3A_316 = arith.constant 1 : i32
        %and3A_317 = arith.constant 1 : i32
        %and3A_318 = arith.andi %and3A_316, %and3A_317 : i32
        %mul3A_319 = arith.constant 1 : i32
        %mul3A_320 = arith.constant 80 : i32
        %mul3A_321 = arith.muli %mul3A_319, %mul3A_320 : i32
        %add3A_322 = arith.addi %shift_left3A_53, %mul3A_321 : i32
        %min3A_323 = arith.constant 159920 : i32
        %min3A_324 = arith.minsi %add3A_322, %min3A_323 : i32
        %multiple_of3A_325 = tpu.assume_multiple %min3A_324, 8 : i32
        %dma_start3A = arith.constant 0 : i32
        %dma_start3A_326 = tpu.memref_slice %arg10[%and3A_318, %dma_start3A] : memref<2x80xi32, #tpu.memory_space<vmem>> -> memref<1x80xi32, #tpu.memory_space<vmem>>
        %dma_start3A_327 = tpu.memref_squeeze %dma_start3A_326 : memref<1x80xi32, #tpu.memory_space<vmem>> -> memref<80xi32, #tpu.memory_space<vmem>>
        %dma_start3A_328 = tpu.memref_slice %arg5[%multiple_of3A_325] : memref<160000xi32, #tpu.memory_space<hbm>> -> memref<80xi32, #tpu.memory_space<hbm>>
        %dma_start3A_329 = arith.constant 0 : i32
        %dma_start3A_330 = tpu.memref_slice %arg10[%and3A_318, %dma_start3A_329] : memref<2x80xi32, #tpu.memory_space<vmem>> -> memref<1x80xi32, #tpu.memory_space<vmem>>
        %dma_start3A_331 = tpu.memref_squeeze %dma_start3A_330 : memref<1x80xi32, #tpu.memory_space<vmem>> -> memref<80xi32, #tpu.memory_space<vmem>>
        %dma_start3A_332 = tpu.memref_slice %arg5[%multiple_of3A_325] : memref<160000xi32, #tpu.memory_space<hbm>> -> memref<80xi32, #tpu.memory_space<hbm>>
        tpu.enqueue_dma source(%dma_start3A_332 : memref<80xi32, #tpu.memory_space<hbm>>) target(%dma_start3A_331 : memref<80xi32, #tpu.memory_space<vmem>>) target_semaphore(%arg26 : memref<!tpu.dma_semaphore, #tpu.memory_space<semaphore_mem>>)
        %dma_start3A_333 = arith.constant 0 : i32
        %dma_start3A_334 = tpu.memref_slice %arg11[%and3A_318, %dma_start3A_333] : memref<2x80xi32, #tpu.memory_space<vmem>> -> memref<1x80xi32, #tpu.memory_space<vmem>>
        %dma_start3A_335 = tpu.memref_squeeze %dma_start3A_334 : memref<1x80xi32, #tpu.memory_space<vmem>> -> memref<80xi32, #tpu.memory_space<vmem>>
        %dma_start3A_336 = tpu.memref_slice %arg6[%multiple_of3A_325] : memref<160000xi32, #tpu.memory_space<hbm>> -> memref<80xi32, #tpu.memory_space<hbm>>
        %dma_start3A_337 = arith.constant 0 : i32
        %dma_start3A_338 = tpu.memref_slice %arg11[%and3A_318, %dma_start3A_337] : memref<2x80xi32, #tpu.memory_space<vmem>> -> memref<1x80xi32, #tpu.memory_space<vmem>>
        %dma_start3A_339 = tpu.memref_squeeze %dma_start3A_338 : memref<1x80xi32, #tpu.memory_space<vmem>> -> memref<80xi32, #tpu.memory_space<vmem>>
        %dma_start3A_340 = tpu.memref_slice %arg6[%multiple_of3A_325] : memref<160000xi32, #tpu.memory_space<hbm>> -> memref<80xi32, #tpu.memory_space<hbm>>
        tpu.enqueue_dma source(%dma_start3A_340 : memref<80xi32, #tpu.memory_space<hbm>>) target(%dma_start3A_339 : memref<80xi32, #tpu.memory_space<vmem>>) target_semaphore(%arg26 : memref<!tpu.dma_semaphore, #tpu.memory_space<semaphore_mem>>)
        %dma_start3A_341 = arith.constant 0 : i32
        %dma_start3A_342 = tpu.memref_slice %arg12[%and3A_318, %dma_start3A_341] : memref<2x80xi32, #tpu.memory_space<vmem>> -> memref<1x80xi32, #tpu.memory_space<vmem>>
        %dma_start3A_343 = tpu.memref_squeeze %dma_start3A_342 : memref<1x80xi32, #tpu.memory_space<vmem>> -> memref<80xi32, #tpu.memory_space<vmem>>
        %dma_start3A_344 = tpu.memref_slice %arg7[%multiple_of3A_325] : memref<160000xi32, #tpu.memory_space<hbm>> -> memref<80xi32, #tpu.memory_space<hbm>>
        %dma_start3A_345 = arith.constant 0 : i32
        %dma_start3A_346 = tpu.memref_slice %arg12[%and3A_318, %dma_start3A_345] : memref<2x80xi32, #tpu.memory_space<vmem>> -> memref<1x80xi32, #tpu.memory_space<vmem>>
        %dma_start3A_347 = tpu.memref_squeeze %dma_start3A_346 : memref<1x80xi32, #tpu.memory_space<vmem>> -> memref<80xi32, #tpu.memory_space<vmem>>
        %dma_start3A_348 = tpu.memref_slice %arg7[%multiple_of3A_325] : memref<160000xi32, #tpu.memory_space<hbm>> -> memref<80xi32, #tpu.memory_space<hbm>>
        tpu.enqueue_dma source(%dma_start3A_348 : memref<80xi32, #tpu.memory_space<hbm>>) target(%dma_start3A_347 : memref<80xi32, #tpu.memory_space<vmem>>) target_semaphore(%arg26 : memref<!tpu.dma_semaphore, #tpu.memory_space<semaphore_mem>>)
        %dma_start3A_349 = arith.constant 0 : i32
        %dma_start3A_350 = tpu.memref_slice %arg13[%and3A_318, %dma_start3A_349] : memref<2x80xf32, #tpu.memory_space<vmem>> -> memref<1x80xf32, #tpu.memory_space<vmem>>
        %dma_start3A_351 = tpu.memref_squeeze %dma_start3A_350 : memref<1x80xf32, #tpu.memory_space<vmem>> -> memref<80xf32, #tpu.memory_space<vmem>>
        %dma_start3A_352 = tpu.memref_slice %arg4[%multiple_of3A_325] : memref<160000xf32, #tpu.memory_space<hbm>> -> memref<80xf32, #tpu.memory_space<hbm>>
        %dma_start3A_353 = arith.constant 0 : i32
        %dma_start3A_354 = tpu.memref_slice %arg13[%and3A_318, %dma_start3A_353] : memref<2x80xf32, #tpu.memory_space<vmem>> -> memref<1x80xf32, #tpu.memory_space<vmem>>
        %dma_start3A_355 = tpu.memref_squeeze %dma_start3A_354 : memref<1x80xf32, #tpu.memory_space<vmem>> -> memref<80xf32, #tpu.memory_space<vmem>>
        %dma_start3A_356 = tpu.memref_slice %arg4[%multiple_of3A_325] : memref<160000xf32, #tpu.memory_space<hbm>> -> memref<80xf32, #tpu.memory_space<hbm>>
        tpu.enqueue_dma source(%dma_start3A_356 : memref<80xf32, #tpu.memory_space<hbm>>) target(%dma_start3A_355 : memref<80xf32, #tpu.memory_space<vmem>>) target_semaphore(%arg26 : memref<!tpu.dma_semaphore, #tpu.memory_space<semaphore_mem>>)
      } else {
      }
      scf.yield %add3A_255 : i32
    } else {
      %cond3A_132 = arith.constant 0 : i32
      scf.yield %cond3A_132 : i32
    }
    %while3A = arith.constant 0 : i32
    %while3A_107 = arith.constant 0 : i32
    %while3A_108 = arith.constant 0 : i32
    %while3A_109 = arith.constant -1 : i32
    %while3A_110 = arith.subi %select_n3A_94, %while3A : i32
    %while3A_111 = arith.addi %while3A, %while3A_110 : i32
    %while3A_112 = arith.constant 1 : i32
    %while3A_113 = arith.divsi %while3A_110, %while3A_112 : i32
    %while3A_114 = arith.muli %while3A_113, %while3A_112 : i32
    %while3A_115 = arith.addi %while3A, %while3A_114 : i32
    %while3A_116 = arith.constant 1 : i32
    %while3A_117:4 = scf.for %while3A_132 = %while3A to %while3A_115 step %while3A_116 iter_args(%while3A_133 = %cond3A_106, %while3A_134 = %while3A_107, %while3A_135 = %while3A_108, %while3A_136 = %while3A_109) -> (i32, i32, i32, i32)  : i32 {
      %and3A_137 = arith.constant 1 : i32
      %and3A_138 = arith.andi %while3A_132, %and3A_137 : i32
      %dma_start3A = arith.constant 0 : i32
      %dma_start3A_139 = tpu.memref_slice %arg11[%and3A_138, %dma_start3A] : memref<2x80xi32, #tpu.memory_space<vmem>> -> memref<1x80xi32, #tpu.memory_space<vmem>>
      %dma_start3A_140 = tpu.memref_squeeze %dma_start3A_139 : memref<1x80xi32, #tpu.memory_space<vmem>> -> memref<80xi32, #tpu.memory_space<vmem>>
      %dma_start3A_141 = arith.constant 0 : i32
      %dma_start3A_142 = arith.constant 0 : i32
      %dma_start3A_143 = tpu.memref_slice %arg2[%dma_start3A_141, %dma_start3A_142] : memref<10000x128xf32, #tpu.memory_space<hbm>> -> memref<10000x128xf32, #tpu.memory_space<hbm>>
      tpu.enqueue_indirect_dma source(%dma_start3A_143 : memref<10000x128xf32, #tpu.memory_space<hbm>>) target(%arg18 : memref<80x128xf32, #tpu.memory_space<vmem>>) offsets(%dma_start3A_140 : memref<80xi32, #tpu.memory_space<vmem>>) semaphore(%arg24 : memref<!tpu.dma_semaphore, #tpu.memory_space<semaphore_mem>>)
      %dma_start3A_144 = arith.constant 0 : i32
      %dma_start3A_145 = tpu.memref_slice %arg12[%and3A_138, %dma_start3A_144] : memref<2x80xi32, #tpu.memory_space<vmem>> -> memref<1x80xi32, #tpu.memory_space<vmem>>
      %dma_start3A_146 = tpu.memref_squeeze %dma_start3A_145 : memref<1x80xi32, #tpu.memory_space<vmem>> -> memref<80xi32, #tpu.memory_space<vmem>>
      %dma_start3A_147 = arith.constant 0 : i32
      %dma_start3A_148 = arith.constant 0 : i32
      %dma_start3A_149 = tpu.memref_slice %arg2[%dma_start3A_147, %dma_start3A_148] : memref<10000x128xf32, #tpu.memory_space<hbm>> -> memref<10000x128xf32, #tpu.memory_space<hbm>>
      tpu.enqueue_indirect_dma source(%dma_start3A_149 : memref<10000x128xf32, #tpu.memory_space<hbm>>) target(%arg19 : memref<80x128xf32, #tpu.memory_space<vmem>>) offsets(%dma_start3A_146 : memref<80xi32, #tpu.memory_space<vmem>>) semaphore(%arg25 : memref<!tpu.dma_semaphore, #tpu.memory_space<semaphore_mem>>)
      %get3A = arith.constant 0 : i32
      %get3A_150 = tpu.memref_slice %arg10[%and3A_138, %get3A] : memref<2x80xi32, #tpu.memory_space<vmem>> -> memref<1x80xi32, #tpu.memory_space<vmem>>
      %get3A_151 = tpu.memref_squeeze %get3A_150 : memref<1x80xi32, #tpu.memory_space<vmem>> -> memref<80xi32, #tpu.memory_space<vmem>>
      %get3A_152 = arith.constant 64 : index
      %get3A_153 = tpu.vector_load %get3A_151[%get3A_152] {strides = array<i32>} : memref<80xi32, #tpu.memory_space<vmem>>, vector<16xi32>,
      %slice3A = vector.extract_strided_slice %get3A_153 {offsets = [15], sizes = [1], strides = [1]} : vector<16xi32> to vector<1xi32>
      %squeeze3A = vector.extract %slice3A[0] : i32 from vector<1xi32>
      %add3A_154 = arith.constant 1 : i32
      %add3A_155 = arith.addi %while3A_132, %add3A_154 : i32
      %lt3A = arith.cmpi slt, %add3A_155, %select_n3A_94 : i32
      %convert_element_type3A_156 = arith.extui %lt3A : i1 to i32
      %cond3A_157 = arith.constant 0 : i32
      %cond3A_158 = arith.cmpi ne, %convert_element_type3A_156, %cond3A_157 : i32
      %cond3A_159:2 = scf.if %cond3A_158 -> (i32, i32) {
        "tpu.trace_start"() <{level = 10 : i32, message = "phase_idxwait"}> : () -> ()
        %add3A_474 = arith.constant 1 : i32
        %add3A_475 = arith.addi %while3A_132, %add3A_474 : i32
        %and3A_476 = arith.constant 1 : i32
        %and3A_477 = arith.andi %add3A_475, %and3A_476 : i32
        %mul3A_478 = arith.constant 80 : i32
        %mul3A_479 = arith.muli %add3A_475, %mul3A_478 : i32
        %add3A_480 = arith.addi %shift_left3A_53, %mul3A_479 : i32
        %min3A_481 = arith.constant 159920 : i32
        %min3A_482 = arith.minsi %add3A_480, %min3A_481 : i32
        %multiple_of3A_483 = tpu.assume_multiple %min3A_482, 8 : i32
        %dma_wait3A_484 = arith.constant 0 : i32
        %dma_wait3A_485 = tpu.memref_slice %arg10[%and3A_477, %dma_wait3A_484] : memref<2x80xi32, #tpu.memory_space<vmem>> -> memref<1x80xi32, #tpu.memory_space<vmem>>
        %dma_wait3A_486 = tpu.memref_squeeze %dma_wait3A_485 : memref<1x80xi32, #tpu.memory_space<vmem>> -> memref<80xi32, #tpu.memory_space<vmem>>
        %dma_wait3A_487 = tpu.memref_slice %arg5[%multiple_of3A_483] : memref<160000xi32, #tpu.memory_space<hbm>> -> memref<80xi32, #tpu.memory_space<hbm>>
        %dma_wait3A_488 = arith.constant 0 : i32
        %dma_wait3A_489 = tpu.memref_slice %arg10[%and3A_477, %dma_wait3A_488] : memref<2x80xi32, #tpu.memory_space<vmem>> -> memref<1x80xi32, #tpu.memory_space<vmem>>
        %dma_wait3A_490 = tpu.memref_squeeze %dma_wait3A_489 : memref<1x80xi32, #tpu.memory_space<vmem>> -> memref<80xi32, #tpu.memory_space<vmem>>
        %dma_wait3A_491 = tpu.memref_slice %arg5[%multiple_of3A_483] : memref<160000xi32, #tpu.memory_space<hbm>> -> memref<80xi32, #tpu.memory_space<hbm>>
        tpu.wait_dma2 semaphore(%arg26 : memref<!tpu.dma_semaphore, #tpu.memory_space<semaphore_mem>>) src(%dma_wait3A_491 : memref<80xi32, #tpu.memory_space<hbm>>) dst(%dma_wait3A_490 : memref<80xi32, #tpu.memory_space<vmem>>)
        %dma_wait3A_492 = arith.constant 0 : i32
        %dma_wait3A_493 = tpu.memref_slice %arg11[%and3A_477, %dma_wait3A_492] : memref<2x80xi32, #tpu.memory_space<vmem>> -> memref<1x80xi32, #tpu.memory_space<vmem>>
        %dma_wait3A_494 = tpu.memref_squeeze %dma_wait3A_493 : memref<1x80xi32, #tpu.memory_space<vmem>> -> memref<80xi32, #tpu.memory_space<vmem>>
        %dma_wait3A_495 = tpu.memref_slice %arg6[%multiple_of3A_483] : memref<160000xi32, #tpu.memory_space<hbm>> -> memref<80xi32, #tpu.memory_space<hbm>>
        %dma_wait3A_496 = arith.constant 0 : i32
        %dma_wait3A_497 = tpu.memref_slice %arg11[%and3A_477, %dma_wait3A_496] : memref<2x80xi32, #tpu.memory_space<vmem>> -> memref<1x80xi32, #tpu.memory_space<vmem>>
        %dma_wait3A_498 = tpu.memref_squeeze %dma_wait3A_497 : memref<1x80xi32, #tpu.memory_space<vmem>> -> memref<80xi32, #tpu.memory_space<vmem>>
        %dma_wait3A_499 = tpu.memref_slice %arg6[%multiple_of3A_483] : memref<160000xi32, #tpu.memory_space<hbm>> -> memref<80xi32, #tpu.memory_space<hbm>>
        tpu.wait_dma2 semaphore(%arg26 : memref<!tpu.dma_semaphore, #tpu.memory_space<semaphore_mem>>) src(%dma_wait3A_499 : memref<80xi32, #tpu.memory_space<hbm>>) dst(%dma_wait3A_498 : memref<80xi32, #tpu.memory_space<vmem>>)
        %dma_wait3A_500 = arith.constant 0 : i32
        %dma_wait3A_501 = tpu.memref_slice %arg12[%and3A_477, %dma_wait3A_500] : memref<2x80xi32, #tpu.memory_space<vmem>> -> memref<1x80xi32, #tpu.memory_space<vmem>>
        %dma_wait3A_502 = tpu.memref_squeeze %dma_wait3A_501 : memref<1x80xi32, #tpu.memory_space<vmem>> -> memref<80xi32, #tpu.memory_space<vmem>>
        %dma_wait3A_503 = tpu.memref_slice %arg7[%multiple_of3A_483] : memref<160000xi32, #tpu.memory_space<hbm>> -> memref<80xi32, #tpu.memory_space<hbm>>
        %dma_wait3A_504 = arith.constant 0 : i32
        %dma_wait3A_505 = tpu.memref_slice %arg12[%and3A_477, %dma_wait3A_504] : memref<2x80xi32, #tpu.memory_space<vmem>> -> memref<1x80xi32, #tpu.memory_space<vmem>>
        %dma_wait3A_506 = tpu.memref_squeeze %dma_wait3A_505 : memref<1x80xi32, #tpu.memory_space<vmem>> -> memref<80xi32, #tpu.memory_space<vmem>>
        %dma_wait3A_507 = tpu.memref_slice %arg7[%multiple_of3A_483] : memref<160000xi32, #tpu.memory_space<hbm>> -> memref<80xi32, #tpu.memory_space<hbm>>
        tpu.wait_dma2 semaphore(%arg26 : memref<!tpu.dma_semaphore, #tpu.memory_space<semaphore_mem>>) src(%dma_wait3A_507 : memref<80xi32, #tpu.memory_space<hbm>>) dst(%dma_wait3A_506 : memref<80xi32, #tpu.memory_space<vmem>>)
        %dma_wait3A_508 = arith.constant 0 : i32
        %dma_wait3A_509 = tpu.memref_slice %arg13[%and3A_477, %dma_wait3A_508] : memref<2x80xf32, #tpu.memory_space<vmem>> -> memref<1x80xf32, #tpu.memory_space<vmem>>
        %dma_wait3A_510 = tpu.memref_squeeze %dma_wait3A_509 : memref<1x80xf32, #tpu.memory_space<vmem>> -> memref<80xf32, #tpu.memory_space<vmem>>
        %dma_wait3A_511 = tpu.memref_slice %arg4[%multiple_of3A_483] : memref<160000xf32, #tpu.memory_space<hbm>> -> memref<80xf32, #tpu.memory_space<hbm>>
        %dma_wait3A_512 = arith.constant 0 : i32
        %dma_wait3A_513 = tpu.memref_slice %arg13[%and3A_477, %dma_wait3A_512] : memref<2x80xf32, #tpu.memory_space<vmem>> -> memref<1x80xf32, #tpu.memory_space<vmem>>
        %dma_wait3A_514 = tpu.memref_squeeze %dma_wait3A_513 : memref<1x80xf32, #tpu.memory_space<vmem>> -> memref<80xf32, #tpu.memory_space<vmem>>
        %dma_wait3A_515 = tpu.memref_slice %arg4[%multiple_of3A_483] : memref<160000xf32, #tpu.memory_space<hbm>> -> memref<80xf32, #tpu.memory_space<hbm>>
        tpu.wait_dma2 semaphore(%arg26 : memref<!tpu.dma_semaphore, #tpu.memory_space<semaphore_mem>>) src(%dma_wait3A_515 : memref<80xf32, #tpu.memory_space<hbm>>) dst(%dma_wait3A_514 : memref<80xf32, #tpu.memory_space<vmem>>)
        "tpu.trace_stop"() : () -> ()
        %sub3A_516 = arith.constant 1 : i32
        %sub3A_517 = arith.subi %sub3A_516, %and3A_138 : i32
        %get3A_518 = arith.index_cast %sub3A_517 : i32 to index
        %get3A_519 = arith.constant 0 : index
        %get3A_520 = tpu.vector_load %arg10[%get3A_518, %get3A_519] {strides = array<i32>} : memref<2x80xi32, #tpu.memory_space<vmem>>, vector<16xi32>,
        %slice3A_521 = vector.extract_strided_slice %get3A_520 {offsets = [0], sizes = [1], strides = [1]} : vector<16xi32> to vector<1xi32>
        %squeeze3A_522 = vector.extract %slice3A_521[0] : i32 from vector<1xi32>
        %mul3A_523 = arith.constant 80 : i32
        %mul3A_524 = arith.muli %while3A_132, %mul3A_523 : i32
        %add3A_525 = arith.addi %shift_left3A_53, %mul3A_524 : i32
        %min3A_526 = arith.constant 159920 : i32
        %min3A_527 = arith.minsi %add3A_525, %min3A_526 : i32
        %add3A_528 = arith.constant 1 : i32
        %add3A_529 = arith.addi %while3A_132, %add3A_528 : i32
        %mul3A_530 = arith.constant 80 : i32
        %mul3A_531 = arith.muli %add3A_529, %mul3A_530 : i32
        %add3A_532 = arith.addi %shift_left3A_53, %mul3A_531 : i32
        %min3A_533 = arith.constant 159920 : i32
        %min3A_534 = arith.minsi %add3A_532, %min3A_533 : i32
        %add3A_535 = arith.constant 80 : i32
        %add3A_536 = arith.addi %min3A_527, %add3A_535 : i32
        %eq3A_537 = arith.cmpi eq, %min3A_534, %add3A_536 : i32
        %eq3A_538 = arith.cmpi eq, %squeeze3A_522, %squeeze3A : i32
        %and3A_539 = arith.andi %eq3A_537, %eq3A_538 : i1
        %jit3A_540 = arith.constant 1 : i32
        %jit3A_541 = arith.constant 0 : i32
        %select_n3A_542 = arith.select %and3A_539, %jit3A_540, %jit3A_541 : i32
        %add3A_543 = arith.constant 1 : i32
        %add3A_544 = arith.addi %while3A_132, %add3A_543 : i32
        %and3A_545 = arith.constant 1 : i32
        %and3A_546 = arith.andi %add3A_544, %and3A_545 : i32
        %get3A_547 = arith.index_cast %and3A_546 : i32 to index
        %get3A_548 = arith.constant 0 : index
        %get3A_549 = tpu.vector_load %arg10[%get3A_547, %get3A_548] {strides = array<i32>} : memref<2x80xi32, #tpu.memory_space<vmem>>, vector<16xi32>,
        %sub3A_550 = arith.constant 1 : i32
        %sub3A_551 = vector.broadcast %sub3A_550 : i32 to vector<16xi32>
        %sub3A_552 = arith.subi %iota3A, %sub3A_551 : vector<16xi32>
        %max3A_553 = arith.constant 0 : i32
        %max3A_554 = vector.broadcast %max3A_553 : i32 to vector<16xi32>
        %max3A_555 = arith.maxsi %sub3A_552, %max3A_554 : vector<16xi32>
        %gather3A = arith.constant 0 : i32
        %gather3A_556 = tpu.memref_slice %arg10[%and3A_546, %gather3A] : memref<2x80xi32, #tpu.memory_space<vmem>> -> memref<1x80xi32, #tpu.memory_space<vmem>>
        %gather3A_557 = tpu.memref_squeeze %gather3A_556 : memref<1x80xi32, #tpu.memory_space<vmem>> -> memref<80xi32, #tpu.memory_space<vmem>>
        %gather3A_558 = tpu.vector_load_idx %gather3A_557[%max3A_555] : memref<80xi32, #tpu.memory_space<vmem>>[vector<16xi32>], vector<16xi32>,
        %ne3A_559 = arith.cmpi ne, %get3A_549, %gather3A_558 : vector<16xi32>
        %eq3A_560 = arith.constant 0 : i32
        %eq3A_561 = vector.broadcast %eq3A_560 : i32 to vector<16xi32>
        %eq3A_562 = arith.cmpi eq, %iota3A, %eq3A_561 : vector<16xi32>
        %eq3A_563 = arith.constant 0 : i32
        %eq3A_564 = arith.cmpi eq, %select_n3A_542, %eq3A_563 : i32
        %and3A_565 = vector.broadcast %eq3A_564 : i1 to vector<16xi1>
        %and3A_566 = arith.andi %eq3A_562, %and3A_565 : vector<16xi1>
        %or3A = arith.ori %ne3A_559, %and3A_566 : vector<16xi1>
        %swap3A_567 = arith.constant 0 : i32
        %swap3A_568 = arith.index_cast %and3A_546 : i32 to index
        %swap3A_569 = arith.index_cast %swap3A_567 : i32 to index
        %swap3A_570 = tpu.vector_load %arg15[%swap3A_568, %swap3A_569] masked %or3A {strides = array<i32>} : memref<2x96xi32, #tpu.memory_space<vmem>>, vector<16xi32>, vector<16xi1>
        tpu.vector_store %arg15[%swap3A_568, %swap3A_569], %get3A_549 masked %or3A {strides = array<i32>} : memref<2x96xi32, #tpu.memory_space<vmem>>, vector<16xi32>, vector<16xi1>
        %all_reduce_population_count3A = tpu.all_reduce %or3A {dim = 0 : i64, kind = #tpu.reduction_kind<sum>} : vector<16xi1> -> vector<16xi32>
        %slice3A_571 = vector.extract_strided_slice %all_reduce_population_count3A {offsets = [0], sizes = [1], strides = [1]} : vector<16xi32> to vector<1xi32>
        %squeeze3A_572 = vector.extract %slice3A_571[0] : i32 from vector<1xi32>
        %add3A_573 = arith.constant 0 : i32
        %add3A_574 = arith.addi %add3A_573, %squeeze3A_572 : i32
        %get3A_575 = arith.index_cast %and3A_546 : i32 to index
        %get3A_576 = arith.constant 16 : index
        %get3A_577 = tpu.vector_load %arg10[%get3A_575, %get3A_576] {strides = array<i32>} : memref<2x80xi32, #tpu.memory_space<vmem>>, vector<16xi32>,
        %get3A_578 = arith.index_cast %and3A_546 : i32 to index
        %get3A_579 = arith.constant 15 : index
        %get3A_580 = tpu.vector_load %arg10[%get3A_578, %get3A_579] {strides = array<i32>} : memref<2x80xi32, #tpu.memory_space<vmem>>, vector<16xi32>,
        %ne3A_581 = arith.cmpi ne, %get3A_577, %get3A_580 : vector<16xi32>
        %swap3A_582 = arith.index_cast %and3A_546 : i32 to index
        %swap3A_583 = arith.index_cast %add3A_574 : i32 to index
        %swap3A_584 = tpu.vector_load %arg15[%swap3A_582, %swap3A_583] masked %ne3A_581 {strides = array<i32>} : memref<2x96xi32, #tpu.memory_space<vmem>>, vector<16xi32>, vector<16xi1>
        tpu.vector_store %arg15[%swap3A_582, %swap3A_583], %get3A_577 masked %ne3A_581 {strides = array<i32>} : memref<2x96xi32, #tpu.memory_space<vmem>>, vector<16xi32>, vector<16xi1>
        %all_reduce_population_count3A_585 = tpu.all_reduce %ne3A_581 {dim = 0 : i64, kind = #tpu.reduction_kind<sum>} : vector<16xi1> -> vector<16xi32>
        %slice3A_586 = vector.extract_strided_slice %all_reduce_population_count3A_585 {offsets = [0], sizes = [1], strides = [1]} : vector<16xi32> to vector<1xi32>
        %squeeze3A_587 = vector.extract %slice3A_586[0] : i32 from vector<1xi32>
        %add3A_588 = arith.addi %add3A_574, %squeeze3A_587 : i32
        %get3A_589 = arith.index_cast %and3A_546 : i32 to index
        %get3A_590 = arith.constant 32 : index
        %get3A_591 = tpu.vector_load %arg10[%get3A_589, %get3A_590] {strides = array<i32>} : memref<2x80xi32, #tpu.memory_space<vmem>>, vector<16xi32>,
        %get3A_592 = arith.index_cast %and3A_546 : i32 to index
        %get3A_593 = arith.constant 31 : index
        %get3A_594 = tpu.vector_load %arg10[%get3A_592, %get3A_593] {strides = array<i32>} : memref<2x80xi32, #tpu.memory_space<vmem>>, vector<16xi32>,
        %ne3A_595 = arith.cmpi ne, %get3A_591, %get3A_594 : vector<16xi32>
        %swap3A_596 = arith.index_cast %and3A_546 : i32 to index
        %swap3A_597 = arith.index_cast %add3A_588 : i32 to index
        %swap3A_598 = tpu.vector_load %arg15[%swap3A_596, %swap3A_597] masked %ne3A_595 {strides = array<i32>} : memref<2x96xi32, #tpu.memory_space<vmem>>, vector<16xi32>, vector<16xi1>
        tpu.vector_store %arg15[%swap3A_596, %swap3A_597], %get3A_591 masked %ne3A_595 {strides = array<i32>} : memref<2x96xi32, #tpu.memory_space<vmem>>, vector<16xi32>, vector<16xi1>
        %all_reduce_population_count3A_599 = tpu.all_reduce %ne3A_595 {dim = 0 : i64, kind = #tpu.reduction_kind<sum>} : vector<16xi1> -> vector<16xi32>
        %slice3A_600 = vector.extract_strided_slice %all_reduce_population_count3A_599 {offsets = [0], sizes = [1], strides = [1]} : vector<16xi32> to vector<1xi32>
        %squeeze3A_601 = vector.extract %slice3A_600[0] : i32 from vector<1xi32>
        %add3A_602 = arith.addi %add3A_588, %squeeze3A_601 : i32
        %get3A_603 = arith.index_cast %and3A_546 : i32 to index
        %get3A_604 = arith.constant 48 : index
        %get3A_605 = tpu.vector_load %arg10[%get3A_603, %get3A_604] {strides = array<i32>} : memref<2x80xi32, #tpu.memory_space<vmem>>, vector<16xi32>,
        %get3A_606 = arith.index_cast %and3A_546 : i32 to index
        %get3A_607 = arith.constant 47 : index
        %get3A_608 = tpu.vector_load %arg10[%get3A_606, %get3A_607] {strides = array<i32>} : memref<2x80xi32, #tpu.memory_space<vmem>>, vector<16xi32>,
        %ne3A_609 = arith.cmpi ne, %get3A_605, %get3A_608 : vector<16xi32>
        %swap3A_610 = arith.index_cast %and3A_546 : i32 to index
        %swap3A_611 = arith.index_cast %add3A_602 : i32 to index
        %swap3A_612 = tpu.vector_load %arg15[%swap3A_610, %swap3A_611] masked %ne3A_609 {strides = array<i32>} : memref<2x96xi32, #tpu.memory_space<vmem>>, vector<16xi32>, vector<16xi1>
        tpu.vector_store %arg15[%swap3A_610, %swap3A_611], %get3A_605 masked %ne3A_609 {strides = array<i32>} : memref<2x96xi32, #tpu.memory_space<vmem>>, vector<16xi32>, vector<16xi1>
        %all_reduce_population_count3A_613 = tpu.all_reduce %ne3A_609 {dim = 0 : i64, kind = #tpu.reduction_kind<sum>} : vector<16xi1> -> vector<16xi32>
        %slice3A_614 = vector.extract_strided_slice %all_reduce_population_count3A_613 {offsets = [0], sizes = [1], strides = [1]} : vector<16xi32> to vector<1xi32>
        %squeeze3A_615 = vector.extract %slice3A_614[0] : i32 from vector<1xi32>
        %add3A_616 = arith.addi %add3A_602, %squeeze3A_615 : i32
        %get3A_617 = arith.index_cast %and3A_546 : i32 to index
        %get3A_618 = arith.constant 64 : index
        %get3A_619 = tpu.vector_load %arg10[%get3A_617, %get3A_618] {strides = array<i32>} : memref<2x80xi32, #tpu.memory_space<vmem>>, vector<16xi32>,
        %get3A_620 = arith.index_cast %and3A_546 : i32 to index
        %get3A_621 = arith.constant 63 : index
        %get3A_622 = tpu.vector_load %arg10[%get3A_620, %get3A_621] {strides = array<i32>} : memref<2x80xi32, #tpu.memory_space<vmem>>, vector<16xi32>,
        %ne3A_623 = arith.cmpi ne, %get3A_619, %get3A_622 : vector<16xi32>
        %swap3A_624 = arith.index_cast %and3A_546 : i32 to index
        %swap3A_625 = arith.index_cast %add3A_616 : i32 to index
        %swap3A_626 = tpu.vector_load %arg15[%swap3A_624, %swap3A_625] masked %ne3A_623 {strides = array<i32>} : memref<2x96xi32, #tpu.memory_space<vmem>>, vector<16xi32>, vector<16xi1>
        tpu.vector_store %arg15[%swap3A_624, %swap3A_625], %get3A_619 masked %ne3A_623 {strides = array<i32>} : memref<2x96xi32, #tpu.memory_space<vmem>>, vector<16xi32>, vector<16xi1>
        %all_reduce_population_count3A_627 = tpu.all_reduce %ne3A_623 {dim = 0 : i64, kind = #tpu.reduction_kind<sum>} : vector<16xi1> -> vector<16xi32>
        %slice3A_628 = vector.extract_strided_slice %all_reduce_population_count3A_627 {offsets = [0], sizes = [1], strides = [1]} : vector<16xi32> to vector<1xi32>
        %squeeze3A_629 = vector.extract %slice3A_628[0] : i32 from vector<1xi32>
        %add3A_630 = arith.addi %add3A_616, %squeeze3A_629 : i32
        scf.yield %add3A_630, %select_n3A_542 : i32, i32
      } else {
        %cond3A_474 = arith.constant 0 : i32
        %cond3A_475 = arith.constant 0 : i32
        scf.yield %cond3A_474, %cond3A_475 : i32, i32
      }
      %add3A_160 = arith.addi %while3A_133, %while3A_134 : i32
      %while3A_161 = arith.constant 0 : i32
      %while3A_162 = arith.constant 0 : i32
      "tpu.trace_start"() <{level = 10 : i32, message = "phase_rows"}> : () -> ()
      %while3A_163 = arith.subi %add3A_160, %while3A_162 : i32
      %while3A_164 = arith.addi %while3A_162, %while3A_163 : i32
      %while3A_165 = arith.constant 1 : i32
      %while3A_166 = arith.divsi %while3A_163, %while3A_165 : i32
      %while3A_167 = arith.muli %while3A_166, %while3A_165 : i32
      %while3A_168 = arith.addi %while3A_162, %while3A_167 : i32
      %while3A_169 = arith.constant 1 : i32
      scf.for %while3A_474 = %while3A_162 to %while3A_168 step %while3A_169  : i32 {
        %add3A_475 = arith.addi %while3A_135, %while3A_474 : i32
        %and3A_476 = arith.constant 3 : i32
        %and3A_477 = arith.andi %add3A_475, %and3A_476 : i32
        %eq3A_478 = arith.constant 0 : i32
        %eq3A_479 = arith.cmpi eq, %while3A_474, %eq3A_478 : i32
        %convert_element_type3A_480 = arith.extui %eq3A_479 : i1 to i32
        %and3A_481 = arith.andi %while3A_134, %convert_element_type3A_480 : i32
        %sub3A_482 = arith.subi %while3A_474, %while3A_134 : i32
        %broadcast_in_dim3A_483 = vector.broadcast %sub3A_482 : i32 to vector<16xi32>
        %gather3A = arith.constant 0 : i32
        %gather3A_484 = tpu.memref_slice %arg15[%and3A_138, %gather3A] : memref<2x96xi32, #tpu.memory_space<vmem>> -> memref<1x96xi32, #tpu.memory_space<vmem>>
        %gather3A_485 = tpu.memref_squeeze %gather3A_484 : memref<1x96xi32, #tpu.memory_space<vmem>> -> memref<96xi32, #tpu.memory_space<vmem>>
        %gather3A_486 = tpu.vector_load_idx %gather3A_485[%broadcast_in_dim3A_483] : memref<96xi32, #tpu.memory_space<vmem>>[vector<16xi32>], vector<16xi32>,
        %slice3A_487 = vector.extract_strided_slice %gather3A_486 {offsets = [0], sizes = [1], strides = [1]} : vector<16xi32> to vector<1xi32>
        %squeeze3A_488 = vector.extract %slice3A_487[0] : i32 from vector<1xi32>
        %ne3A_489 = arith.constant 0 : i32
        %ne3A_490 = arith.cmpi ne, %and3A_481, %ne3A_489 : i32
        %select_n3A_491 = arith.select %ne3A_490, %while3A_136, %squeeze3A_488 : i32
        %ge3A_492 = arith.cmpi sge, %while3A_474, %while3A_134 : i32
        %convert_element_type3A_493 = arith.extui %ge3A_492 : i1 to i32
        %cond3A_494 = arith.constant 0 : i32
        %cond3A_495 = arith.cmpi ne, %convert_element_type3A_493, %cond3A_494 : i32
        scf.if %cond3A_495 {
          %dma_wait3A_648 = arith.constant 0 : i32
          %dma_wait3A_649 = tpu.memref_slice %arg21[%and3A_477, %dma_wait3A_648] : memref<4x10000xf32, #tpu.memory_space<vmem>> -> memref<1x10000xf32, #tpu.memory_space<vmem>>
          %dma_wait3A_650 = tpu.memref_squeeze %dma_wait3A_649 : memref<1x10000xf32, #tpu.memory_space<vmem>> -> memref<10000xf32, #tpu.memory_space<vmem>>
          %dma_wait3A_651 = arith.constant 0 : i32
          %dma_wait3A_652 = tpu.memref_slice %arg3[%select_n3A_491, %dma_wait3A_651] : memref<10000x10000xf32, #tpu.memory_space<hbm>> -> memref<1x10000xf32, #tpu.memory_space<hbm>>
          %dma_wait3A_653 = tpu.memref_squeeze %dma_wait3A_652 : memref<1x10000xf32, #tpu.memory_space<hbm>> -> memref<10000xf32, #tpu.memory_space<hbm>>
          %dma_wait3A_654 = arith.constant 0 : i32
          %dma_wait3A_655 = tpu.memref_slice %arg21[%and3A_477, %dma_wait3A_654] : memref<4x10000xf32, #tpu.memory_space<vmem>> -> memref<1x10000xf32, #tpu.memory_space<vmem>>
          %dma_wait3A_656 = tpu.memref_squeeze %dma_wait3A_655 : memref<1x10000xf32, #tpu.memory_space<vmem>> -> memref<10000xf32, #tpu.memory_space<vmem>>
          %dma_wait3A_657 = arith.constant 0 : i32
          %dma_wait3A_658 = tpu.memref_slice %arg3[%select_n3A_491, %dma_wait3A_657] : memref<10000x10000xf32, #tpu.memory_space<hbm>> -> memref<1x10000xf32, #tpu.memory_space<hbm>>
          %dma_wait3A_659 = tpu.memref_squeeze %dma_wait3A_658 : memref<1x10000xf32, #tpu.memory_space<hbm>> -> memref<10000xf32, #tpu.memory_space<hbm>>
          tpu.wait_dma2 semaphore(%arg27 : memref<!tpu.dma_semaphore, #tpu.memory_space<semaphore_mem>>) src(%dma_wait3A_659 : memref<10000xf32, #tpu.memory_space<hbm>>) dst(%dma_wait3A_656 : memref<10000xf32, #tpu.memory_space<vmem>>)
        } else {
        }
        %broadcast_in_dim3A_496 = vector.broadcast %and3A_477 : i32 to vector<16xi32>
        %get3A_497 = arith.constant 0 : i32
        %get3A_498 = tpu.memref_slice %arg10[%and3A_138, %get3A_497] : memref<2x80xi32, #tpu.memory_space<vmem>> -> memref<1x80xi32, #tpu.memory_space<vmem>>
        %get3A_499 = tpu.memref_squeeze %get3A_498 : memref<1x80xi32, #tpu.memory_space<vmem>> -> memref<80xi32, #tpu.memory_space<vmem>>
        %get3A_500 = arith.constant 0 : index
        %get3A_501 = tpu.vector_load %get3A_499[%get3A_500] {strides = array<i32>} : memref<80xi32, #tpu.memory_space<vmem>>, vector<16xi32>,
        %eq3A_502 = vector.broadcast %select_n3A_491 : i32 to vector<16xi32>
        %eq3A_503 = arith.cmpi eq, %get3A_501, %eq3A_502 : vector<16xi32>
        %get3A_504 = arith.constant 0 : i32
        %get3A_505 = tpu.memref_slice %arg11[%and3A_138, %get3A_504] : memref<2x80xi32, #tpu.memory_space<vmem>> -> memref<1x80xi32, #tpu.memory_space<vmem>>
        %get3A_506 = tpu.memref_squeeze %get3A_505 : memref<1x80xi32, #tpu.memory_space<vmem>> -> memref<80xi32, #tpu.memory_space<vmem>>
        %get3A_507 = arith.constant 0 : index
        %get3A_508 = tpu.vector_load %get3A_506[%get3A_507] {strides = array<i32>} : memref<80xi32, #tpu.memory_space<vmem>>, vector<16xi32>,
        %gather3A_509 = tpu.vector_load_idx %arg21[%broadcast_in_dim3A_496, %get3A_508] : memref<4x10000xf32, #tpu.memory_space<vmem>>[vector<16xi32>, vector<16xi32>], vector<16xf32>,
        %get3A_510 = arith.constant 0 : i32
        %get3A_511 = tpu.memref_slice %arg12[%and3A_138, %get3A_510] : memref<2x80xi32, #tpu.memory_space<vmem>> -> memref<1x80xi32, #tpu.memory_space<vmem>>
        %get3A_512 = tpu.memref_squeeze %get3A_511 : memref<1x80xi32, #tpu.memory_space<vmem>> -> memref<80xi32, #tpu.memory_space<vmem>>
        %get3A_513 = arith.constant 0 : index
        %get3A_514 = tpu.vector_load %get3A_512[%get3A_513] {strides = array<i32>} : memref<80xi32, #tpu.memory_space<vmem>>, vector<16xi32>,
        %gather3A_515 = tpu.vector_load_idx %arg21[%broadcast_in_dim3A_496, %get3A_514] : memref<4x10000xf32, #tpu.memory_space<vmem>>[vector<16xi32>, vector<16xi32>], vector<16xf32>,
        %get3A_516 = arith.constant 0 : index
        %get3A_517 = tpu.vector_load %arg16[%get3A_516] {strides = array<i32>} : memref<80xf32, #tpu.memory_space<vmem>>, vector<16xf32>,
        %select_n3A_518 = arith.select %eq3A_503, %gather3A_509, %get3A_517 : vector<16xi1>, vector<16xf32>
        %swap3A_519 = arith.constant 0 : index
        %swap3A_520 = tpu.vector_load %arg16[%swap3A_519] {strides = array<i32>} : memref<80xf32, #tpu.memory_space<vmem>>, vector<16xf32>,
        tpu.vector_store %arg16[%swap3A_519], %select_n3A_518 {strides = array<i32>} : memref<80xf32, #tpu.memory_space<vmem>>, vector<16xf32>,
        %get3A_521 = arith.constant 0 : index
        %get3A_522 = tpu.vector_load %arg17[%get3A_521] {strides = array<i32>} : memref<80xf32, #tpu.memory_space<vmem>>, vector<16xf32>,
        %select_n3A_523 = arith.select %eq3A_503, %gather3A_515, %get3A_522 : vector<16xi1>, vector<16xf32>
        %swap3A_524 = arith.constant 0 : index
        %swap3A_525 = tpu.vector_load %arg17[%swap3A_524] {strides = array<i32>} : memref<80xf32, #tpu.memory_space<vmem>>, vector<16xf32>,
        tpu.vector_store %arg17[%swap3A_524], %select_n3A_523 {strides = array<i32>} : memref<80xf32, #tpu.memory_space<vmem>>, vector<16xf32>,
        %get3A_526 = arith.constant 0 : i32
        %get3A_527 = tpu.memref_slice %arg10[%and3A_138, %get3A_526] : memref<2x80xi32, #tpu.memory_space<vmem>> -> memref<1x80xi32, #tpu.memory_space<vmem>>
        %get3A_528 = tpu.memref_squeeze %get3A_527 : memref<1x80xi32, #tpu.memory_space<vmem>> -> memref<80xi32, #tpu.memory_space<vmem>>
        %get3A_529 = arith.constant 16 : index
        %get3A_530 = tpu.vector_load %get3A_528[%get3A_529] {strides = array<i32>} : memref<80xi32, #tpu.memory_space<vmem>>, vector<16xi32>,
        %eq3A_531 = vector.broadcast %select_n3A_491 : i32 to vector<16xi32>
        %eq3A_532 = arith.cmpi eq, %get3A_530, %eq3A_531 : vector<16xi32>
        %get3A_533 = arith.constant 0 : i32
        %get3A_534 = tpu.memref_slice %arg11[%and3A_138, %get3A_533] : memref<2x80xi32, #tpu.memory_space<vmem>> -> memref<1x80xi32, #tpu.memory_space<vmem>>
        %get3A_535 = tpu.memref_squeeze %get3A_534 : memref<1x80xi32, #tpu.memory_space<vmem>> -> memref<80xi32, #tpu.memory_space<vmem>>
        %get3A_536 = arith.constant 16 : index
        %get3A_537 = tpu.vector_load %get3A_535[%get3A_536] {strides = array<i32>} : memref<80xi32, #tpu.memory_space<vmem>>, vector<16xi32>,
        %gather3A_538 = tpu.vector_load_idx %arg21[%broadcast_in_dim3A_496, %get3A_537] : memref<4x10000xf32, #tpu.memory_space<vmem>>[vector<16xi32>, vector<16xi32>], vector<16xf32>,
        %get3A_539 = arith.constant 0 : i32
        %get3A_540 = tpu.memref_slice %arg12[%and3A_138, %get3A_539] : memref<2x80xi32, #tpu.memory_space<vmem>> -> memref<1x80xi32, #tpu.memory_space<vmem>>
        %get3A_541 = tpu.memref_squeeze %get3A_540 : memref<1x80xi32, #tpu.memory_space<vmem>> -> memref<80xi32, #tpu.memory_space<vmem>>
        %get3A_542 = arith.constant 16 : index
        %get3A_543 = tpu.vector_load %get3A_541[%get3A_542] {strides = array<i32>} : memref<80xi32, #tpu.memory_space<vmem>>, vector<16xi32>,
        %gather3A_544 = tpu.vector_load_idx %arg21[%broadcast_in_dim3A_496, %get3A_543] : memref<4x10000xf32, #tpu.memory_space<vmem>>[vector<16xi32>, vector<16xi32>], vector<16xf32>,
        %get3A_545 = arith.constant 16 : index
        %get3A_546 = tpu.vector_load %arg16[%get3A_545] {strides = array<i32>} : memref<80xf32, #tpu.memory_space<vmem>>, vector<16xf32>,
        %select_n3A_547 = arith.select %eq3A_532, %gather3A_538, %get3A_546 : vector<16xi1>, vector<16xf32>
        %swap3A_548 = arith.constant 16 : index
        %swap3A_549 = tpu.vector_load %arg16[%swap3A_548] {strides = array<i32>} : memref<80xf32, #tpu.memory_space<vmem>>, vector<16xf32>,
        tpu.vector_store %arg16[%swap3A_548], %select_n3A_547 {strides = array<i32>} : memref<80xf32, #tpu.memory_space<vmem>>, vector<16xf32>,
        %get3A_550 = arith.constant 16 : index
        %get3A_551 = tpu.vector_load %arg17[%get3A_550] {strides = array<i32>} : memref<80xf32, #tpu.memory_space<vmem>>, vector<16xf32>,
        %select_n3A_552 = arith.select %eq3A_532, %gather3A_544, %get3A_551 : vector<16xi1>, vector<16xf32>
        %swap3A_553 = arith.constant 16 : index
        %swap3A_554 = tpu.vector_load %arg17[%swap3A_553] {strides = array<i32>} : memref<80xf32, #tpu.memory_space<vmem>>, vector<16xf32>,
        tpu.vector_store %arg17[%swap3A_553], %select_n3A_552 {strides = array<i32>} : memref<80xf32, #tpu.memory_space<vmem>>, vector<16xf32>,
        %get3A_555 = arith.constant 0 : i32
        %get3A_556 = tpu.memref_slice %arg10[%and3A_138, %get3A_555] : memref<2x80xi32, #tpu.memory_space<vmem>> -> memref<1x80xi32, #tpu.memory_space<vmem>>
        %get3A_557 = tpu.memref_squeeze %get3A_556 : memref<1x80xi32, #tpu.memory_space<vmem>> -> memref<80xi32, #tpu.memory_space<vmem>>
        %get3A_558 = arith.constant 32 : index
        %get3A_559 = tpu.vector_load %get3A_557[%get3A_558] {strides = array<i32>} : memref<80xi32, #tpu.memory_space<vmem>>, vector<16xi32>,
        %eq3A_560 = vector.broadcast %select_n3A_491 : i32 to vector<16xi32>
        %eq3A_561 = arith.cmpi eq, %get3A_559, %eq3A_560 : vector<16xi32>
        %get3A_562 = arith.constant 0 : i32
        %get3A_563 = tpu.memref_slice %arg11[%and3A_138, %get3A_562] : memref<2x80xi32, #tpu.memory_space<vmem>> -> memref<1x80xi32, #tpu.memory_space<vmem>>
        %get3A_564 = tpu.memref_squeeze %get3A_563 : memref<1x80xi32, #tpu.memory_space<vmem>> -> memref<80xi32, #tpu.memory_space<vmem>>
        %get3A_565 = arith.constant 32 : index
        %get3A_566 = tpu.vector_load %get3A_564[%get3A_565] {strides = array<i32>} : memref<80xi32, #tpu.memory_space<vmem>>, vector<16xi32>,
        %gather3A_567 = tpu.vector_load_idx %arg21[%broadcast_in_dim3A_496, %get3A_566] : memref<4x10000xf32, #tpu.memory_space<vmem>>[vector<16xi32>, vector<16xi32>], vector<16xf32>,
        %get3A_568 = arith.constant 0 : i32
        %get3A_569 = tpu.memref_slice %arg12[%and3A_138, %get3A_568] : memref<2x80xi32, #tpu.memory_space<vmem>> -> memref<1x80xi32, #tpu.memory_space<vmem>>
        %get3A_570 = tpu.memref_squeeze %get3A_569 : memref<1x80xi32, #tpu.memory_space<vmem>> -> memref<80xi32, #tpu.memory_space<vmem>>
        %get3A_571 = arith.constant 32 : index
        %get3A_572 = tpu.vector_load %get3A_570[%get3A_571] {strides = array<i32>} : memref<80xi32, #tpu.memory_space<vmem>>, vector<16xi32>,
        %gather3A_573 = tpu.vector_load_idx %arg21[%broadcast_in_dim3A_496, %get3A_572] : memref<4x10000xf32, #tpu.memory_space<vmem>>[vector<16xi32>, vector<16xi32>], vector<16xf32>,
        %get3A_574 = arith.constant 32 : index
        %get3A_575 = tpu.vector_load %arg16[%get3A_574] {strides = array<i32>} : memref<80xf32, #tpu.memory_space<vmem>>, vector<16xf32>,
        %select_n3A_576 = arith.select %eq3A_561, %gather3A_567, %get3A_575 : vector<16xi1>, vector<16xf32>
        %swap3A_577 = arith.constant 32 : index
        %swap3A_578 = tpu.vector_load %arg16[%swap3A_577] {strides = array<i32>} : memref<80xf32, #tpu.memory_space<vmem>>, vector<16xf32>,
        tpu.vector_store %arg16[%swap3A_577], %select_n3A_576 {strides = array<i32>} : memref<80xf32, #tpu.memory_space<vmem>>, vector<16xf32>,
        %get3A_579 = arith.constant 32 : index
        %get3A_580 = tpu.vector_load %arg17[%get3A_579] {strides = array<i32>} : memref<80xf32, #tpu.memory_space<vmem>>, vector<16xf32>,
        %select_n3A_581 = arith.select %eq3A_561, %gather3A_573, %get3A_580 : vector<16xi1>, vector<16xf32>
        %swap3A_582 = arith.constant 32 : index
        %swap3A_583 = tpu.vector_load %arg17[%swap3A_582] {strides = array<i32>} : memref<80xf32, #tpu.memory_space<vmem>>, vector<16xf32>,
        tpu.vector_store %arg17[%swap3A_582], %select_n3A_581 {strides = array<i32>} : memref<80xf32, #tpu.memory_space<vmem>>, vector<16xf32>,
        %get3A_584 = arith.constant 0 : i32
        %get3A_585 = tpu.memref_slice %arg10[%and3A_138, %get3A_584] : memref<2x80xi32, #tpu.memory_space<vmem>> -> memref<1x80xi32, #tpu.memory_space<vmem>>
        %get3A_586 = tpu.memref_squeeze %get3A_585 : memref<1x80xi32, #tpu.memory_space<vmem>> -> memref<80xi32, #tpu.memory_space<vmem>>
        %get3A_587 = arith.constant 48 : index
        %get3A_588 = tpu.vector_load %get3A_586[%get3A_587] {strides = array<i32>} : memref<80xi32, #tpu.memory_space<vmem>>, vector<16xi32>,
        %eq3A_589 = vector.broadcast %select_n3A_491 : i32 to vector<16xi32>
        %eq3A_590 = arith.cmpi eq, %get3A_588, %eq3A_589 : vector<16xi32>
        %get3A_591 = arith.constant 0 : i32
        %get3A_592 = tpu.memref_slice %arg11[%and3A_138, %get3A_591] : memref<2x80xi32, #tpu.memory_space<vmem>> -> memref<1x80xi32, #tpu.memory_space<vmem>>
        %get3A_593 = tpu.memref_squeeze %get3A_592 : memref<1x80xi32, #tpu.memory_space<vmem>> -> memref<80xi32, #tpu.memory_space<vmem>>
        %get3A_594 = arith.constant 48 : index
        %get3A_595 = tpu.vector_load %get3A_593[%get3A_594] {strides = array<i32>} : memref<80xi32, #tpu.memory_space<vmem>>, vector<16xi32>,
        %gather3A_596 = tpu.vector_load_idx %arg21[%broadcast_in_dim3A_496, %get3A_595] : memref<4x10000xf32, #tpu.memory_space<vmem>>[vector<16xi32>, vector<16xi32>], vector<16xf32>,
        %get3A_597 = arith.constant 0 : i32
        %get3A_598 = tpu.memref_slice %arg12[%and3A_138, %get3A_597] : memref<2x80xi32, #tpu.memory_space<vmem>> -> memref<1x80xi32, #tpu.memory_space<vmem>>
        %get3A_599 = tpu.memref_squeeze %get3A_598 : memref<1x80xi32, #tpu.memory_space<vmem>> -> memref<80xi32, #tpu.memory_space<vmem>>
        %get3A_600 = arith.constant 48 : index
        %get3A_601 = tpu.vector_load %get3A_599[%get3A_600] {strides = array<i32>} : memref<80xi32, #tpu.memory_space<vmem>>, vector<16xi32>,
        %gather3A_602 = tpu.vector_load_idx %arg21[%broadcast_in_dim3A_496, %get3A_601] : memref<4x10000xf32, #tpu.memory_space<vmem>>[vector<16xi32>, vector<16xi32>], vector<16xf32>,
        %get3A_603 = arith.constant 48 : index
        %get3A_604 = tpu.vector_load %arg16[%get3A_603] {strides = array<i32>} : memref<80xf32, #tpu.memory_space<vmem>>, vector<16xf32>,
        %select_n3A_605 = arith.select %eq3A_590, %gather3A_596, %get3A_604 : vector<16xi1>, vector<16xf32>
        %swap3A_606 = arith.constant 48 : index
        %swap3A_607 = tpu.vector_load %arg16[%swap3A_606] {strides = array<i32>} : memref<80xf32, #tpu.memory_space<vmem>>, vector<16xf32>,
        tpu.vector_store %arg16[%swap3A_606], %select_n3A_605 {strides = array<i32>} : memref<80xf32, #tpu.memory_space<vmem>>, vector<16xf32>,
        %get3A_608 = arith.constant 48 : index
        %get3A_609 = tpu.vector_load %arg17[%get3A_608] {strides = array<i32>} : memref<80xf32, #tpu.memory_space<vmem>>, vector<16xf32>,
        %select_n3A_610 = arith.select %eq3A_590, %gather3A_602, %get3A_609 : vector<16xi1>, vector<16xf32>
        %swap3A_611 = arith.constant 48 : index
        %swap3A_612 = tpu.vector_load %arg17[%swap3A_611] {strides = array<i32>} : memref<80xf32, #tpu.memory_space<vmem>>, vector<16xf32>,
        tpu.vector_store %arg17[%swap3A_611], %select_n3A_610 {strides = array<i32>} : memref<80xf32, #tpu.memory_space<vmem>>, vector<16xf32>,
        %get3A_613 = arith.constant 0 : i32
        %get3A_614 = tpu.memref_slice %arg10[%and3A_138, %get3A_613] : memref<2x80xi32, #tpu.memory_space<vmem>> -> memref<1x80xi32, #tpu.memory_space<vmem>>
        %get3A_615 = tpu.memref_squeeze %get3A_614 : memref<1x80xi32, #tpu.memory_space<vmem>> -> memref<80xi32, #tpu.memory_space<vmem>>
        %get3A_616 = arith.constant 64 : index
        %get3A_617 = tpu.vector_load %get3A_615[%get3A_616] {strides = array<i32>} : memref<80xi32, #tpu.memory_space<vmem>>, vector<16xi32>,
        %eq3A_618 = vector.broadcast %select_n3A_491 : i32 to vector<16xi32>
        %eq3A_619 = arith.cmpi eq, %get3A_617, %eq3A_618 : vector<16xi32>
        %get3A_620 = arith.constant 0 : i32
        %get3A_621 = tpu.memref_slice %arg11[%and3A_138, %get3A_620] : memref<2x80xi32, #tpu.memory_space<vmem>> -> memref<1x80xi32, #tpu.memory_space<vmem>>
        %get3A_622 = tpu.memref_squeeze %get3A_621 : memref<1x80xi32, #tpu.memory_space<vmem>> -> memref<80xi32, #tpu.memory_space<vmem>>
        %get3A_623 = arith.constant 64 : index
        %get3A_624 = tpu.vector_load %get3A_622[%get3A_623] {strides = array<i32>} : memref<80xi32, #tpu.memory_space<vmem>>, vector<16xi32>,
        %gather3A_625 = tpu.vector_load_idx %arg21[%broadcast_in_dim3A_496, %get3A_624] : memref<4x10000xf32, #tpu.memory_space<vmem>>[vector<16xi32>, vector<16xi32>], vector<16xf32>,
        %get3A_626 = arith.constant 0 : i32
        %get3A_627 = tpu.memref_slice %arg12[%and3A_138, %get3A_626] : memref<2x80xi32, #tpu.memory_space<vmem>> -> memref<1x80xi32, #tpu.memory_space<vmem>>
        %get3A_628 = tpu.memref_squeeze %get3A_627 : memref<1x80xi32, #tpu.memory_space<vmem>> -> memref<80xi32, #tpu.memory_space<vmem>>
        %get3A_629 = arith.constant 64 : index
        %get3A_630 = tpu.vector_load %get3A_628[%get3A_629] {strides = array<i32>} : memref<80xi32, #tpu.memory_space<vmem>>, vector<16xi32>,
        %gather3A_631 = tpu.vector_load_idx %arg21[%broadcast_in_dim3A_496, %get3A_630] : memref<4x10000xf32, #tpu.memory_space<vmem>>[vector<16xi32>, vector<16xi32>], vector<16xf32>,
        %get3A_632 = arith.constant 64 : index
        %get3A_633 = tpu.vector_load %arg16[%get3A_632] {strides = array<i32>} : memref<80xf32, #tpu.memory_space<vmem>>, vector<16xf32>,
        %select_n3A_634 = arith.select %eq3A_619, %gather3A_625, %get3A_633 : vector<16xi1>, vector<16xf32>
        %swap3A_635 = arith.constant 64 : index
        %swap3A_636 = tpu.vector_load %arg16[%swap3A_635] {strides = array<i32>} : memref<80xf32, #tpu.memory_space<vmem>>, vector<16xf32>,
        tpu.vector_store %arg16[%swap3A_635], %select_n3A_634 {strides = array<i32>} : memref<80xf32, #tpu.memory_space<vmem>>, vector<16xf32>,
        %get3A_637 = arith.constant 64 : index
        %get3A_638 = tpu.vector_load %arg17[%get3A_637] {strides = array<i32>} : memref<80xf32, #tpu.memory_space<vmem>>, vector<16xf32>,
        %select_n3A_639 = arith.select %eq3A_619, %gather3A_631, %get3A_638 : vector<16xi1>, vector<16xf32>
        %swap3A_640 = arith.constant 64 : index
        %swap3A_641 = tpu.vector_load %arg17[%swap3A_640] {strides = array<i32>} : memref<80xf32, #tpu.memory_space<vmem>>, vector<16xf32>,
        tpu.vector_store %arg17[%swap3A_640], %select_n3A_639 {strides = array<i32>} : memref<80xf32, #tpu.memory_space<vmem>>, vector<16xf32>,
        %add3A_642 = arith.constant 4 : i32
        %add3A_643 = arith.addi %while3A_474, %add3A_642 : i32
        %lt3A_644 = arith.cmpi slt, %add3A_643, %add3A_160 : i32
        %convert_element_type3A_645 = arith.extui %lt3A_644 : i1 to i32
        %cond3A_646 = arith.constant 0 : i32
        %cond3A_647 = arith.cmpi ne, %convert_element_type3A_645, %cond3A_646 : i32
        scf.if %cond3A_647 {
          %add3A_648 = arith.constant 4 : i32
          %add3A_649 = arith.addi %while3A_474, %add3A_648 : i32
          %sub3A_650 = arith.subi %add3A_649, %while3A_134 : i32
          %and3A_651 = arith.constant 1 : i32
          %and3A_652 = arith.andi %while3A_132, %and3A_651 : i32
          %broadcast_in_dim3A_653 = vector.broadcast %sub3A_650 : i32 to vector<16xi32>
          %gather3A_654 = arith.constant 0 : i32
          %gather3A_655 = tpu.memref_slice %arg15[%and3A_652, %gather3A_654] : memref<2x96xi32, #tpu.memory_space<vmem>> -> memref<1x96xi32, #tpu.memory_space<vmem>>
          %gather3A_656 = tpu.memref_squeeze %gather3A_655 : memref<1x96xi32, #tpu.memory_space<vmem>> -> memref<96xi32, #tpu.memory_space<vmem>>
          %gather3A_657 = tpu.vector_load_idx %gather3A_656[%broadcast_in_dim3A_653] : memref<96xi32, #tpu.memory_space<vmem>>[vector<16xi32>], vector<16xi32>,
          %slice3A_658 = vector.extract_strided_slice %gather3A_657 {offsets = [0], sizes = [1], strides = [1]} : vector<16xi32> to vector<1xi32>
          %squeeze3A_659 = vector.extract %slice3A_658[0] : i32 from vector<1xi32>
          %dma_start3A_660 = arith.constant 0 : i32
          %dma_start3A_661 = tpu.memref_slice %arg21[%and3A_477, %dma_start3A_660] : memref<4x10000xf32, #tpu.memory_space<vmem>> -> memref<1x10000xf32, #tpu.memory_space<vmem>>
          %dma_start3A_662 = tpu.memref_squeeze %dma_start3A_661 : memref<1x10000xf32, #tpu.memory_space<vmem>> -> memref<10000xf32, #tpu.memory_space<vmem>>
          %dma_start3A_663 = arith.constant 0 : i32
          %dma_start3A_664 = tpu.memref_slice %arg3[%squeeze3A_659, %dma_start3A_663] : memref<10000x10000xf32, #tpu.memory_space<hbm>> -> memref<1x10000xf32, #tpu.memory_space<hbm>>
          %dma_start3A_665 = tpu.memref_squeeze %dma_start3A_664 : memref<1x10000xf32, #tpu.memory_space<hbm>> -> memref<10000xf32, #tpu.memory_space<hbm>>
          %dma_start3A_666 = arith.constant 0 : i32
          %dma_start3A_667 = tpu.memref_slice %arg21[%and3A_477, %dma_start3A_666] : memref<4x10000xf32, #tpu.memory_space<vmem>> -> memref<1x10000xf32, #tpu.memory_space<vmem>>
          %dma_start3A_668 = tpu.memref_squeeze %dma_start3A_667 : memref<1x10000xf32, #tpu.memory_space<vmem>> -> memref<10000xf32, #tpu.memory_space<vmem>>
          %dma_start3A_669 = arith.constant 0 : i32
          %dma_start3A_670 = tpu.memref_slice %arg3[%squeeze3A_659, %dma_start3A_669] : memref<10000x10000xf32, #tpu.memory_space<hbm>> -> memref<1x10000xf32, #tpu.memory_space<hbm>>
          %dma_start3A_671 = tpu.memref_squeeze %dma_start3A_670 : memref<1x10000xf32, #tpu.memory_space<hbm>> -> memref<10000xf32, #tpu.memory_space<hbm>>
          tpu.enqueue_dma source(%dma_start3A_671 : memref<10000xf32, #tpu.memory_space<hbm>>) target(%dma_start3A_668 : memref<10000xf32, #tpu.memory_space<vmem>>) target_semaphore(%arg27 : memref<!tpu.dma_semaphore, #tpu.memory_space<semaphore_mem>>)
        } else {
        }
      }
      %while3A_170 = arith.constant 1 : i32
      scf.for %while3A_474 = %while3A_168 to %while3A_164 step %while3A_170  : i32 {
        %add3A_475 = arith.addi %while3A_135, %while3A_474 : i32
        %and3A_476 = arith.constant 3 : i32
        %and3A_477 = arith.andi %add3A_475, %and3A_476 : i32
        %eq3A_478 = arith.constant 0 : i32
        %eq3A_479 = arith.cmpi eq, %while3A_474, %eq3A_478 : i32
        %convert_element_type3A_480 = arith.extui %eq3A_479 : i1 to i32
        %and3A_481 = arith.andi %while3A_134, %convert_element_type3A_480 : i32
        %sub3A_482 = arith.subi %while3A_474, %while3A_134 : i32
        %broadcast_in_dim3A_483 = vector.broadcast %sub3A_482 : i32 to vector<16xi32>
        %gather3A = arith.constant 0 : i32
        %gather3A_484 = tpu.memref_slice %arg15[%and3A_138, %gather3A] : memref<2x96xi32, #tpu.memory_space<vmem>> -> memref<1x96xi32, #tpu.memory_space<vmem>>
        %gather3A_485 = tpu.memref_squeeze %gather3A_484 : memref<1x96xi32, #tpu.memory_space<vmem>> -> memref<96xi32, #tpu.memory_space<vmem>>
        %gather3A_486 = tpu.vector_load_idx %gather3A_485[%broadcast_in_dim3A_483] : memref<96xi32, #tpu.memory_space<vmem>>[vector<16xi32>], vector<16xi32>,
        %slice3A_487 = vector.extract_strided_slice %gather3A_486 {offsets = [0], sizes = [1], strides = [1]} : vector<16xi32> to vector<1xi32>
        %squeeze3A_488 = vector.extract %slice3A_487[0] : i32 from vector<1xi32>
        %ne3A_489 = arith.constant 0 : i32
        %ne3A_490 = arith.cmpi ne, %and3A_481, %ne3A_489 : i32
        %select_n3A_491 = arith.select %ne3A_490, %while3A_136, %squeeze3A_488 : i32
        %ge3A_492 = arith.cmpi sge, %while3A_474, %while3A_134 : i32
        %convert_element_type3A_493 = arith.extui %ge3A_492 : i1 to i32
        %cond3A_494 = arith.constant 0 : i32
        %cond3A_495 = arith.cmpi ne, %convert_element_type3A_493, %cond3A_494 : i32
        scf.if %cond3A_495 {
          %dma_wait3A_648 = arith.constant 0 : i32
          %dma_wait3A_649 = tpu.memref_slice %arg21[%and3A_477, %dma_wait3A_648] : memref<4x10000xf32, #tpu.memory_space<vmem>> -> memref<1x10000xf32, #tpu.memory_space<vmem>>
          %dma_wait3A_650 = tpu.memref_squeeze %dma_wait3A_649 : memref<1x10000xf32, #tpu.memory_space<vmem>> -> memref<10000xf32, #tpu.memory_space<vmem>>
          %dma_wait3A_651 = arith.constant 0 : i32
          %dma_wait3A_652 = tpu.memref_slice %arg3[%select_n3A_491, %dma_wait3A_651] : memref<10000x10000xf32, #tpu.memory_space<hbm>> -> memref<1x10000xf32, #tpu.memory_space<hbm>>
          %dma_wait3A_653 = tpu.memref_squeeze %dma_wait3A_652 : memref<1x10000xf32, #tpu.memory_space<hbm>> -> memref<10000xf32, #tpu.memory_space<hbm>>
          %dma_wait3A_654 = arith.constant 0 : i32
          %dma_wait3A_655 = tpu.memref_slice %arg21[%and3A_477, %dma_wait3A_654] : memref<4x10000xf32, #tpu.memory_space<vmem>> -> memref<1x10000xf32, #tpu.memory_space<vmem>>
          %dma_wait3A_656 = tpu.memref_squeeze %dma_wait3A_655 : memref<1x10000xf32, #tpu.memory_space<vmem>> -> memref<10000xf32, #tpu.memory_space<vmem>>
          %dma_wait3A_657 = arith.constant 0 : i32
          %dma_wait3A_658 = tpu.memref_slice %arg3[%select_n3A_491, %dma_wait3A_657] : memref<10000x10000xf32, #tpu.memory_space<hbm>> -> memref<1x10000xf32, #tpu.memory_space<hbm>>
          %dma_wait3A_659 = tpu.memref_squeeze %dma_wait3A_658 : memref<1x10000xf32, #tpu.memory_space<hbm>> -> memref<10000xf32, #tpu.memory_space<hbm>>
          tpu.wait_dma2 semaphore(%arg27 : memref<!tpu.dma_semaphore, #tpu.memory_space<semaphore_mem>>) src(%dma_wait3A_659 : memref<10000xf32, #tpu.memory_space<hbm>>) dst(%dma_wait3A_656 : memref<10000xf32, #tpu.memory_space<vmem>>)
        } else {
        }
        %broadcast_in_dim3A_496 = vector.broadcast %and3A_477 : i32 to vector<16xi32>
        %get3A_497 = arith.constant 0 : i32
        %get3A_498 = tpu.memref_slice %arg10[%and3A_138, %get3A_497] : memref<2x80xi32, #tpu.memory_space<vmem>> -> memref<1x80xi32, #tpu.memory_space<vmem>>
        %get3A_499 = tpu.memref_squeeze %get3A_498 : memref<1x80xi32, #tpu.memory_space<vmem>> -> memref<80xi32, #tpu.memory_space<vmem>>
        %get3A_500 = arith.constant 0 : index
        %get3A_501 = tpu.vector_load %get3A_499[%get3A_500] {strides = array<i32>} : memref<80xi32, #tpu.memory_space<vmem>>, vector<16xi32>,
        %eq3A_502 = vector.broadcast %select_n3A_491 : i32 to vector<16xi32>
        %eq3A_503 = arith.cmpi eq, %get3A_501, %eq3A_502 : vector<16xi32>
        %get3A_504 = arith.constant 0 : i32
        %get3A_505 = tpu.memref_slice %arg11[%and3A_138, %get3A_504] : memref<2x80xi32, #tpu.memory_space<vmem>> -> memref<1x80xi32, #tpu.memory_space<vmem>>
        %get3A_506 = tpu.memref_squeeze %get3A_505 : memref<1x80xi32, #tpu.memory_space<vmem>> -> memref<80xi32, #tpu.memory_space<vmem>>
        %get3A_507 = arith.constant 0 : index
        %get3A_508 = tpu.vector_load %get3A_506[%get3A_507] {strides = array<i32>} : memref<80xi32, #tpu.memory_space<vmem>>, vector<16xi32>,
        %gather3A_509 = tpu.vector_load_idx %arg21[%broadcast_in_dim3A_496, %get3A_508] : memref<4x10000xf32, #tpu.memory_space<vmem>>[vector<16xi32>, vector<16xi32>], vector<16xf32>,
        %get3A_510 = arith.constant 0 : i32
        %get3A_511 = tpu.memref_slice %arg12[%and3A_138, %get3A_510] : memref<2x80xi32, #tpu.memory_space<vmem>> -> memref<1x80xi32, #tpu.memory_space<vmem>>
        %get3A_512 = tpu.memref_squeeze %get3A_511 : memref<1x80xi32, #tpu.memory_space<vmem>> -> memref<80xi32, #tpu.memory_space<vmem>>
        %get3A_513 = arith.constant 0 : index
        %get3A_514 = tpu.vector_load %get3A_512[%get3A_513] {strides = array<i32>} : memref<80xi32, #tpu.memory_space<vmem>>, vector<16xi32>,
        %gather3A_515 = tpu.vector_load_idx %arg21[%broadcast_in_dim3A_496, %get3A_514] : memref<4x10000xf32, #tpu.memory_space<vmem>>[vector<16xi32>, vector<16xi32>], vector<16xf32>,
        %get3A_516 = arith.constant 0 : index
        %get3A_517 = tpu.vector_load %arg16[%get3A_516] {strides = array<i32>} : memref<80xf32, #tpu.memory_space<vmem>>, vector<16xf32>,
        %select_n3A_518 = arith.select %eq3A_503, %gather3A_509, %get3A_517 : vector<16xi1>, vector<16xf32>
        %swap3A_519 = arith.constant 0 : index
        %swap3A_520 = tpu.vector_load %arg16[%swap3A_519] {strides = array<i32>} : memref<80xf32, #tpu.memory_space<vmem>>, vector<16xf32>,
        tpu.vector_store %arg16[%swap3A_519], %select_n3A_518 {strides = array<i32>} : memref<80xf32, #tpu.memory_space<vmem>>, vector<16xf32>,
        %get3A_521 = arith.constant 0 : index
        %get3A_522 = tpu.vector_load %arg17[%get3A_521] {strides = array<i32>} : memref<80xf32, #tpu.memory_space<vmem>>, vector<16xf32>,
        %select_n3A_523 = arith.select %eq3A_503, %gather3A_515, %get3A_522 : vector<16xi1>, vector<16xf32>
        %swap3A_524 = arith.constant 0 : index
        %swap3A_525 = tpu.vector_load %arg17[%swap3A_524] {strides = array<i32>} : memref<80xf32, #tpu.memory_space<vmem>>, vector<16xf32>,
        tpu.vector_store %arg17[%swap3A_524], %select_n3A_523 {strides = array<i32>} : memref<80xf32, #tpu.memory_space<vmem>>, vector<16xf32>,
        %get3A_526 = arith.constant 0 : i32
        %get3A_527 = tpu.memref_slice %arg10[%and3A_138, %get3A_526] : memref<2x80xi32, #tpu.memory_space<vmem>> -> memref<1x80xi32, #tpu.memory_space<vmem>>
        %get3A_528 = tpu.memref_squeeze %get3A_527 : memref<1x80xi32, #tpu.memory_space<vmem>> -> memref<80xi32, #tpu.memory_space<vmem>>
        %get3A_529 = arith.constant 16 : index
        %get3A_530 = tpu.vector_load %get3A_528[%get3A_529] {strides = array<i32>} : memref<80xi32, #tpu.memory_space<vmem>>, vector<16xi32>,
        %eq3A_531 = vector.broadcast %select_n3A_491 : i32 to vector<16xi32>
        %eq3A_532 = arith.cmpi eq, %get3A_530, %eq3A_531 : vector<16xi32>
        %get3A_533 = arith.constant 0 : i32
        %get3A_534 = tpu.memref_slice %arg11[%and3A_138, %get3A_533] : memref<2x80xi32, #tpu.memory_space<vmem>> -> memref<1x80xi32, #tpu.memory_space<vmem>>
        %get3A_535 = tpu.memref_squeeze %get3A_534 : memref<1x80xi32, #tpu.memory_space<vmem>> -> memref<80xi32, #tpu.memory_space<vmem>>
        %get3A_536 = arith.constant 16 : index
        %get3A_537 = tpu.vector_load %get3A_535[%get3A_536] {strides = array<i32>} : memref<80xi32, #tpu.memory_space<vmem>>, vector<16xi32>,
        %gather3A_538 = tpu.vector_load_idx %arg21[%broadcast_in_dim3A_496, %get3A_537] : memref<4x10000xf32, #tpu.memory_space<vmem>>[vector<16xi32>, vector<16xi32>], vector<16xf32>,
        %get3A_539 = arith.constant 0 : i32
        %get3A_540 = tpu.memref_slice %arg12[%and3A_138, %get3A_539] : memref<2x80xi32, #tpu.memory_space<vmem>> -> memref<1x80xi32, #tpu.memory_space<vmem>>
        %get3A_541 = tpu.memref_squeeze %get3A_540 : memref<1x80xi32, #tpu.memory_space<vmem>> -> memref<80xi32, #tpu.memory_space<vmem>>
        %get3A_542 = arith.constant 16 : index
        %get3A_543 = tpu.vector_load %get3A_541[%get3A_542] {strides = array<i32>} : memref<80xi32, #tpu.memory_space<vmem>>, vector<16xi32>,
        %gather3A_544 = tpu.vector_load_idx %arg21[%broadcast_in_dim3A_496, %get3A_543] : memref<4x10000xf32, #tpu.memory_space<vmem>>[vector<16xi32>, vector<16xi32>], vector<16xf32>,
        %get3A_545 = arith.constant 16 : index
        %get3A_546 = tpu.vector_load %arg16[%get3A_545] {strides = array<i32>} : memref<80xf32, #tpu.memory_space<vmem>>, vector<16xf32>,
        %select_n3A_547 = arith.select %eq3A_532, %gather3A_538, %get3A_546 : vector<16xi1>, vector<16xf32>
        %swap3A_548 = arith.constant 16 : index
        %swap3A_549 = tpu.vector_load %arg16[%swap3A_548] {strides = array<i32>} : memref<80xf32, #tpu.memory_space<vmem>>, vector<16xf32>,
        tpu.vector_store %arg16[%swap3A_548], %select_n3A_547 {strides = array<i32>} : memref<80xf32, #tpu.memory_space<vmem>>, vector<16xf32>,
        %get3A_550 = arith.constant 16 : index
        %get3A_551 = tpu.vector_load %arg17[%get3A_550] {strides = array<i32>} : memref<80xf32, #tpu.memory_space<vmem>>, vector<16xf32>,
        %select_n3A_552 = arith.select %eq3A_532, %gather3A_544, %get3A_551 : vector<16xi1>, vector<16xf32>
        %swap3A_553 = arith.constant 16 : index
        %swap3A_554 = tpu.vector_load %arg17[%swap3A_553] {strides = array<i32>} : memref<80xf32, #tpu.memory_space<vmem>>, vector<16xf32>,
        tpu.vector_store %arg17[%swap3A_553], %select_n3A_552 {strides = array<i32>} : memref<80xf32, #tpu.memory_space<vmem>>, vector<16xf32>,
        %get3A_555 = arith.constant 0 : i32
        %get3A_556 = tpu.memref_slice %arg10[%and3A_138, %get3A_555] : memref<2x80xi32, #tpu.memory_space<vmem>> -> memref<1x80xi32, #tpu.memory_space<vmem>>
        %get3A_557 = tpu.memref_squeeze %get3A_556 : memref<1x80xi32, #tpu.memory_space<vmem>> -> memref<80xi32, #tpu.memory_space<vmem>>
        %get3A_558 = arith.constant 32 : index
        %get3A_559 = tpu.vector_load %get3A_557[%get3A_558] {strides = array<i32>} : memref<80xi32, #tpu.memory_space<vmem>>, vector<16xi32>,
        %eq3A_560 = vector.broadcast %select_n3A_491 : i32 to vector<16xi32>
        %eq3A_561 = arith.cmpi eq, %get3A_559, %eq3A_560 : vector<16xi32>
        %get3A_562 = arith.constant 0 : i32
        %get3A_563 = tpu.memref_slice %arg11[%and3A_138, %get3A_562] : memref<2x80xi32, #tpu.memory_space<vmem>> -> memref<1x80xi32, #tpu.memory_space<vmem>>
        %get3A_564 = tpu.memref_squeeze %get3A_563 : memref<1x80xi32, #tpu.memory_space<vmem>> -> memref<80xi32, #tpu.memory_space<vmem>>
        %get3A_565 = arith.constant 32 : index
        %get3A_566 = tpu.vector_load %get3A_564[%get3A_565] {strides = array<i32>} : memref<80xi32, #tpu.memory_space<vmem>>, vector<16xi32>,
        %gather3A_567 = tpu.vector_load_idx %arg21[%broadcast_in_dim3A_496, %get3A_566] : memref<4x10000xf32, #tpu.memory_space<vmem>>[vector<16xi32>, vector<16xi32>], vector<16xf32>,
        %get3A_568 = arith.constant 0 : i32
        %get3A_569 = tpu.memref_slice %arg12[%and3A_138, %get3A_568] : memref<2x80xi32, #tpu.memory_space<vmem>> -> memref<1x80xi32, #tpu.memory_space<vmem>>
        %get3A_570 = tpu.memref_squeeze %get3A_569 : memref<1x80xi32, #tpu.memory_space<vmem>> -> memref<80xi32, #tpu.memory_space<vmem>>
        %get3A_571 = arith.constant 32 : index
        %get3A_572 = tpu.vector_load %get3A_570[%get3A_571] {strides = array<i32>} : memref<80xi32, #tpu.memory_space<vmem>>, vector<16xi32>,
        %gather3A_573 = tpu.vector_load_idx %arg21[%broadcast_in_dim3A_496, %get3A_572] : memref<4x10000xf32, #tpu.memory_space<vmem>>[vector<16xi32>, vector<16xi32>], vector<16xf32>,
        %get3A_574 = arith.constant 32 : index
        %get3A_575 = tpu.vector_load %arg16[%get3A_574] {strides = array<i32>} : memref<80xf32, #tpu.memory_space<vmem>>, vector<16xf32>,
        %select_n3A_576 = arith.select %eq3A_561, %gather3A_567, %get3A_575 : vector<16xi1>, vector<16xf32>
        %swap3A_577 = arith.constant 32 : index
        %swap3A_578 = tpu.vector_load %arg16[%swap3A_577] {strides = array<i32>} : memref<80xf32, #tpu.memory_space<vmem>>, vector<16xf32>,
        tpu.vector_store %arg16[%swap3A_577], %select_n3A_576 {strides = array<i32>} : memref<80xf32, #tpu.memory_space<vmem>>, vector<16xf32>,
        %get3A_579 = arith.constant 32 : index
        %get3A_580 = tpu.vector_load %arg17[%get3A_579] {strides = array<i32>} : memref<80xf32, #tpu.memory_space<vmem>>, vector<16xf32>,
        %select_n3A_581 = arith.select %eq3A_561, %gather3A_573, %get3A_580 : vector<16xi1>, vector<16xf32>
        %swap3A_582 = arith.constant 32 : index
        %swap3A_583 = tpu.vector_load %arg17[%swap3A_582] {strides = array<i32>} : memref<80xf32, #tpu.memory_space<vmem>>, vector<16xf32>,
        tpu.vector_store %arg17[%swap3A_582], %select_n3A_581 {strides = array<i32>} : memref<80xf32, #tpu.memory_space<vmem>>, vector<16xf32>,
        %get3A_584 = arith.constant 0 : i32
        %get3A_585 = tpu.memref_slice %arg10[%and3A_138, %get3A_584] : memref<2x80xi32, #tpu.memory_space<vmem>> -> memref<1x80xi32, #tpu.memory_space<vmem>>
        %get3A_586 = tpu.memref_squeeze %get3A_585 : memref<1x80xi32, #tpu.memory_space<vmem>> -> memref<80xi32, #tpu.memory_space<vmem>>
        %get3A_587 = arith.constant 48 : index
        %get3A_588 = tpu.vector_load %get3A_586[%get3A_587] {strides = array<i32>} : memref<80xi32, #tpu.memory_space<vmem>>, vector<16xi32>,
        %eq3A_589 = vector.broadcast %select_n3A_491 : i32 to vector<16xi32>
        %eq3A_590 = arith.cmpi eq, %get3A_588, %eq3A_589 : vector<16xi32>
        %get3A_591 = arith.constant 0 : i32
        %get3A_592 = tpu.memref_slice %arg11[%and3A_138, %get3A_591] : memref<2x80xi32, #tpu.memory_space<vmem>> -> memref<1x80xi32, #tpu.memory_space<vmem>>
        %get3A_593 = tpu.memref_squeeze %get3A_592 : memref<1x80xi32, #tpu.memory_space<vmem>> -> memref<80xi32, #tpu.memory_space<vmem>>
        %get3A_594 = arith.constant 48 : index
        %get3A_595 = tpu.vector_load %get3A_593[%get3A_594] {strides = array<i32>} : memref<80xi32, #tpu.memory_space<vmem>>, vector<16xi32>,
        %gather3A_596 = tpu.vector_load_idx %arg21[%broadcast_in_dim3A_496, %get3A_595] : memref<4x10000xf32, #tpu.memory_space<vmem>>[vector<16xi32>, vector<16xi32>], vector<16xf32>,
        %get3A_597 = arith.constant 0 : i32
        %get3A_598 = tpu.memref_slice %arg12[%and3A_138, %get3A_597] : memref<2x80xi32, #tpu.memory_space<vmem>> -> memref<1x80xi32, #tpu.memory_space<vmem>>
        %get3A_599 = tpu.memref_squeeze %get3A_598 : memref<1x80xi32, #tpu.memory_space<vmem>> -> memref<80xi32, #tpu.memory_space<vmem>>
        %get3A_600 = arith.constant 48 : index
        %get3A_601 = tpu.vector_load %get3A_599[%get3A_600] {strides = array<i32>} : memref<80xi32, #tpu.memory_space<vmem>>, vector<16xi32>,
        %gather3A_602 = tpu.vector_load_idx %arg21[%broadcast_in_dim3A_496, %get3A_601] : memref<4x10000xf32, #tpu.memory_space<vmem>>[vector<16xi32>, vector<16xi32>], vector<16xf32>,
        %get3A_603 = arith.constant 48 : index
        %get3A_604 = tpu.vector_load %arg16[%get3A_603] {strides = array<i32>} : memref<80xf32, #tpu.memory_space<vmem>>, vector<16xf32>,
        %select_n3A_605 = arith.select %eq3A_590, %gather3A_596, %get3A_604 : vector<16xi1>, vector<16xf32>
        %swap3A_606 = arith.constant 48 : index
        %swap3A_607 = tpu.vector_load %arg16[%swap3A_606] {strides = array<i32>} : memref<80xf32, #tpu.memory_space<vmem>>, vector<16xf32>,
        tpu.vector_store %arg16[%swap3A_606], %select_n3A_605 {strides = array<i32>} : memref<80xf32, #tpu.memory_space<vmem>>, vector<16xf32>,
        %get3A_608 = arith.constant 48 : index
        %get3A_609 = tpu.vector_load %arg17[%get3A_608] {strides = array<i32>} : memref<80xf32, #tpu.memory_space<vmem>>, vector<16xf32>,
        %select_n3A_610 = arith.select %eq3A_590, %gather3A_602, %get3A_609 : vector<16xi1>, vector<16xf32>
        %swap3A_611 = arith.constant 48 : index
        %swap3A_612 = tpu.vector_load %arg17[%swap3A_611] {strides = array<i32>} : memref<80xf32, #tpu.memory_space<vmem>>, vector<16xf32>,
        tpu.vector_store %arg17[%swap3A_611], %select_n3A_610 {strides = array<i32>} : memref<80xf32, #tpu.memory_space<vmem>>, vector<16xf32>,
        %get3A_613 = arith.constant 0 : i32
        %get3A_614 = tpu.memref_slice %arg10[%and3A_138, %get3A_613] : memref<2x80xi32, #tpu.memory_space<vmem>> -> memref<1x80xi32, #tpu.memory_space<vmem>>
        %get3A_615 = tpu.memref_squeeze %get3A_614 : memref<1x80xi32, #tpu.memory_space<vmem>> -> memref<80xi32, #tpu.memory_space<vmem>>
        %get3A_616 = arith.constant 64 : index
        %get3A_617 = tpu.vector_load %get3A_615[%get3A_616] {strides = array<i32>} : memref<80xi32, #tpu.memory_space<vmem>>, vector<16xi32>,
        %eq3A_618 = vector.broadcast %select_n3A_491 : i32 to vector<16xi32>
        %eq3A_619 = arith.cmpi eq, %get3A_617, %eq3A_618 : vector<16xi32>
        %get3A_620 = arith.constant 0 : i32
        %get3A_621 = tpu.memref_slice %arg11[%and3A_138, %get3A_620] : memref<2x80xi32, #tpu.memory_space<vmem>> -> memref<1x80xi32, #tpu.memory_space<vmem>>
        %get3A_622 = tpu.memref_squeeze %get3A_621 : memref<1x80xi32, #tpu.memory_space<vmem>> -> memref<80xi32, #tpu.memory_space<vmem>>
        %get3A_623 = arith.constant 64 : index
        %get3A_624 = tpu.vector_load %get3A_622[%get3A_623] {strides = array<i32>} : memref<80xi32, #tpu.memory_space<vmem>>, vector<16xi32>,
        %gather3A_625 = tpu.vector_load_idx %arg21[%broadcast_in_dim3A_496, %get3A_624] : memref<4x10000xf32, #tpu.memory_space<vmem>>[vector<16xi32>, vector<16xi32>], vector<16xf32>,
        %get3A_626 = arith.constant 0 : i32
        %get3A_627 = tpu.memref_slice %arg12[%and3A_138, %get3A_626] : memref<2x80xi32, #tpu.memory_space<vmem>> -> memref<1x80xi32, #tpu.memory_space<vmem>>
        %get3A_628 = tpu.memref_squeeze %get3A_627 : memref<1x80xi32, #tpu.memory_space<vmem>> -> memref<80xi32, #tpu.memory_space<vmem>>
        %get3A_629 = arith.constant 64 : index
        %get3A_630 = tpu.vector_load %get3A_628[%get3A_629] {strides = array<i32>} : memref<80xi32, #tpu.memory_space<vmem>>, vector<16xi32>,
        %gather3A_631 = tpu.vector_load_idx %arg21[%broadcast_in_dim3A_496, %get3A_630] : memref<4x10000xf32, #tpu.memory_space<vmem>>[vector<16xi32>, vector<16xi32>], vector<16xf32>,
        %get3A_632 = arith.constant 64 : index
        %get3A_633 = tpu.vector_load %arg16[%get3A_632] {strides = array<i32>} : memref<80xf32, #tpu.memory_space<vmem>>, vector<16xf32>,
        %select_n3A_634 = arith.select %eq3A_619, %gather3A_625, %get3A_633 : vector<16xi1>, vector<16xf32>
        %swap3A_635 = arith.constant 64 : index
        %swap3A_636 = tpu.vector_load %arg16[%swap3A_635] {strides = array<i32>} : memref<80xf32, #tpu.memory_space<vmem>>, vector<16xf32>,
        tpu.vector_store %arg16[%swap3A_635], %select_n3A_634 {strides = array<i32>} : memref<80xf32, #tpu.memory_space<vmem>>, vector<16xf32>,
        %get3A_637 = arith.constant 64 : index
        %get3A_638 = tpu.vector_load %arg17[%get3A_637] {strides = array<i32>} : memref<80xf32, #tpu.memory_space<vmem>>, vector<16xf32>,
        %select_n3A_639 = arith.select %eq3A_619, %gather3A_631, %get3A_638 : vector<16xi1>, vector<16xf32>
        %swap3A_640 = arith.constant 64 : index
        %swap3A_641 = tpu.vector_load %arg17[%swap3A_640] {strides = array<i32>} : memref<80xf32, #tpu.memory_space<vmem>>, vector<16xf32>,
        tpu.vector_store %arg17[%swap3A_640], %select_n3A_639 {strides = array<i32>} : memref<80xf32, #tpu.memory_space<vmem>>, vector<16xf32>,
        %add3A_642 = arith.constant 4 : i32
        %add3A_643 = arith.addi %while3A_474, %add3A_642 : i32
        %lt3A_644 = arith.cmpi slt, %add3A_643, %add3A_160 : i32
        %convert_element_type3A_645 = arith.extui %lt3A_644 : i1 to i32
        %cond3A_646 = arith.constant 0 : i32
        %cond3A_647 = arith.cmpi ne, %convert_element_type3A_645, %cond3A_646 : i32
        scf.if %cond3A_647 {
          %add3A_648 = arith.constant 4 : i32
          %add3A_649 = arith.addi %while3A_474, %add3A_648 : i32
          %sub3A_650 = arith.subi %add3A_649, %while3A_134 : i32
          %and3A_651 = arith.constant 1 : i32
          %and3A_652 = arith.andi %while3A_132, %and3A_651 : i32
          %broadcast_in_dim3A_653 = vector.broadcast %sub3A_650 : i32 to vector<16xi32>
          %gather3A_654 = arith.constant 0 : i32
          %gather3A_655 = tpu.memref_slice %arg15[%and3A_652, %gather3A_654] : memref<2x96xi32, #tpu.memory_space<vmem>> -> memref<1x96xi32, #tpu.memory_space<vmem>>
          %gather3A_656 = tpu.memref_squeeze %gather3A_655 : memref<1x96xi32, #tpu.memory_space<vmem>> -> memref<96xi32, #tpu.memory_space<vmem>>
          %gather3A_657 = tpu.vector_load_idx %gather3A_656[%broadcast_in_dim3A_653] : memref<96xi32, #tpu.memory_space<vmem>>[vector<16xi32>], vector<16xi32>,
          %slice3A_658 = vector.extract_strided_slice %gather3A_657 {offsets = [0], sizes = [1], strides = [1]} : vector<16xi32> to vector<1xi32>
          %squeeze3A_659 = vector.extract %slice3A_658[0] : i32 from vector<1xi32>
          %dma_start3A_660 = arith.constant 0 : i32
          %dma_start3A_661 = tpu.memref_slice %arg21[%and3A_477, %dma_start3A_660] : memref<4x10000xf32, #tpu.memory_space<vmem>> -> memref<1x10000xf32, #tpu.memory_space<vmem>>
          %dma_start3A_662 = tpu.memref_squeeze %dma_start3A_661 : memref<1x10000xf32, #tpu.memory_space<vmem>> -> memref<10000xf32, #tpu.memory_space<vmem>>
          %dma_start3A_663 = arith.constant 0 : i32
          %dma_start3A_664 = tpu.memref_slice %arg3[%squeeze3A_659, %dma_start3A_663] : memref<10000x10000xf32, #tpu.memory_space<hbm>> -> memref<1x10000xf32, #tpu.memory_space<hbm>>
          %dma_start3A_665 = tpu.memref_squeeze %dma_start3A_664 : memref<1x10000xf32, #tpu.memory_space<hbm>> -> memref<10000xf32, #tpu.memory_space<hbm>>
          %dma_start3A_666 = arith.constant 0 : i32
          %dma_start3A_667 = tpu.memref_slice %arg21[%and3A_477, %dma_start3A_666] : memref<4x10000xf32, #tpu.memory_space<vmem>> -> memref<1x10000xf32, #tpu.memory_space<vmem>>
          %dma_start3A_668 = tpu.memref_squeeze %dma_start3A_667 : memref<1x10000xf32, #tpu.memory_space<vmem>> -> memref<10000xf32, #tpu.memory_space<vmem>>
          %dma_start3A_669 = arith.constant 0 : i32
          %dma_start3A_670 = tpu.memref_slice %arg3[%squeeze3A_659, %dma_start3A_669] : memref<10000x10000xf32, #tpu.memory_space<hbm>> -> memref<1x10000xf32, #tpu.memory_space<hbm>>
          %dma_start3A_671 = tpu.memref_squeeze %dma_start3A_670 : memref<1x10000xf32, #tpu.memory_space<hbm>> -> memref<10000xf32, #tpu.memory_space<hbm>>
          tpu.enqueue_dma source(%dma_start3A_671 : memref<10000xf32, #tpu.memory_space<hbm>>) target(%dma_start3A_668 : memref<10000xf32, #tpu.memory_space<vmem>>) target_semaphore(%arg27 : memref<!tpu.dma_semaphore, #tpu.memory_space<semaphore_mem>>)
        } else {
        }
      }
      "tpu.trace_stop"() : () -> ()
      %add3A_171 = arith.addi %while3A_135, %add3A_160 : i32
      %sub3A_172 = arith.subi %add3A_171, %cond3A_159#1 : i32
      %and3A_173 = arith.constant 3 : i32
      %and3A_174 = arith.andi %sub3A_172, %and3A_173 : i32
      %add3A_175 = arith.constant 1 : i32
      %add3A_176 = arith.addi %while3A_132, %add3A_175 : i32
      %lt3A_177 = arith.cmpi slt, %add3A_176, %select_n3A_94 : i32
      %convert_element_type3A_178 = arith.extui %lt3A_177 : i1 to i32
      %cond3A_179 = arith.constant 0 : i32
      %cond3A_180 = arith.cmpi ne, %convert_element_type3A_178, %cond3A_179 : i32
      scf.if %cond3A_180 {
        %add3A_474 = arith.constant 1 : i32
        %add3A_475 = arith.addi %while3A_132, %add3A_474 : i32
        %le3A = arith.constant 0 : i32
        %le3A_476 = arith.cmpi sle, %cond3A_159#1, %le3A : i32
        %add3A_477 = arith.addi %cond3A_159#0, %cond3A_159#1 : i32
        %gt3A_478 = arith.constant 0 : i32
        %gt3A_479 = arith.cmpi sgt, %add3A_477, %gt3A_478 : i32
        %and3A_480 = arith.andi %le3A_476, %gt3A_479 : i1
        %convert_element_type3A_481 = arith.extui %and3A_480 : i1 to i32
        %cond3A_482 = arith.constant 0 : i32
        %cond3A_483 = arith.cmpi ne, %convert_element_type3A_481, %cond3A_482 : i32
        scf.if %cond3A_483 {
          %sub3A_511 = arith.constant 0 : i32
          %sub3A_512 = arith.subi %sub3A_511, %cond3A_159#1 : i32
          %add3A_513 = arith.constant 0 : i32
          %add3A_514 = arith.addi %and3A_174, %add3A_513 : i32
          %and3A_515 = arith.constant 3 : i32
          %and3A_516 = arith.andi %add3A_514, %and3A_515 : i32
          %and3A_517 = arith.constant 1 : i32
          %and3A_518 = arith.andi %add3A_475, %and3A_517 : i32
          %broadcast_in_dim3A_519 = vector.broadcast %sub3A_512 : i32 to vector<16xi32>
          %gather3A = arith.constant 0 : i32
          %gather3A_520 = tpu.memref_slice %arg15[%and3A_518, %gather3A] : memref<2x96xi32, #tpu.memory_space<vmem>> -> memref<1x96xi32, #tpu.memory_space<vmem>>
          %gather3A_521 = tpu.memref_squeeze %gather3A_520 : memref<1x96xi32, #tpu.memory_space<vmem>> -> memref<96xi32, #tpu.memory_space<vmem>>
          %gather3A_522 = tpu.vector_load_idx %gather3A_521[%broadcast_in_dim3A_519] : memref<96xi32, #tpu.memory_space<vmem>>[vector<16xi32>], vector<16xi32>,
          %slice3A_523 = vector.extract_strided_slice %gather3A_522 {offsets = [0], sizes = [1], strides = [1]} : vector<16xi32> to vector<1xi32>
          %squeeze3A_524 = vector.extract %slice3A_523[0] : i32 from vector<1xi32>
          %dma_start3A_525 = arith.constant 0 : i32
          %dma_start3A_526 = tpu.memref_slice %arg21[%and3A_516, %dma_start3A_525] : memref<4x10000xf32, #tpu.memory_space<vmem>> -> memref<1x10000xf32, #tpu.memory_space<vmem>>
          %dma_start3A_527 = tpu.memref_squeeze %dma_start3A_526 : memref<1x10000xf32, #tpu.memory_space<vmem>> -> memref<10000xf32, #tpu.memory_space<vmem>>
          %dma_start3A_528 = arith.constant 0 : i32
          %dma_start3A_529 = tpu.memref_slice %arg3[%squeeze3A_524, %dma_start3A_528] : memref<10000x10000xf32, #tpu.memory_space<hbm>> -> memref<1x10000xf32, #tpu.memory_space<hbm>>
          %dma_start3A_530 = tpu.memref_squeeze %dma_start3A_529 : memref<1x10000xf32, #tpu.memory_space<hbm>> -> memref<10000xf32, #tpu.memory_space<hbm>>
          %dma_start3A_531 = arith.constant 0 : i32
          %dma_start3A_532 = tpu.memref_slice %arg21[%and3A_516, %dma_start3A_531] : memref<4x10000xf32, #tpu.memory_space<vmem>> -> memref<1x10000xf32, #tpu.memory_space<vmem>>
          %dma_start3A_533 = tpu.memref_squeeze %dma_start3A_532 : memref<1x10000xf32, #tpu.memory_space<vmem>> -> memref<10000xf32, #tpu.memory_space<vmem>>
          %dma_start3A_534 = arith.constant 0 : i32
          %dma_start3A_535 = tpu.memref_slice %arg3[%squeeze3A_524, %dma_start3A_534] : memref<10000x10000xf32, #tpu.memory_space<hbm>> -> memref<1x10000xf32, #tpu.memory_space<hbm>>
          %dma_start3A_536 = tpu.memref_squeeze %dma_start3A_535 : memref<1x10000xf32, #tpu.memory_space<hbm>> -> memref<10000xf32, #tpu.memory_space<hbm>>
          tpu.enqueue_dma source(%dma_start3A_536 : memref<10000xf32, #tpu.memory_space<hbm>>) target(%dma_start3A_533 : memref<10000xf32, #tpu.memory_space<vmem>>) target_semaphore(%arg27 : memref<!tpu.dma_semaphore, #tpu.memory_space<semaphore_mem>>)
        } else {
        }
        %le3A_484 = arith.constant 1 : i32
        %le3A_485 = arith.cmpi sle, %cond3A_159#1, %le3A_484 : i32
        %add3A_486 = arith.addi %cond3A_159#0, %cond3A_159#1 : i32
        %gt3A_487 = arith.constant 1 : i32
        %gt3A_488 = arith.cmpi sgt, %add3A_486, %gt3A_487 : i32
        %and3A_489 = arith.andi %le3A_485, %gt3A_488 : i1
        %convert_element_type3A_490 = arith.extui %and3A_489 : i1 to i32
        %cond3A_491 = arith.constant 0 : i32
        %cond3A_492 = arith.cmpi ne, %convert_element_type3A_490, %cond3A_491 : i32
        scf.if %cond3A_492 {
          %sub3A_511 = arith.constant 1 : i32
          %sub3A_512 = arith.subi %sub3A_511, %cond3A_159#1 : i32
          %add3A_513 = arith.constant 1 : i32
          %add3A_514 = arith.addi %and3A_174, %add3A_513 : i32
          %and3A_515 = arith.constant 3 : i32
          %and3A_516 = arith.andi %add3A_514, %and3A_515 : i32
          %and3A_517 = arith.constant 1 : i32
          %and3A_518 = arith.andi %add3A_475, %and3A_517 : i32
          %broadcast_in_dim3A_519 = vector.broadcast %sub3A_512 : i32 to vector<16xi32>
          %gather3A = arith.constant 0 : i32
          %gather3A_520 = tpu.memref_slice %arg15[%and3A_518, %gather3A] : memref<2x96xi32, #tpu.memory_space<vmem>> -> memref<1x96xi32, #tpu.memory_space<vmem>>
          %gather3A_521 = tpu.memref_squeeze %gather3A_520 : memref<1x96xi32, #tpu.memory_space<vmem>> -> memref<96xi32, #tpu.memory_space<vmem>>
          %gather3A_522 = tpu.vector_load_idx %gather3A_521[%broadcast_in_dim3A_519] : memref<96xi32, #tpu.memory_space<vmem>>[vector<16xi32>], vector<16xi32>,
          %slice3A_523 = vector.extract_strided_slice %gather3A_522 {offsets = [0], sizes = [1], strides = [1]} : vector<16xi32> to vector<1xi32>
          %squeeze3A_524 = vector.extract %slice3A_523[0] : i32 from vector<1xi32>
          %dma_start3A_525 = arith.constant 0 : i32
          %dma_start3A_526 = tpu.memref_slice %arg21[%and3A_516, %dma_start3A_525] : memref<4x10000xf32, #tpu.memory_space<vmem>> -> memref<1x10000xf32, #tpu.memory_space<vmem>>
          %dma_start3A_527 = tpu.memref_squeeze %dma_start3A_526 : memref<1x10000xf32, #tpu.memory_space<vmem>> -> memref<10000xf32, #tpu.memory_space<vmem>>
          %dma_start3A_528 = arith.constant 0 : i32
          %dma_start3A_529 = tpu.memref_slice %arg3[%squeeze3A_524, %dma_start3A_528] : memref<10000x10000xf32, #tpu.memory_space<hbm>> -> memref<1x10000xf32, #tpu.memory_space<hbm>>
          %dma_start3A_530 = tpu.memref_squeeze %dma_start3A_529 : memref<1x10000xf32, #tpu.memory_space<hbm>> -> memref<10000xf32, #tpu.memory_space<hbm>>
          %dma_start3A_531 = arith.constant 0 : i32
          %dma_start3A_532 = tpu.memref_slice %arg21[%and3A_516, %dma_start3A_531] : memref<4x10000xf32, #tpu.memory_space<vmem>> -> memref<1x10000xf32, #tpu.memory_space<vmem>>
          %dma_start3A_533 = tpu.memref_squeeze %dma_start3A_532 : memref<1x10000xf32, #tpu.memory_space<vmem>> -> memref<10000xf32, #tpu.memory_space<vmem>>
          %dma_start3A_534 = arith.constant 0 : i32
          %dma_start3A_535 = tpu.memref_slice %arg3[%squeeze3A_524, %dma_start3A_534] : memref<10000x10000xf32, #tpu.memory_space<hbm>> -> memref<1x10000xf32, #tpu.memory_space<hbm>>
          %dma_start3A_536 = tpu.memref_squeeze %dma_start3A_535 : memref<1x10000xf32, #tpu.memory_space<hbm>> -> memref<10000xf32, #tpu.memory_space<hbm>>
          tpu.enqueue_dma source(%dma_start3A_536 : memref<10000xf32, #tpu.memory_space<hbm>>) target(%dma_start3A_533 : memref<10000xf32, #tpu.memory_space<vmem>>) target_semaphore(%arg27 : memref<!tpu.dma_semaphore, #tpu.memory_space<semaphore_mem>>)
        } else {
        }
        %le3A_493 = arith.constant 2 : i32
        %le3A_494 = arith.cmpi sle, %cond3A_159#1, %le3A_493 : i32
        %add3A_495 = arith.addi %cond3A_159#0, %cond3A_159#1 : i32
        %gt3A_496 = arith.constant 2 : i32
        %gt3A_497 = arith.cmpi sgt, %add3A_495, %gt3A_496 : i32
        %and3A_498 = arith.andi %le3A_494, %gt3A_497 : i1
        %convert_element_type3A_499 = arith.extui %and3A_498 : i1 to i32
        %cond3A_500 = arith.constant 0 : i32
        %cond3A_501 = arith.cmpi ne, %convert_element_type3A_499, %cond3A_500 : i32
        scf.if %cond3A_501 {
          %sub3A_511 = arith.constant 2 : i32
          %sub3A_512 = arith.subi %sub3A_511, %cond3A_159#1 : i32
          %add3A_513 = arith.constant 2 : i32
          %add3A_514 = arith.addi %and3A_174, %add3A_513 : i32
          %and3A_515 = arith.constant 3 : i32
          %and3A_516 = arith.andi %add3A_514, %and3A_515 : i32
          %and3A_517 = arith.constant 1 : i32
          %and3A_518 = arith.andi %add3A_475, %and3A_517 : i32
          %broadcast_in_dim3A_519 = vector.broadcast %sub3A_512 : i32 to vector<16xi32>
          %gather3A = arith.constant 0 : i32
          %gather3A_520 = tpu.memref_slice %arg15[%and3A_518, %gather3A] : memref<2x96xi32, #tpu.memory_space<vmem>> -> memref<1x96xi32, #tpu.memory_space<vmem>>
          %gather3A_521 = tpu.memref_squeeze %gather3A_520 : memref<1x96xi32, #tpu.memory_space<vmem>> -> memref<96xi32, #tpu.memory_space<vmem>>
          %gather3A_522 = tpu.vector_load_idx %gather3A_521[%broadcast_in_dim3A_519] : memref<96xi32, #tpu.memory_space<vmem>>[vector<16xi32>], vector<16xi32>,
          %slice3A_523 = vector.extract_strided_slice %gather3A_522 {offsets = [0], sizes = [1], strides = [1]} : vector<16xi32> to vector<1xi32>
          %squeeze3A_524 = vector.extract %slice3A_523[0] : i32 from vector<1xi32>
          %dma_start3A_525 = arith.constant 0 : i32
          %dma_start3A_526 = tpu.memref_slice %arg21[%and3A_516, %dma_start3A_525] : memref<4x10000xf32, #tpu.memory_space<vmem>> -> memref<1x10000xf32, #tpu.memory_space<vmem>>
          %dma_start3A_527 = tpu.memref_squeeze %dma_start3A_526 : memref<1x10000xf32, #tpu.memory_space<vmem>> -> memref<10000xf32, #tpu.memory_space<vmem>>
          %dma_start3A_528 = arith.constant 0 : i32
          %dma_start3A_529 = tpu.memref_slice %arg3[%squeeze3A_524, %dma_start3A_528] : memref<10000x10000xf32, #tpu.memory_space<hbm>> -> memref<1x10000xf32, #tpu.memory_space<hbm>>
          %dma_start3A_530 = tpu.memref_squeeze %dma_start3A_529 : memref<1x10000xf32, #tpu.memory_space<hbm>> -> memref<10000xf32, #tpu.memory_space<hbm>>
          %dma_start3A_531 = arith.constant 0 : i32
          %dma_start3A_532 = tpu.memref_slice %arg21[%and3A_516, %dma_start3A_531] : memref<4x10000xf32, #tpu.memory_space<vmem>> -> memref<1x10000xf32, #tpu.memory_space<vmem>>
          %dma_start3A_533 = tpu.memref_squeeze %dma_start3A_532 : memref<1x10000xf32, #tpu.memory_space<vmem>> -> memref<10000xf32, #tpu.memory_space<vmem>>
          %dma_start3A_534 = arith.constant 0 : i32
          %dma_start3A_535 = tpu.memref_slice %arg3[%squeeze3A_524, %dma_start3A_534] : memref<10000x10000xf32, #tpu.memory_space<hbm>> -> memref<1x10000xf32, #tpu.memory_space<hbm>>
          %dma_start3A_536 = tpu.memref_squeeze %dma_start3A_535 : memref<1x10000xf32, #tpu.memory_space<hbm>> -> memref<10000xf32, #tpu.memory_space<hbm>>
          tpu.enqueue_dma source(%dma_start3A_536 : memref<10000xf32, #tpu.memory_space<hbm>>) target(%dma_start3A_533 : memref<10000xf32, #tpu.memory_space<vmem>>) target_semaphore(%arg27 : memref<!tpu.dma_semaphore, #tpu.memory_space<semaphore_mem>>)
        } else {
        }
        %le3A_502 = arith.constant 3 : i32
        %le3A_503 = arith.cmpi sle, %cond3A_159#1, %le3A_502 : i32
        %add3A_504 = arith.addi %cond3A_159#0, %cond3A_159#1 : i32
        %gt3A_505 = arith.constant 3 : i32
        %gt3A_506 = arith.cmpi sgt, %add3A_504, %gt3A_505 : i32
        %and3A_507 = arith.andi %le3A_503, %gt3A_506 : i1
        %convert_element_type3A_508 = arith.extui %and3A_507 : i1 to i32
        %cond3A_509 = arith.constant 0 : i32
        %cond3A_510 = arith.cmpi ne, %convert_element_type3A_508, %cond3A_509 : i32
        scf.if %cond3A_510 {
          %sub3A_511 = arith.constant 3 : i32
          %sub3A_512 = arith.subi %sub3A_511, %cond3A_159#1 : i32
          %add3A_513 = arith.constant 3 : i32
          %add3A_514 = arith.addi %and3A_174, %add3A_513 : i32
          %and3A_515 = arith.constant 3 : i32
          %and3A_516 = arith.andi %add3A_514, %and3A_515 : i32
          %and3A_517 = arith.constant 1 : i32
          %and3A_518 = arith.andi %add3A_475, %and3A_517 : i32
          %broadcast_in_dim3A_519 = vector.broadcast %sub3A_512 : i32 to vector<16xi32>
          %gather3A = arith.constant 0 : i32
          %gather3A_520 = tpu.memref_slice %arg15[%and3A_518, %gather3A] : memref<2x96xi32, #tpu.memory_space<vmem>> -> memref<1x96xi32, #tpu.memory_space<vmem>>
          %gather3A_521 = tpu.memref_squeeze %gather3A_520 : memref<1x96xi32, #tpu.memory_space<vmem>> -> memref<96xi32, #tpu.memory_space<vmem>>
          %gather3A_522 = tpu.vector_load_idx %gather3A_521[%broadcast_in_dim3A_519] : memref<96xi32, #tpu.memory_space<vmem>>[vector<16xi32>], vector<16xi32>,
          %slice3A_523 = vector.extract_strided_slice %gather3A_522 {offsets = [0], sizes = [1], strides = [1]} : vector<16xi32> to vector<1xi32>
          %squeeze3A_524 = vector.extract %slice3A_523[0] : i32 from vector<1xi32>
          %dma_start3A_525 = arith.constant 0 : i32
          %dma_start3A_526 = tpu.memref_slice %arg21[%and3A_516, %dma_start3A_525] : memref<4x10000xf32, #tpu.memory_space<vmem>> -> memref<1x10000xf32, #tpu.memory_space<vmem>>
          %dma_start3A_527 = tpu.memref_squeeze %dma_start3A_526 : memref<1x10000xf32, #tpu.memory_space<vmem>> -> memref<10000xf32, #tpu.memory_space<vmem>>
          %dma_start3A_528 = arith.constant 0 : i32
          %dma_start3A_529 = tpu.memref_slice %arg3[%squeeze3A_524, %dma_start3A_528] : memref<10000x10000xf32, #tpu.memory_space<hbm>> -> memref<1x10000xf32, #tpu.memory_space<hbm>>
          %dma_start3A_530 = tpu.memref_squeeze %dma_start3A_529 : memref<1x10000xf32, #tpu.memory_space<hbm>> -> memref<10000xf32, #tpu.memory_space<hbm>>
          %dma_start3A_531 = arith.constant 0 : i32
          %dma_start3A_532 = tpu.memref_slice %arg21[%and3A_516, %dma_start3A_531] : memref<4x10000xf32, #tpu.memory_space<vmem>> -> memref<1x10000xf32, #tpu.memory_space<vmem>>
          %dma_start3A_533 = tpu.memref_squeeze %dma_start3A_532 : memref<1x10000xf32, #tpu.memory_space<vmem>> -> memref<10000xf32, #tpu.memory_space<vmem>>
          %dma_start3A_534 = arith.constant 0 : i32
          %dma_start3A_535 = tpu.memref_slice %arg3[%squeeze3A_524, %dma_start3A_534] : memref<10000x10000xf32, #tpu.memory_space<hbm>> -> memref<1x10000xf32, #tpu.memory_space<hbm>>
          %dma_start3A_536 = tpu.memref_squeeze %dma_start3A_535 : memref<1x10000xf32, #tpu.memory_space<hbm>> -> memref<10000xf32, #tpu.memory_space<hbm>>
          tpu.enqueue_dma source(%dma_start3A_536 : memref<10000xf32, #tpu.memory_space<hbm>>) target(%dma_start3A_533 : memref<10000xf32, #tpu.memory_space<vmem>>) target_semaphore(%arg27 : memref<!tpu.dma_semaphore, #tpu.memory_space<semaphore_mem>>)
        } else {
        }
      } else {
      }
      %mul3A_181 = arith.constant 80 : i32
      %mul3A_182 = arith.muli %while3A_132, %mul3A_181 : i32
      %add3A_183 = arith.addi %shift_left3A_53, %mul3A_182 : i32
      %min3A_184 = arith.constant 159920 : i32
      %min3A_185 = arith.minsi %add3A_183, %min3A_184 : i32
      %mul3A_186 = arith.constant 80 : i32
      %mul3A_187 = arith.muli %while3A_132, %mul3A_186 : i32
      %add3A_188 = arith.addi %shift_left3A_53, %mul3A_187 : i32
      %add3A_189 = arith.constant 0 : i32
      %add3A_190 = arith.addi %min3A_185, %add3A_189 : i32
      %add3A_191 = vector.broadcast %add3A_190 : i32 to vector<16xi32>
      %add3A_192 = arith.addi %add3A_191, %iota3A : vector<16xi32>
      %get3A_193 = arith.constant 0 : i32
      %get3A_194 = tpu.memref_slice %arg10[%and3A_138, %get3A_193] : memref<2x80xi32, #tpu.memory_space<vmem>> -> memref<1x80xi32, #tpu.memory_space<vmem>>
      %get3A_195 = tpu.memref_squeeze %get3A_194 : memref<1x80xi32, #tpu.memory_space<vmem>> -> memref<80xi32, #tpu.memory_space<vmem>>
      %get3A_196 = arith.constant 0 : index
      %get3A_197 = tpu.vector_load %get3A_195[%get3A_196] {strides = array<i32>} : memref<80xi32, #tpu.memory_space<vmem>>, vector<16xi32>,
      %sub3A_198 = vector.broadcast %mul3A_96 : i32 to vector<16xi32>
      %sub3A_199 = arith.subi %get3A_197, %sub3A_198 : vector<16xi32>
      %ge3A = vector.broadcast %add3A_188 : i32 to vector<16xi32>
      %ge3A_200 = arith.cmpi sge, %add3A_192, %ge3A : vector<16xi32>
      %lt3A_201 = vector.broadcast %select_n3A_65 : i32 to vector<16xi32>
      %lt3A_202 = arith.cmpi slt, %add3A_192, %lt3A_201 : vector<16xi32>
      %and3A_203 = arith.andi %ge3A_200, %lt3A_202 : vector<16xi1>
      %ge3A_204 = arith.constant 0 : i32
      %ge3A_205 = vector.broadcast %ge3A_204 : i32 to vector<16xi32>
      %ge3A_206 = arith.cmpi sge, %sub3A_199, %ge3A_205 : vector<16xi32>
      %and3A_207 = arith.andi %and3A_203, %ge3A_206 : vector<16xi1>
      %lt3A_208 = arith.constant 5000 : i32
      %lt3A_209 = vector.broadcast %lt3A_208 : i32 to vector<16xi32>
      %lt3A_210 = arith.cmpi slt, %sub3A_199, %lt3A_209 : vector<16xi32>
      %and3A_211 = arith.andi %and3A_207, %lt3A_210 : vector<16xi1>
      %get3A_212 = arith.constant 0 : i32
      %get3A_213 = tpu.memref_slice %arg13[%and3A_138, %get3A_212] : memref<2x80xf32, #tpu.memory_space<vmem>> -> memref<1x80xf32, #tpu.memory_space<vmem>>
      %get3A_214 = tpu.memref_squeeze %get3A_213 : memref<1x80xf32, #tpu.memory_space<vmem>> -> memref<80xf32, #tpu.memory_space<vmem>>
      %get3A_215 = arith.constant 0 : index
      %get3A_216 = tpu.vector_load %get3A_214[%get3A_215] {strides = array<i32>} : memref<80xf32, #tpu.memory_space<vmem>>, vector<16xf32>,
      %get3A_217 = arith.constant 0 : index
      %get3A_218 = tpu.vector_load %arg16[%get3A_217] {strides = array<i32>} : memref<80xf32, #tpu.memory_space<vmem>>, vector<16xf32>,
      %mul3A_219 = arith.mulf %get3A_216, %get3A_218 : vector<16xf32>
      %get3A_220 = arith.constant 0 : index
      %get3A_221 = tpu.vector_load %arg17[%get3A_220] {strides = array<i32>} : memref<80xf32, #tpu.memory_space<vmem>>, vector<16xf32>,
      %mul3A_222 = arith.mulf %mul3A_219, %get3A_221 : vector<16xf32>
      %jit3A_223 = arith.constant 0.000000e+00 : f32
      %broadcast_in_dim3A = vector.broadcast %jit3A_223 : f32 to vector<16xf32>
      %select_n3A_224 = arith.select %and3A_211, %mul3A_222, %broadcast_in_dim3A : vector<16xi1>, vector<16xf32>
      %swap3A = arith.constant 0 : index
      %swap3A_225 = tpu.vector_load %arg17[%swap3A] {strides = array<i32>} : memref<80xf32, #tpu.memory_space<vmem>>, vector<16xf32>,
      tpu.vector_store %arg17[%swap3A], %select_n3A_224 {strides = array<i32>} : memref<80xf32, #tpu.memory_space<vmem>>, vector<16xf32>,
      %jit3A_226 = arith.constant 0 : i32
      %jit3A_227 = arith.constant 4999 : i32
      %max3A = vector.broadcast %jit3A_226 : i32 to vector<16xi32>
      %max3A_228 = arith.maxsi %max3A, %sub3A_199 : vector<16xi32>
      %min3A_229 = vector.broadcast %jit3A_227 : i32 to vector<16xi32>
      %min3A_230 = arith.minsi %min3A_229, %max3A_228 : vector<16xi32>
      %swap3A_231 = arith.constant 0 : i32
      %swap3A_232 = tpu.memref_slice %arg14[%and3A_138, %swap3A_231] : memref<2x80xi32, #tpu.memory_space<vmem>> -> memref<1x80xi32, #tpu.memory_space<vmem>>
      %swap3A_233 = tpu.memref_squeeze %swap3A_232 : memref<1x80xi32, #tpu.memory_space<vmem>> -> memref<80xi32, #tpu.memory_space<vmem>>
      %swap3A_234 = arith.constant 0 : index
      %swap3A_235 = tpu.vector_load %swap3A_233[%swap3A_234] {strides = array<i32>} : memref<80xi32, #tpu.memory_space<vmem>>, vector<16xi32>,
      tpu.vector_store %swap3A_233[%swap3A_234], %min3A_230 {strides = array<i32>} : memref<80xi32, #tpu.memory_space<vmem>>, vector<16xi32>,
      %add3A_236 = arith.constant 16 : i32
      %add3A_237 = arith.addi %min3A_185, %add3A_236 : i32
      %add3A_238 = vector.broadcast %add3A_237 : i32 to vector<16xi32>
      %add3A_239 = arith.addi %add3A_238, %iota3A : vector<16xi32>
      %get3A_240 = arith.constant 0 : i32
      %get3A_241 = tpu.memref_slice %arg10[%and3A_138, %get3A_240] : memref<2x80xi32, #tpu.memory_space<vmem>> -> memref<1x80xi32, #tpu.memory_space<vmem>>
      %get3A_242 = tpu.memref_squeeze %get3A_241 : memref<1x80xi32, #tpu.memory_space<vmem>> -> memref<80xi32, #tpu.memory_space<vmem>>
      %get3A_243 = arith.constant 16 : index
      %get3A_244 = tpu.vector_load %get3A_242[%get3A_243] {strides = array<i32>} : memref<80xi32, #tpu.memory_space<vmem>>, vector<16xi32>,
      %sub3A_245 = vector.broadcast %mul3A_96 : i32 to vector<16xi32>
      %sub3A_246 = arith.subi %get3A_244, %sub3A_245 : vector<16xi32>
      %ge3A_247 = vector.broadcast %add3A_188 : i32 to vector<16xi32>
      %ge3A_248 = arith.cmpi sge, %add3A_239, %ge3A_247 : vector<16xi32>
      %lt3A_249 = vector.broadcast %select_n3A_65 : i32 to vector<16xi32>
      %lt3A_250 = arith.cmpi slt, %add3A_239, %lt3A_249 : vector<16xi32>
      %and3A_251 = arith.andi %ge3A_248, %lt3A_250 : vector<16xi1>
      %ge3A_252 = arith.constant 0 : i32
      %ge3A_253 = vector.broadcast %ge3A_252 : i32 to vector<16xi32>
      %ge3A_254 = arith.cmpi sge, %sub3A_246, %ge3A_253 : vector<16xi32>
      %and3A_255 = arith.andi %and3A_251, %ge3A_254 : vector<16xi1>
      %lt3A_256 = arith.constant 5000 : i32
      %lt3A_257 = vector.broadcast %lt3A_256 : i32 to vector<16xi32>
      %lt3A_258 = arith.cmpi slt, %sub3A_246, %lt3A_257 : vector<16xi32>
      %and3A_259 = arith.andi %and3A_255, %lt3A_258 : vector<16xi1>
      %get3A_260 = arith.constant 0 : i32
      %get3A_261 = tpu.memref_slice %arg13[%and3A_138, %get3A_260] : memref<2x80xf32, #tpu.memory_space<vmem>> -> memref<1x80xf32, #tpu.memory_space<vmem>>
      %get3A_262 = tpu.memref_squeeze %get3A_261 : memref<1x80xf32, #tpu.memory_space<vmem>> -> memref<80xf32, #tpu.memory_space<vmem>>
      %get3A_263 = arith.constant 16 : index
      %get3A_264 = tpu.vector_load %get3A_262[%get3A_263] {strides = array<i32>} : memref<80xf32, #tpu.memory_space<vmem>>, vector<16xf32>,
      %get3A_265 = arith.constant 16 : index
      %get3A_266 = tpu.vector_load %arg16[%get3A_265] {strides = array<i32>} : memref<80xf32, #tpu.memory_space<vmem>>, vector<16xf32>,
      %mul3A_267 = arith.mulf %get3A_264, %get3A_266 : vector<16xf32>
      %get3A_268 = arith.constant 16 : index
      %get3A_269 = tpu.vector_load %arg17[%get3A_268] {strides = array<i32>} : memref<80xf32, #tpu.memory_space<vmem>>, vector<16xf32>,
      %mul3A_270 = arith.mulf %mul3A_267, %get3A_269 : vector<16xf32>
      %jit3A_271 = arith.constant 0.000000e+00 : f32
      %broadcast_in_dim3A_272 = vector.broadcast %jit3A_271 : f32 to vector<16xf32>
      %select_n3A_273 = arith.select %and3A_259, %mul3A_270, %broadcast_in_dim3A_272 : vector<16xi1>, vector<16xf32>
      %swap3A_274 = arith.constant 16 : index
      %swap3A_275 = tpu.vector_load %arg17[%swap3A_274] {strides = array<i32>} : memref<80xf32, #tpu.memory_space<vmem>>, vector<16xf32>,
      tpu.vector_store %arg17[%swap3A_274], %select_n3A_273 {strides = array<i32>} : memref<80xf32, #tpu.memory_space<vmem>>, vector<16xf32>,
      %jit3A_276 = arith.constant 0 : i32
      %jit3A_277 = arith.constant 4999 : i32
      %max3A_278 = vector.broadcast %jit3A_276 : i32 to vector<16xi32>
      %max3A_279 = arith.maxsi %max3A_278, %sub3A_246 : vector<16xi32>
      %min3A_280 = vector.broadcast %jit3A_277 : i32 to vector<16xi32>
      %min3A_281 = arith.minsi %min3A_280, %max3A_279 : vector<16xi32>
      %swap3A_282 = arith.constant 0 : i32
      %swap3A_283 = tpu.memref_slice %arg14[%and3A_138, %swap3A_282] : memref<2x80xi32, #tpu.memory_space<vmem>> -> memref<1x80xi32, #tpu.memory_space<vmem>>
      %swap3A_284 = tpu.memref_squeeze %swap3A_283 : memref<1x80xi32, #tpu.memory_space<vmem>> -> memref<80xi32, #tpu.memory_space<vmem>>
      %swap3A_285 = arith.constant 16 : index
      %swap3A_286 = tpu.vector_load %swap3A_284[%swap3A_285] {strides = array<i32>} : memref<80xi32, #tpu.memory_space<vmem>>, vector<16xi32>,
      tpu.vector_store %swap3A_284[%swap3A_285], %min3A_281 {strides = array<i32>} : memref<80xi32, #tpu.memory_space<vmem>>, vector<16xi32>,
      %add3A_287 = arith.constant 32 : i32
      %add3A_288 = arith.addi %min3A_185, %add3A_287 : i32
      %add3A_289 = vector.broadcast %add3A_288 : i32 to vector<16xi32>
      %add3A_290 = arith.addi %add3A_289, %iota3A : vector<16xi32>
      %get3A_291 = arith.constant 0 : i32
      %get3A_292 = tpu.memref_slice %arg10[%and3A_138, %get3A_291] : memref<2x80xi32, #tpu.memory_space<vmem>> -> memref<1x80xi32, #tpu.memory_space<vmem>>
      %get3A_293 = tpu.memref_squeeze %get3A_292 : memref<1x80xi32, #tpu.memory_space<vmem>> -> memref<80xi32, #tpu.memory_space<vmem>>
      %get3A_294 = arith.constant 32 : index
      %get3A_295 = tpu.vector_load %get3A_293[%get3A_294] {strides = array<i32>} : memref<80xi32, #tpu.memory_space<vmem>>, vector<16xi32>,
      %sub3A_296 = vector.broadcast %mul3A_96 : i32 to vector<16xi32>
      %sub3A_297 = arith.subi %get3A_295, %sub3A_296 : vector<16xi32>
      %ge3A_298 = vector.broadcast %add3A_188 : i32 to vector<16xi32>
      %ge3A_299 = arith.cmpi sge, %add3A_290, %ge3A_298 : vector<16xi32>
      %lt3A_300 = vector.broadcast %select_n3A_65 : i32 to vector<16xi32>
      %lt3A_301 = arith.cmpi slt, %add3A_290, %lt3A_300 : vector<16xi32>
      %and3A_302 = arith.andi %ge3A_299, %lt3A_301 : vector<16xi1>
      %ge3A_303 = arith.constant 0 : i32
      %ge3A_304 = vector.broadcast %ge3A_303 : i32 to vector<16xi32>
      %ge3A_305 = arith.cmpi sge, %sub3A_297, %ge3A_304 : vector<16xi32>
      %and3A_306 = arith.andi %and3A_302, %ge3A_305 : vector<16xi1>
      %lt3A_307 = arith.constant 5000 : i32
      %lt3A_308 = vector.broadcast %lt3A_307 : i32 to vector<16xi32>
      %lt3A_309 = arith.cmpi slt, %sub3A_297, %lt3A_308 : vector<16xi32>
      %and3A_310 = arith.andi %and3A_306, %lt3A_309 : vector<16xi1>
      %get3A_311 = arith.constant 0 : i32
      %get3A_312 = tpu.memref_slice %arg13[%and3A_138, %get3A_311] : memref<2x80xf32, #tpu.memory_space<vmem>> -> memref<1x80xf32, #tpu.memory_space<vmem>>
      %get3A_313 = tpu.memref_squeeze %get3A_312 : memref<1x80xf32, #tpu.memory_space<vmem>> -> memref<80xf32, #tpu.memory_space<vmem>>
      %get3A_314 = arith.constant 32 : index
      %get3A_315 = tpu.vector_load %get3A_313[%get3A_314] {strides = array<i32>} : memref<80xf32, #tpu.memory_space<vmem>>, vector<16xf32>,
      %get3A_316 = arith.constant 32 : index
      %get3A_317 = tpu.vector_load %arg16[%get3A_316] {strides = array<i32>} : memref<80xf32, #tpu.memory_space<vmem>>, vector<16xf32>,
      %mul3A_318 = arith.mulf %get3A_315, %get3A_317 : vector<16xf32>
      %get3A_319 = arith.constant 32 : index
      %get3A_320 = tpu.vector_load %arg17[%get3A_319] {strides = array<i32>} : memref<80xf32, #tpu.memory_space<vmem>>, vector<16xf32>,
      %mul3A_321 = arith.mulf %mul3A_318, %get3A_320 : vector<16xf32>
      %jit3A_322 = arith.constant 0.000000e+00 : f32
      %broadcast_in_dim3A_323 = vector.broadcast %jit3A_322 : f32 to vector<16xf32>
      %select_n3A_324 = arith.select %and3A_310, %mul3A_321, %broadcast_in_dim3A_323 : vector<16xi1>, vector<16xf32>
      %swap3A_325 = arith.constant 32 : index
      %swap3A_326 = tpu.vector_load %arg17[%swap3A_325] {strides = array<i32>} : memref<80xf32, #tpu.memory_space<vmem>>, vector<16xf32>,
      tpu.vector_store %arg17[%swap3A_325], %select_n3A_324 {strides = array<i32>} : memref<80xf32, #tpu.memory_space<vmem>>, vector<16xf32>,
      %jit3A_327 = arith.constant 0 : i32
      %jit3A_328 = arith.constant 4999 : i32
      %max3A_329 = vector.broadcast %jit3A_327 : i32 to vector<16xi32>
      %max3A_330 = arith.maxsi %max3A_329, %sub3A_297 : vector<16xi32>
      %min3A_331 = vector.broadcast %jit3A_328 : i32 to vector<16xi32>
      %min3A_332 = arith.minsi %min3A_331, %max3A_330 : vector<16xi32>
      %swap3A_333 = arith.constant 0 : i32
      %swap3A_334 = tpu.memref_slice %arg14[%and3A_138, %swap3A_333] : memref<2x80xi32, #tpu.memory_space<vmem>> -> memref<1x80xi32, #tpu.memory_space<vmem>>
      %swap3A_335 = tpu.memref_squeeze %swap3A_334 : memref<1x80xi32, #tpu.memory_space<vmem>> -> memref<80xi32, #tpu.memory_space<vmem>>
      %swap3A_336 = arith.constant 32 : index
      %swap3A_337 = tpu.vector_load %swap3A_335[%swap3A_336] {strides = array<i32>} : memref<80xi32, #tpu.memory_space<vmem>>, vector<16xi32>,
      tpu.vector_store %swap3A_335[%swap3A_336], %min3A_332 {strides = array<i32>} : memref<80xi32, #tpu.memory_space<vmem>>, vector<16xi32>,
      %add3A_338 = arith.constant 48 : i32
      %add3A_339 = arith.addi %min3A_185, %add3A_338 : i32
      %add3A_340 = vector.broadcast %add3A_339 : i32 to vector<16xi32>
      %add3A_341 = arith.addi %add3A_340, %iota3A : vector<16xi32>
      %get3A_342 = arith.constant 0 : i32
      %get3A_343 = tpu.memref_slice %arg10[%and3A_138, %get3A_342] : memref<2x80xi32, #tpu.memory_space<vmem>> -> memref<1x80xi32, #tpu.memory_space<vmem>>
      %get3A_344 = tpu.memref_squeeze %get3A_343 : memref<1x80xi32, #tpu.memory_space<vmem>> -> memref<80xi32, #tpu.memory_space<vmem>>
      %get3A_345 = arith.constant 48 : index
      %get3A_346 = tpu.vector_load %get3A_344[%get3A_345] {strides = array<i32>} : memref<80xi32, #tpu.memory_space<vmem>>, vector<16xi32>,
      %sub3A_347 = vector.broadcast %mul3A_96 : i32 to vector<16xi32>
      %sub3A_348 = arith.subi %get3A_346, %sub3A_347 : vector<16xi32>
      %ge3A_349 = vector.broadcast %add3A_188 : i32 to vector<16xi32>
      %ge3A_350 = arith.cmpi sge, %add3A_341, %ge3A_349 : vector<16xi32>
      %lt3A_351 = vector.broadcast %select_n3A_65 : i32 to vector<16xi32>
      %lt3A_352 = arith.cmpi slt, %add3A_341, %lt3A_351 : vector<16xi32>
      %and3A_353 = arith.andi %ge3A_350, %lt3A_352 : vector<16xi1>
      %ge3A_354 = arith.constant 0 : i32
      %ge3A_355 = vector.broadcast %ge3A_354 : i32 to vector<16xi32>
      %ge3A_356 = arith.cmpi sge, %sub3A_348, %ge3A_355 : vector<16xi32>
      %and3A_357 = arith.andi %and3A_353, %ge3A_356 : vector<16xi1>
      %lt3A_358 = arith.constant 5000 : i32
      %lt3A_359 = vector.broadcast %lt3A_358 : i32 to vector<16xi32>
      %lt3A_360 = arith.cmpi slt, %sub3A_348, %lt3A_359 : vector<16xi32>
      %and3A_361 = arith.andi %and3A_357, %lt3A_360 : vector<16xi1>
      %get3A_362 = arith.constant 0 : i32
      %get3A_363 = tpu.memref_slice %arg13[%and3A_138, %get3A_362] : memref<2x80xf32, #tpu.memory_space<vmem>> -> memref<1x80xf32, #tpu.memory_space<vmem>>
      %get3A_364 = tpu.memref_squeeze %get3A_363 : memref<1x80xf32, #tpu.memory_space<vmem>> -> memref<80xf32, #tpu.memory_space<vmem>>
      %get3A_365 = arith.constant 48 : index
      %get3A_366 = tpu.vector_load %get3A_364[%get3A_365] {strides = array<i32>} : memref<80xf32, #tpu.memory_space<vmem>>, vector<16xf32>,
      %get3A_367 = arith.constant 48 : index
      %get3A_368 = tpu.vector_load %arg16[%get3A_367] {strides = array<i32>} : memref<80xf32, #tpu.memory_space<vmem>>, vector<16xf32>,
      %mul3A_369 = arith.mulf %get3A_366, %get3A_368 : vector<16xf32>
      %get3A_370 = arith.constant 48 : index
      %get3A_371 = tpu.vector_load %arg17[%get3A_370] {strides = array<i32>} : memref<80xf32, #tpu.memory_space<vmem>>, vector<16xf32>,
      %mul3A_372 = arith.mulf %mul3A_369, %get3A_371 : vector<16xf32>
      %jit3A_373 = arith.constant 0.000000e+00 : f32
      %broadcast_in_dim3A_374 = vector.broadcast %jit3A_373 : f32 to vector<16xf32>
      %select_n3A_375 = arith.select %and3A_361, %mul3A_372, %broadcast_in_dim3A_374 : vector<16xi1>, vector<16xf32>
      %swap3A_376 = arith.constant 48 : index
      %swap3A_377 = tpu.vector_load %arg17[%swap3A_376] {strides = array<i32>} : memref<80xf32, #tpu.memory_space<vmem>>, vector<16xf32>,
      tpu.vector_store %arg17[%swap3A_376], %select_n3A_375 {strides = array<i32>} : memref<80xf32, #tpu.memory_space<vmem>>, vector<16xf32>,
      %jit3A_378 = arith.constant 0 : i32
      %jit3A_379 = arith.constant 4999 : i32
      %max3A_380 = vector.broadcast %jit3A_378 : i32 to vector<16xi32>
      %max3A_381 = arith.maxsi %max3A_380, %sub3A_348 : vector<16xi32>
      %min3A_382 = vector.broadcast %jit3A_379 : i32 to vector<16xi32>
      %min3A_383 = arith.minsi %min3A_382, %max3A_381 : vector<16xi32>
      %swap3A_384 = arith.constant 0 : i32
      %swap3A_385 = tpu.memref_slice %arg14[%and3A_138, %swap3A_384] : memref<2x80xi32, #tpu.memory_space<vmem>> -> memref<1x80xi32, #tpu.memory_space<vmem>>
      %swap3A_386 = tpu.memref_squeeze %swap3A_385 : memref<1x80xi32, #tpu.memory_space<vmem>> -> memref<80xi32, #tpu.memory_space<vmem>>
      %swap3A_387 = arith.constant 48 : index
      %swap3A_388 = tpu.vector_load %swap3A_386[%swap3A_387] {strides = array<i32>} : memref<80xi32, #tpu.memory_space<vmem>>, vector<16xi32>,
      tpu.vector_store %swap3A_386[%swap3A_387], %min3A_383 {strides = array<i32>} : memref<80xi32, #tpu.memory_space<vmem>>, vector<16xi32>,
      %add3A_389 = arith.constant 64 : i32
      %add3A_390 = arith.addi %min3A_185, %add3A_389 : i32
      %add3A_391 = vector.broadcast %add3A_390 : i32 to vector<16xi32>
      %add3A_392 = arith.addi %add3A_391, %iota3A : vector<16xi32>
      %get3A_393 = arith.constant 0 : i32
      %get3A_394 = tpu.memref_slice %arg10[%and3A_138, %get3A_393] : memref<2x80xi32, #tpu.memory_space<vmem>> -> memref<1x80xi32, #tpu.memory_space<vmem>>
      %get3A_395 = tpu.memref_squeeze %get3A_394 : memref<1x80xi32, #tpu.memory_space<vmem>> -> memref<80xi32, #tpu.memory_space<vmem>>
      %get3A_396 = arith.constant 64 : index
      %get3A_397 = tpu.vector_load %get3A_395[%get3A_396] {strides = array<i32>} : memref<80xi32, #tpu.memory_space<vmem>>, vector<16xi32>,
      %sub3A_398 = vector.broadcast %mul3A_96 : i32 to vector<16xi32>
      %sub3A_399 = arith.subi %get3A_397, %sub3A_398 : vector<16xi32>
      %ge3A_400 = vector.broadcast %add3A_188 : i32 to vector<16xi32>
      %ge3A_401 = arith.cmpi sge, %add3A_392, %ge3A_400 : vector<16xi32>
      %lt3A_402 = vector.broadcast %select_n3A_65 : i32 to vector<16xi32>
      %lt3A_403 = arith.cmpi slt, %add3A_392, %lt3A_402 : vector<16xi32>
      %and3A_404 = arith.andi %ge3A_401, %lt3A_403 : vector<16xi1>
      %ge3A_405 = arith.constant 0 : i32
      %ge3A_406 = vector.broadcast %ge3A_405 : i32 to vector<16xi32>
      %ge3A_407 = arith.cmpi sge, %sub3A_399, %ge3A_406 : vector<16xi32>
      %and3A_408 = arith.andi %and3A_404, %ge3A_407 : vector<16xi1>
      %lt3A_409 = arith.constant 5000 : i32
      %lt3A_410 = vector.broadcast %lt3A_409 : i32 to vector<16xi32>
      %lt3A_411 = arith.cmpi slt, %sub3A_399, %lt3A_410 : vector<16xi32>
      %and3A_412 = arith.andi %and3A_408, %lt3A_411 : vector<16xi1>
      %get3A_413 = arith.constant 0 : i32
      %get3A_414 = tpu.memref_slice %arg13[%and3A_138, %get3A_413] : memref<2x80xf32, #tpu.memory_space<vmem>> -> memref<1x80xf32, #tpu.memory_space<vmem>>
      %get3A_415 = tpu.memref_squeeze %get3A_414 : memref<1x80xf32, #tpu.memory_space<vmem>> -> memref<80xf32, #tpu.memory_space<vmem>>
      %get3A_416 = arith.constant 64 : index
      %get3A_417 = tpu.vector_load %get3A_415[%get3A_416] {strides = array<i32>} : memref<80xf32, #tpu.memory_space<vmem>>, vector<16xf32>,
      %get3A_418 = arith.constant 64 : index
      %get3A_419 = tpu.vector_load %arg16[%get3A_418] {strides = array<i32>} : memref<80xf32, #tpu.memory_space<vmem>>, vector<16xf32>,
      %mul3A_420 = arith.mulf %get3A_417, %get3A_419 : vector<16xf32>
      %get3A_421 = arith.constant 64 : index
      %get3A_422 = tpu.vector_load %arg17[%get3A_421] {strides = array<i32>} : memref<80xf32, #tpu.memory_space<vmem>>, vector<16xf32>,
      %mul3A_423 = arith.mulf %mul3A_420, %get3A_422 : vector<16xf32>
      %jit3A_424 = arith.constant 0.000000e+00 : f32
      %broadcast_in_dim3A_425 = vector.broadcast %jit3A_424 : f32 to vector<16xf32>
      %select_n3A_426 = arith.select %and3A_412, %mul3A_423, %broadcast_in_dim3A_425 : vector<16xi1>, vector<16xf32>
      %swap3A_427 = arith.constant 64 : index
      %swap3A_428 = tpu.vector_load %arg17[%swap3A_427] {strides = array<i32>} : memref<80xf32, #tpu.memory_space<vmem>>, vector<16xf32>,
      tpu.vector_store %arg17[%swap3A_427], %select_n3A_426 {strides = array<i32>} : memref<80xf32, #tpu.memory_space<vmem>>, vector<16xf32>,
      %jit3A_429 = arith.constant 0 : i32
      %jit3A_430 = arith.constant 4999 : i32
      %max3A_431 = vector.broadcast %jit3A_429 : i32 to vector<16xi32>
      %max3A_432 = arith.maxsi %max3A_431, %sub3A_399 : vector<16xi32>
      %min3A_433 = vector.broadcast %jit3A_430 : i32 to vector<16xi32>
      %min3A_434 = arith.minsi %min3A_433, %max3A_432 : vector<16xi32>
      %swap3A_435 = arith.constant 0 : i32
      %swap3A_436 = tpu.memref_slice %arg14[%and3A_138, %swap3A_435] : memref<2x80xi32, #tpu.memory_space<vmem>> -> memref<1x80xi32, #tpu.memory_space<vmem>>
      %swap3A_437 = tpu.memref_squeeze %swap3A_436 : memref<1x80xi32, #tpu.memory_space<vmem>> -> memref<80xi32, #tpu.memory_space<vmem>>
      %swap3A_438 = arith.constant 64 : index
      %swap3A_439 = tpu.vector_load %swap3A_437[%swap3A_438] {strides = array<i32>} : memref<80xi32, #tpu.memory_space<vmem>>, vector<16xi32>,
      tpu.vector_store %swap3A_437[%swap3A_438], %min3A_434 {strides = array<i32>} : memref<80xi32, #tpu.memory_space<vmem>>, vector<16xi32>,
      "tpu.trace_start"() <{level = 10 : i32, message = "phase_featwait"}> : () -> ()
      %dma_wait3A = arith.constant 0 : i32
      %dma_wait3A_440 = tpu.memref_slice %arg11[%and3A_138, %dma_wait3A] : memref<2x80xi32, #tpu.memory_space<vmem>> -> memref<1x80xi32, #tpu.memory_space<vmem>>
      %dma_wait3A_441 = tpu.memref_squeeze %dma_wait3A_440 : memref<1x80xi32, #tpu.memory_space<vmem>> -> memref<80xi32, #tpu.memory_space<vmem>>
      %dma_wait3A_442 = arith.constant 0 : i32
      %dma_wait3A_443 = arith.constant 0 : i32
      %dma_wait3A_444 = tpu.memref_slice %arg2[%dma_wait3A_442, %dma_wait3A_443] : memref<10000x128xf32, #tpu.memory_space<hbm>> -> memref<10000x128xf32, #tpu.memory_space<hbm>>
      tpu.wait_indirect_dma semaphore(%arg24 : memref<!tpu.dma_semaphore, #tpu.memory_space<semaphore_mem>>) src(%dma_wait3A_444 : memref<10000x128xf32, #tpu.memory_space<hbm>>) dst(%arg18 : memref<80x128xf32, #tpu.memory_space<vmem>>)
      %dma_wait3A_445 = arith.constant 0 : i32
      %dma_wait3A_446 = tpu.memref_slice %arg12[%and3A_138, %dma_wait3A_445] : memref<2x80xi32, #tpu.memory_space<vmem>> -> memref<1x80xi32, #tpu.memory_space<vmem>>
      %dma_wait3A_447 = tpu.memref_squeeze %dma_wait3A_446 : memref<1x80xi32, #tpu.memory_space<vmem>> -> memref<80xi32, #tpu.memory_space<vmem>>
      %dma_wait3A_448 = arith.constant 0 : i32
      %dma_wait3A_449 = arith.constant 0 : i32
      %dma_wait3A_450 = tpu.memref_slice %arg2[%dma_wait3A_448, %dma_wait3A_449] : memref<10000x128xf32, #tpu.memory_space<hbm>> -> memref<10000x128xf32, #tpu.memory_space<hbm>>
      tpu.wait_indirect_dma semaphore(%arg25 : memref<!tpu.dma_semaphore, #tpu.memory_space<semaphore_mem>>) src(%dma_wait3A_450 : memref<10000x128xf32, #tpu.memory_space<hbm>>) dst(%arg19 : memref<80x128xf32, #tpu.memory_space<vmem>>)
      "tpu.trace_stop"() : () -> ()
      %add3A_451 = arith.constant 2 : i32
      %add3A_452 = arith.addi %while3A_132, %add3A_451 : i32
      %lt3A_453 = arith.cmpi slt, %add3A_452, %select_n3A_94 : i32
      %convert_element_type3A_454 = arith.extui %lt3A_453 : i1 to i32
      %cond3A_455 = arith.constant 0 : i32
      %cond3A_456 = arith.cmpi ne, %convert_element_type3A_454, %cond3A_455 : i32
      scf.if %cond3A_456 {
        %add3A_474 = arith.constant 2 : i32
        %add3A_475 = arith.addi %while3A_132, %add3A_474 : i32
        %and3A_476 = arith.constant 1 : i32
        %and3A_477 = arith.andi %add3A_475, %and3A_476 : i32
        %mul3A_478 = arith.constant 80 : i32
        %mul3A_479 = arith.muli %add3A_475, %mul3A_478 : i32
        %add3A_480 = arith.addi %shift_left3A_53, %mul3A_479 : i32
        %min3A_481 = arith.constant 159920 : i32
        %min3A_482 = arith.minsi %add3A_480, %min3A_481 : i32
        %multiple_of3A_483 = tpu.assume_multiple %min3A_482, 8 : i32
        %dma_start3A_484 = arith.constant 0 : i32
        %dma_start3A_485 = tpu.memref_slice %arg10[%and3A_477, %dma_start3A_484] : memref<2x80xi32, #tpu.memory_space<vmem>> -> memref<1x80xi32, #tpu.memory_space<vmem>>
        %dma_start3A_486 = tpu.memref_squeeze %dma_start3A_485 : memref<1x80xi32, #tpu.memory_space<vmem>> -> memref<80xi32, #tpu.memory_space<vmem>>
        %dma_start3A_487 = tpu.memref_slice %arg5[%multiple_of3A_483] : memref<160000xi32, #tpu.memory_space<hbm>> -> memref<80xi32, #tpu.memory_space<hbm>>
        %dma_start3A_488 = arith.constant 0 : i32
        %dma_start3A_489 = tpu.memref_slice %arg10[%and3A_477, %dma_start3A_488] : memref<2x80xi32, #tpu.memory_space<vmem>> -> memref<1x80xi32, #tpu.memory_space<vmem>>
        %dma_start3A_490 = tpu.memref_squeeze %dma_start3A_489 : memref<1x80xi32, #tpu.memory_space<vmem>> -> memref<80xi32, #tpu.memory_space<vmem>>
        %dma_start3A_491 = tpu.memref_slice %arg5[%multiple_of3A_483] : memref<160000xi32, #tpu.memory_space<hbm>> -> memref<80xi32, #tpu.memory_space<hbm>>
        tpu.enqueue_dma source(%dma_start3A_491 : memref<80xi32, #tpu.memory_space<hbm>>) target(%dma_start3A_490 : memref<80xi32, #tpu.memory_space<vmem>>) target_semaphore(%arg26 : memref<!tpu.dma_semaphore, #tpu.memory_space<semaphore_mem>>)
        %dma_start3A_492 = arith.constant 0 : i32
        %dma_start3A_493 = tpu.memref_slice %arg11[%and3A_477, %dma_start3A_492] : memref<2x80xi32, #tpu.memory_space<vmem>> -> memref<1x80xi32, #tpu.memory_space<vmem>>
        %dma_start3A_494 = tpu.memref_squeeze %dma_start3A_493 : memref<1x80xi32, #tpu.memory_space<vmem>> -> memref<80xi32, #tpu.memory_space<vmem>>
        %dma_start3A_495 = tpu.memref_slice %arg6[%multiple_of3A_483] : memref<160000xi32, #tpu.memory_space<hbm>> -> memref<80xi32, #tpu.memory_space<hbm>>
        %dma_start3A_496 = arith.constant 0 : i32
        %dma_start3A_497 = tpu.memref_slice %arg11[%and3A_477, %dma_start3A_496] : memref<2x80xi32, #tpu.memory_space<vmem>> -> memref<1x80xi32, #tpu.memory_space<vmem>>
        %dma_start3A_498 = tpu.memref_squeeze %dma_start3A_497 : memref<1x80xi32, #tpu.memory_space<vmem>> -> memref<80xi32, #tpu.memory_space<vmem>>
        %dma_start3A_499 = tpu.memref_slice %arg6[%multiple_of3A_483] : memref<160000xi32, #tpu.memory_space<hbm>> -> memref<80xi32, #tpu.memory_space<hbm>>
        tpu.enqueue_dma source(%dma_start3A_499 : memref<80xi32, #tpu.memory_space<hbm>>) target(%dma_start3A_498 : memref<80xi32, #tpu.memory_space<vmem>>) target_semaphore(%arg26 : memref<!tpu.dma_semaphore, #tpu.memory_space<semaphore_mem>>)
        %dma_start3A_500 = arith.constant 0 : i32
        %dma_start3A_501 = tpu.memref_slice %arg12[%and3A_477, %dma_start3A_500] : memref<2x80xi32, #tpu.memory_space<vmem>> -> memref<1x80xi32, #tpu.memory_space<vmem>>
        %dma_start3A_502 = tpu.memref_squeeze %dma_start3A_501 : memref<1x80xi32, #tpu.memory_space<vmem>> -> memref<80xi32, #tpu.memory_space<vmem>>
        %dma_start3A_503 = tpu.memref_slice %arg7[%multiple_of3A_483] : memref<160000xi32, #tpu.memory_space<hbm>> -> memref<80xi32, #tpu.memory_space<hbm>>
        %dma_start3A_504 = arith.constant 0 : i32
        %dma_start3A_505 = tpu.memref_slice %arg12[%and3A_477, %dma_start3A_504] : memref<2x80xi32, #tpu.memory_space<vmem>> -> memref<1x80xi32, #tpu.memory_space<vmem>>
        %dma_start3A_506 = tpu.memref_squeeze %dma_start3A_505 : memref<1x80xi32, #tpu.memory_space<vmem>> -> memref<80xi32, #tpu.memory_space<vmem>>
        %dma_start3A_507 = tpu.memref_slice %arg7[%multiple_of3A_483] : memref<160000xi32, #tpu.memory_space<hbm>> -> memref<80xi32, #tpu.memory_space<hbm>>
        tpu.enqueue_dma source(%dma_start3A_507 : memref<80xi32, #tpu.memory_space<hbm>>) target(%dma_start3A_506 : memref<80xi32, #tpu.memory_space<vmem>>) target_semaphore(%arg26 : memref<!tpu.dma_semaphore, #tpu.memory_space<semaphore_mem>>)
        %dma_start3A_508 = arith.constant 0 : i32
        %dma_start3A_509 = tpu.memref_slice %arg13[%and3A_477, %dma_start3A_508] : memref<2x80xf32, #tpu.memory_space<vmem>> -> memref<1x80xf32, #tpu.memory_space<vmem>>
        %dma_start3A_510 = tpu.memref_squeeze %dma_start3A_509 : memref<1x80xf32, #tpu.memory_space<vmem>> -> memref<80xf32, #tpu.memory_space<vmem>>
        %dma_start3A_511 = tpu.memref_slice %arg4[%multiple_of3A_483] : memref<160000xf32, #tpu.memory_space<hbm>> -> memref<80xf32, #tpu.memory_space<hbm>>
        %dma_start3A_512 = arith.constant 0 : i32
        %dma_start3A_513 = tpu.memref_slice %arg13[%and3A_477, %dma_start3A_512] : memref<2x80xf32, #tpu.memory_space<vmem>> -> memref<1x80xf32, #tpu.memory_space<vmem>>
        %dma_start3A_514 = tpu.memref_squeeze %dma_start3A_513 : memref<1x80xf32, #tpu.memory_space<vmem>> -> memref<80xf32, #tpu.memory_space<vmem>>
        %dma_start3A_515 = tpu.memref_slice %arg4[%multiple_of3A_483] : memref<160000xf32, #tpu.memory_space<hbm>> -> memref<80xf32, #tpu.memory_space<hbm>>
        tpu.enqueue_dma source(%dma_start3A_515 : memref<80xf32, #tpu.memory_space<hbm>>) target(%dma_start3A_514 : memref<80xf32, #tpu.memory_space<vmem>>) target_semaphore(%arg26 : memref<!tpu.dma_semaphore, #tpu.memory_space<semaphore_mem>>)
      } else {
      }
      %gt3A_457 = arith.constant 0 : i32
      %gt3A_458 = arith.cmpi sgt, %while3A_132, %gt3A_457 : i32
      %convert_element_type3A_459 = arith.extui %gt3A_458 : i1 to i32
      %cond3A_460 = arith.constant 0 : i32
      %cond3A_461 = arith.cmpi ne, %convert_element_type3A_459, %cond3A_460 : i32
      scf.if %cond3A_461 {
        %sub3A_474 = arith.constant 1 : i32
        %sub3A_475 = arith.subi %sub3A_474, %and3A_138 : i32
        %dma_wait3A_476 = arith.constant 0 : i32
        %dma_wait3A_477 = arith.constant 0 : i32
        %dma_wait3A_478 = tpu.memref_slice %arg20[%sub3A_475, %dma_wait3A_476, %dma_wait3A_477] : memref<2x80x128xf32, #tpu.memory_space<vmem>> -> memref<1x80x128xf32, #tpu.memory_space<vmem>>
        %dma_wait3A_479 = tpu.memref_squeeze %dma_wait3A_478 : memref<1x80x128xf32, #tpu.memory_space<vmem>> -> memref<80x128xf32, #tpu.memory_space<vmem>>
        %dma_wait3A_480 = arith.constant 0 : i32
        %dma_wait3A_481 = tpu.memref_slice %arg14[%sub3A_475, %dma_wait3A_480] : memref<2x80xi32, #tpu.memory_space<vmem>> -> memref<1x80xi32, #tpu.memory_space<vmem>>
        %dma_wait3A_482 = tpu.memref_squeeze %dma_wait3A_481 : memref<1x80xi32, #tpu.memory_space<vmem>> -> memref<80xi32, #tpu.memory_space<vmem>>
        %dma_wait3A_483 = arith.constant 0 : i32
        %dma_wait3A_484 = arith.constant 0 : i32
        %dma_wait3A_485 = tpu.memref_slice %arg23[%dma_wait3A_483, %dma_wait3A_484] : memref<5000x128xf32, #tpu.memory_space<vmem_shared>> -> memref<5000x128xf32, #tpu.memory_space<vmem_shared>>
        tpu.wait_indirect_dma semaphore(%arg28 : memref<!tpu.dma_semaphore, #tpu.memory_space<semaphore_mem>>) src(%dma_wait3A_479 : memref<80x128xf32, #tpu.memory_space<vmem>>) dst(%dma_wait3A_485 : memref<5000x128xf32, #tpu.memory_space<vmem_shared>>)
      } else {
      }
      %parallel_loop3A = arith.constant 0 : i32
      %parallel_loop3A_462 = arith.constant 80 : i32
      %parallel_loop3A_463 = arith.constant 1 : i32
      "tpu.trace_start"() <{level = 10 : i32, message = "phase_scale"}> : () -> ()
      scf.for %parallel_loop3A_474 = %parallel_loop3A to %parallel_loop3A_462 step %parallel_loop3A_463  : i32 {
        %parallel_loop3A_475 = vector.broadcast %parallel_loop3A_474 : i32 to vector<16xi32>
        %parallel_loop3A_476 = tpu.vector_load_idx %arg17[%parallel_loop3A_475] : memref<80xf32, #tpu.memory_space<vmem>>[vector<16xi32>], vector<16xf32>,
        %parallel_loop3A_477 = arith.constant 0 : i32
        %parallel_loop3A_478 = tpu.memref_slice %arg18[%parallel_loop3A_474, %parallel_loop3A_477] : memref<80x128xf32, #tpu.memory_space<vmem>> -> memref<1x128xf32, #tpu.memory_space<vmem>>
        %parallel_loop3A_479 = tpu.memref_squeeze %parallel_loop3A_478 : memref<1x128xf32, #tpu.memory_space<vmem>> -> memref<128xf32, #tpu.memory_space<vmem>>
        %parallel_loop3A_480 = arith.constant 0 : index
        %parallel_loop3A_481 = tpu.vector_load %parallel_loop3A_479[%parallel_loop3A_480] {strides = array<i32>} : memref<128xf32, #tpu.memory_space<vmem>>, vector<16xf32>,
        %parallel_loop3A_482 = arith.constant 0 : i32
        %parallel_loop3A_483 = tpu.memref_slice %arg19[%parallel_loop3A_474, %parallel_loop3A_482] : memref<80x128xf32, #tpu.memory_space<vmem>> -> memref<1x128xf32, #tpu.memory_space<vmem>>
        %parallel_loop3A_484 = tpu.memref_squeeze %parallel_loop3A_483 : memref<1x128xf32, #tpu.memory_space<vmem>> -> memref<128xf32, #tpu.memory_space<vmem>>
        %parallel_loop3A_485 = arith.constant 0 : index
        %parallel_loop3A_486 = tpu.vector_load %parallel_loop3A_484[%parallel_loop3A_485] {strides = array<i32>} : memref<128xf32, #tpu.memory_space<vmem>>, vector<16xf32>,
        %parallel_loop3A_487 = arith.addf %parallel_loop3A_481, %parallel_loop3A_486 : vector<16xf32>
        %parallel_loop3A_488 = arith.mulf %parallel_loop3A_487, %parallel_loop3A_476 : vector<16xf32>
        %parallel_loop3A_489 = arith.constant 0 : i32
        %parallel_loop3A_490 = tpu.memref_slice %arg20[%and3A_138, %parallel_loop3A_474, %parallel_loop3A_489] : memref<2x80x128xf32, #tpu.memory_space<vmem>> -> memref<1x1x128xf32, #tpu.memory_space<vmem>>
        %parallel_loop3A_491 = tpu.memref_squeeze %parallel_loop3A_490 : memref<1x1x128xf32, #tpu.memory_space<vmem>> -> memref<128xf32, #tpu.memory_space<vmem>>
        %parallel_loop3A_492 = arith.constant 0 : index
        %parallel_loop3A_493 = tpu.vector_load %parallel_loop3A_491[%parallel_loop3A_492] {strides = array<i32>} : memref<128xf32, #tpu.memory_space<vmem>>, vector<16xf32>,
        tpu.vector_store %parallel_loop3A_491[%parallel_loop3A_492], %parallel_loop3A_488 {strides = array<i32>} : memref<128xf32, #tpu.memory_space<vmem>>, vector<16xf32>,
        %parallel_loop3A_494 = arith.constant 0 : i32
        %parallel_loop3A_495 = tpu.memref_slice %arg18[%parallel_loop3A_474, %parallel_loop3A_494] : memref<80x128xf32, #tpu.memory_space<vmem>> -> memref<1x128xf32, #tpu.memory_space<vmem>>
        %parallel_loop3A_496 = tpu.memref_squeeze %parallel_loop3A_495 : memref<1x128xf32, #tpu.memory_space<vmem>> -> memref<128xf32, #tpu.memory_space<vmem>>
        %parallel_loop3A_497 = arith.constant 16 : index
        %parallel_loop3A_498 = tpu.vector_load %parallel_loop3A_496[%parallel_loop3A_497] {strides = array<i32>} : memref<128xf32, #tpu.memory_space<vmem>>, vector<16xf32>,
        %parallel_loop3A_499 = arith.constant 0 : i32
        %parallel_loop3A_500 = tpu.memref_slice %arg19[%parallel_loop3A_474, %parallel_loop3A_499] : memref<80x128xf32, #tpu.memory_space<vmem>> -> memref<1x128xf32, #tpu.memory_space<vmem>>
        %parallel_loop3A_501 = tpu.memref_squeeze %parallel_loop3A_500 : memref<1x128xf32, #tpu.memory_space<vmem>> -> memref<128xf32, #tpu.memory_space<vmem>>
        %parallel_loop3A_502 = arith.constant 16 : index
        %parallel_loop3A_503 = tpu.vector_load %parallel_loop3A_501[%parallel_loop3A_502] {strides = array<i32>} : memref<128xf32, #tpu.memory_space<vmem>>, vector<16xf32>,
        %parallel_loop3A_504 = arith.addf %parallel_loop3A_498, %parallel_loop3A_503 : vector<16xf32>
        %parallel_loop3A_505 = arith.mulf %parallel_loop3A_504, %parallel_loop3A_476 : vector<16xf32>
        %parallel_loop3A_506 = arith.constant 0 : i32
        %parallel_loop3A_507 = tpu.memref_slice %arg20[%and3A_138, %parallel_loop3A_474, %parallel_loop3A_506] : memref<2x80x128xf32, #tpu.memory_space<vmem>> -> memref<1x1x128xf32, #tpu.memory_space<vmem>>
        %parallel_loop3A_508 = tpu.memref_squeeze %parallel_loop3A_507 : memref<1x1x128xf32, #tpu.memory_space<vmem>> -> memref<128xf32, #tpu.memory_space<vmem>>
        %parallel_loop3A_509 = arith.constant 16 : index
        %parallel_loop3A_510 = tpu.vector_load %parallel_loop3A_508[%parallel_loop3A_509] {strides = array<i32>} : memref<128xf32, #tpu.memory_space<vmem>>, vector<16xf32>,
        tpu.vector_store %parallel_loop3A_508[%parallel_loop3A_509], %parallel_loop3A_505 {strides = array<i32>} : memref<128xf32, #tpu.memory_space<vmem>>, vector<16xf32>,
        %parallel_loop3A_511 = arith.constant 0 : i32
        %parallel_loop3A_512 = tpu.memref_slice %arg18[%parallel_loop3A_474, %parallel_loop3A_511] : memref<80x128xf32, #tpu.memory_space<vmem>> -> memref<1x128xf32, #tpu.memory_space<vmem>>
        %parallel_loop3A_513 = tpu.memref_squeeze %parallel_loop3A_512 : memref<1x128xf32, #tpu.memory_space<vmem>> -> memref<128xf32, #tpu.memory_space<vmem>>
        %parallel_loop3A_514 = arith.constant 32 : index
        %parallel_loop3A_515 = tpu.vector_load %parallel_loop3A_513[%parallel_loop3A_514] {strides = array<i32>} : memref<128xf32, #tpu.memory_space<vmem>>, vector<16xf32>,
        %parallel_loop3A_516 = arith.constant 0 : i32
        %parallel_loop3A_517 = tpu.memref_slice %arg19[%parallel_loop3A_474, %parallel_loop3A_516] : memref<80x128xf32, #tpu.memory_space<vmem>> -> memref<1x128xf32, #tpu.memory_space<vmem>>
        %parallel_loop3A_518 = tpu.memref_squeeze %parallel_loop3A_517 : memref<1x128xf32, #tpu.memory_space<vmem>> -> memref<128xf32, #tpu.memory_space<vmem>>
        %parallel_loop3A_519 = arith.constant 32 : index
        %parallel_loop3A_520 = tpu.vector_load %parallel_loop3A_518[%parallel_loop3A_519] {strides = array<i32>} : memref<128xf32, #tpu.memory_space<vmem>>, vector<16xf32>,
        %parallel_loop3A_521 = arith.addf %parallel_loop3A_515, %parallel_loop3A_520 : vector<16xf32>
        %parallel_loop3A_522 = arith.mulf %parallel_loop3A_521, %parallel_loop3A_476 : vector<16xf32>
        %parallel_loop3A_523 = arith.constant 0 : i32
        %parallel_loop3A_524 = tpu.memref_slice %arg20[%and3A_138, %parallel_loop3A_474, %parallel_loop3A_523] : memref<2x80x128xf32, #tpu.memory_space<vmem>> -> memref<1x1x128xf32, #tpu.memory_space<vmem>>
        %parallel_loop3A_525 = tpu.memref_squeeze %parallel_loop3A_524 : memref<1x1x128xf32, #tpu.memory_space<vmem>> -> memref<128xf32, #tpu.memory_space<vmem>>
        %parallel_loop3A_526 = arith.constant 32 : index
        %parallel_loop3A_527 = tpu.vector_load %parallel_loop3A_525[%parallel_loop3A_526] {strides = array<i32>} : memref<128xf32, #tpu.memory_space<vmem>>, vector<16xf32>,
        tpu.vector_store %parallel_loop3A_525[%parallel_loop3A_526], %parallel_loop3A_522 {strides = array<i32>} : memref<128xf32, #tpu.memory_space<vmem>>, vector<16xf32>,
        %parallel_loop3A_528 = arith.constant 0 : i32
        %parallel_loop3A_529 = tpu.memref_slice %arg18[%parallel_loop3A_474, %parallel_loop3A_528] : memref<80x128xf32, #tpu.memory_space<vmem>> -> memref<1x128xf32, #tpu.memory_space<vmem>>
        %parallel_loop3A_530 = tpu.memref_squeeze %parallel_loop3A_529 : memref<1x128xf32, #tpu.memory_space<vmem>> -> memref<128xf32, #tpu.memory_space<vmem>>
        %parallel_loop3A_531 = arith.constant 48 : index
        %parallel_loop3A_532 = tpu.vector_load %parallel_loop3A_530[%parallel_loop3A_531] {strides = array<i32>} : memref<128xf32, #tpu.memory_space<vmem>>, vector<16xf32>,
        %parallel_loop3A_533 = arith.constant 0 : i32
        %parallel_loop3A_534 = tpu.memref_slice %arg19[%parallel_loop3A_474, %parallel_loop3A_533] : memref<80x128xf32, #tpu.memory_space<vmem>> -> memref<1x128xf32, #tpu.memory_space<vmem>>
        %parallel_loop3A_535 = tpu.memref_squeeze %parallel_loop3A_534 : memref<1x128xf32, #tpu.memory_space<vmem>> -> memref<128xf32, #tpu.memory_space<vmem>>
        %parallel_loop3A_536 = arith.constant 48 : index
        %parallel_loop3A_537 = tpu.vector_load %parallel_loop3A_535[%parallel_loop3A_536] {strides = array<i32>} : memref<128xf32, #tpu.memory_space<vmem>>, vector<16xf32>,
        %parallel_loop3A_538 = arith.addf %parallel_loop3A_532, %parallel_loop3A_537 : vector<16xf32>
        %parallel_loop3A_539 = arith.mulf %parallel_loop3A_538, %parallel_loop3A_476 : vector<16xf32>
        %parallel_loop3A_540 = arith.constant 0 : i32
        %parallel_loop3A_541 = tpu.memref_slice %arg20[%and3A_138, %parallel_loop3A_474, %parallel_loop3A_540] : memref<2x80x128xf32, #tpu.memory_space<vmem>> -> memref<1x1x128xf32, #tpu.memory_space<vmem>>
        %parallel_loop3A_542 = tpu.memref_squeeze %parallel_loop3A_541 : memref<1x1x128xf32, #tpu.memory_space<vmem>> -> memref<128xf32, #tpu.memory_space<vmem>>
        %parallel_loop3A_543 = arith.constant 48 : index
        %parallel_loop3A_544 = tpu.vector_load %parallel_loop3A_542[%parallel_loop3A_543] {strides = array<i32>} : memref<128xf32, #tpu.memory_space<vmem>>, vector<16xf32>,
        tpu.vector_store %parallel_loop3A_542[%parallel_loop3A_543], %parallel_loop3A_539 {strides = array<i32>} : memref<128xf32, #tpu.memory_space<vmem>>, vector<16xf32>,
        %parallel_loop3A_545 = arith.constant 0 : i32
        %parallel_loop3A_546 = tpu.memref_slice %arg18[%parallel_loop3A_474, %parallel_loop3A_545] : memref<80x128xf32, #tpu.memory_space<vmem>> -> memref<1x128xf32, #tpu.memory_space<vmem>>
        %parallel_loop3A_547 = tpu.memref_squeeze %parallel_loop3A_546 : memref<1x128xf32, #tpu.memory_space<vmem>> -> memref<128xf32, #tpu.memory_space<vmem>>
        %parallel_loop3A_548 = arith.constant 64 : index
        %parallel_loop3A_549 = tpu.vector_load %parallel_loop3A_547[%parallel_loop3A_548] {strides = array<i32>} : memref<128xf32, #tpu.memory_space<vmem>>, vector<16xf32>,
        %parallel_loop3A_550 = arith.constant 0 : i32
        %parallel_loop3A_551 = tpu.memref_slice %arg19[%parallel_loop3A_474, %parallel_loop3A_550] : memref<80x128xf32, #tpu.memory_space<vmem>> -> memref<1x128xf32, #tpu.memory_space<vmem>>
        %parallel_loop3A_552 = tpu.memref_squeeze %parallel_loop3A_551 : memref<1x128xf32, #tpu.memory_space<vmem>> -> memref<128xf32, #tpu.memory_space<vmem>>
        %parallel_loop3A_553 = arith.constant 64 : index
        %parallel_loop3A_554 = tpu.vector_load %parallel_loop3A_552[%parallel_loop3A_553] {strides = array<i32>} : memref<128xf32, #tpu.memory_space<vmem>>, vector<16xf32>,
        %parallel_loop3A_555 = arith.addf %parallel_loop3A_549, %parallel_loop3A_554 : vector<16xf32>
        %parallel_loop3A_556 = arith.mulf %parallel_loop3A_555, %parallel_loop3A_476 : vector<16xf32>
        %parallel_loop3A_557 = arith.constant 0 : i32
        %parallel_loop3A_558 = tpu.memref_slice %arg20[%and3A_138, %parallel_loop3A_474, %parallel_loop3A_557] : memref<2x80x128xf32, #tpu.memory_space<vmem>> -> memref<1x1x128xf32, #tpu.memory_space<vmem>>
        %parallel_loop3A_559 = tpu.memref_squeeze %parallel_loop3A_558 : memref<1x1x128xf32, #tpu.memory_space<vmem>> -> memref<128xf32, #tpu.memory_space<vmem>>
        %parallel_loop3A_560 = arith.constant 64 : index
        %parallel_loop3A_561 = tpu.vector_load %parallel_loop3A_559[%parallel_loop3A_560] {strides = array<i32>} : memref<128xf32, #tpu.memory_space<vmem>>, vector<16xf32>,
        tpu.vector_store %parallel_loop3A_559[%parallel_loop3A_560], %parallel_loop3A_556 {strides = array<i32>} : memref<128xf32, #tpu.memory_space<vmem>>, vector<16xf32>,
        %parallel_loop3A_562 = arith.constant 0 : i32
        %parallel_loop3A_563 = tpu.memref_slice %arg18[%parallel_loop3A_474, %parallel_loop3A_562] : memref<80x128xf32, #tpu.memory_space<vmem>> -> memref<1x128xf32, #tpu.memory_space<vmem>>
        %parallel_loop3A_564 = tpu.memref_squeeze %parallel_loop3A_563 : memref<1x128xf32, #tpu.memory_space<vmem>> -> memref<128xf32, #tpu.memory_space<vmem>>
        %parallel_loop3A_565 = arith.constant 80 : index
        %parallel_loop3A_566 = tpu.vector_load %parallel_loop3A_564[%parallel_loop3A_565] {strides = array<i32>} : memref<128xf32, #tpu.memory_space<vmem>>, vector<16xf32>,
        %parallel_loop3A_567 = arith.constant 0 : i32
        %parallel_loop3A_568 = tpu.memref_slice %arg19[%parallel_loop3A_474, %parallel_loop3A_567] : memref<80x128xf32, #tpu.memory_space<vmem>> -> memref<1x128xf32, #tpu.memory_space<vmem>>
        %parallel_loop3A_569 = tpu.memref_squeeze %parallel_loop3A_568 : memref<1x128xf32, #tpu.memory_space<vmem>> -> memref<128xf32, #tpu.memory_space<vmem>>
        %parallel_loop3A_570 = arith.constant 80 : index
        %parallel_loop3A_571 = tpu.vector_load %parallel_loop3A_569[%parallel_loop3A_570] {strides = array<i32>} : memref<128xf32, #tpu.memory_space<vmem>>, vector<16xf32>,
        %parallel_loop3A_572 = arith.addf %parallel_loop3A_566, %parallel_loop3A_571 : vector<16xf32>
        %parallel_loop3A_573 = arith.mulf %parallel_loop3A_572, %parallel_loop3A_476 : vector<16xf32>
        %parallel_loop3A_574 = arith.constant 0 : i32
        %parallel_loop3A_575 = tpu.memref_slice %arg20[%and3A_138, %parallel_loop3A_474, %parallel_loop3A_574] : memref<2x80x128xf32, #tpu.memory_space<vmem>> -> memref<1x1x128xf32, #tpu.memory_space<vmem>>
        %parallel_loop3A_576 = tpu.memref_squeeze %parallel_loop3A_575 : memref<1x1x128xf32, #tpu.memory_space<vmem>> -> memref<128xf32, #tpu.memory_space<vmem>>
        %parallel_loop3A_577 = arith.constant 80 : index
        %parallel_loop3A_578 = tpu.vector_load %parallel_loop3A_576[%parallel_loop3A_577] {strides = array<i32>} : memref<128xf32, #tpu.memory_space<vmem>>, vector<16xf32>,
        tpu.vector_store %parallel_loop3A_576[%parallel_loop3A_577], %parallel_loop3A_573 {strides = array<i32>} : memref<128xf32, #tpu.memory_space<vmem>>, vector<16xf32>,
        %parallel_loop3A_579 = arith.constant 0 : i32
        %parallel_loop3A_580 = tpu.memref_slice %arg18[%parallel_loop3A_474, %parallel_loop3A_579] : memref<80x128xf32, #tpu.memory_space<vmem>> -> memref<1x128xf32, #tpu.memory_space<vmem>>
        %parallel_loop3A_581 = tpu.memref_squeeze %parallel_loop3A_580 : memref<1x128xf32, #tpu.memory_space<vmem>> -> memref<128xf32, #tpu.memory_space<vmem>>
        %parallel_loop3A_582 = arith.constant 96 : index
        %parallel_loop3A_583 = tpu.vector_load %parallel_loop3A_581[%parallel_loop3A_582] {strides = array<i32>} : memref<128xf32, #tpu.memory_space<vmem>>, vector<16xf32>,
        %parallel_loop3A_584 = arith.constant 0 : i32
        %parallel_loop3A_585 = tpu.memref_slice %arg19[%parallel_loop3A_474, %parallel_loop3A_584] : memref<80x128xf32, #tpu.memory_space<vmem>> -> memref<1x128xf32, #tpu.memory_space<vmem>>
        %parallel_loop3A_586 = tpu.memref_squeeze %parallel_loop3A_585 : memref<1x128xf32, #tpu.memory_space<vmem>> -> memref<128xf32, #tpu.memory_space<vmem>>
        %parallel_loop3A_587 = arith.constant 96 : index
        %parallel_loop3A_588 = tpu.vector_load %parallel_loop3A_586[%parallel_loop3A_587] {strides = array<i32>} : memref<128xf32, #tpu.memory_space<vmem>>, vector<16xf32>,
        %parallel_loop3A_589 = arith.addf %parallel_loop3A_583, %parallel_loop3A_588 : vector<16xf32>
        %parallel_loop3A_590 = arith.mulf %parallel_loop3A_589, %parallel_loop3A_476 : vector<16xf32>
        %parallel_loop3A_591 = arith.constant 0 : i32
        %parallel_loop3A_592 = tpu.memref_slice %arg20[%and3A_138, %parallel_loop3A_474, %parallel_loop3A_591] : memref<2x80x128xf32, #tpu.memory_space<vmem>> -> memref<1x1x128xf32, #tpu.memory_space<vmem>>
        %parallel_loop3A_593 = tpu.memref_squeeze %parallel_loop3A_592 : memref<1x1x128xf32, #tpu.memory_space<vmem>> -> memref<128xf32, #tpu.memory_space<vmem>>
        %parallel_loop3A_594 = arith.constant 96 : index
        %parallel_loop3A_595 = tpu.vector_load %parallel_loop3A_593[%parallel_loop3A_594] {strides = array<i32>} : memref<128xf32, #tpu.memory_space<vmem>>, vector<16xf32>,
        tpu.vector_store %parallel_loop3A_593[%parallel_loop3A_594], %parallel_loop3A_590 {strides = array<i32>} : memref<128xf32, #tpu.memory_space<vmem>>, vector<16xf32>,
        %parallel_loop3A_596 = arith.constant 0 : i32
        %parallel_loop3A_597 = tpu.memref_slice %arg18[%parallel_loop3A_474, %parallel_loop3A_596] : memref<80x128xf32, #tpu.memory_space<vmem>> -> memref<1x128xf32, #tpu.memory_space<vmem>>
        %parallel_loop3A_598 = tpu.memref_squeeze %parallel_loop3A_597 : memref<1x128xf32, #tpu.memory_space<vmem>> -> memref<128xf32, #tpu.memory_space<vmem>>
        %parallel_loop3A_599 = arith.constant 112 : index
        %parallel_loop3A_600 = tpu.vector_load %parallel_loop3A_598[%parallel_loop3A_599] {strides = array<i32>} : memref<128xf32, #tpu.memory_space<vmem>>, vector<16xf32>,
        %parallel_loop3A_601 = arith.constant 0 : i32
        %parallel_loop3A_602 = tpu.memref_slice %arg19[%parallel_loop3A_474, %parallel_loop3A_601] : memref<80x128xf32, #tpu.memory_space<vmem>> -> memref<1x128xf32, #tpu.memory_space<vmem>>
        %parallel_loop3A_603 = tpu.memref_squeeze %parallel_loop3A_602 : memref<1x128xf32, #tpu.memory_space<vmem>> -> memref<128xf32, #tpu.memory_space<vmem>>
        %parallel_loop3A_604 = arith.constant 112 : index
        %parallel_loop3A_605 = tpu.vector_load %parallel_loop3A_603[%parallel_loop3A_604] {strides = array<i32>} : memref<128xf32, #tpu.memory_space<vmem>>, vector<16xf32>,
        %parallel_loop3A_606 = arith.addf %parallel_loop3A_600, %parallel_loop3A_605 : vector<16xf32>
        %parallel_loop3A_607 = arith.mulf %parallel_loop3A_606, %parallel_loop3A_476 : vector<16xf32>
        %parallel_loop3A_608 = arith.constant 0 : i32
        %parallel_loop3A_609 = tpu.memref_slice %arg20[%and3A_138, %parallel_loop3A_474, %parallel_loop3A_608] : memref<2x80x128xf32, #tpu.memory_space<vmem>> -> memref<1x1x128xf32, #tpu.memory_space<vmem>>
        %parallel_loop3A_610 = tpu.memref_squeeze %parallel_loop3A_609 : memref<1x1x128xf32, #tpu.memory_space<vmem>> -> memref<128xf32, #tpu.memory_space<vmem>>
        %parallel_loop3A_611 = arith.constant 112 : index
        %parallel_loop3A_612 = tpu.vector_load %parallel_loop3A_610[%parallel_loop3A_611] {strides = array<i32>} : memref<128xf32, #tpu.memory_space<vmem>>, vector<16xf32>,
        tpu.vector_store %parallel_loop3A_610[%parallel_loop3A_611], %parallel_loop3A_607 {strides = array<i32>} : memref<128xf32, #tpu.memory_space<vmem>>, vector<16xf32>,
      } {sc.loop_unroll_factor = 4 : i64, sc.parallel_access}
      "tpu.trace_stop"() : () -> ()
      %dma_start3A_464 = arith.constant 0 : i32
      %dma_start3A_465 = arith.constant 0 : i32
      %dma_start3A_466 = tpu.memref_slice %arg20[%and3A_138, %dma_start3A_464, %dma_start3A_465] : memref<2x80x128xf32, #tpu.memory_space<vmem>> -> memref<1x80x128xf32, #tpu.memory_space<vmem>>
      %dma_start3A_467 = tpu.memref_squeeze %dma_start3A_466 : memref<1x80x128xf32, #tpu.memory_space<vmem>> -> memref<80x128xf32, #tpu.memory_space<vmem>>
      %dma_start3A_468 = arith.constant 0 : i32
      %dma_start3A_469 = tpu.memref_slice %arg14[%and3A_138, %dma_start3A_468] : memref<2x80xi32, #tpu.memory_space<vmem>> -> memref<1x80xi32, #tpu.memory_space<vmem>>
      %dma_start3A_470 = tpu.memref_squeeze %dma_start3A_469 : memref<1x80xi32, #tpu.memory_space<vmem>> -> memref<80xi32, #tpu.memory_space<vmem>>
      %dma_start3A_471 = arith.constant 0 : i32
      %dma_start3A_472 = arith.constant 0 : i32
      %dma_start3A_473 = tpu.memref_slice %arg23[%dma_start3A_471, %dma_start3A_472] : memref<5000x128xf32, #tpu.memory_space<vmem_shared>> -> memref<5000x128xf32, #tpu.memory_space<vmem_shared>>
      tpu.enqueue_indirect_dma source(%dma_start3A_467 : memref<80x128xf32, #tpu.memory_space<vmem>>) target(%dma_start3A_473 : memref<5000x128xf32, #tpu.memory_space<vmem_shared>>) offsets(%dma_start3A_470 : memref<80xi32, #tpu.memory_space<vmem>>) semaphore(%arg28 : memref<!tpu.dma_semaphore, #tpu.memory_space<semaphore_mem>>) {add = true}
      scf.yield %cond3A_159#0, %cond3A_159#1, %and3A_174, %squeeze3A : i32, i32, i32, i32
    }
    %while3A_118 = arith.constant 1 : i32
    %while3A_119:4 = scf.for %while3A_132 = %while3A_115 to %while3A_111 step %while3A_118 iter_args(%while3A_133 = %while3A_117#0, %while3A_134 = %while3A_117#1, %while3A_135 = %while3A_117#2, %while3A_136 = %while3A_117#3) -> (i32, i32, i32, i32)  : i32 {
      %and3A_137 = arith.constant 1 : i32
      %and3A_138 = arith.andi %while3A_132, %and3A_137 : i32
      %dma_start3A = arith.constant 0 : i32
      %dma_start3A_139 = tpu.memref_slice %arg11[%and3A_138, %dma_start3A] : memref<2x80xi32, #tpu.memory_space<vmem>> -> memref<1x80xi32, #tpu.memory_space<vmem>>
      %dma_start3A_140 = tpu.memref_squeeze %dma_start3A_139 : memref<1x80xi32, #tpu.memory_space<vmem>> -> memref<80xi32, #tpu.memory_space<vmem>>
      %dma_start3A_141 = arith.constant 0 : i32
      %dma_start3A_142 = arith.constant 0 : i32
      %dma_start3A_143 = tpu.memref_slice %arg2[%dma_start3A_141, %dma_start3A_142] : memref<10000x128xf32, #tpu.memory_space<hbm>> -> memref<10000x128xf32, #tpu.memory_space<hbm>>
      tpu.enqueue_indirect_dma source(%dma_start3A_143 : memref<10000x128xf32, #tpu.memory_space<hbm>>) target(%arg18 : memref<80x128xf32, #tpu.memory_space<vmem>>) offsets(%dma_start3A_140 : memref<80xi32, #tpu.memory_space<vmem>>) semaphore(%arg24 : memref<!tpu.dma_semaphore, #tpu.memory_space<semaphore_mem>>)
      %dma_start3A_144 = arith.constant 0 : i32
      %dma_start3A_145 = tpu.memref_slice %arg12[%and3A_138, %dma_start3A_144] : memref<2x80xi32, #tpu.memory_space<vmem>> -> memref<1x80xi32, #tpu.memory_space<vmem>>
      %dma_start3A_146 = tpu.memref_squeeze %dma_start3A_145 : memref<1x80xi32, #tpu.memory_space<vmem>> -> memref<80xi32, #tpu.memory_space<vmem>>
      %dma_start3A_147 = arith.constant 0 : i32
      %dma_start3A_148 = arith.constant 0 : i32
      %dma_start3A_149 = tpu.memref_slice %arg2[%dma_start3A_147, %dma_start3A_148] : memref<10000x128xf32, #tpu.memory_space<hbm>> -> memref<10000x128xf32, #tpu.memory_space<hbm>>
      tpu.enqueue_indirect_dma source(%dma_start3A_149 : memref<10000x128xf32, #tpu.memory_space<hbm>>) target(%arg19 : memref<80x128xf32, #tpu.memory_space<vmem>>) offsets(%dma_start3A_146 : memref<80xi32, #tpu.memory_space<vmem>>) semaphore(%arg25 : memref<!tpu.dma_semaphore, #tpu.memory_space<semaphore_mem>>)
      %get3A = arith.constant 0 : i32
      %get3A_150 = tpu.memref_slice %arg10[%and3A_138, %get3A] : memref<2x80xi32, #tpu.memory_space<vmem>> -> memref<1x80xi32, #tpu.memory_space<vmem>>
      %get3A_151 = tpu.memref_squeeze %get3A_150 : memref<1x80xi32, #tpu.memory_space<vmem>> -> memref<80xi32, #tpu.memory_space<vmem>>
      %get3A_152 = arith.constant 64 : index
      %get3A_153 = tpu.vector_load %get3A_151[%get3A_152] {strides = array<i32>} : memref<80xi32, #tpu.memory_space<vmem>>, vector<16xi32>,
      %slice3A = vector.extract_strided_slice %get3A_153 {offsets = [15], sizes = [1], strides = [1]} : vector<16xi32> to vector<1xi32>
      %squeeze3A = vector.extract %slice3A[0] : i32 from vector<1xi32>
      %add3A_154 = arith.constant 1 : i32
      %add3A_155 = arith.addi %while3A_132, %add3A_154 : i32
      %lt3A = arith.cmpi slt, %add3A_155, %select_n3A_94 : i32
      %convert_element_type3A_156 = arith.extui %lt3A : i1 to i32
      %cond3A_157 = arith.constant 0 : i32
      %cond3A_158 = arith.cmpi ne, %convert_element_type3A_156, %cond3A_157 : i32
      %cond3A_159:2 = scf.if %cond3A_158 -> (i32, i32) {
        "tpu.trace_start"() <{level = 10 : i32, message = "phase_idxwait"}> : () -> ()
        %add3A_474 = arith.constant 1 : i32
        %add3A_475 = arith.addi %while3A_132, %add3A_474 : i32
        %and3A_476 = arith.constant 1 : i32
        %and3A_477 = arith.andi %add3A_475, %and3A_476 : i32
        %mul3A_478 = arith.constant 80 : i32
        %mul3A_479 = arith.muli %add3A_475, %mul3A_478 : i32
        %add3A_480 = arith.addi %shift_left3A_53, %mul3A_479 : i32
        %min3A_481 = arith.constant 159920 : i32
        %min3A_482 = arith.minsi %add3A_480, %min3A_481 : i32
        %multiple_of3A_483 = tpu.assume_multiple %min3A_482, 8 : i32
        %dma_wait3A_484 = arith.constant 0 : i32
        %dma_wait3A_485 = tpu.memref_slice %arg10[%and3A_477, %dma_wait3A_484] : memref<2x80xi32, #tpu.memory_space<vmem>> -> memref<1x80xi32, #tpu.memory_space<vmem>>
        %dma_wait3A_486 = tpu.memref_squeeze %dma_wait3A_485 : memref<1x80xi32, #tpu.memory_space<vmem>> -> memref<80xi32, #tpu.memory_space<vmem>>
        %dma_wait3A_487 = tpu.memref_slice %arg5[%multiple_of3A_483] : memref<160000xi32, #tpu.memory_space<hbm>> -> memref<80xi32, #tpu.memory_space<hbm>>
        %dma_wait3A_488 = arith.constant 0 : i32
        %dma_wait3A_489 = tpu.memref_slice %arg10[%and3A_477, %dma_wait3A_488] : memref<2x80xi32, #tpu.memory_space<vmem>> -> memref<1x80xi32, #tpu.memory_space<vmem>>
        %dma_wait3A_490 = tpu.memref_squeeze %dma_wait3A_489 : memref<1x80xi32, #tpu.memory_space<vmem>> -> memref<80xi32, #tpu.memory_space<vmem>>
        %dma_wait3A_491 = tpu.memref_slice %arg5[%multiple_of3A_483] : memref<160000xi32, #tpu.memory_space<hbm>> -> memref<80xi32, #tpu.memory_space<hbm>>
        tpu.wait_dma2 semaphore(%arg26 : memref<!tpu.dma_semaphore, #tpu.memory_space<semaphore_mem>>) src(%dma_wait3A_491 : memref<80xi32, #tpu.memory_space<hbm>>) dst(%dma_wait3A_490 : memref<80xi32, #tpu.memory_space<vmem>>)
        %dma_wait3A_492 = arith.constant 0 : i32
        %dma_wait3A_493 = tpu.memref_slice %arg11[%and3A_477, %dma_wait3A_492] : memref<2x80xi32, #tpu.memory_space<vmem>> -> memref<1x80xi32, #tpu.memory_space<vmem>>
        %dma_wait3A_494 = tpu.memref_squeeze %dma_wait3A_493 : memref<1x80xi32, #tpu.memory_space<vmem>> -> memref<80xi32, #tpu.memory_space<vmem>>
        %dma_wait3A_495 = tpu.memref_slice %arg6[%multiple_of3A_483] : memref<160000xi32, #tpu.memory_space<hbm>> -> memref<80xi32, #tpu.memory_space<hbm>>
        %dma_wait3A_496 = arith.constant 0 : i32
        %dma_wait3A_497 = tpu.memref_slice %arg11[%and3A_477, %dma_wait3A_496] : memref<2x80xi32, #tpu.memory_space<vmem>> -> memref<1x80xi32, #tpu.memory_space<vmem>>
        %dma_wait3A_498 = tpu.memref_squeeze %dma_wait3A_497 : memref<1x80xi32, #tpu.memory_space<vmem>> -> memref<80xi32, #tpu.memory_space<vmem>>
        %dma_wait3A_499 = tpu.memref_slice %arg6[%multiple_of3A_483] : memref<160000xi32, #tpu.memory_space<hbm>> -> memref<80xi32, #tpu.memory_space<hbm>>
        tpu.wait_dma2 semaphore(%arg26 : memref<!tpu.dma_semaphore, #tpu.memory_space<semaphore_mem>>) src(%dma_wait3A_499 : memref<80xi32, #tpu.memory_space<hbm>>) dst(%dma_wait3A_498 : memref<80xi32, #tpu.memory_space<vmem>>)
        %dma_wait3A_500 = arith.constant 0 : i32
        %dma_wait3A_501 = tpu.memref_slice %arg12[%and3A_477, %dma_wait3A_500] : memref<2x80xi32, #tpu.memory_space<vmem>> -> memref<1x80xi32, #tpu.memory_space<vmem>>
        %dma_wait3A_502 = tpu.memref_squeeze %dma_wait3A_501 : memref<1x80xi32, #tpu.memory_space<vmem>> -> memref<80xi32, #tpu.memory_space<vmem>>
        %dma_wait3A_503 = tpu.memref_slice %arg7[%multiple_of3A_483] : memref<160000xi32, #tpu.memory_space<hbm>> -> memref<80xi32, #tpu.memory_space<hbm>>
        %dma_wait3A_504 = arith.constant 0 : i32
        %dma_wait3A_505 = tpu.memref_slice %arg12[%and3A_477, %dma_wait3A_504] : memref<2x80xi32, #tpu.memory_space<vmem>> -> memref<1x80xi32, #tpu.memory_space<vmem>>
        %dma_wait3A_506 = tpu.memref_squeeze %dma_wait3A_505 : memref<1x80xi32, #tpu.memory_space<vmem>> -> memref<80xi32, #tpu.memory_space<vmem>>
        %dma_wait3A_507 = tpu.memref_slice %arg7[%multiple_of3A_483] : memref<160000xi32, #tpu.memory_space<hbm>> -> memref<80xi32, #tpu.memory_space<hbm>>
        tpu.wait_dma2 semaphore(%arg26 : memref<!tpu.dma_semaphore, #tpu.memory_space<semaphore_mem>>) src(%dma_wait3A_507 : memref<80xi32, #tpu.memory_space<hbm>>) dst(%dma_wait3A_506 : memref<80xi32, #tpu.memory_space<vmem>>)
        %dma_wait3A_508 = arith.constant 0 : i32
        %dma_wait3A_509 = tpu.memref_slice %arg13[%and3A_477, %dma_wait3A_508] : memref<2x80xf32, #tpu.memory_space<vmem>> -> memref<1x80xf32, #tpu.memory_space<vmem>>
        %dma_wait3A_510 = tpu.memref_squeeze %dma_wait3A_509 : memref<1x80xf32, #tpu.memory_space<vmem>> -> memref<80xf32, #tpu.memory_space<vmem>>
        %dma_wait3A_511 = tpu.memref_slice %arg4[%multiple_of3A_483] : memref<160000xf32, #tpu.memory_space<hbm>> -> memref<80xf32, #tpu.memory_space<hbm>>
        %dma_wait3A_512 = arith.constant 0 : i32
        %dma_wait3A_513 = tpu.memref_slice %arg13[%and3A_477, %dma_wait3A_512] : memref<2x80xf32, #tpu.memory_space<vmem>> -> memref<1x80xf32, #tpu.memory_space<vmem>>
        %dma_wait3A_514 = tpu.memref_squeeze %dma_wait3A_513 : memref<1x80xf32, #tpu.memory_space<vmem>> -> memref<80xf32, #tpu.memory_space<vmem>>
        %dma_wait3A_515 = tpu.memref_slice %arg4[%multiple_of3A_483] : memref<160000xf32, #tpu.memory_space<hbm>> -> memref<80xf32, #tpu.memory_space<hbm>>
        tpu.wait_dma2 semaphore(%arg26 : memref<!tpu.dma_semaphore, #tpu.memory_space<semaphore_mem>>) src(%dma_wait3A_515 : memref<80xf32, #tpu.memory_space<hbm>>) dst(%dma_wait3A_514 : memref<80xf32, #tpu.memory_space<vmem>>)
        "tpu.trace_stop"() : () -> ()
        %sub3A_516 = arith.constant 1 : i32
        %sub3A_517 = arith.subi %sub3A_516, %and3A_138 : i32
        %get3A_518 = arith.index_cast %sub3A_517 : i32 to index
        %get3A_519 = arith.constant 0 : index
        %get3A_520 = tpu.vector_load %arg10[%get3A_518, %get3A_519] {strides = array<i32>} : memref<2x80xi32, #tpu.memory_space<vmem>>, vector<16xi32>,
        %slice3A_521 = vector.extract_strided_slice %get3A_520 {offsets = [0], sizes = [1], strides = [1]} : vector<16xi32> to vector<1xi32>
        %squeeze3A_522 = vector.extract %slice3A_521[0] : i32 from vector<1xi32>
        %mul3A_523 = arith.constant 80 : i32
        %mul3A_524 = arith.muli %while3A_132, %mul3A_523 : i32
        %add3A_525 = arith.addi %shift_left3A_53, %mul3A_524 : i32
        %min3A_526 = arith.constant 159920 : i32
        %min3A_527 = arith.minsi %add3A_525, %min3A_526 : i32
        %add3A_528 = arith.constant 1 : i32
        %add3A_529 = arith.addi %while3A_132, %add3A_528 : i32
        %mul3A_530 = arith.constant 80 : i32
        %mul3A_531 = arith.muli %add3A_529, %mul3A_530 : i32
        %add3A_532 = arith.addi %shift_left3A_53, %mul3A_531 : i32
        %min3A_533 = arith.constant 159920 : i32
        %min3A_534 = arith.minsi %add3A_532, %min3A_533 : i32
        %add3A_535 = arith.constant 80 : i32
        %add3A_536 = arith.addi %min3A_527, %add3A_535 : i32
        %eq3A_537 = arith.cmpi eq, %min3A_534, %add3A_536 : i32
        %eq3A_538 = arith.cmpi eq, %squeeze3A_522, %squeeze3A : i32
        %and3A_539 = arith.andi %eq3A_537, %eq3A_538 : i1
        %jit3A_540 = arith.constant 1 : i32
        %jit3A_541 = arith.constant 0 : i32
        %select_n3A_542 = arith.select %and3A_539, %jit3A_540, %jit3A_541 : i32
        %add3A_543 = arith.constant 1 : i32
        %add3A_544 = arith.addi %while3A_132, %add3A_543 : i32
        %and3A_545 = arith.constant 1 : i32
        %and3A_546 = arith.andi %add3A_544, %and3A_545 : i32
        %get3A_547 = arith.index_cast %and3A_546 : i32 to index
        %get3A_548 = arith.constant 0 : index
        %get3A_549 = tpu.vector_load %arg10[%get3A_547, %get3A_548] {strides = array<i32>} : memref<2x80xi32, #tpu.memory_space<vmem>>, vector<16xi32>,
        %sub3A_550 = arith.constant 1 : i32
        %sub3A_551 = vector.broadcast %sub3A_550 : i32 to vector<16xi32>
        %sub3A_552 = arith.subi %iota3A, %sub3A_551 : vector<16xi32>
        %max3A_553 = arith.constant 0 : i32
        %max3A_554 = vector.broadcast %max3A_553 : i32 to vector<16xi32>
        %max3A_555 = arith.maxsi %sub3A_552, %max3A_554 : vector<16xi32>
        %gather3A = arith.constant 0 : i32
        %gather3A_556 = tpu.memref_slice %arg10[%and3A_546, %gather3A] : memref<2x80xi32, #tpu.memory_space<vmem>> -> memref<1x80xi32, #tpu.memory_space<vmem>>
        %gather3A_557 = tpu.memref_squeeze %gather3A_556 : memref<1x80xi32, #tpu.memory_space<vmem>> -> memref<80xi32, #tpu.memory_space<vmem>>
        %gather3A_558 = tpu.vector_load_idx %gather3A_557[%max3A_555] : memref<80xi32, #tpu.memory_space<vmem>>[vector<16xi32>], vector<16xi32>,
        %ne3A_559 = arith.cmpi ne, %get3A_549, %gather3A_558 : vector<16xi32>
        %eq3A_560 = arith.constant 0 : i32
        %eq3A_561 = vector.broadcast %eq3A_560 : i32 to vector<16xi32>
        %eq3A_562 = arith.cmpi eq, %iota3A, %eq3A_561 : vector<16xi32>
        %eq3A_563 = arith.constant 0 : i32
        %eq3A_564 = arith.cmpi eq, %select_n3A_542, %eq3A_563 : i32
        %and3A_565 = vector.broadcast %eq3A_564 : i1 to vector<16xi1>
        %and3A_566 = arith.andi %eq3A_562, %and3A_565 : vector<16xi1>
        %or3A = arith.ori %ne3A_559, %and3A_566 : vector<16xi1>
        %swap3A_567 = arith.constant 0 : i32
        %swap3A_568 = arith.index_cast %and3A_546 : i32 to index
        %swap3A_569 = arith.index_cast %swap3A_567 : i32 to index
        %swap3A_570 = tpu.vector_load %arg15[%swap3A_568, %swap3A_569] masked %or3A {strides = array<i32>} : memref<2x96xi32, #tpu.memory_space<vmem>>, vector<16xi32>, vector<16xi1>
        tpu.vector_store %arg15[%swap3A_568, %swap3A_569], %get3A_549 masked %or3A {strides = array<i32>} : memref<2x96xi32, #tpu.memory_space<vmem>>, vector<16xi32>, vector<16xi1>
        %all_reduce_population_count3A = tpu.all_reduce %or3A {dim = 0 : i64, kind = #tpu.reduction_kind<sum>} : vector<16xi1> -> vector<16xi32>
        %slice3A_571 = vector.extract_strided_slice %all_reduce_population_count3A {offsets = [0], sizes = [1], strides = [1]} : vector<16xi32> to vector<1xi32>
        %squeeze3A_572 = vector.extract %slice3A_571[0] : i32 from vector<1xi32>
        %add3A_573 = arith.constant 0 : i32
        %add3A_574 = arith.addi %add3A_573, %squeeze3A_572 : i32
        %get3A_575 = arith.index_cast %and3A_546 : i32 to index
        %get3A_576 = arith.constant 16 : index
        %get3A_577 = tpu.vector_load %arg10[%get3A_575, %get3A_576] {strides = array<i32>} : memref<2x80xi32, #tpu.memory_space<vmem>>, vector<16xi32>,
        %get3A_578 = arith.index_cast %and3A_546 : i32 to index
        %get3A_579 = arith.constant 15 : index
        %get3A_580 = tpu.vector_load %arg10[%get3A_578, %get3A_579] {strides = array<i32>} : memref<2x80xi32, #tpu.memory_space<vmem>>, vector<16xi32>,
        %ne3A_581 = arith.cmpi ne, %get3A_577, %get3A_580 : vector<16xi32>
        %swap3A_582 = arith.index_cast %and3A_546 : i32 to index
        %swap3A_583 = arith.index_cast %add3A_574 : i32 to index
        %swap3A_584 = tpu.vector_load %arg15[%swap3A_582, %swap3A_583] masked %ne3A_581 {strides = array<i32>} : memref<2x96xi32, #tpu.memory_space<vmem>>, vector<16xi32>, vector<16xi1>
        tpu.vector_store %arg15[%swap3A_582, %swap3A_583], %get3A_577 masked %ne3A_581 {strides = array<i32>} : memref<2x96xi32, #tpu.memory_space<vmem>>, vector<16xi32>, vector<16xi1>
        %all_reduce_population_count3A_585 = tpu.all_reduce %ne3A_581 {dim = 0 : i64, kind = #tpu.reduction_kind<sum>} : vector<16xi1> -> vector<16xi32>
        %slice3A_586 = vector.extract_strided_slice %all_reduce_population_count3A_585 {offsets = [0], sizes = [1], strides = [1]} : vector<16xi32> to vector<1xi32>
        %squeeze3A_587 = vector.extract %slice3A_586[0] : i32 from vector<1xi32>
        %add3A_588 = arith.addi %add3A_574, %squeeze3A_587 : i32
        %get3A_589 = arith.index_cast %and3A_546 : i32 to index
        %get3A_590 = arith.constant 32 : index
        %get3A_591 = tpu.vector_load %arg10[%get3A_589, %get3A_590] {strides = array<i32>} : memref<2x80xi32, #tpu.memory_space<vmem>>, vector<16xi32>,
        %get3A_592 = arith.index_cast %and3A_546 : i32 to index
        %get3A_593 = arith.constant 31 : index
        %get3A_594 = tpu.vector_load %arg10[%get3A_592, %get3A_593] {strides = array<i32>} : memref<2x80xi32, #tpu.memory_space<vmem>>, vector<16xi32>,
        %ne3A_595 = arith.cmpi ne, %get3A_591, %get3A_594 : vector<16xi32>
        %swap3A_596 = arith.index_cast %and3A_546 : i32 to index
        %swap3A_597 = arith.index_cast %add3A_588 : i32 to index
        %swap3A_598 = tpu.vector_load %arg15[%swap3A_596, %swap3A_597] masked %ne3A_595 {strides = array<i32>} : memref<2x96xi32, #tpu.memory_space<vmem>>, vector<16xi32>, vector<16xi1>
        tpu.vector_store %arg15[%swap3A_596, %swap3A_597], %get3A_591 masked %ne3A_595 {strides = array<i32>} : memref<2x96xi32, #tpu.memory_space<vmem>>, vector<16xi32>, vector<16xi1>
        %all_reduce_population_count3A_599 = tpu.all_reduce %ne3A_595 {dim = 0 : i64, kind = #tpu.reduction_kind<sum>} : vector<16xi1> -> vector<16xi32>
        %slice3A_600 = vector.extract_strided_slice %all_reduce_population_count3A_599 {offsets = [0], sizes = [1], strides = [1]} : vector<16xi32> to vector<1xi32>
        %squeeze3A_601 = vector.extract %slice3A_600[0] : i32 from vector<1xi32>
        %add3A_602 = arith.addi %add3A_588, %squeeze3A_601 : i32
        %get3A_603 = arith.index_cast %and3A_546 : i32 to index
        %get3A_604 = arith.constant 48 : index
        %get3A_605 = tpu.vector_load %arg10[%get3A_603, %get3A_604] {strides = array<i32>} : memref<2x80xi32, #tpu.memory_space<vmem>>, vector<16xi32>,
        %get3A_606 = arith.index_cast %and3A_546 : i32 to index
        %get3A_607 = arith.constant 47 : index
        %get3A_608 = tpu.vector_load %arg10[%get3A_606, %get3A_607] {strides = array<i32>} : memref<2x80xi32, #tpu.memory_space<vmem>>, vector<16xi32>,
        %ne3A_609 = arith.cmpi ne, %get3A_605, %get3A_608 : vector<16xi32>
        %swap3A_610 = arith.index_cast %and3A_546 : i32 to index
        %swap3A_611 = arith.index_cast %add3A_602 : i32 to index
        %swap3A_612 = tpu.vector_load %arg15[%swap3A_610, %swap3A_611] masked %ne3A_609 {strides = array<i32>} : memref<2x96xi32, #tpu.memory_space<vmem>>, vector<16xi32>, vector<16xi1>
        tpu.vector_store %arg15[%swap3A_610, %swap3A_611], %get3A_605 masked %ne3A_609 {strides = array<i32>} : memref<2x96xi32, #tpu.memory_space<vmem>>, vector<16xi32>, vector<16xi1>
        %all_reduce_population_count3A_613 = tpu.all_reduce %ne3A_609 {dim = 0 : i64, kind = #tpu.reduction_kind<sum>} : vector<16xi1> -> vector<16xi32>
        %slice3A_614 = vector.extract_strided_slice %all_reduce_population_count3A_613 {offsets = [0], sizes = [1], strides = [1]} : vector<16xi32> to vector<1xi32>
        %squeeze3A_615 = vector.extract %slice3A_614[0] : i32 from vector<1xi32>
        %add3A_616 = arith.addi %add3A_602, %squeeze3A_615 : i32
        %get3A_617 = arith.index_cast %and3A_546 : i32 to index
        %get3A_618 = arith.constant 64 : index
        %get3A_619 = tpu.vector_load %arg10[%get3A_617, %get3A_618] {strides = array<i32>} : memref<2x80xi32, #tpu.memory_space<vmem>>, vector<16xi32>,
        %get3A_620 = arith.index_cast %and3A_546 : i32 to index
        %get3A_621 = arith.constant 63 : index
        %get3A_622 = tpu.vector_load %arg10[%get3A_620, %get3A_621] {strides = array<i32>} : memref<2x80xi32, #tpu.memory_space<vmem>>, vector<16xi32>,
        %ne3A_623 = arith.cmpi ne, %get3A_619, %get3A_622 : vector<16xi32>
        %swap3A_624 = arith.index_cast %and3A_546 : i32 to index
        %swap3A_625 = arith.index_cast %add3A_616 : i32 to index
        %swap3A_626 = tpu.vector_load %arg15[%swap3A_624, %swap3A_625] masked %ne3A_623 {strides = array<i32>} : memref<2x96xi32, #tpu.memory_space<vmem>>, vector<16xi32>, vector<16xi1>
        tpu.vector_store %arg15[%swap3A_624, %swap3A_625], %get3A_619 masked %ne3A_623 {strides = array<i32>} : memref<2x96xi32, #tpu.memory_space<vmem>>, vector<16xi32>, vector<16xi1>
        %all_reduce_population_count3A_627 = tpu.all_reduce %ne3A_623 {dim = 0 : i64, kind = #tpu.reduction_kind<sum>} : vector<16xi1> -> vector<16xi32>
        %slice3A_628 = vector.extract_strided_slice %all_reduce_population_count3A_627 {offsets = [0], sizes = [1], strides = [1]} : vector<16xi32> to vector<1xi32>
        %squeeze3A_629 = vector.extract %slice3A_628[0] : i32 from vector<1xi32>
        %add3A_630 = arith.addi %add3A_616, %squeeze3A_629 : i32
        scf.yield %add3A_630, %select_n3A_542 : i32, i32
      } else {
        %cond3A_474 = arith.constant 0 : i32
        %cond3A_475 = arith.constant 0 : i32
        scf.yield %cond3A_474, %cond3A_475 : i32, i32
      }
      %add3A_160 = arith.addi %while3A_133, %while3A_134 : i32
      %while3A_161 = arith.constant 0 : i32
      %while3A_162 = arith.constant 0 : i32
      "tpu.trace_start"() <{level = 10 : i32, message = "phase_rows"}> : () -> ()
      %while3A_163 = arith.subi %add3A_160, %while3A_162 : i32
      %while3A_164 = arith.addi %while3A_162, %while3A_163 : i32
      %while3A_165 = arith.constant 1 : i32
      %while3A_166 = arith.divsi %while3A_163, %while3A_165 : i32
      %while3A_167 = arith.muli %while3A_166, %while3A_165 : i32
      %while3A_168 = arith.addi %while3A_162, %while3A_167 : i32
      %while3A_169 = arith.constant 1 : i32
      scf.for %while3A_474 = %while3A_162 to %while3A_168 step %while3A_169  : i32 {
        %add3A_475 = arith.addi %while3A_135, %while3A_474 : i32
        %and3A_476 = arith.constant 3 : i32
        %and3A_477 = arith.andi %add3A_475, %and3A_476 : i32
        %eq3A_478 = arith.constant 0 : i32
        %eq3A_479 = arith.cmpi eq, %while3A_474, %eq3A_478 : i32
        %convert_element_type3A_480 = arith.extui %eq3A_479 : i1 to i32
        %and3A_481 = arith.andi %while3A_134, %convert_element_type3A_480 : i32
        %sub3A_482 = arith.subi %while3A_474, %while3A_134 : i32
        %broadcast_in_dim3A_483 = vector.broadcast %sub3A_482 : i32 to vector<16xi32>
        %gather3A = arith.constant 0 : i32
        %gather3A_484 = tpu.memref_slice %arg15[%and3A_138, %gather3A] : memref<2x96xi32, #tpu.memory_space<vmem>> -> memref<1x96xi32, #tpu.memory_space<vmem>>
        %gather3A_485 = tpu.memref_squeeze %gather3A_484 : memref<1x96xi32, #tpu.memory_space<vmem>> -> memref<96xi32, #tpu.memory_space<vmem>>
        %gather3A_486 = tpu.vector_load_idx %gather3A_485[%broadcast_in_dim3A_483] : memref<96xi32, #tpu.memory_space<vmem>>[vector<16xi32>], vector<16xi32>,
        %slice3A_487 = vector.extract_strided_slice %gather3A_486 {offsets = [0], sizes = [1], strides = [1]} : vector<16xi32> to vector<1xi32>
        %squeeze3A_488 = vector.extract %slice3A_487[0] : i32 from vector<1xi32>
        %ne3A_489 = arith.constant 0 : i32
        %ne3A_490 = arith.cmpi ne, %and3A_481, %ne3A_489 : i32
        %select_n3A_491 = arith.select %ne3A_490, %while3A_136, %squeeze3A_488 : i32
        %ge3A_492 = arith.cmpi sge, %while3A_474, %while3A_134 : i32
        %convert_element_type3A_493 = arith.extui %ge3A_492 : i1 to i32
        %cond3A_494 = arith.constant 0 : i32
        %cond3A_495 = arith.cmpi ne, %convert_element_type3A_493, %cond3A_494 : i32
        scf.if %cond3A_495 {
          %dma_wait3A_648 = arith.constant 0 : i32
          %dma_wait3A_649 = tpu.memref_slice %arg21[%and3A_477, %dma_wait3A_648] : memref<4x10000xf32, #tpu.memory_space<vmem>> -> memref<1x10000xf32, #tpu.memory_space<vmem>>
          %dma_wait3A_650 = tpu.memref_squeeze %dma_wait3A_649 : memref<1x10000xf32, #tpu.memory_space<vmem>> -> memref<10000xf32, #tpu.memory_space<vmem>>
          %dma_wait3A_651 = arith.constant 0 : i32
          %dma_wait3A_652 = tpu.memref_slice %arg3[%select_n3A_491, %dma_wait3A_651] : memref<10000x10000xf32, #tpu.memory_space<hbm>> -> memref<1x10000xf32, #tpu.memory_space<hbm>>
          %dma_wait3A_653 = tpu.memref_squeeze %dma_wait3A_652 : memref<1x10000xf32, #tpu.memory_space<hbm>> -> memref<10000xf32, #tpu.memory_space<hbm>>
          %dma_wait3A_654 = arith.constant 0 : i32
          %dma_wait3A_655 = tpu.memref_slice %arg21[%and3A_477, %dma_wait3A_654] : memref<4x10000xf32, #tpu.memory_space<vmem>> -> memref<1x10000xf32, #tpu.memory_space<vmem>>
          %dma_wait3A_656 = tpu.memref_squeeze %dma_wait3A_655 : memref<1x10000xf32, #tpu.memory_space<vmem>> -> memref<10000xf32, #tpu.memory_space<vmem>>
          %dma_wait3A_657 = arith.constant 0 : i32
          %dma_wait3A_658 = tpu.memref_slice %arg3[%select_n3A_491, %dma_wait3A_657] : memref<10000x10000xf32, #tpu.memory_space<hbm>> -> memref<1x10000xf32, #tpu.memory_space<hbm>>
          %dma_wait3A_659 = tpu.memref_squeeze %dma_wait3A_658 : memref<1x10000xf32, #tpu.memory_space<hbm>> -> memref<10000xf32, #tpu.memory_space<hbm>>
          tpu.wait_dma2 semaphore(%arg27 : memref<!tpu.dma_semaphore, #tpu.memory_space<semaphore_mem>>) src(%dma_wait3A_659 : memref<10000xf32, #tpu.memory_space<hbm>>) dst(%dma_wait3A_656 : memref<10000xf32, #tpu.memory_space<vmem>>)
        } else {
        }
        %broadcast_in_dim3A_496 = vector.broadcast %and3A_477 : i32 to vector<16xi32>
        %get3A_497 = arith.constant 0 : i32
        %get3A_498 = tpu.memref_slice %arg10[%and3A_138, %get3A_497] : memref<2x80xi32, #tpu.memory_space<vmem>> -> memref<1x80xi32, #tpu.memory_space<vmem>>
        %get3A_499 = tpu.memref_squeeze %get3A_498 : memref<1x80xi32, #tpu.memory_space<vmem>> -> memref<80xi32, #tpu.memory_space<vmem>>
        %get3A_500 = arith.constant 0 : index
        %get3A_501 = tpu.vector_load %get3A_499[%get3A_500] {strides = array<i32>} : memref<80xi32, #tpu.memory_space<vmem>>, vector<16xi32>,
        %eq3A_502 = vector.broadcast %select_n3A_491 : i32 to vector<16xi32>
        %eq3A_503 = arith.cmpi eq, %get3A_501, %eq3A_502 : vector<16xi32>
        %get3A_504 = arith.constant 0 : i32
        %get3A_505 = tpu.memref_slice %arg11[%and3A_138, %get3A_504] : memref<2x80xi32, #tpu.memory_space<vmem>> -> memref<1x80xi32, #tpu.memory_space<vmem>>
        %get3A_506 = tpu.memref_squeeze %get3A_505 : memref<1x80xi32, #tpu.memory_space<vmem>> -> memref<80xi32, #tpu.memory_space<vmem>>
        %get3A_507 = arith.constant 0 : index
        %get3A_508 = tpu.vector_load %get3A_506[%get3A_507] {strides = array<i32>} : memref<80xi32, #tpu.memory_space<vmem>>, vector<16xi32>,
        %gather3A_509 = tpu.vector_load_idx %arg21[%broadcast_in_dim3A_496, %get3A_508] : memref<4x10000xf32, #tpu.memory_space<vmem>>[vector<16xi32>, vector<16xi32>], vector<16xf32>,
        %get3A_510 = arith.constant 0 : i32
        %get3A_511 = tpu.memref_slice %arg12[%and3A_138, %get3A_510] : memref<2x80xi32, #tpu.memory_space<vmem>> -> memref<1x80xi32, #tpu.memory_space<vmem>>
        %get3A_512 = tpu.memref_squeeze %get3A_511 : memref<1x80xi32, #tpu.memory_space<vmem>> -> memref<80xi32, #tpu.memory_space<vmem>>
        %get3A_513 = arith.constant 0 : index
        %get3A_514 = tpu.vector_load %get3A_512[%get3A_513] {strides = array<i32>} : memref<80xi32, #tpu.memory_space<vmem>>, vector<16xi32>,
        %gather3A_515 = tpu.vector_load_idx %arg21[%broadcast_in_dim3A_496, %get3A_514] : memref<4x10000xf32, #tpu.memory_space<vmem>>[vector<16xi32>, vector<16xi32>], vector<16xf32>,
        %get3A_516 = arith.constant 0 : index
        %get3A_517 = tpu.vector_load %arg16[%get3A_516] {strides = array<i32>} : memref<80xf32, #tpu.memory_space<vmem>>, vector<16xf32>,
        %select_n3A_518 = arith.select %eq3A_503, %gather3A_509, %get3A_517 : vector<16xi1>, vector<16xf32>
        %swap3A_519 = arith.constant 0 : index
        %swap3A_520 = tpu.vector_load %arg16[%swap3A_519] {strides = array<i32>} : memref<80xf32, #tpu.memory_space<vmem>>, vector<16xf32>,
        tpu.vector_store %arg16[%swap3A_519], %select_n3A_518 {strides = array<i32>} : memref<80xf32, #tpu.memory_space<vmem>>, vector<16xf32>,
        %get3A_521 = arith.constant 0 : index
        %get3A_522 = tpu.vector_load %arg17[%get3A_521] {strides = array<i32>} : memref<80xf32, #tpu.memory_space<vmem>>, vector<16xf32>,
        %select_n3A_523 = arith.select %eq3A_503, %gather3A_515, %get3A_522 : vector<16xi1>, vector<16xf32>
        %swap3A_524 = arith.constant 0 : index
        %swap3A_525 = tpu.vector_load %arg17[%swap3A_524] {strides = array<i32>} : memref<80xf32, #tpu.memory_space<vmem>>, vector<16xf32>,
        tpu.vector_store %arg17[%swap3A_524], %select_n3A_523 {strides = array<i32>} : memref<80xf32, #tpu.memory_space<vmem>>, vector<16xf32>,
        %get3A_526 = arith.constant 0 : i32
        %get3A_527 = tpu.memref_slice %arg10[%and3A_138, %get3A_526] : memref<2x80xi32, #tpu.memory_space<vmem>> -> memref<1x80xi32, #tpu.memory_space<vmem>>
        %get3A_528 = tpu.memref_squeeze %get3A_527 : memref<1x80xi32, #tpu.memory_space<vmem>> -> memref<80xi32, #tpu.memory_space<vmem>>
        %get3A_529 = arith.constant 16 : index
        %get3A_530 = tpu.vector_load %get3A_528[%get3A_529] {strides = array<i32>} : memref<80xi32, #tpu.memory_space<vmem>>, vector<16xi32>,
        %eq3A_531 = vector.broadcast %select_n3A_491 : i32 to vector<16xi32>
        %eq3A_532 = arith.cmpi eq, %get3A_530, %eq3A_531 : vector<16xi32>
        %get3A_533 = arith.constant 0 : i32
        %get3A_534 = tpu.memref_slice %arg11[%and3A_138, %get3A_533] : memref<2x80xi32, #tpu.memory_space<vmem>> -> memref<1x80xi32, #tpu.memory_space<vmem>>
        %get3A_535 = tpu.memref_squeeze %get3A_534 : memref<1x80xi32, #tpu.memory_space<vmem>> -> memref<80xi32, #tpu.memory_space<vmem>>
        %get3A_536 = arith.constant 16 : index
        %get3A_537 = tpu.vector_load %get3A_535[%get3A_536] {strides = array<i32>} : memref<80xi32, #tpu.memory_space<vmem>>, vector<16xi32>,
        %gather3A_538 = tpu.vector_load_idx %arg21[%broadcast_in_dim3A_496, %get3A_537] : memref<4x10000xf32, #tpu.memory_space<vmem>>[vector<16xi32>, vector<16xi32>], vector<16xf32>,
        %get3A_539 = arith.constant 0 : i32
        %get3A_540 = tpu.memref_slice %arg12[%and3A_138, %get3A_539] : memref<2x80xi32, #tpu.memory_space<vmem>> -> memref<1x80xi32, #tpu.memory_space<vmem>>
        %get3A_541 = tpu.memref_squeeze %get3A_540 : memref<1x80xi32, #tpu.memory_space<vmem>> -> memref<80xi32, #tpu.memory_space<vmem>>
        %get3A_542 = arith.constant 16 : index
        %get3A_543 = tpu.vector_load %get3A_541[%get3A_542] {strides = array<i32>} : memref<80xi32, #tpu.memory_space<vmem>>, vector<16xi32>,
        %gather3A_544 = tpu.vector_load_idx %arg21[%broadcast_in_dim3A_496, %get3A_543] : memref<4x10000xf32, #tpu.memory_space<vmem>>[vector<16xi32>, vector<16xi32>], vector<16xf32>,
        %get3A_545 = arith.constant 16 : index
        %get3A_546 = tpu.vector_load %arg16[%get3A_545] {strides = array<i32>} : memref<80xf32, #tpu.memory_space<vmem>>, vector<16xf32>,
        %select_n3A_547 = arith.select %eq3A_532, %gather3A_538, %get3A_546 : vector<16xi1>, vector<16xf32>
        %swap3A_548 = arith.constant 16 : index
        %swap3A_549 = tpu.vector_load %arg16[%swap3A_548] {strides = array<i32>} : memref<80xf32, #tpu.memory_space<vmem>>, vector<16xf32>,
        tpu.vector_store %arg16[%swap3A_548], %select_n3A_547 {strides = array<i32>} : memref<80xf32, #tpu.memory_space<vmem>>, vector<16xf32>,
        %get3A_550 = arith.constant 16 : index
        %get3A_551 = tpu.vector_load %arg17[%get3A_550] {strides = array<i32>} : memref<80xf32, #tpu.memory_space<vmem>>, vector<16xf32>,
        %select_n3A_552 = arith.select %eq3A_532, %gather3A_544, %get3A_551 : vector<16xi1>, vector<16xf32>
        %swap3A_553 = arith.constant 16 : index
        %swap3A_554 = tpu.vector_load %arg17[%swap3A_553] {strides = array<i32>} : memref<80xf32, #tpu.memory_space<vmem>>, vector<16xf32>,
        tpu.vector_store %arg17[%swap3A_553], %select_n3A_552 {strides = array<i32>} : memref<80xf32, #tpu.memory_space<vmem>>, vector<16xf32>,
        %get3A_555 = arith.constant 0 : i32
        %get3A_556 = tpu.memref_slice %arg10[%and3A_138, %get3A_555] : memref<2x80xi32, #tpu.memory_space<vmem>> -> memref<1x80xi32, #tpu.memory_space<vmem>>
        %get3A_557 = tpu.memref_squeeze %get3A_556 : memref<1x80xi32, #tpu.memory_space<vmem>> -> memref<80xi32, #tpu.memory_space<vmem>>
        %get3A_558 = arith.constant 32 : index
        %get3A_559 = tpu.vector_load %get3A_557[%get3A_558] {strides = array<i32>} : memref<80xi32, #tpu.memory_space<vmem>>, vector<16xi32>,
        %eq3A_560 = vector.broadcast %select_n3A_491 : i32 to vector<16xi32>
        %eq3A_561 = arith.cmpi eq, %get3A_559, %eq3A_560 : vector<16xi32>
        %get3A_562 = arith.constant 0 : i32
        %get3A_563 = tpu.memref_slice %arg11[%and3A_138, %get3A_562] : memref<2x80xi32, #tpu.memory_space<vmem>> -> memref<1x80xi32, #tpu.memory_space<vmem>>
        %get3A_564 = tpu.memref_squeeze %get3A_563 : memref<1x80xi32, #tpu.memory_space<vmem>> -> memref<80xi32, #tpu.memory_space<vmem>>
        %get3A_565 = arith.constant 32 : index
        %get3A_566 = tpu.vector_load %get3A_564[%get3A_565] {strides = array<i32>} : memref<80xi32, #tpu.memory_space<vmem>>, vector<16xi32>,
        %gather3A_567 = tpu.vector_load_idx %arg21[%broadcast_in_dim3A_496, %get3A_566] : memref<4x10000xf32, #tpu.memory_space<vmem>>[vector<16xi32>, vector<16xi32>], vector<16xf32>,
        %get3A_568 = arith.constant 0 : i32
        %get3A_569 = tpu.memref_slice %arg12[%and3A_138, %get3A_568] : memref<2x80xi32, #tpu.memory_space<vmem>> -> memref<1x80xi32, #tpu.memory_space<vmem>>
        %get3A_570 = tpu.memref_squeeze %get3A_569 : memref<1x80xi32, #tpu.memory_space<vmem>> -> memref<80xi32, #tpu.memory_space<vmem>>
        %get3A_571 = arith.constant 32 : index
        %get3A_572 = tpu.vector_load %get3A_570[%get3A_571] {strides = array<i32>} : memref<80xi32, #tpu.memory_space<vmem>>, vector<16xi32>,
        %gather3A_573 = tpu.vector_load_idx %arg21[%broadcast_in_dim3A_496, %get3A_572] : memref<4x10000xf32, #tpu.memory_space<vmem>>[vector<16xi32>, vector<16xi32>], vector<16xf32>,
        %get3A_574 = arith.constant 32 : index
        %get3A_575 = tpu.vector_load %arg16[%get3A_574] {strides = array<i32>} : memref<80xf32, #tpu.memory_space<vmem>>, vector<16xf32>,
        %select_n3A_576 = arith.select %eq3A_561, %gather3A_567, %get3A_575 : vector<16xi1>, vector<16xf32>
        %swap3A_577 = arith.constant 32 : index
        %swap3A_578 = tpu.vector_load %arg16[%swap3A_577] {strides = array<i32>} : memref<80xf32, #tpu.memory_space<vmem>>, vector<16xf32>,
        tpu.vector_store %arg16[%swap3A_577], %select_n3A_576 {strides = array<i32>} : memref<80xf32, #tpu.memory_space<vmem>>, vector<16xf32>,
        %get3A_579 = arith.constant 32 : index
        %get3A_580 = tpu.vector_load %arg17[%get3A_579] {strides = array<i32>} : memref<80xf32, #tpu.memory_space<vmem>>, vector<16xf32>,
        %select_n3A_581 = arith.select %eq3A_561, %gather3A_573, %get3A_580 : vector<16xi1>, vector<16xf32>
        %swap3A_582 = arith.constant 32 : index
        %swap3A_583 = tpu.vector_load %arg17[%swap3A_582] {strides = array<i32>} : memref<80xf32, #tpu.memory_space<vmem>>, vector<16xf32>,
        tpu.vector_store %arg17[%swap3A_582], %select_n3A_581 {strides = array<i32>} : memref<80xf32, #tpu.memory_space<vmem>>, vector<16xf32>,
        %get3A_584 = arith.constant 0 : i32
        %get3A_585 = tpu.memref_slice %arg10[%and3A_138, %get3A_584] : memref<2x80xi32, #tpu.memory_space<vmem>> -> memref<1x80xi32, #tpu.memory_space<vmem>>
        %get3A_586 = tpu.memref_squeeze %get3A_585 : memref<1x80xi32, #tpu.memory_space<vmem>> -> memref<80xi32, #tpu.memory_space<vmem>>
        %get3A_587 = arith.constant 48 : index
        %get3A_588 = tpu.vector_load %get3A_586[%get3A_587] {strides = array<i32>} : memref<80xi32, #tpu.memory_space<vmem>>, vector<16xi32>,
        %eq3A_589 = vector.broadcast %select_n3A_491 : i32 to vector<16xi32>
        %eq3A_590 = arith.cmpi eq, %get3A_588, %eq3A_589 : vector<16xi32>
        %get3A_591 = arith.constant 0 : i32
        %get3A_592 = tpu.memref_slice %arg11[%and3A_138, %get3A_591] : memref<2x80xi32, #tpu.memory_space<vmem>> -> memref<1x80xi32, #tpu.memory_space<vmem>>
        %get3A_593 = tpu.memref_squeeze %get3A_592 : memref<1x80xi32, #tpu.memory_space<vmem>> -> memref<80xi32, #tpu.memory_space<vmem>>
        %get3A_594 = arith.constant 48 : index
        %get3A_595 = tpu.vector_load %get3A_593[%get3A_594] {strides = array<i32>} : memref<80xi32, #tpu.memory_space<vmem>>, vector<16xi32>,
        %gather3A_596 = tpu.vector_load_idx %arg21[%broadcast_in_dim3A_496, %get3A_595] : memref<4x10000xf32, #tpu.memory_space<vmem>>[vector<16xi32>, vector<16xi32>], vector<16xf32>,
        %get3A_597 = arith.constant 0 : i32
        %get3A_598 = tpu.memref_slice %arg12[%and3A_138, %get3A_597] : memref<2x80xi32, #tpu.memory_space<vmem>> -> memref<1x80xi32, #tpu.memory_space<vmem>>
        %get3A_599 = tpu.memref_squeeze %get3A_598 : memref<1x80xi32, #tpu.memory_space<vmem>> -> memref<80xi32, #tpu.memory_space<vmem>>
        %get3A_600 = arith.constant 48 : index
        %get3A_601 = tpu.vector_load %get3A_599[%get3A_600] {strides = array<i32>} : memref<80xi32, #tpu.memory_space<vmem>>, vector<16xi32>,
        %gather3A_602 = tpu.vector_load_idx %arg21[%broadcast_in_dim3A_496, %get3A_601] : memref<4x10000xf32, #tpu.memory_space<vmem>>[vector<16xi32>, vector<16xi32>], vector<16xf32>,
        %get3A_603 = arith.constant 48 : index
        %get3A_604 = tpu.vector_load %arg16[%get3A_603] {strides = array<i32>} : memref<80xf32, #tpu.memory_space<vmem>>, vector<16xf32>,
        %select_n3A_605 = arith.select %eq3A_590, %gather3A_596, %get3A_604 : vector<16xi1>, vector<16xf32>
        %swap3A_606 = arith.constant 48 : index
        %swap3A_607 = tpu.vector_load %arg16[%swap3A_606] {strides = array<i32>} : memref<80xf32, #tpu.memory_space<vmem>>, vector<16xf32>,
        tpu.vector_store %arg16[%swap3A_606], %select_n3A_605 {strides = array<i32>} : memref<80xf32, #tpu.memory_space<vmem>>, vector<16xf32>,
        %get3A_608 = arith.constant 48 : index
        %get3A_609 = tpu.vector_load %arg17[%get3A_608] {strides = array<i32>} : memref<80xf32, #tpu.memory_space<vmem>>, vector<16xf32>,
        %select_n3A_610 = arith.select %eq3A_590, %gather3A_602, %get3A_609 : vector<16xi1>, vector<16xf32>
        %swap3A_611 = arith.constant 48 : index
        %swap3A_612 = tpu.vector_load %arg17[%swap3A_611] {strides = array<i32>} : memref<80xf32, #tpu.memory_space<vmem>>, vector<16xf32>,
        tpu.vector_store %arg17[%swap3A_611], %select_n3A_610 {strides = array<i32>} : memref<80xf32, #tpu.memory_space<vmem>>, vector<16xf32>,
        %get3A_613 = arith.constant 0 : i32
        %get3A_614 = tpu.memref_slice %arg10[%and3A_138, %get3A_613] : memref<2x80xi32, #tpu.memory_space<vmem>> -> memref<1x80xi32, #tpu.memory_space<vmem>>
        %get3A_615 = tpu.memref_squeeze %get3A_614 : memref<1x80xi32, #tpu.memory_space<vmem>> -> memref<80xi32, #tpu.memory_space<vmem>>
        %get3A_616 = arith.constant 64 : index
        %get3A_617 = tpu.vector_load %get3A_615[%get3A_616] {strides = array<i32>} : memref<80xi32, #tpu.memory_space<vmem>>, vector<16xi32>,
        %eq3A_618 = vector.broadcast %select_n3A_491 : i32 to vector<16xi32>
        %eq3A_619 = arith.cmpi eq, %get3A_617, %eq3A_618 : vector<16xi32>
        %get3A_620 = arith.constant 0 : i32
        %get3A_621 = tpu.memref_slice %arg11[%and3A_138, %get3A_620] : memref<2x80xi32, #tpu.memory_space<vmem>> -> memref<1x80xi32, #tpu.memory_space<vmem>>
        %get3A_622 = tpu.memref_squeeze %get3A_621 : memref<1x80xi32, #tpu.memory_space<vmem>> -> memref<80xi32, #tpu.memory_space<vmem>>
        %get3A_623 = arith.constant 64 : index
        %get3A_624 = tpu.vector_load %get3A_622[%get3A_623] {strides = array<i32>} : memref<80xi32, #tpu.memory_space<vmem>>, vector<16xi32>,
        %gather3A_625 = tpu.vector_load_idx %arg21[%broadcast_in_dim3A_496, %get3A_624] : memref<4x10000xf32, #tpu.memory_space<vmem>>[vector<16xi32>, vector<16xi32>], vector<16xf32>,
        %get3A_626 = arith.constant 0 : i32
        %get3A_627 = tpu.memref_slice %arg12[%and3A_138, %get3A_626] : memref<2x80xi32, #tpu.memory_space<vmem>> -> memref<1x80xi32, #tpu.memory_space<vmem>>
        %get3A_628 = tpu.memref_squeeze %get3A_627 : memref<1x80xi32, #tpu.memory_space<vmem>> -> memref<80xi32, #tpu.memory_space<vmem>>
        %get3A_629 = arith.constant 64 : index
        %get3A_630 = tpu.vector_load %get3A_628[%get3A_629] {strides = array<i32>} : memref<80xi32, #tpu.memory_space<vmem>>, vector<16xi32>,
        %gather3A_631 = tpu.vector_load_idx %arg21[%broadcast_in_dim3A_496, %get3A_630] : memref<4x10000xf32, #tpu.memory_space<vmem>>[vector<16xi32>, vector<16xi32>], vector<16xf32>,
        %get3A_632 = arith.constant 64 : index
        %get3A_633 = tpu.vector_load %arg16[%get3A_632] {strides = array<i32>} : memref<80xf32, #tpu.memory_space<vmem>>, vector<16xf32>,
        %select_n3A_634 = arith.select %eq3A_619, %gather3A_625, %get3A_633 : vector<16xi1>, vector<16xf32>
        %swap3A_635 = arith.constant 64 : index
        %swap3A_636 = tpu.vector_load %arg16[%swap3A_635] {strides = array<i32>} : memref<80xf32, #tpu.memory_space<vmem>>, vector<16xf32>,
        tpu.vector_store %arg16[%swap3A_635], %select_n3A_634 {strides = array<i32>} : memref<80xf32, #tpu.memory_space<vmem>>, vector<16xf32>,
        %get3A_637 = arith.constant 64 : index
        %get3A_638 = tpu.vector_load %arg17[%get3A_637] {strides = array<i32>} : memref<80xf32, #tpu.memory_space<vmem>>, vector<16xf32>,
        %select_n3A_639 = arith.select %eq3A_619, %gather3A_631, %get3A_638 : vector<16xi1>, vector<16xf32>
        %swap3A_640 = arith.constant 64 : index
        %swap3A_641 = tpu.vector_load %arg17[%swap3A_640] {strides = array<i32>} : memref<80xf32, #tpu.memory_space<vmem>>, vector<16xf32>,
        tpu.vector_store %arg17[%swap3A_640], %select_n3A_639 {strides = array<i32>} : memref<80xf32, #tpu.memory_space<vmem>>, vector<16xf32>,
        %add3A_642 = arith.constant 4 : i32
        %add3A_643 = arith.addi %while3A_474, %add3A_642 : i32
        %lt3A_644 = arith.cmpi slt, %add3A_643, %add3A_160 : i32
        %convert_element_type3A_645 = arith.extui %lt3A_644 : i1 to i32
        %cond3A_646 = arith.constant 0 : i32
        %cond3A_647 = arith.cmpi ne, %convert_element_type3A_645, %cond3A_646 : i32
        scf.if %cond3A_647 {
          %add3A_648 = arith.constant 4 : i32
          %add3A_649 = arith.addi %while3A_474, %add3A_648 : i32
          %sub3A_650 = arith.subi %add3A_649, %while3A_134 : i32
          %and3A_651 = arith.constant 1 : i32
          %and3A_652 = arith.andi %while3A_132, %and3A_651 : i32
          %broadcast_in_dim3A_653 = vector.broadcast %sub3A_650 : i32 to vector<16xi32>
          %gather3A_654 = arith.constant 0 : i32
          %gather3A_655 = tpu.memref_slice %arg15[%and3A_652, %gather3A_654] : memref<2x96xi32, #tpu.memory_space<vmem>> -> memref<1x96xi32, #tpu.memory_space<vmem>>
          %gather3A_656 = tpu.memref_squeeze %gather3A_655 : memref<1x96xi32, #tpu.memory_space<vmem>> -> memref<96xi32, #tpu.memory_space<vmem>>
          %gather3A_657 = tpu.vector_load_idx %gather3A_656[%broadcast_in_dim3A_653] : memref<96xi32, #tpu.memory_space<vmem>>[vector<16xi32>], vector<16xi32>,
          %slice3A_658 = vector.extract_strided_slice %gather3A_657 {offsets = [0], sizes = [1], strides = [1]} : vector<16xi32> to vector<1xi32>
          %squeeze3A_659 = vector.extract %slice3A_658[0] : i32 from vector<1xi32>
          %dma_start3A_660 = arith.constant 0 : i32
          %dma_start3A_661 = tpu.memref_slice %arg21[%and3A_477, %dma_start3A_660] : memref<4x10000xf32, #tpu.memory_space<vmem>> -> memref<1x10000xf32, #tpu.memory_space<vmem>>
          %dma_start3A_662 = tpu.memref_squeeze %dma_start3A_661 : memref<1x10000xf32, #tpu.memory_space<vmem>> -> memref<10000xf32, #tpu.memory_space<vmem>>
          %dma_start3A_663 = arith.constant 0 : i32
          %dma_start3A_664 = tpu.memref_slice %arg3[%squeeze3A_659, %dma_start3A_663] : memref<10000x10000xf32, #tpu.memory_space<hbm>> -> memref<1x10000xf32, #tpu.memory_space<hbm>>
          %dma_start3A_665 = tpu.memref_squeeze %dma_start3A_664 : memref<1x10000xf32, #tpu.memory_space<hbm>> -> memref<10000xf32, #tpu.memory_space<hbm>>
          %dma_start3A_666 = arith.constant 0 : i32
          %dma_start3A_667 = tpu.memref_slice %arg21[%and3A_477, %dma_start3A_666] : memref<4x10000xf32, #tpu.memory_space<vmem>> -> memref<1x10000xf32, #tpu.memory_space<vmem>>
          %dma_start3A_668 = tpu.memref_squeeze %dma_start3A_667 : memref<1x10000xf32, #tpu.memory_space<vmem>> -> memref<10000xf32, #tpu.memory_space<vmem>>
          %dma_start3A_669 = arith.constant 0 : i32
          %dma_start3A_670 = tpu.memref_slice %arg3[%squeeze3A_659, %dma_start3A_669] : memref<10000x10000xf32, #tpu.memory_space<hbm>> -> memref<1x10000xf32, #tpu.memory_space<hbm>>
          %dma_start3A_671 = tpu.memref_squeeze %dma_start3A_670 : memref<1x10000xf32, #tpu.memory_space<hbm>> -> memref<10000xf32, #tpu.memory_space<hbm>>
          tpu.enqueue_dma source(%dma_start3A_671 : memref<10000xf32, #tpu.memory_space<hbm>>) target(%dma_start3A_668 : memref<10000xf32, #tpu.memory_space<vmem>>) target_semaphore(%arg27 : memref<!tpu.dma_semaphore, #tpu.memory_space<semaphore_mem>>)
        } else {
        }
      }
      %while3A_170 = arith.constant 1 : i32
      scf.for %while3A_474 = %while3A_168 to %while3A_164 step %while3A_170  : i32 {
        %add3A_475 = arith.addi %while3A_135, %while3A_474 : i32
        %and3A_476 = arith.constant 3 : i32
        %and3A_477 = arith.andi %add3A_475, %and3A_476 : i32
        %eq3A_478 = arith.constant 0 : i32
        %eq3A_479 = arith.cmpi eq, %while3A_474, %eq3A_478 : i32
        %convert_element_type3A_480 = arith.extui %eq3A_479 : i1 to i32
        %and3A_481 = arith.andi %while3A_134, %convert_element_type3A_480 : i32
        %sub3A_482 = arith.subi %while3A_474, %while3A_134 : i32
        %broadcast_in_dim3A_483 = vector.broadcast %sub3A_482 : i32 to vector<16xi32>
        %gather3A = arith.constant 0 : i32
        %gather3A_484 = tpu.memref_slice %arg15[%and3A_138, %gather3A] : memref<2x96xi32, #tpu.memory_space<vmem>> -> memref<1x96xi32, #tpu.memory_space<vmem>>
        %gather3A_485 = tpu.memref_squeeze %gather3A_484 : memref<1x96xi32, #tpu.memory_space<vmem>> -> memref<96xi32, #tpu.memory_space<vmem>>
        %gather3A_486 = tpu.vector_load_idx %gather3A_485[%broadcast_in_dim3A_483] : memref<96xi32, #tpu.memory_space<vmem>>[vector<16xi32>], vector<16xi32>,
        %slice3A_487 = vector.extract_strided_slice %gather3A_486 {offsets = [0], sizes = [1], strides = [1]} : vector<16xi32> to vector<1xi32>
        %squeeze3A_488 = vector.extract %slice3A_487[0] : i32 from vector<1xi32>
        %ne3A_489 = arith.constant 0 : i32
        %ne3A_490 = arith.cmpi ne, %and3A_481, %ne3A_489 : i32
        %select_n3A_491 = arith.select %ne3A_490, %while3A_136, %squeeze3A_488 : i32
        %ge3A_492 = arith.cmpi sge, %while3A_474, %while3A_134 : i32
        %convert_element_type3A_493 = arith.extui %ge3A_492 : i1 to i32
        %cond3A_494 = arith.constant 0 : i32
        %cond3A_495 = arith.cmpi ne, %convert_element_type3A_493, %cond3A_494 : i32
        scf.if %cond3A_495 {
          %dma_wait3A_648 = arith.constant 0 : i32
          %dma_wait3A_649 = tpu.memref_slice %arg21[%and3A_477, %dma_wait3A_648] : memref<4x10000xf32, #tpu.memory_space<vmem>> -> memref<1x10000xf32, #tpu.memory_space<vmem>>
          %dma_wait3A_650 = tpu.memref_squeeze %dma_wait3A_649 : memref<1x10000xf32, #tpu.memory_space<vmem>> -> memref<10000xf32, #tpu.memory_space<vmem>>
          %dma_wait3A_651 = arith.constant 0 : i32
          %dma_wait3A_652 = tpu.memref_slice %arg3[%select_n3A_491, %dma_wait3A_651] : memref<10000x10000xf32, #tpu.memory_space<hbm>> -> memref<1x10000xf32, #tpu.memory_space<hbm>>
          %dma_wait3A_653 = tpu.memref_squeeze %dma_wait3A_652 : memref<1x10000xf32, #tpu.memory_space<hbm>> -> memref<10000xf32, #tpu.memory_space<hbm>>
          %dma_wait3A_654 = arith.constant 0 : i32
          %dma_wait3A_655 = tpu.memref_slice %arg21[%and3A_477, %dma_wait3A_654] : memref<4x10000xf32, #tpu.memory_space<vmem>> -> memref<1x10000xf32, #tpu.memory_space<vmem>>
          %dma_wait3A_656 = tpu.memref_squeeze %dma_wait3A_655 : memref<1x10000xf32, #tpu.memory_space<vmem>> -> memref<10000xf32, #tpu.memory_space<vmem>>
          %dma_wait3A_657 = arith.constant 0 : i32
          %dma_wait3A_658 = tpu.memref_slice %arg3[%select_n3A_491, %dma_wait3A_657] : memref<10000x10000xf32, #tpu.memory_space<hbm>> -> memref<1x10000xf32, #tpu.memory_space<hbm>>
          %dma_wait3A_659 = tpu.memref_squeeze %dma_wait3A_658 : memref<1x10000xf32, #tpu.memory_space<hbm>> -> memref<10000xf32, #tpu.memory_space<hbm>>
          tpu.wait_dma2 semaphore(%arg27 : memref<!tpu.dma_semaphore, #tpu.memory_space<semaphore_mem>>) src(%dma_wait3A_659 : memref<10000xf32, #tpu.memory_space<hbm>>) dst(%dma_wait3A_656 : memref<10000xf32, #tpu.memory_space<vmem>>)
        } else {
        }
        %broadcast_in_dim3A_496 = vector.broadcast %and3A_477 : i32 to vector<16xi32>
        %get3A_497 = arith.constant 0 : i32
        %get3A_498 = tpu.memref_slice %arg10[%and3A_138, %get3A_497] : memref<2x80xi32, #tpu.memory_space<vmem>> -> memref<1x80xi32, #tpu.memory_space<vmem>>
        %get3A_499 = tpu.memref_squeeze %get3A_498 : memref<1x80xi32, #tpu.memory_space<vmem>> -> memref<80xi32, #tpu.memory_space<vmem>>
        %get3A_500 = arith.constant 0 : index
        %get3A_501 = tpu.vector_load %get3A_499[%get3A_500] {strides = array<i32>} : memref<80xi32, #tpu.memory_space<vmem>>, vector<16xi32>,
        %eq3A_502 = vector.broadcast %select_n3A_491 : i32 to vector<16xi32>
        %eq3A_503 = arith.cmpi eq, %get3A_501, %eq3A_502 : vector<16xi32>
        %get3A_504 = arith.constant 0 : i32
        %get3A_505 = tpu.memref_slice %arg11[%and3A_138, %get3A_504] : memref<2x80xi32, #tpu.memory_space<vmem>> -> memref<1x80xi32, #tpu.memory_space<vmem>>
        %get3A_506 = tpu.memref_squeeze %get3A_505 : memref<1x80xi32, #tpu.memory_space<vmem>> -> memref<80xi32, #tpu.memory_space<vmem>>
        %get3A_507 = arith.constant 0 : index
        %get3A_508 = tpu.vector_load %get3A_506[%get3A_507] {strides = array<i32>} : memref<80xi32, #tpu.memory_space<vmem>>, vector<16xi32>,
        %gather3A_509 = tpu.vector_load_idx %arg21[%broadcast_in_dim3A_496, %get3A_508] : memref<4x10000xf32, #tpu.memory_space<vmem>>[vector<16xi32>, vector<16xi32>], vector<16xf32>,
        %get3A_510 = arith.constant 0 : i32
        %get3A_511 = tpu.memref_slice %arg12[%and3A_138, %get3A_510] : memref<2x80xi32, #tpu.memory_space<vmem>> -> memref<1x80xi32, #tpu.memory_space<vmem>>
        %get3A_512 = tpu.memref_squeeze %get3A_511 : memref<1x80xi32, #tpu.memory_space<vmem>> -> memref<80xi32, #tpu.memory_space<vmem>>
        %get3A_513 = arith.constant 0 : index
        %get3A_514 = tpu.vector_load %get3A_512[%get3A_513] {strides = array<i32>} : memref<80xi32, #tpu.memory_space<vmem>>, vector<16xi32>,
        %gather3A_515 = tpu.vector_load_idx %arg21[%broadcast_in_dim3A_496, %get3A_514] : memref<4x10000xf32, #tpu.memory_space<vmem>>[vector<16xi32>, vector<16xi32>], vector<16xf32>,
        %get3A_516 = arith.constant 0 : index
        %get3A_517 = tpu.vector_load %arg16[%get3A_516] {strides = array<i32>} : memref<80xf32, #tpu.memory_space<vmem>>, vector<16xf32>,
        %select_n3A_518 = arith.select %eq3A_503, %gather3A_509, %get3A_517 : vector<16xi1>, vector<16xf32>
        %swap3A_519 = arith.constant 0 : index
        %swap3A_520 = tpu.vector_load %arg16[%swap3A_519] {strides = array<i32>} : memref<80xf32, #tpu.memory_space<vmem>>, vector<16xf32>,
        tpu.vector_store %arg16[%swap3A_519], %select_n3A_518 {strides = array<i32>} : memref<80xf32, #tpu.memory_space<vmem>>, vector<16xf32>,
        %get3A_521 = arith.constant 0 : index
        %get3A_522 = tpu.vector_load %arg17[%get3A_521] {strides = array<i32>} : memref<80xf32, #tpu.memory_space<vmem>>, vector<16xf32>,
        %select_n3A_523 = arith.select %eq3A_503, %gather3A_515, %get3A_522 : vector<16xi1>, vector<16xf32>
        %swap3A_524 = arith.constant 0 : index
        %swap3A_525 = tpu.vector_load %arg17[%swap3A_524] {strides = array<i32>} : memref<80xf32, #tpu.memory_space<vmem>>, vector<16xf32>,
        tpu.vector_store %arg17[%swap3A_524], %select_n3A_523 {strides = array<i32>} : memref<80xf32, #tpu.memory_space<vmem>>, vector<16xf32>,
        %get3A_526 = arith.constant 0 : i32
        %get3A_527 = tpu.memref_slice %arg10[%and3A_138, %get3A_526] : memref<2x80xi32, #tpu.memory_space<vmem>> -> memref<1x80xi32, #tpu.memory_space<vmem>>
        %get3A_528 = tpu.memref_squeeze %get3A_527 : memref<1x80xi32, #tpu.memory_space<vmem>> -> memref<80xi32, #tpu.memory_space<vmem>>
        %get3A_529 = arith.constant 16 : index
        %get3A_530 = tpu.vector_load %get3A_528[%get3A_529] {strides = array<i32>} : memref<80xi32, #tpu.memory_space<vmem>>, vector<16xi32>,
        %eq3A_531 = vector.broadcast %select_n3A_491 : i32 to vector<16xi32>
        %eq3A_532 = arith.cmpi eq, %get3A_530, %eq3A_531 : vector<16xi32>
        %get3A_533 = arith.constant 0 : i32
        %get3A_534 = tpu.memref_slice %arg11[%and3A_138, %get3A_533] : memref<2x80xi32, #tpu.memory_space<vmem>> -> memref<1x80xi32, #tpu.memory_space<vmem>>
        %get3A_535 = tpu.memref_squeeze %get3A_534 : memref<1x80xi32, #tpu.memory_space<vmem>> -> memref<80xi32, #tpu.memory_space<vmem>>
        %get3A_536 = arith.constant 16 : index
        %get3A_537 = tpu.vector_load %get3A_535[%get3A_536] {strides = array<i32>} : memref<80xi32, #tpu.memory_space<vmem>>, vector<16xi32>,
        %gather3A_538 = tpu.vector_load_idx %arg21[%broadcast_in_dim3A_496, %get3A_537] : memref<4x10000xf32, #tpu.memory_space<vmem>>[vector<16xi32>, vector<16xi32>], vector<16xf32>,
        %get3A_539 = arith.constant 0 : i32
        %get3A_540 = tpu.memref_slice %arg12[%and3A_138, %get3A_539] : memref<2x80xi32, #tpu.memory_space<vmem>> -> memref<1x80xi32, #tpu.memory_space<vmem>>
        %get3A_541 = tpu.memref_squeeze %get3A_540 : memref<1x80xi32, #tpu.memory_space<vmem>> -> memref<80xi32, #tpu.memory_space<vmem>>
        %get3A_542 = arith.constant 16 : index
        %get3A_543 = tpu.vector_load %get3A_541[%get3A_542] {strides = array<i32>} : memref<80xi32, #tpu.memory_space<vmem>>, vector<16xi32>,
        %gather3A_544 = tpu.vector_load_idx %arg21[%broadcast_in_dim3A_496, %get3A_543] : memref<4x10000xf32, #tpu.memory_space<vmem>>[vector<16xi32>, vector<16xi32>], vector<16xf32>,
        %get3A_545 = arith.constant 16 : index
        %get3A_546 = tpu.vector_load %arg16[%get3A_545] {strides = array<i32>} : memref<80xf32, #tpu.memory_space<vmem>>, vector<16xf32>,
        %select_n3A_547 = arith.select %eq3A_532, %gather3A_538, %get3A_546 : vector<16xi1>, vector<16xf32>
        %swap3A_548 = arith.constant 16 : index
        %swap3A_549 = tpu.vector_load %arg16[%swap3A_548] {strides = array<i32>} : memref<80xf32, #tpu.memory_space<vmem>>, vector<16xf32>,
        tpu.vector_store %arg16[%swap3A_548], %select_n3A_547 {strides = array<i32>} : memref<80xf32, #tpu.memory_space<vmem>>, vector<16xf32>,
        %get3A_550 = arith.constant 16 : index
        %get3A_551 = tpu.vector_load %arg17[%get3A_550] {strides = array<i32>} : memref<80xf32, #tpu.memory_space<vmem>>, vector<16xf32>,
        %select_n3A_552 = arith.select %eq3A_532, %gather3A_544, %get3A_551 : vector<16xi1>, vector<16xf32>
        %swap3A_553 = arith.constant 16 : index
        %swap3A_554 = tpu.vector_load %arg17[%swap3A_553] {strides = array<i32>} : memref<80xf32, #tpu.memory_space<vmem>>, vector<16xf32>,
        tpu.vector_store %arg17[%swap3A_553], %select_n3A_552 {strides = array<i32>} : memref<80xf32, #tpu.memory_space<vmem>>, vector<16xf32>,
        %get3A_555 = arith.constant 0 : i32
        %get3A_556 = tpu.memref_slice %arg10[%and3A_138, %get3A_555] : memref<2x80xi32, #tpu.memory_space<vmem>> -> memref<1x80xi32, #tpu.memory_space<vmem>>
        %get3A_557 = tpu.memref_squeeze %get3A_556 : memref<1x80xi32, #tpu.memory_space<vmem>> -> memref<80xi32, #tpu.memory_space<vmem>>
        %get3A_558 = arith.constant 32 : index
        %get3A_559 = tpu.vector_load %get3A_557[%get3A_558] {strides = array<i32>} : memref<80xi32, #tpu.memory_space<vmem>>, vector<16xi32>,
        %eq3A_560 = vector.broadcast %select_n3A_491 : i32 to vector<16xi32>
        %eq3A_561 = arith.cmpi eq, %get3A_559, %eq3A_560 : vector<16xi32>
        %get3A_562 = arith.constant 0 : i32
        %get3A_563 = tpu.memref_slice %arg11[%and3A_138, %get3A_562] : memref<2x80xi32, #tpu.memory_space<vmem>> -> memref<1x80xi32, #tpu.memory_space<vmem>>
        %get3A_564 = tpu.memref_squeeze %get3A_563 : memref<1x80xi32, #tpu.memory_space<vmem>> -> memref<80xi32, #tpu.memory_space<vmem>>
        %get3A_565 = arith.constant 32 : index
        %get3A_566 = tpu.vector_load %get3A_564[%get3A_565] {strides = array<i32>} : memref<80xi32, #tpu.memory_space<vmem>>, vector<16xi32>,
        %gather3A_567 = tpu.vector_load_idx %arg21[%broadcast_in_dim3A_496, %get3A_566] : memref<4x10000xf32, #tpu.memory_space<vmem>>[vector<16xi32>, vector<16xi32>], vector<16xf32>,
        %get3A_568 = arith.constant 0 : i32
        %get3A_569 = tpu.memref_slice %arg12[%and3A_138, %get3A_568] : memref<2x80xi32, #tpu.memory_space<vmem>> -> memref<1x80xi32, #tpu.memory_space<vmem>>
        %get3A_570 = tpu.memref_squeeze %get3A_569 : memref<1x80xi32, #tpu.memory_space<vmem>> -> memref<80xi32, #tpu.memory_space<vmem>>
        %get3A_571 = arith.constant 32 : index
        %get3A_572 = tpu.vector_load %get3A_570[%get3A_571] {strides = array<i32>} : memref<80xi32, #tpu.memory_space<vmem>>, vector<16xi32>,
        %gather3A_573 = tpu.vector_load_idx %arg21[%broadcast_in_dim3A_496, %get3A_572] : memref<4x10000xf32, #tpu.memory_space<vmem>>[vector<16xi32>, vector<16xi32>], vector<16xf32>,
        %get3A_574 = arith.constant 32 : index
        %get3A_575 = tpu.vector_load %arg16[%get3A_574] {strides = array<i32>} : memref<80xf32, #tpu.memory_space<vmem>>, vector<16xf32>,
        %select_n3A_576 = arith.select %eq3A_561, %gather3A_567, %get3A_575 : vector<16xi1>, vector<16xf32>
        %swap3A_577 = arith.constant 32 : index
        %swap3A_578 = tpu.vector_load %arg16[%swap3A_577] {strides = array<i32>} : memref<80xf32, #tpu.memory_space<vmem>>, vector<16xf32>,
        tpu.vector_store %arg16[%swap3A_577], %select_n3A_576 {strides = array<i32>} : memref<80xf32, #tpu.memory_space<vmem>>, vector<16xf32>,
        %get3A_579 = arith.constant 32 : index
        %get3A_580 = tpu.vector_load %arg17[%get3A_579] {strides = array<i32>} : memref<80xf32, #tpu.memory_space<vmem>>, vector<16xf32>,
        %select_n3A_581 = arith.select %eq3A_561, %gather3A_573, %get3A_580 : vector<16xi1>, vector<16xf32>
        %swap3A_582 = arith.constant 32 : index
        %swap3A_583 = tpu.vector_load %arg17[%swap3A_582] {strides = array<i32>} : memref<80xf32, #tpu.memory_space<vmem>>, vector<16xf32>,
        tpu.vector_store %arg17[%swap3A_582], %select_n3A_581 {strides = array<i32>} : memref<80xf32, #tpu.memory_space<vmem>>, vector<16xf32>,
        %get3A_584 = arith.constant 0 : i32
        %get3A_585 = tpu.memref_slice %arg10[%and3A_138, %get3A_584] : memref<2x80xi32, #tpu.memory_space<vmem>> -> memref<1x80xi32, #tpu.memory_space<vmem>>
        %get3A_586 = tpu.memref_squeeze %get3A_585 : memref<1x80xi32, #tpu.memory_space<vmem>> -> memref<80xi32, #tpu.memory_space<vmem>>
        %get3A_587 = arith.constant 48 : index
        %get3A_588 = tpu.vector_load %get3A_586[%get3A_587] {strides = array<i32>} : memref<80xi32, #tpu.memory_space<vmem>>, vector<16xi32>,
        %eq3A_589 = vector.broadcast %select_n3A_491 : i32 to vector<16xi32>
        %eq3A_590 = arith.cmpi eq, %get3A_588, %eq3A_589 : vector<16xi32>
        %get3A_591 = arith.constant 0 : i32
        %get3A_592 = tpu.memref_slice %arg11[%and3A_138, %get3A_591] : memref<2x80xi32, #tpu.memory_space<vmem>> -> memref<1x80xi32, #tpu.memory_space<vmem>>
        %get3A_593 = tpu.memref_squeeze %get3A_592 : memref<1x80xi32, #tpu.memory_space<vmem>> -> memref<80xi32, #tpu.memory_space<vmem>>
        %get3A_594 = arith.constant 48 : index
        %get3A_595 = tpu.vector_load %get3A_593[%get3A_594] {strides = array<i32>} : memref<80xi32, #tpu.memory_space<vmem>>, vector<16xi32>,
        %gather3A_596 = tpu.vector_load_idx %arg21[%broadcast_in_dim3A_496, %get3A_595] : memref<4x10000xf32, #tpu.memory_space<vmem>>[vector<16xi32>, vector<16xi32>], vector<16xf32>,
        %get3A_597 = arith.constant 0 : i32
        %get3A_598 = tpu.memref_slice %arg12[%and3A_138, %get3A_597] : memref<2x80xi32, #tpu.memory_space<vmem>> -> memref<1x80xi32, #tpu.memory_space<vmem>>
        %get3A_599 = tpu.memref_squeeze %get3A_598 : memref<1x80xi32, #tpu.memory_space<vmem>> -> memref<80xi32, #tpu.memory_space<vmem>>
        %get3A_600 = arith.constant 48 : index
        %get3A_601 = tpu.vector_load %get3A_599[%get3A_600] {strides = array<i32>} : memref<80xi32, #tpu.memory_space<vmem>>, vector<16xi32>,
        %gather3A_602 = tpu.vector_load_idx %arg21[%broadcast_in_dim3A_496, %get3A_601] : memref<4x10000xf32, #tpu.memory_space<vmem>>[vector<16xi32>, vector<16xi32>], vector<16xf32>,
        %get3A_603 = arith.constant 48 : index
        %get3A_604 = tpu.vector_load %arg16[%get3A_603] {strides = array<i32>} : memref<80xf32, #tpu.memory_space<vmem>>, vector<16xf32>,
        %select_n3A_605 = arith.select %eq3A_590, %gather3A_596, %get3A_604 : vector<16xi1>, vector<16xf32>
        %swap3A_606 = arith.constant 48 : index
        %swap3A_607 = tpu.vector_load %arg16[%swap3A_606] {strides = array<i32>} : memref<80xf32, #tpu.memory_space<vmem>>, vector<16xf32>,
        tpu.vector_store %arg16[%swap3A_606], %select_n3A_605 {strides = array<i32>} : memref<80xf32, #tpu.memory_space<vmem>>, vector<16xf32>,
        %get3A_608 = arith.constant 48 : index
        %get3A_609 = tpu.vector_load %arg17[%get3A_608] {strides = array<i32>} : memref<80xf32, #tpu.memory_space<vmem>>, vector<16xf32>,
        %select_n3A_610 = arith.select %eq3A_590, %gather3A_602, %get3A_609 : vector<16xi1>, vector<16xf32>
        %swap3A_611 = arith.constant 48 : index
        %swap3A_612 = tpu.vector_load %arg17[%swap3A_611] {strides = array<i32>} : memref<80xf32, #tpu.memory_space<vmem>>, vector<16xf32>,
        tpu.vector_store %arg17[%swap3A_611], %select_n3A_610 {strides = array<i32>} : memref<80xf32, #tpu.memory_space<vmem>>, vector<16xf32>,
        %get3A_613 = arith.constant 0 : i32
        %get3A_614 = tpu.memref_slice %arg10[%and3A_138, %get3A_613] : memref<2x80xi32, #tpu.memory_space<vmem>> -> memref<1x80xi32, #tpu.memory_space<vmem>>
        %get3A_615 = tpu.memref_squeeze %get3A_614 : memref<1x80xi32, #tpu.memory_space<vmem>> -> memref<80xi32, #tpu.memory_space<vmem>>
        %get3A_616 = arith.constant 64 : index
        %get3A_617 = tpu.vector_load %get3A_615[%get3A_616] {strides = array<i32>} : memref<80xi32, #tpu.memory_space<vmem>>, vector<16xi32>,
        %eq3A_618 = vector.broadcast %select_n3A_491 : i32 to vector<16xi32>
        %eq3A_619 = arith.cmpi eq, %get3A_617, %eq3A_618 : vector<16xi32>
        %get3A_620 = arith.constant 0 : i32
        %get3A_621 = tpu.memref_slice %arg11[%and3A_138, %get3A_620] : memref<2x80xi32, #tpu.memory_space<vmem>> -> memref<1x80xi32, #tpu.memory_space<vmem>>
        %get3A_622 = tpu.memref_squeeze %get3A_621 : memref<1x80xi32, #tpu.memory_space<vmem>> -> memref<80xi32, #tpu.memory_space<vmem>>
        %get3A_623 = arith.constant 64 : index
        %get3A_624 = tpu.vector_load %get3A_622[%get3A_623] {strides = array<i32>} : memref<80xi32, #tpu.memory_space<vmem>>, vector<16xi32>,
        %gather3A_625 = tpu.vector_load_idx %arg21[%broadcast_in_dim3A_496, %get3A_624] : memref<4x10000xf32, #tpu.memory_space<vmem>>[vector<16xi32>, vector<16xi32>], vector<16xf32>,
        %get3A_626 = arith.constant 0 : i32
        %get3A_627 = tpu.memref_slice %arg12[%and3A_138, %get3A_626] : memref<2x80xi32, #tpu.memory_space<vmem>> -> memref<1x80xi32, #tpu.memory_space<vmem>>
        %get3A_628 = tpu.memref_squeeze %get3A_627 : memref<1x80xi32, #tpu.memory_space<vmem>> -> memref<80xi32, #tpu.memory_space<vmem>>
        %get3A_629 = arith.constant 64 : index
        %get3A_630 = tpu.vector_load %get3A_628[%get3A_629] {strides = array<i32>} : memref<80xi32, #tpu.memory_space<vmem>>, vector<16xi32>,
        %gather3A_631 = tpu.vector_load_idx %arg21[%broadcast_in_dim3A_496, %get3A_630] : memref<4x10000xf32, #tpu.memory_space<vmem>>[vector<16xi32>, vector<16xi32>], vector<16xf32>,
        %get3A_632 = arith.constant 64 : index
        %get3A_633 = tpu.vector_load %arg16[%get3A_632] {strides = array<i32>} : memref<80xf32, #tpu.memory_space<vmem>>, vector<16xf32>,
        %select_n3A_634 = arith.select %eq3A_619, %gather3A_625, %get3A_633 : vector<16xi1>, vector<16xf32>
        %swap3A_635 = arith.constant 64 : index
        %swap3A_636 = tpu.vector_load %arg16[%swap3A_635] {strides = array<i32>} : memref<80xf32, #tpu.memory_space<vmem>>, vector<16xf32>,
        tpu.vector_store %arg16[%swap3A_635], %select_n3A_634 {strides = array<i32>} : memref<80xf32, #tpu.memory_space<vmem>>, vector<16xf32>,
        %get3A_637 = arith.constant 64 : index
        %get3A_638 = tpu.vector_load %arg17[%get3A_637] {strides = array<i32>} : memref<80xf32, #tpu.memory_space<vmem>>, vector<16xf32>,
        %select_n3A_639 = arith.select %eq3A_619, %gather3A_631, %get3A_638 : vector<16xi1>, vector<16xf32>
        %swap3A_640 = arith.constant 64 : index
        %swap3A_641 = tpu.vector_load %arg17[%swap3A_640] {strides = array<i32>} : memref<80xf32, #tpu.memory_space<vmem>>, vector<16xf32>,
        tpu.vector_store %arg17[%swap3A_640], %select_n3A_639 {strides = array<i32>} : memref<80xf32, #tpu.memory_space<vmem>>, vector<16xf32>,
        %add3A_642 = arith.constant 4 : i32
        %add3A_643 = arith.addi %while3A_474, %add3A_642 : i32
        %lt3A_644 = arith.cmpi slt, %add3A_643, %add3A_160 : i32
        %convert_element_type3A_645 = arith.extui %lt3A_644 : i1 to i32
        %cond3A_646 = arith.constant 0 : i32
        %cond3A_647 = arith.cmpi ne, %convert_element_type3A_645, %cond3A_646 : i32
        scf.if %cond3A_647 {
          %add3A_648 = arith.constant 4 : i32
          %add3A_649 = arith.addi %while3A_474, %add3A_648 : i32
          %sub3A_650 = arith.subi %add3A_649, %while3A_134 : i32
          %and3A_651 = arith.constant 1 : i32
          %and3A_652 = arith.andi %while3A_132, %and3A_651 : i32
          %broadcast_in_dim3A_653 = vector.broadcast %sub3A_650 : i32 to vector<16xi32>
          %gather3A_654 = arith.constant 0 : i32
          %gather3A_655 = tpu.memref_slice %arg15[%and3A_652, %gather3A_654] : memref<2x96xi32, #tpu.memory_space<vmem>> -> memref<1x96xi32, #tpu.memory_space<vmem>>
          %gather3A_656 = tpu.memref_squeeze %gather3A_655 : memref<1x96xi32, #tpu.memory_space<vmem>> -> memref<96xi32, #tpu.memory_space<vmem>>
          %gather3A_657 = tpu.vector_load_idx %gather3A_656[%broadcast_in_dim3A_653] : memref<96xi32, #tpu.memory_space<vmem>>[vector<16xi32>], vector<16xi32>,
          %slice3A_658 = vector.extract_strided_slice %gather3A_657 {offsets = [0], sizes = [1], strides = [1]} : vector<16xi32> to vector<1xi32>
          %squeeze3A_659 = vector.extract %slice3A_658[0] : i32 from vector<1xi32>
          %dma_start3A_660 = arith.constant 0 : i32
          %dma_start3A_661 = tpu.memref_slice %arg21[%and3A_477, %dma_start3A_660] : memref<4x10000xf32, #tpu.memory_space<vmem>> -> memref<1x10000xf32, #tpu.memory_space<vmem>>
          %dma_start3A_662 = tpu.memref_squeeze %dma_start3A_661 : memref<1x10000xf32, #tpu.memory_space<vmem>> -> memref<10000xf32, #tpu.memory_space<vmem>>
          %dma_start3A_663 = arith.constant 0 : i32
          %dma_start3A_664 = tpu.memref_slice %arg3[%squeeze3A_659, %dma_start3A_663] : memref<10000x10000xf32, #tpu.memory_space<hbm>> -> memref<1x10000xf32, #tpu.memory_space<hbm>>
          %dma_start3A_665 = tpu.memref_squeeze %dma_start3A_664 : memref<1x10000xf32, #tpu.memory_space<hbm>> -> memref<10000xf32, #tpu.memory_space<hbm>>
          %dma_start3A_666 = arith.constant 0 : i32
          %dma_start3A_667 = tpu.memref_slice %arg21[%and3A_477, %dma_start3A_666] : memref<4x10000xf32, #tpu.memory_space<vmem>> -> memref<1x10000xf32, #tpu.memory_space<vmem>>
          %dma_start3A_668 = tpu.memref_squeeze %dma_start3A_667 : memref<1x10000xf32, #tpu.memory_space<vmem>> -> memref<10000xf32, #tpu.memory_space<vmem>>
          %dma_start3A_669 = arith.constant 0 : i32
          %dma_start3A_670 = tpu.memref_slice %arg3[%squeeze3A_659, %dma_start3A_669] : memref<10000x10000xf32, #tpu.memory_space<hbm>> -> memref<1x10000xf32, #tpu.memory_space<hbm>>
          %dma_start3A_671 = tpu.memref_squeeze %dma_start3A_670 : memref<1x10000xf32, #tpu.memory_space<hbm>> -> memref<10000xf32, #tpu.memory_space<hbm>>
          tpu.enqueue_dma source(%dma_start3A_671 : memref<10000xf32, #tpu.memory_space<hbm>>) target(%dma_start3A_668 : memref<10000xf32, #tpu.memory_space<vmem>>) target_semaphore(%arg27 : memref<!tpu.dma_semaphore, #tpu.memory_space<semaphore_mem>>)
        } else {
        }
      }
      "tpu.trace_stop"() : () -> ()
      %add3A_171 = arith.addi %while3A_135, %add3A_160 : i32
      %sub3A_172 = arith.subi %add3A_171, %cond3A_159#1 : i32
      %and3A_173 = arith.constant 3 : i32
      %and3A_174 = arith.andi %sub3A_172, %and3A_173 : i32
      %add3A_175 = arith.constant 1 : i32
      %add3A_176 = arith.addi %while3A_132, %add3A_175 : i32
      %lt3A_177 = arith.cmpi slt, %add3A_176, %select_n3A_94 : i32
      %convert_element_type3A_178 = arith.extui %lt3A_177 : i1 to i32
      %cond3A_179 = arith.constant 0 : i32
      %cond3A_180 = arith.cmpi ne, %convert_element_type3A_178, %cond3A_179 : i32
      scf.if %cond3A_180 {
        %add3A_474 = arith.constant 1 : i32
        %add3A_475 = arith.addi %while3A_132, %add3A_474 : i32
        %le3A = arith.constant 0 : i32
        %le3A_476 = arith.cmpi sle, %cond3A_159#1, %le3A : i32
        %add3A_477 = arith.addi %cond3A_159#0, %cond3A_159#1 : i32
        %gt3A_478 = arith.constant 0 : i32
        %gt3A_479 = arith.cmpi sgt, %add3A_477, %gt3A_478 : i32
        %and3A_480 = arith.andi %le3A_476, %gt3A_479 : i1
        %convert_element_type3A_481 = arith.extui %and3A_480 : i1 to i32
        %cond3A_482 = arith.constant 0 : i32
        %cond3A_483 = arith.cmpi ne, %convert_element_type3A_481, %cond3A_482 : i32
        scf.if %cond3A_483 {
          %sub3A_511 = arith.constant 0 : i32
          %sub3A_512 = arith.subi %sub3A_511, %cond3A_159#1 : i32
          %add3A_513 = arith.constant 0 : i32
          %add3A_514 = arith.addi %and3A_174, %add3A_513 : i32
          %and3A_515 = arith.constant 3 : i32
          %and3A_516 = arith.andi %add3A_514, %and3A_515 : i32
          %and3A_517 = arith.constant 1 : i32
          %and3A_518 = arith.andi %add3A_475, %and3A_517 : i32
          %broadcast_in_dim3A_519 = vector.broadcast %sub3A_512 : i32 to vector<16xi32>
          %gather3A = arith.constant 0 : i32
          %gather3A_520 = tpu.memref_slice %arg15[%and3A_518, %gather3A] : memref<2x96xi32, #tpu.memory_space<vmem>> -> memref<1x96xi32, #tpu.memory_space<vmem>>
          %gather3A_521 = tpu.memref_squeeze %gather3A_520 : memref<1x96xi32, #tpu.memory_space<vmem>> -> memref<96xi32, #tpu.memory_space<vmem>>
          %gather3A_522 = tpu.vector_load_idx %gather3A_521[%broadcast_in_dim3A_519] : memref<96xi32, #tpu.memory_space<vmem>>[vector<16xi32>], vector<16xi32>,
          %slice3A_523 = vector.extract_strided_slice %gather3A_522 {offsets = [0], sizes = [1], strides = [1]} : vector<16xi32> to vector<1xi32>
          %squeeze3A_524 = vector.extract %slice3A_523[0] : i32 from vector<1xi32>
          %dma_start3A_525 = arith.constant 0 : i32
          %dma_start3A_526 = tpu.memref_slice %arg21[%and3A_516, %dma_start3A_525] : memref<4x10000xf32, #tpu.memory_space<vmem>> -> memref<1x10000xf32, #tpu.memory_space<vmem>>
          %dma_start3A_527 = tpu.memref_squeeze %dma_start3A_526 : memref<1x10000xf32, #tpu.memory_space<vmem>> -> memref<10000xf32, #tpu.memory_space<vmem>>
          %dma_start3A_528 = arith.constant 0 : i32
          %dma_start3A_529 = tpu.memref_slice %arg3[%squeeze3A_524, %dma_start3A_528] : memref<10000x10000xf32, #tpu.memory_space<hbm>> -> memref<1x10000xf32, #tpu.memory_space<hbm>>
          %dma_start3A_530 = tpu.memref_squeeze %dma_start3A_529 : memref<1x10000xf32, #tpu.memory_space<hbm>> -> memref<10000xf32, #tpu.memory_space<hbm>>
          %dma_start3A_531 = arith.constant 0 : i32
          %dma_start3A_532 = tpu.memref_slice %arg21[%and3A_516, %dma_start3A_531] : memref<4x10000xf32, #tpu.memory_space<vmem>> -> memref<1x10000xf32, #tpu.memory_space<vmem>>
          %dma_start3A_533 = tpu.memref_squeeze %dma_start3A_532 : memref<1x10000xf32, #tpu.memory_space<vmem>> -> memref<10000xf32, #tpu.memory_space<vmem>>
          %dma_start3A_534 = arith.constant 0 : i32
          %dma_start3A_535 = tpu.memref_slice %arg3[%squeeze3A_524, %dma_start3A_534] : memref<10000x10000xf32, #tpu.memory_space<hbm>> -> memref<1x10000xf32, #tpu.memory_space<hbm>>
          %dma_start3A_536 = tpu.memref_squeeze %dma_start3A_535 : memref<1x10000xf32, #tpu.memory_space<hbm>> -> memref<10000xf32, #tpu.memory_space<hbm>>
          tpu.enqueue_dma source(%dma_start3A_536 : memref<10000xf32, #tpu.memory_space<hbm>>) target(%dma_start3A_533 : memref<10000xf32, #tpu.memory_space<vmem>>) target_semaphore(%arg27 : memref<!tpu.dma_semaphore, #tpu.memory_space<semaphore_mem>>)
        } else {
        }
        %le3A_484 = arith.constant 1 : i32
        %le3A_485 = arith.cmpi sle, %cond3A_159#1, %le3A_484 : i32
        %add3A_486 = arith.addi %cond3A_159#0, %cond3A_159#1 : i32
        %gt3A_487 = arith.constant 1 : i32
        %gt3A_488 = arith.cmpi sgt, %add3A_486, %gt3A_487 : i32
        %and3A_489 = arith.andi %le3A_485, %gt3A_488 : i1
        %convert_element_type3A_490 = arith.extui %and3A_489 : i1 to i32
        %cond3A_491 = arith.constant 0 : i32
        %cond3A_492 = arith.cmpi ne, %convert_element_type3A_490, %cond3A_491 : i32
        scf.if %cond3A_492 {
          %sub3A_511 = arith.constant 1 : i32
          %sub3A_512 = arith.subi %sub3A_511, %cond3A_159#1 : i32
          %add3A_513 = arith.constant 1 : i32
          %add3A_514 = arith.addi %and3A_174, %add3A_513 : i32
          %and3A_515 = arith.constant 3 : i32
          %and3A_516 = arith.andi %add3A_514, %and3A_515 : i32
          %and3A_517 = arith.constant 1 : i32
          %and3A_518 = arith.andi %add3A_475, %and3A_517 : i32
          %broadcast_in_dim3A_519 = vector.broadcast %sub3A_512 : i32 to vector<16xi32>
          %gather3A = arith.constant 0 : i32
          %gather3A_520 = tpu.memref_slice %arg15[%and3A_518, %gather3A] : memref<2x96xi32, #tpu.memory_space<vmem>> -> memref<1x96xi32, #tpu.memory_space<vmem>>
          %gather3A_521 = tpu.memref_squeeze %gather3A_520 : memref<1x96xi32, #tpu.memory_space<vmem>> -> memref<96xi32, #tpu.memory_space<vmem>>
          %gather3A_522 = tpu.vector_load_idx %gather3A_521[%broadcast_in_dim3A_519] : memref<96xi32, #tpu.memory_space<vmem>>[vector<16xi32>], vector<16xi32>,
          %slice3A_523 = vector.extract_strided_slice %gather3A_522 {offsets = [0], sizes = [1], strides = [1]} : vector<16xi32> to vector<1xi32>
          %squeeze3A_524 = vector.extract %slice3A_523[0] : i32 from vector<1xi32>
          %dma_start3A_525 = arith.constant 0 : i32
          %dma_start3A_526 = tpu.memref_slice %arg21[%and3A_516, %dma_start3A_525] : memref<4x10000xf32, #tpu.memory_space<vmem>> -> memref<1x10000xf32, #tpu.memory_space<vmem>>
          %dma_start3A_527 = tpu.memref_squeeze %dma_start3A_526 : memref<1x10000xf32, #tpu.memory_space<vmem>> -> memref<10000xf32, #tpu.memory_space<vmem>>
          %dma_start3A_528 = arith.constant 0 : i32
          %dma_start3A_529 = tpu.memref_slice %arg3[%squeeze3A_524, %dma_start3A_528] : memref<10000x10000xf32, #tpu.memory_space<hbm>> -> memref<1x10000xf32, #tpu.memory_space<hbm>>
          %dma_start3A_530 = tpu.memref_squeeze %dma_start3A_529 : memref<1x10000xf32, #tpu.memory_space<hbm>> -> memref<10000xf32, #tpu.memory_space<hbm>>
          %dma_start3A_531 = arith.constant 0 : i32
          %dma_start3A_532 = tpu.memref_slice %arg21[%and3A_516, %dma_start3A_531] : memref<4x10000xf32, #tpu.memory_space<vmem>> -> memref<1x10000xf32, #tpu.memory_space<vmem>>
          %dma_start3A_533 = tpu.memref_squeeze %dma_start3A_532 : memref<1x10000xf32, #tpu.memory_space<vmem>> -> memref<10000xf32, #tpu.memory_space<vmem>>
          %dma_start3A_534 = arith.constant 0 : i32
          %dma_start3A_535 = tpu.memref_slice %arg3[%squeeze3A_524, %dma_start3A_534] : memref<10000x10000xf32, #tpu.memory_space<hbm>> -> memref<1x10000xf32, #tpu.memory_space<hbm>>
          %dma_start3A_536 = tpu.memref_squeeze %dma_start3A_535 : memref<1x10000xf32, #tpu.memory_space<hbm>> -> memref<10000xf32, #tpu.memory_space<hbm>>
          tpu.enqueue_dma source(%dma_start3A_536 : memref<10000xf32, #tpu.memory_space<hbm>>) target(%dma_start3A_533 : memref<10000xf32, #tpu.memory_space<vmem>>) target_semaphore(%arg27 : memref<!tpu.dma_semaphore, #tpu.memory_space<semaphore_mem>>)
        } else {
        }
        %le3A_493 = arith.constant 2 : i32
        %le3A_494 = arith.cmpi sle, %cond3A_159#1, %le3A_493 : i32
        %add3A_495 = arith.addi %cond3A_159#0, %cond3A_159#1 : i32
        %gt3A_496 = arith.constant 2 : i32
        %gt3A_497 = arith.cmpi sgt, %add3A_495, %gt3A_496 : i32
        %and3A_498 = arith.andi %le3A_494, %gt3A_497 : i1
        %convert_element_type3A_499 = arith.extui %and3A_498 : i1 to i32
        %cond3A_500 = arith.constant 0 : i32
        %cond3A_501 = arith.cmpi ne, %convert_element_type3A_499, %cond3A_500 : i32
        scf.if %cond3A_501 {
          %sub3A_511 = arith.constant 2 : i32
          %sub3A_512 = arith.subi %sub3A_511, %cond3A_159#1 : i32
          %add3A_513 = arith.constant 2 : i32
          %add3A_514 = arith.addi %and3A_174, %add3A_513 : i32
          %and3A_515 = arith.constant 3 : i32
          %and3A_516 = arith.andi %add3A_514, %and3A_515 : i32
          %and3A_517 = arith.constant 1 : i32
          %and3A_518 = arith.andi %add3A_475, %and3A_517 : i32
          %broadcast_in_dim3A_519 = vector.broadcast %sub3A_512 : i32 to vector<16xi32>
          %gather3A = arith.constant 0 : i32
          %gather3A_520 = tpu.memref_slice %arg15[%and3A_518, %gather3A] : memref<2x96xi32, #tpu.memory_space<vmem>> -> memref<1x96xi32, #tpu.memory_space<vmem>>
          %gather3A_521 = tpu.memref_squeeze %gather3A_520 : memref<1x96xi32, #tpu.memory_space<vmem>> -> memref<96xi32, #tpu.memory_space<vmem>>
          %gather3A_522 = tpu.vector_load_idx %gather3A_521[%broadcast_in_dim3A_519] : memref<96xi32, #tpu.memory_space<vmem>>[vector<16xi32>], vector<16xi32>,
          %slice3A_523 = vector.extract_strided_slice %gather3A_522 {offsets = [0], sizes = [1], strides = [1]} : vector<16xi32> to vector<1xi32>
          %squeeze3A_524 = vector.extract %slice3A_523[0] : i32 from vector<1xi32>
          %dma_start3A_525 = arith.constant 0 : i32
          %dma_start3A_526 = tpu.memref_slice %arg21[%and3A_516, %dma_start3A_525] : memref<4x10000xf32, #tpu.memory_space<vmem>> -> memref<1x10000xf32, #tpu.memory_space<vmem>>
          %dma_start3A_527 = tpu.memref_squeeze %dma_start3A_526 : memref<1x10000xf32, #tpu.memory_space<vmem>> -> memref<10000xf32, #tpu.memory_space<vmem>>
          %dma_start3A_528 = arith.constant 0 : i32
          %dma_start3A_529 = tpu.memref_slice %arg3[%squeeze3A_524, %dma_start3A_528] : memref<10000x10000xf32, #tpu.memory_space<hbm>> -> memref<1x10000xf32, #tpu.memory_space<hbm>>
          %dma_start3A_530 = tpu.memref_squeeze %dma_start3A_529 : memref<1x10000xf32, #tpu.memory_space<hbm>> -> memref<10000xf32, #tpu.memory_space<hbm>>
          %dma_start3A_531 = arith.constant 0 : i32
          %dma_start3A_532 = tpu.memref_slice %arg21[%and3A_516, %dma_start3A_531] : memref<4x10000xf32, #tpu.memory_space<vmem>> -> memref<1x10000xf32, #tpu.memory_space<vmem>>
          %dma_start3A_533 = tpu.memref_squeeze %dma_start3A_532 : memref<1x10000xf32, #tpu.memory_space<vmem>> -> memref<10000xf32, #tpu.memory_space<vmem>>
          %dma_start3A_534 = arith.constant 0 : i32
          %dma_start3A_535 = tpu.memref_slice %arg3[%squeeze3A_524, %dma_start3A_534] : memref<10000x10000xf32, #tpu.memory_space<hbm>> -> memref<1x10000xf32, #tpu.memory_space<hbm>>
          %dma_start3A_536 = tpu.memref_squeeze %dma_start3A_535 : memref<1x10000xf32, #tpu.memory_space<hbm>> -> memref<10000xf32, #tpu.memory_space<hbm>>
          tpu.enqueue_dma source(%dma_start3A_536 : memref<10000xf32, #tpu.memory_space<hbm>>) target(%dma_start3A_533 : memref<10000xf32, #tpu.memory_space<vmem>>) target_semaphore(%arg27 : memref<!tpu.dma_semaphore, #tpu.memory_space<semaphore_mem>>)
        } else {
        }
        %le3A_502 = arith.constant 3 : i32
        %le3A_503 = arith.cmpi sle, %cond3A_159#1, %le3A_502 : i32
        %add3A_504 = arith.addi %cond3A_159#0, %cond3A_159#1 : i32
        %gt3A_505 = arith.constant 3 : i32
        %gt3A_506 = arith.cmpi sgt, %add3A_504, %gt3A_505 : i32
        %and3A_507 = arith.andi %le3A_503, %gt3A_506 : i1
        %convert_element_type3A_508 = arith.extui %and3A_507 : i1 to i32
        %cond3A_509 = arith.constant 0 : i32
        %cond3A_510 = arith.cmpi ne, %convert_element_type3A_508, %cond3A_509 : i32
        scf.if %cond3A_510 {
          %sub3A_511 = arith.constant 3 : i32
          %sub3A_512 = arith.subi %sub3A_511, %cond3A_159#1 : i32
          %add3A_513 = arith.constant 3 : i32
          %add3A_514 = arith.addi %and3A_174, %add3A_513 : i32
          %and3A_515 = arith.constant 3 : i32
          %and3A_516 = arith.andi %add3A_514, %and3A_515 : i32
          %and3A_517 = arith.constant 1 : i32
          %and3A_518 = arith.andi %add3A_475, %and3A_517 : i32
          %broadcast_in_dim3A_519 = vector.broadcast %sub3A_512 : i32 to vector<16xi32>
          %gather3A = arith.constant 0 : i32
          %gather3A_520 = tpu.memref_slice %arg15[%and3A_518, %gather3A] : memref<2x96xi32, #tpu.memory_space<vmem>> -> memref<1x96xi32, #tpu.memory_space<vmem>>
          %gather3A_521 = tpu.memref_squeeze %gather3A_520 : memref<1x96xi32, #tpu.memory_space<vmem>> -> memref<96xi32, #tpu.memory_space<vmem>>
          %gather3A_522 = tpu.vector_load_idx %gather3A_521[%broadcast_in_dim3A_519] : memref<96xi32, #tpu.memory_space<vmem>>[vector<16xi32>], vector<16xi32>,
          %slice3A_523 = vector.extract_strided_slice %gather3A_522 {offsets = [0], sizes = [1], strides = [1]} : vector<16xi32> to vector<1xi32>
          %squeeze3A_524 = vector.extract %slice3A_523[0] : i32 from vector<1xi32>
          %dma_start3A_525 = arith.constant 0 : i32
          %dma_start3A_526 = tpu.memref_slice %arg21[%and3A_516, %dma_start3A_525] : memref<4x10000xf32, #tpu.memory_space<vmem>> -> memref<1x10000xf32, #tpu.memory_space<vmem>>
          %dma_start3A_527 = tpu.memref_squeeze %dma_start3A_526 : memref<1x10000xf32, #tpu.memory_space<vmem>> -> memref<10000xf32, #tpu.memory_space<vmem>>
          %dma_start3A_528 = arith.constant 0 : i32
          %dma_start3A_529 = tpu.memref_slice %arg3[%squeeze3A_524, %dma_start3A_528] : memref<10000x10000xf32, #tpu.memory_space<hbm>> -> memref<1x10000xf32, #tpu.memory_space<hbm>>
          %dma_start3A_530 = tpu.memref_squeeze %dma_start3A_529 : memref<1x10000xf32, #tpu.memory_space<hbm>> -> memref<10000xf32, #tpu.memory_space<hbm>>
          %dma_start3A_531 = arith.constant 0 : i32
          %dma_start3A_532 = tpu.memref_slice %arg21[%and3A_516, %dma_start3A_531] : memref<4x10000xf32, #tpu.memory_space<vmem>> -> memref<1x10000xf32, #tpu.memory_space<vmem>>
          %dma_start3A_533 = tpu.memref_squeeze %dma_start3A_532 : memref<1x10000xf32, #tpu.memory_space<vmem>> -> memref<10000xf32, #tpu.memory_space<vmem>>
          %dma_start3A_534 = arith.constant 0 : i32
          %dma_start3A_535 = tpu.memref_slice %arg3[%squeeze3A_524, %dma_start3A_534] : memref<10000x10000xf32, #tpu.memory_space<hbm>> -> memref<1x10000xf32, #tpu.memory_space<hbm>>
          %dma_start3A_536 = tpu.memref_squeeze %dma_start3A_535 : memref<1x10000xf32, #tpu.memory_space<hbm>> -> memref<10000xf32, #tpu.memory_space<hbm>>
          tpu.enqueue_dma source(%dma_start3A_536 : memref<10000xf32, #tpu.memory_space<hbm>>) target(%dma_start3A_533 : memref<10000xf32, #tpu.memory_space<vmem>>) target_semaphore(%arg27 : memref<!tpu.dma_semaphore, #tpu.memory_space<semaphore_mem>>)
        } else {
        }
      } else {
      }
      %mul3A_181 = arith.constant 80 : i32
      %mul3A_182 = arith.muli %while3A_132, %mul3A_181 : i32
      %add3A_183 = arith.addi %shift_left3A_53, %mul3A_182 : i32
      %min3A_184 = arith.constant 159920 : i32
      %min3A_185 = arith.minsi %add3A_183, %min3A_184 : i32
      %mul3A_186 = arith.constant 80 : i32
      %mul3A_187 = arith.muli %while3A_132, %mul3A_186 : i32
      %add3A_188 = arith.addi %shift_left3A_53, %mul3A_187 : i32
      %add3A_189 = arith.constant 0 : i32
      %add3A_190 = arith.addi %min3A_185, %add3A_189 : i32
      %add3A_191 = vector.broadcast %add3A_190 : i32 to vector<16xi32>
      %add3A_192 = arith.addi %add3A_191, %iota3A : vector<16xi32>
      %get3A_193 = arith.constant 0 : i32
      %get3A_194 = tpu.memref_slice %arg10[%and3A_138, %get3A_193] : memref<2x80xi32, #tpu.memory_space<vmem>> -> memref<1x80xi32, #tpu.memory_space<vmem>>
      %get3A_195 = tpu.memref_squeeze %get3A_194 : memref<1x80xi32, #tpu.memory_space<vmem>> -> memref<80xi32, #tpu.memory_space<vmem>>
      %get3A_196 = arith.constant 0 : index
      %get3A_197 = tpu.vector_load %get3A_195[%get3A_196] {strides = array<i32>} : memref<80xi32, #tpu.memory_space<vmem>>, vector<16xi32>,
      %sub3A_198 = vector.broadcast %mul3A_96 : i32 to vector<16xi32>
      %sub3A_199 = arith.subi %get3A_197, %sub3A_198 : vector<16xi32>
      %ge3A = vector.broadcast %add3A_188 : i32 to vector<16xi32>
      %ge3A_200 = arith.cmpi sge, %add3A_192, %ge3A : vector<16xi32>
      %lt3A_201 = vector.broadcast %select_n3A_65 : i32 to vector<16xi32>
      %lt3A_202 = arith.cmpi slt, %add3A_192, %lt3A_201 : vector<16xi32>
      %and3A_203 = arith.andi %ge3A_200, %lt3A_202 : vector<16xi1>
      %ge3A_204 = arith.constant 0 : i32
      %ge3A_205 = vector.broadcast %ge3A_204 : i32 to vector<16xi32>
      %ge3A_206 = arith.cmpi sge, %sub3A_199, %ge3A_205 : vector<16xi32>
      %and3A_207 = arith.andi %and3A_203, %ge3A_206 : vector<16xi1>
      %lt3A_208 = arith.constant 5000 : i32
      %lt3A_209 = vector.broadcast %lt3A_208 : i32 to vector<16xi32>
      %lt3A_210 = arith.cmpi slt, %sub3A_199, %lt3A_209 : vector<16xi32>
      %and3A_211 = arith.andi %and3A_207, %lt3A_210 : vector<16xi1>
      %get3A_212 = arith.constant 0 : i32
      %get3A_213 = tpu.memref_slice %arg13[%and3A_138, %get3A_212] : memref<2x80xf32, #tpu.memory_space<vmem>> -> memref<1x80xf32, #tpu.memory_space<vmem>>
      %get3A_214 = tpu.memref_squeeze %get3A_213 : memref<1x80xf32, #tpu.memory_space<vmem>> -> memref<80xf32, #tpu.memory_space<vmem>>
      %get3A_215 = arith.constant 0 : index
      %get3A_216 = tpu.vector_load %get3A_214[%get3A_215] {strides = array<i32>} : memref<80xf32, #tpu.memory_space<vmem>>, vector<16xf32>,
      %get3A_217 = arith.constant 0 : index
      %get3A_218 = tpu.vector_load %arg16[%get3A_217] {strides = array<i32>} : memref<80xf32, #tpu.memory_space<vmem>>, vector<16xf32>,
      %mul3A_219 = arith.mulf %get3A_216, %get3A_218 : vector<16xf32>
      %get3A_220 = arith.constant 0 : index
      %get3A_221 = tpu.vector_load %arg17[%get3A_220] {strides = array<i32>} : memref<80xf32, #tpu.memory_space<vmem>>, vector<16xf32>,
      %mul3A_222 = arith.mulf %mul3A_219, %get3A_221 : vector<16xf32>
      %jit3A_223 = arith.constant 0.000000e+00 : f32
      %broadcast_in_dim3A = vector.broadcast %jit3A_223 : f32 to vector<16xf32>
      %select_n3A_224 = arith.select %and3A_211, %mul3A_222, %broadcast_in_dim3A : vector<16xi1>, vector<16xf32>
      %swap3A = arith.constant 0 : index
      %swap3A_225 = tpu.vector_load %arg17[%swap3A] {strides = array<i32>} : memref<80xf32, #tpu.memory_space<vmem>>, vector<16xf32>,
      tpu.vector_store %arg17[%swap3A], %select_n3A_224 {strides = array<i32>} : memref<80xf32, #tpu.memory_space<vmem>>, vector<16xf32>,
      %jit3A_226 = arith.constant 0 : i32
      %jit3A_227 = arith.constant 4999 : i32
      %max3A = vector.broadcast %jit3A_226 : i32 to vector<16xi32>
      %max3A_228 = arith.maxsi %max3A, %sub3A_199 : vector<16xi32>
      %min3A_229 = vector.broadcast %jit3A_227 : i32 to vector<16xi32>
      %min3A_230 = arith.minsi %min3A_229, %max3A_228 : vector<16xi32>
      %swap3A_231 = arith.constant 0 : i32
      %swap3A_232 = tpu.memref_slice %arg14[%and3A_138, %swap3A_231] : memref<2x80xi32, #tpu.memory_space<vmem>> -> memref<1x80xi32, #tpu.memory_space<vmem>>
      %swap3A_233 = tpu.memref_squeeze %swap3A_232 : memref<1x80xi32, #tpu.memory_space<vmem>> -> memref<80xi32, #tpu.memory_space<vmem>>
      %swap3A_234 = arith.constant 0 : index
      %swap3A_235 = tpu.vector_load %swap3A_233[%swap3A_234] {strides = array<i32>} : memref<80xi32, #tpu.memory_space<vmem>>, vector<16xi32>,
      tpu.vector_store %swap3A_233[%swap3A_234], %min3A_230 {strides = array<i32>} : memref<80xi32, #tpu.memory_space<vmem>>, vector<16xi32>,
      %add3A_236 = arith.constant 16 : i32
      %add3A_237 = arith.addi %min3A_185, %add3A_236 : i32
      %add3A_238 = vector.broadcast %add3A_237 : i32 to vector<16xi32>
      %add3A_239 = arith.addi %add3A_238, %iota3A : vector<16xi32>
      %get3A_240 = arith.constant 0 : i32
      %get3A_241 = tpu.memref_slice %arg10[%and3A_138, %get3A_240] : memref<2x80xi32, #tpu.memory_space<vmem>> -> memref<1x80xi32, #tpu.memory_space<vmem>>
      %get3A_242 = tpu.memref_squeeze %get3A_241 : memref<1x80xi32, #tpu.memory_space<vmem>> -> memref<80xi32, #tpu.memory_space<vmem>>
      %get3A_243 = arith.constant 16 : index
      %get3A_244 = tpu.vector_load %get3A_242[%get3A_243] {strides = array<i32>} : memref<80xi32, #tpu.memory_space<vmem>>, vector<16xi32>,
      %sub3A_245 = vector.broadcast %mul3A_96 : i32 to vector<16xi32>
      %sub3A_246 = arith.subi %get3A_244, %sub3A_245 : vector<16xi32>
      %ge3A_247 = vector.broadcast %add3A_188 : i32 to vector<16xi32>
      %ge3A_248 = arith.cmpi sge, %add3A_239, %ge3A_247 : vector<16xi32>
      %lt3A_249 = vector.broadcast %select_n3A_65 : i32 to vector<16xi32>
      %lt3A_250 = arith.cmpi slt, %add3A_239, %lt3A_249 : vector<16xi32>
      %and3A_251 = arith.andi %ge3A_248, %lt3A_250 : vector<16xi1>
      %ge3A_252 = arith.constant 0 : i32
      %ge3A_253 = vector.broadcast %ge3A_252 : i32 to vector<16xi32>
      %ge3A_254 = arith.cmpi sge, %sub3A_246, %ge3A_253 : vector<16xi32>
      %and3A_255 = arith.andi %and3A_251, %ge3A_254 : vector<16xi1>
      %lt3A_256 = arith.constant 5000 : i32
      %lt3A_257 = vector.broadcast %lt3A_256 : i32 to vector<16xi32>
      %lt3A_258 = arith.cmpi slt, %sub3A_246, %lt3A_257 : vector<16xi32>
      %and3A_259 = arith.andi %and3A_255, %lt3A_258 : vector<16xi1>
      %get3A_260 = arith.constant 0 : i32
      %get3A_261 = tpu.memref_slice %arg13[%and3A_138, %get3A_260] : memref<2x80xf32, #tpu.memory_space<vmem>> -> memref<1x80xf32, #tpu.memory_space<vmem>>
      %get3A_262 = tpu.memref_squeeze %get3A_261 : memref<1x80xf32, #tpu.memory_space<vmem>> -> memref<80xf32, #tpu.memory_space<vmem>>
      %get3A_263 = arith.constant 16 : index
      %get3A_264 = tpu.vector_load %get3A_262[%get3A_263] {strides = array<i32>} : memref<80xf32, #tpu.memory_space<vmem>>, vector<16xf32>,
      %get3A_265 = arith.constant 16 : index
      %get3A_266 = tpu.vector_load %arg16[%get3A_265] {strides = array<i32>} : memref<80xf32, #tpu.memory_space<vmem>>, vector<16xf32>,
      %mul3A_267 = arith.mulf %get3A_264, %get3A_266 : vector<16xf32>
      %get3A_268 = arith.constant 16 : index
      %get3A_269 = tpu.vector_load %arg17[%get3A_268] {strides = array<i32>} : memref<80xf32, #tpu.memory_space<vmem>>, vector<16xf32>,
      %mul3A_270 = arith.mulf %mul3A_267, %get3A_269 : vector<16xf32>
      %jit3A_271 = arith.constant 0.000000e+00 : f32
      %broadcast_in_dim3A_272 = vector.broadcast %jit3A_271 : f32 to vector<16xf32>
      %select_n3A_273 = arith.select %and3A_259, %mul3A_270, %broadcast_in_dim3A_272 : vector<16xi1>, vector<16xf32>
      %swap3A_274 = arith.constant 16 : index
      %swap3A_275 = tpu.vector_load %arg17[%swap3A_274] {strides = array<i32>} : memref<80xf32, #tpu.memory_space<vmem>>, vector<16xf32>,
      tpu.vector_store %arg17[%swap3A_274], %select_n3A_273 {strides = array<i32>} : memref<80xf32, #tpu.memory_space<vmem>>, vector<16xf32>,
      %jit3A_276 = arith.constant 0 : i32
      %jit3A_277 = arith.constant 4999 : i32
      %max3A_278 = vector.broadcast %jit3A_276 : i32 to vector<16xi32>
      %max3A_279 = arith.maxsi %max3A_278, %sub3A_246 : vector<16xi32>
      %min3A_280 = vector.broadcast %jit3A_277 : i32 to vector<16xi32>
      %min3A_281 = arith.minsi %min3A_280, %max3A_279 : vector<16xi32>
      %swap3A_282 = arith.constant 0 : i32
      %swap3A_283 = tpu.memref_slice %arg14[%and3A_138, %swap3A_282] : memref<2x80xi32, #tpu.memory_space<vmem>> -> memref<1x80xi32, #tpu.memory_space<vmem>>
      %swap3A_284 = tpu.memref_squeeze %swap3A_283 : memref<1x80xi32, #tpu.memory_space<vmem>> -> memref<80xi32, #tpu.memory_space<vmem>>
      %swap3A_285 = arith.constant 16 : index
      %swap3A_286 = tpu.vector_load %swap3A_284[%swap3A_285] {strides = array<i32>} : memref<80xi32, #tpu.memory_space<vmem>>, vector<16xi32>,
      tpu.vector_store %swap3A_284[%swap3A_285], %min3A_281 {strides = array<i32>} : memref<80xi32, #tpu.memory_space<vmem>>, vector<16xi32>,
      %add3A_287 = arith.constant 32 : i32
      %add3A_288 = arith.addi %min3A_185, %add3A_287 : i32
      %add3A_289 = vector.broadcast %add3A_288 : i32 to vector<16xi32>
      %add3A_290 = arith.addi %add3A_289, %iota3A : vector<16xi32>
      %get3A_291 = arith.constant 0 : i32
      %get3A_292 = tpu.memref_slice %arg10[%and3A_138, %get3A_291] : memref<2x80xi32, #tpu.memory_space<vmem>> -> memref<1x80xi32, #tpu.memory_space<vmem>>
      %get3A_293 = tpu.memref_squeeze %get3A_292 : memref<1x80xi32, #tpu.memory_space<vmem>> -> memref<80xi32, #tpu.memory_space<vmem>>
      %get3A_294 = arith.constant 32 : index
      %get3A_295 = tpu.vector_load %get3A_293[%get3A_294] {strides = array<i32>} : memref<80xi32, #tpu.memory_space<vmem>>, vector<16xi32>,
      %sub3A_296 = vector.broadcast %mul3A_96 : i32 to vector<16xi32>
      %sub3A_297 = arith.subi %get3A_295, %sub3A_296 : vector<16xi32>
      %ge3A_298 = vector.broadcast %add3A_188 : i32 to vector<16xi32>
      %ge3A_299 = arith.cmpi sge, %add3A_290, %ge3A_298 : vector<16xi32>
      %lt3A_300 = vector.broadcast %select_n3A_65 : i32 to vector<16xi32>
      %lt3A_301 = arith.cmpi slt, %add3A_290, %lt3A_300 : vector<16xi32>
      %and3A_302 = arith.andi %ge3A_299, %lt3A_301 : vector<16xi1>
      %ge3A_303 = arith.constant 0 : i32
      %ge3A_304 = vector.broadcast %ge3A_303 : i32 to vector<16xi32>
      %ge3A_305 = arith.cmpi sge, %sub3A_297, %ge3A_304 : vector<16xi32>
      %and3A_306 = arith.andi %and3A_302, %ge3A_305 : vector<16xi1>
      %lt3A_307 = arith.constant 5000 : i32
      %lt3A_308 = vector.broadcast %lt3A_307 : i32 to vector<16xi32>
      %lt3A_309 = arith.cmpi slt, %sub3A_297, %lt3A_308 : vector<16xi32>
      %and3A_310 = arith.andi %and3A_306, %lt3A_309 : vector<16xi1>
      %get3A_311 = arith.constant 0 : i32
      %get3A_312 = tpu.memref_slice %arg13[%and3A_138, %get3A_311] : memref<2x80xf32, #tpu.memory_space<vmem>> -> memref<1x80xf32, #tpu.memory_space<vmem>>
      %get3A_313 = tpu.memref_squeeze %get3A_312 : memref<1x80xf32, #tpu.memory_space<vmem>> -> memref<80xf32, #tpu.memory_space<vmem>>
      %get3A_314 = arith.constant 32 : index
      %get3A_315 = tpu.vector_load %get3A_313[%get3A_314] {strides = array<i32>} : memref<80xf32, #tpu.memory_space<vmem>>, vector<16xf32>,
      %get3A_316 = arith.constant 32 : index
      %get3A_317 = tpu.vector_load %arg16[%get3A_316] {strides = array<i32>} : memref<80xf32, #tpu.memory_space<vmem>>, vector<16xf32>,
      %mul3A_318 = arith.mulf %get3A_315, %get3A_317 : vector<16xf32>
      %get3A_319 = arith.constant 32 : index
      %get3A_320 = tpu.vector_load %arg17[%get3A_319] {strides = array<i32>} : memref<80xf32, #tpu.memory_space<vmem>>, vector<16xf32>,
      %mul3A_321 = arith.mulf %mul3A_318, %get3A_320 : vector<16xf32>
      %jit3A_322 = arith.constant 0.000000e+00 : f32
      %broadcast_in_dim3A_323 = vector.broadcast %jit3A_322 : f32 to vector<16xf32>
      %select_n3A_324 = arith.select %and3A_310, %mul3A_321, %broadcast_in_dim3A_323 : vector<16xi1>, vector<16xf32>
      %swap3A_325 = arith.constant 32 : index
      %swap3A_326 = tpu.vector_load %arg17[%swap3A_325] {strides = array<i32>} : memref<80xf32, #tpu.memory_space<vmem>>, vector<16xf32>,
      tpu.vector_store %arg17[%swap3A_325], %select_n3A_324 {strides = array<i32>} : memref<80xf32, #tpu.memory_space<vmem>>, vector<16xf32>,
      %jit3A_327 = arith.constant 0 : i32
      %jit3A_328 = arith.constant 4999 : i32
      %max3A_329 = vector.broadcast %jit3A_327 : i32 to vector<16xi32>
      %max3A_330 = arith.maxsi %max3A_329, %sub3A_297 : vector<16xi32>
      %min3A_331 = vector.broadcast %jit3A_328 : i32 to vector<16xi32>
      %min3A_332 = arith.minsi %min3A_331, %max3A_330 : vector<16xi32>
      %swap3A_333 = arith.constant 0 : i32
      %swap3A_334 = tpu.memref_slice %arg14[%and3A_138, %swap3A_333] : memref<2x80xi32, #tpu.memory_space<vmem>> -> memref<1x80xi32, #tpu.memory_space<vmem>>
      %swap3A_335 = tpu.memref_squeeze %swap3A_334 : memref<1x80xi32, #tpu.memory_space<vmem>> -> memref<80xi32, #tpu.memory_space<vmem>>
      %swap3A_336 = arith.constant 32 : index
      %swap3A_337 = tpu.vector_load %swap3A_335[%swap3A_336] {strides = array<i32>} : memref<80xi32, #tpu.memory_space<vmem>>, vector<16xi32>,
      tpu.vector_store %swap3A_335[%swap3A_336], %min3A_332 {strides = array<i32>} : memref<80xi32, #tpu.memory_space<vmem>>, vector<16xi32>,
      %add3A_338 = arith.constant 48 : i32
      %add3A_339 = arith.addi %min3A_185, %add3A_338 : i32
      %add3A_340 = vector.broadcast %add3A_339 : i32 to vector<16xi32>
      %add3A_341 = arith.addi %add3A_340, %iota3A : vector<16xi32>
      %get3A_342 = arith.constant 0 : i32
      %get3A_343 = tpu.memref_slice %arg10[%and3A_138, %get3A_342] : memref<2x80xi32, #tpu.memory_space<vmem>> -> memref<1x80xi32, #tpu.memory_space<vmem>>
      %get3A_344 = tpu.memref_squeeze %get3A_343 : memref<1x80xi32, #tpu.memory_space<vmem>> -> memref<80xi32, #tpu.memory_space<vmem>>
      %get3A_345 = arith.constant 48 : index
      %get3A_346 = tpu.vector_load %get3A_344[%get3A_345] {strides = array<i32>} : memref<80xi32, #tpu.memory_space<vmem>>, vector<16xi32>,
      %sub3A_347 = vector.broadcast %mul3A_96 : i32 to vector<16xi32>
      %sub3A_348 = arith.subi %get3A_346, %sub3A_347 : vector<16xi32>
      %ge3A_349 = vector.broadcast %add3A_188 : i32 to vector<16xi32>
      %ge3A_350 = arith.cmpi sge, %add3A_341, %ge3A_349 : vector<16xi32>
      %lt3A_351 = vector.broadcast %select_n3A_65 : i32 to vector<16xi32>
      %lt3A_352 = arith.cmpi slt, %add3A_341, %lt3A_351 : vector<16xi32>
      %and3A_353 = arith.andi %ge3A_350, %lt3A_352 : vector<16xi1>
      %ge3A_354 = arith.constant 0 : i32
      %ge3A_355 = vector.broadcast %ge3A_354 : i32 to vector<16xi32>
      %ge3A_356 = arith.cmpi sge, %sub3A_348, %ge3A_355 : vector<16xi32>
      %and3A_357 = arith.andi %and3A_353, %ge3A_356 : vector<16xi1>
      %lt3A_358 = arith.constant 5000 : i32
      %lt3A_359 = vector.broadcast %lt3A_358 : i32 to vector<16xi32>
      %lt3A_360 = arith.cmpi slt, %sub3A_348, %lt3A_359 : vector<16xi32>
      %and3A_361 = arith.andi %and3A_357, %lt3A_360 : vector<16xi1>
      %get3A_362 = arith.constant 0 : i32
      %get3A_363 = tpu.memref_slice %arg13[%and3A_138, %get3A_362] : memref<2x80xf32, #tpu.memory_space<vmem>> -> memref<1x80xf32, #tpu.memory_space<vmem>>
      %get3A_364 = tpu.memref_squeeze %get3A_363 : memref<1x80xf32, #tpu.memory_space<vmem>> -> memref<80xf32, #tpu.memory_space<vmem>>
      %get3A_365 = arith.constant 48 : index
      %get3A_366 = tpu.vector_load %get3A_364[%get3A_365] {strides = array<i32>} : memref<80xf32, #tpu.memory_space<vmem>>, vector<16xf32>,
      %get3A_367 = arith.constant 48 : index
      %get3A_368 = tpu.vector_load %arg16[%get3A_367] {strides = array<i32>} : memref<80xf32, #tpu.memory_space<vmem>>, vector<16xf32>,
      %mul3A_369 = arith.mulf %get3A_366, %get3A_368 : vector<16xf32>
      %get3A_370 = arith.constant 48 : index
      %get3A_371 = tpu.vector_load %arg17[%get3A_370] {strides = array<i32>} : memref<80xf32, #tpu.memory_space<vmem>>, vector<16xf32>,
      %mul3A_372 = arith.mulf %mul3A_369, %get3A_371 : vector<16xf32>
      %jit3A_373 = arith.constant 0.000000e+00 : f32
      %broadcast_in_dim3A_374 = vector.broadcast %jit3A_373 : f32 to vector<16xf32>
      %select_n3A_375 = arith.select %and3A_361, %mul3A_372, %broadcast_in_dim3A_374 : vector<16xi1>, vector<16xf32>
      %swap3A_376 = arith.constant 48 : index
      %swap3A_377 = tpu.vector_load %arg17[%swap3A_376] {strides = array<i32>} : memref<80xf32, #tpu.memory_space<vmem>>, vector<16xf32>,
      tpu.vector_store %arg17[%swap3A_376], %select_n3A_375 {strides = array<i32>} : memref<80xf32, #tpu.memory_space<vmem>>, vector<16xf32>,
      %jit3A_378 = arith.constant 0 : i32
      %jit3A_379 = arith.constant 4999 : i32
      %max3A_380 = vector.broadcast %jit3A_378 : i32 to vector<16xi32>
      %max3A_381 = arith.maxsi %max3A_380, %sub3A_348 : vector<16xi32>
      %min3A_382 = vector.broadcast %jit3A_379 : i32 to vector<16xi32>
      %min3A_383 = arith.minsi %min3A_382, %max3A_381 : vector<16xi32>
      %swap3A_384 = arith.constant 0 : i32
      %swap3A_385 = tpu.memref_slice %arg14[%and3A_138, %swap3A_384] : memref<2x80xi32, #tpu.memory_space<vmem>> -> memref<1x80xi32, #tpu.memory_space<vmem>>
      %swap3A_386 = tpu.memref_squeeze %swap3A_385 : memref<1x80xi32, #tpu.memory_space<vmem>> -> memref<80xi32, #tpu.memory_space<vmem>>
      %swap3A_387 = arith.constant 48 : index
      %swap3A_388 = tpu.vector_load %swap3A_386[%swap3A_387] {strides = array<i32>} : memref<80xi32, #tpu.memory_space<vmem>>, vector<16xi32>,
      tpu.vector_store %swap3A_386[%swap3A_387], %min3A_383 {strides = array<i32>} : memref<80xi32, #tpu.memory_space<vmem>>, vector<16xi32>,
      %add3A_389 = arith.constant 64 : i32
      %add3A_390 = arith.addi %min3A_185, %add3A_389 : i32
      %add3A_391 = vector.broadcast %add3A_390 : i32 to vector<16xi32>
      %add3A_392 = arith.addi %add3A_391, %iota3A : vector<16xi32>
      %get3A_393 = arith.constant 0 : i32
      %get3A_394 = tpu.memref_slice %arg10[%and3A_138, %get3A_393] : memref<2x80xi32, #tpu.memory_space<vmem>> -> memref<1x80xi32, #tpu.memory_space<vmem>>
      %get3A_395 = tpu.memref_squeeze %get3A_394 : memref<1x80xi32, #tpu.memory_space<vmem>> -> memref<80xi32, #tpu.memory_space<vmem>>
      %get3A_396 = arith.constant 64 : index
      %get3A_397 = tpu.vector_load %get3A_395[%get3A_396] {strides = array<i32>} : memref<80xi32, #tpu.memory_space<vmem>>, vector<16xi32>,
      %sub3A_398 = vector.broadcast %mul3A_96 : i32 to vector<16xi32>
      %sub3A_399 = arith.subi %get3A_397, %sub3A_398 : vector<16xi32>
      %ge3A_400 = vector.broadcast %add3A_188 : i32 to vector<16xi32>
      %ge3A_401 = arith.cmpi sge, %add3A_392, %ge3A_400 : vector<16xi32>
      %lt3A_402 = vector.broadcast %select_n3A_65 : i32 to vector<16xi32>
      %lt3A_403 = arith.cmpi slt, %add3A_392, %lt3A_402 : vector<16xi32>
      %and3A_404 = arith.andi %ge3A_401, %lt3A_403 : vector<16xi1>
      %ge3A_405 = arith.constant 0 : i32
      %ge3A_406 = vector.broadcast %ge3A_405 : i32 to vector<16xi32>
      %ge3A_407 = arith.cmpi sge, %sub3A_399, %ge3A_406 : vector<16xi32>
      %and3A_408 = arith.andi %and3A_404, %ge3A_407 : vector<16xi1>
      %lt3A_409 = arith.constant 5000 : i32
      %lt3A_410 = vector.broadcast %lt3A_409 : i32 to vector<16xi32>
      %lt3A_411 = arith.cmpi slt, %sub3A_399, %lt3A_410 : vector<16xi32>
      %and3A_412 = arith.andi %and3A_408, %lt3A_411 : vector<16xi1>
      %get3A_413 = arith.constant 0 : i32
      %get3A_414 = tpu.memref_slice %arg13[%and3A_138, %get3A_413] : memref<2x80xf32, #tpu.memory_space<vmem>> -> memref<1x80xf32, #tpu.memory_space<vmem>>
      %get3A_415 = tpu.memref_squeeze %get3A_414 : memref<1x80xf32, #tpu.memory_space<vmem>> -> memref<80xf32, #tpu.memory_space<vmem>>
      %get3A_416 = arith.constant 64 : index
      %get3A_417 = tpu.vector_load %get3A_415[%get3A_416] {strides = array<i32>} : memref<80xf32, #tpu.memory_space<vmem>>, vector<16xf32>,
      %get3A_418 = arith.constant 64 : index
      %get3A_419 = tpu.vector_load %arg16[%get3A_418] {strides = array<i32>} : memref<80xf32, #tpu.memory_space<vmem>>, vector<16xf32>,
      %mul3A_420 = arith.mulf %get3A_417, %get3A_419 : vector<16xf32>
      %get3A_421 = arith.constant 64 : index
      %get3A_422 = tpu.vector_load %arg17[%get3A_421] {strides = array<i32>} : memref<80xf32, #tpu.memory_space<vmem>>, vector<16xf32>,
      %mul3A_423 = arith.mulf %mul3A_420, %get3A_422 : vector<16xf32>
      %jit3A_424 = arith.constant 0.000000e+00 : f32
      %broadcast_in_dim3A_425 = vector.broadcast %jit3A_424 : f32 to vector<16xf32>
      %select_n3A_426 = arith.select %and3A_412, %mul3A_423, %broadcast_in_dim3A_425 : vector<16xi1>, vector<16xf32>
      %swap3A_427 = arith.constant 64 : index
      %swap3A_428 = tpu.vector_load %arg17[%swap3A_427] {strides = array<i32>} : memref<80xf32, #tpu.memory_space<vmem>>, vector<16xf32>,
      tpu.vector_store %arg17[%swap3A_427], %select_n3A_426 {strides = array<i32>} : memref<80xf32, #tpu.memory_space<vmem>>, vector<16xf32>,
      %jit3A_429 = arith.constant 0 : i32
      %jit3A_430 = arith.constant 4999 : i32
      %max3A_431 = vector.broadcast %jit3A_429 : i32 to vector<16xi32>
      %max3A_432 = arith.maxsi %max3A_431, %sub3A_399 : vector<16xi32>
      %min3A_433 = vector.broadcast %jit3A_430 : i32 to vector<16xi32>
      %min3A_434 = arith.minsi %min3A_433, %max3A_432 : vector<16xi32>
      %swap3A_435 = arith.constant 0 : i32
      %swap3A_436 = tpu.memref_slice %arg14[%and3A_138, %swap3A_435] : memref<2x80xi32, #tpu.memory_space<vmem>> -> memref<1x80xi32, #tpu.memory_space<vmem>>
      %swap3A_437 = tpu.memref_squeeze %swap3A_436 : memref<1x80xi32, #tpu.memory_space<vmem>> -> memref<80xi32, #tpu.memory_space<vmem>>
      %swap3A_438 = arith.constant 64 : index
      %swap3A_439 = tpu.vector_load %swap3A_437[%swap3A_438] {strides = array<i32>} : memref<80xi32, #tpu.memory_space<vmem>>, vector<16xi32>,
      tpu.vector_store %swap3A_437[%swap3A_438], %min3A_434 {strides = array<i32>} : memref<80xi32, #tpu.memory_space<vmem>>, vector<16xi32>,
      "tpu.trace_start"() <{level = 10 : i32, message = "phase_featwait"}> : () -> ()
      %dma_wait3A = arith.constant 0 : i32
      %dma_wait3A_440 = tpu.memref_slice %arg11[%and3A_138, %dma_wait3A] : memref<2x80xi32, #tpu.memory_space<vmem>> -> memref<1x80xi32, #tpu.memory_space<vmem>>
      %dma_wait3A_441 = tpu.memref_squeeze %dma_wait3A_440 : memref<1x80xi32, #tpu.memory_space<vmem>> -> memref<80xi32, #tpu.memory_space<vmem>>
      %dma_wait3A_442 = arith.constant 0 : i32
      %dma_wait3A_443 = arith.constant 0 : i32
      %dma_wait3A_444 = tpu.memref_slice %arg2[%dma_wait3A_442, %dma_wait3A_443] : memref<10000x128xf32, #tpu.memory_space<hbm>> -> memref<10000x128xf32, #tpu.memory_space<hbm>>
      tpu.wait_indirect_dma semaphore(%arg24 : memref<!tpu.dma_semaphore, #tpu.memory_space<semaphore_mem>>) src(%dma_wait3A_444 : memref<10000x128xf32, #tpu.memory_space<hbm>>) dst(%arg18 : memref<80x128xf32, #tpu.memory_space<vmem>>)
      %dma_wait3A_445 = arith.constant 0 : i32
      %dma_wait3A_446 = tpu.memref_slice %arg12[%and3A_138, %dma_wait3A_445] : memref<2x80xi32, #tpu.memory_space<vmem>> -> memref<1x80xi32, #tpu.memory_space<vmem>>
      %dma_wait3A_447 = tpu.memref_squeeze %dma_wait3A_446 : memref<1x80xi32, #tpu.memory_space<vmem>> -> memref<80xi32, #tpu.memory_space<vmem>>
      %dma_wait3A_448 = arith.constant 0 : i32
      %dma_wait3A_449 = arith.constant 0 : i32
      %dma_wait3A_450 = tpu.memref_slice %arg2[%dma_wait3A_448, %dma_wait3A_449] : memref<10000x128xf32, #tpu.memory_space<hbm>> -> memref<10000x128xf32, #tpu.memory_space<hbm>>
      tpu.wait_indirect_dma semaphore(%arg25 : memref<!tpu.dma_semaphore, #tpu.memory_space<semaphore_mem>>) src(%dma_wait3A_450 : memref<10000x128xf32, #tpu.memory_space<hbm>>) dst(%arg19 : memref<80x128xf32, #tpu.memory_space<vmem>>)
      "tpu.trace_stop"() : () -> ()
      %add3A_451 = arith.constant 2 : i32
      %add3A_452 = arith.addi %while3A_132, %add3A_451 : i32
      %lt3A_453 = arith.cmpi slt, %add3A_452, %select_n3A_94 : i32
      %convert_element_type3A_454 = arith.extui %lt3A_453 : i1 to i32
      %cond3A_455 = arith.constant 0 : i32
      %cond3A_456 = arith.cmpi ne, %convert_element_type3A_454, %cond3A_455 : i32
      scf.if %cond3A_456 {
        %add3A_474 = arith.constant 2 : i32
        %add3A_475 = arith.addi %while3A_132, %add3A_474 : i32
        %and3A_476 = arith.constant 1 : i32
        %and3A_477 = arith.andi %add3A_475, %and3A_476 : i32
        %mul3A_478 = arith.constant 80 : i32
        %mul3A_479 = arith.muli %add3A_475, %mul3A_478 : i32
        %add3A_480 = arith.addi %shift_left3A_53, %mul3A_479 : i32
        %min3A_481 = arith.constant 159920 : i32
        %min3A_482 = arith.minsi %add3A_480, %min3A_481 : i32
        %multiple_of3A_483 = tpu.assume_multiple %min3A_482, 8 : i32
        %dma_start3A_484 = arith.constant 0 : i32
        %dma_start3A_485 = tpu.memref_slice %arg10[%and3A_477, %dma_start3A_484] : memref<2x80xi32, #tpu.memory_space<vmem>> -> memref<1x80xi32, #tpu.memory_space<vmem>>
        %dma_start3A_486 = tpu.memref_squeeze %dma_start3A_485 : memref<1x80xi32, #tpu.memory_space<vmem>> -> memref<80xi32, #tpu.memory_space<vmem>>
        %dma_start3A_487 = tpu.memref_slice %arg5[%multiple_of3A_483] : memref<160000xi32, #tpu.memory_space<hbm>> -> memref<80xi32, #tpu.memory_space<hbm>>
        %dma_start3A_488 = arith.constant 0 : i32
        %dma_start3A_489 = tpu.memref_slice %arg10[%and3A_477, %dma_start3A_488] : memref<2x80xi32, #tpu.memory_space<vmem>> -> memref<1x80xi32, #tpu.memory_space<vmem>>
        %dma_start3A_490 = tpu.memref_squeeze %dma_start3A_489 : memref<1x80xi32, #tpu.memory_space<vmem>> -> memref<80xi32, #tpu.memory_space<vmem>>
        %dma_start3A_491 = tpu.memref_slice %arg5[%multiple_of3A_483] : memref<160000xi32, #tpu.memory_space<hbm>> -> memref<80xi32, #tpu.memory_space<hbm>>
        tpu.enqueue_dma source(%dma_start3A_491 : memref<80xi32, #tpu.memory_space<hbm>>) target(%dma_start3A_490 : memref<80xi32, #tpu.memory_space<vmem>>) target_semaphore(%arg26 : memref<!tpu.dma_semaphore, #tpu.memory_space<semaphore_mem>>)
        %dma_start3A_492 = arith.constant 0 : i32
        %dma_start3A_493 = tpu.memref_slice %arg11[%and3A_477, %dma_start3A_492] : memref<2x80xi32, #tpu.memory_space<vmem>> -> memref<1x80xi32, #tpu.memory_space<vmem>>
        %dma_start3A_494 = tpu.memref_squeeze %dma_start3A_493 : memref<1x80xi32, #tpu.memory_space<vmem>> -> memref<80xi32, #tpu.memory_space<vmem>>
        %dma_start3A_495 = tpu.memref_slice %arg6[%multiple_of3A_483] : memref<160000xi32, #tpu.memory_space<hbm>> -> memref<80xi32, #tpu.memory_space<hbm>>
        %dma_start3A_496 = arith.constant 0 : i32
        %dma_start3A_497 = tpu.memref_slice %arg11[%and3A_477, %dma_start3A_496] : memref<2x80xi32, #tpu.memory_space<vmem>> -> memref<1x80xi32, #tpu.memory_space<vmem>>
        %dma_start3A_498 = tpu.memref_squeeze %dma_start3A_497 : memref<1x80xi32, #tpu.memory_space<vmem>> -> memref<80xi32, #tpu.memory_space<vmem>>
        %dma_start3A_499 = tpu.memref_slice %arg6[%multiple_of3A_483] : memref<160000xi32, #tpu.memory_space<hbm>> -> memref<80xi32, #tpu.memory_space<hbm>>
        tpu.enqueue_dma source(%dma_start3A_499 : memref<80xi32, #tpu.memory_space<hbm>>) target(%dma_start3A_498 : memref<80xi32, #tpu.memory_space<vmem>>) target_semaphore(%arg26 : memref<!tpu.dma_semaphore, #tpu.memory_space<semaphore_mem>>)
        %dma_start3A_500 = arith.constant 0 : i32
        %dma_start3A_501 = tpu.memref_slice %arg12[%and3A_477, %dma_start3A_500] : memref<2x80xi32, #tpu.memory_space<vmem>> -> memref<1x80xi32, #tpu.memory_space<vmem>>
        %dma_start3A_502 = tpu.memref_squeeze %dma_start3A_501 : memref<1x80xi32, #tpu.memory_space<vmem>> -> memref<80xi32, #tpu.memory_space<vmem>>
        %dma_start3A_503 = tpu.memref_slice %arg7[%multiple_of3A_483] : memref<160000xi32, #tpu.memory_space<hbm>> -> memref<80xi32, #tpu.memory_space<hbm>>
        %dma_start3A_504 = arith.constant 0 : i32
        %dma_start3A_505 = tpu.memref_slice %arg12[%and3A_477, %dma_start3A_504] : memref<2x80xi32, #tpu.memory_space<vmem>> -> memref<1x80xi32, #tpu.memory_space<vmem>>
        %dma_start3A_506 = tpu.memref_squeeze %dma_start3A_505 : memref<1x80xi32, #tpu.memory_space<vmem>> -> memref<80xi32, #tpu.memory_space<vmem>>
        %dma_start3A_507 = tpu.memref_slice %arg7[%multiple_of3A_483] : memref<160000xi32, #tpu.memory_space<hbm>> -> memref<80xi32, #tpu.memory_space<hbm>>
        tpu.enqueue_dma source(%dma_start3A_507 : memref<80xi32, #tpu.memory_space<hbm>>) target(%dma_start3A_506 : memref<80xi32, #tpu.memory_space<vmem>>) target_semaphore(%arg26 : memref<!tpu.dma_semaphore, #tpu.memory_space<semaphore_mem>>)
        %dma_start3A_508 = arith.constant 0 : i32
        %dma_start3A_509 = tpu.memref_slice %arg13[%and3A_477, %dma_start3A_508] : memref<2x80xf32, #tpu.memory_space<vmem>> -> memref<1x80xf32, #tpu.memory_space<vmem>>
        %dma_start3A_510 = tpu.memref_squeeze %dma_start3A_509 : memref<1x80xf32, #tpu.memory_space<vmem>> -> memref<80xf32, #tpu.memory_space<vmem>>
        %dma_start3A_511 = tpu.memref_slice %arg4[%multiple_of3A_483] : memref<160000xf32, #tpu.memory_space<hbm>> -> memref<80xf32, #tpu.memory_space<hbm>>
        %dma_start3A_512 = arith.constant 0 : i32
        %dma_start3A_513 = tpu.memref_slice %arg13[%and3A_477, %dma_start3A_512] : memref<2x80xf32, #tpu.memory_space<vmem>> -> memref<1x80xf32, #tpu.memory_space<vmem>>
        %dma_start3A_514 = tpu.memref_squeeze %dma_start3A_513 : memref<1x80xf32, #tpu.memory_space<vmem>> -> memref<80xf32, #tpu.memory_space<vmem>>
        %dma_start3A_515 = tpu.memref_slice %arg4[%multiple_of3A_483] : memref<160000xf32, #tpu.memory_space<hbm>> -> memref<80xf32, #tpu.memory_space<hbm>>
        tpu.enqueue_dma source(%dma_start3A_515 : memref<80xf32, #tpu.memory_space<hbm>>) target(%dma_start3A_514 : memref<80xf32, #tpu.memory_space<vmem>>) target_semaphore(%arg26 : memref<!tpu.dma_semaphore, #tpu.memory_space<semaphore_mem>>)
      } else {
      }
      %gt3A_457 = arith.constant 0 : i32
      %gt3A_458 = arith.cmpi sgt, %while3A_132, %gt3A_457 : i32
      %convert_element_type3A_459 = arith.extui %gt3A_458 : i1 to i32
      %cond3A_460 = arith.constant 0 : i32
      %cond3A_461 = arith.cmpi ne, %convert_element_type3A_459, %cond3A_460 : i32
      scf.if %cond3A_461 {
        %sub3A_474 = arith.constant 1 : i32
        %sub3A_475 = arith.subi %sub3A_474, %and3A_138 : i32
        %dma_wait3A_476 = arith.constant 0 : i32
        %dma_wait3A_477 = arith.constant 0 : i32
        %dma_wait3A_478 = tpu.memref_slice %arg20[%sub3A_475, %dma_wait3A_476, %dma_wait3A_477] : memref<2x80x128xf32, #tpu.memory_space<vmem>> -> memref<1x80x128xf32, #tpu.memory_space<vmem>>
        %dma_wait3A_479 = tpu.memref_squeeze %dma_wait3A_478 : memref<1x80x128xf32, #tpu.memory_space<vmem>> -> memref<80x128xf32, #tpu.memory_space<vmem>>
        %dma_wait3A_480 = arith.constant 0 : i32
        %dma_wait3A_481 = tpu.memref_slice %arg14[%sub3A_475, %dma_wait3A_480] : memref<2x80xi32, #tpu.memory_space<vmem>> -> memref<1x80xi32, #tpu.memory_space<vmem>>
        %dma_wait3A_482 = tpu.memref_squeeze %dma_wait3A_481 : memref<1x80xi32, #tpu.memory_space<vmem>> -> memref<80xi32, #tpu.memory_space<vmem>>
        %dma_wait3A_483 = arith.constant 0 : i32
        %dma_wait3A_484 = arith.constant 0 : i32
        %dma_wait3A_485 = tpu.memref_slice %arg23[%dma_wait3A_483, %dma_wait3A_484] : memref<5000x128xf32, #tpu.memory_space<vmem_shared>> -> memref<5000x128xf32, #tpu.memory_space<vmem_shared>>
        tpu.wait_indirect_dma semaphore(%arg28 : memref<!tpu.dma_semaphore, #tpu.memory_space<semaphore_mem>>) src(%dma_wait3A_479 : memref<80x128xf32, #tpu.memory_space<vmem>>) dst(%dma_wait3A_485 : memref<5000x128xf32, #tpu.memory_space<vmem_shared>>)
      } else {
      }
      %parallel_loop3A = arith.constant 0 : i32
      %parallel_loop3A_462 = arith.constant 80 : i32
      %parallel_loop3A_463 = arith.constant 1 : i32
      "tpu.trace_start"() <{level = 10 : i32, message = "phase_scale"}> : () -> ()
      scf.for %parallel_loop3A_474 = %parallel_loop3A to %parallel_loop3A_462 step %parallel_loop3A_463  : i32 {
        %parallel_loop3A_475 = vector.broadcast %parallel_loop3A_474 : i32 to vector<16xi32>
        %parallel_loop3A_476 = tpu.vector_load_idx %arg17[%parallel_loop3A_475] : memref<80xf32, #tpu.memory_space<vmem>>[vector<16xi32>], vector<16xf32>,
        %parallel_loop3A_477 = arith.constant 0 : i32
        %parallel_loop3A_478 = tpu.memref_slice %arg18[%parallel_loop3A_474, %parallel_loop3A_477] : memref<80x128xf32, #tpu.memory_space<vmem>> -> memref<1x128xf32, #tpu.memory_space<vmem>>
        %parallel_loop3A_479 = tpu.memref_squeeze %parallel_loop3A_478 : memref<1x128xf32, #tpu.memory_space<vmem>> -> memref<128xf32, #tpu.memory_space<vmem>>
        %parallel_loop3A_480 = arith.constant 0 : index
        %parallel_loop3A_481 = tpu.vector_load %parallel_loop3A_479[%parallel_loop3A_480] {strides = array<i32>} : memref<128xf32, #tpu.memory_space<vmem>>, vector<16xf32>,
        %parallel_loop3A_482 = arith.constant 0 : i32
        %parallel_loop3A_483 = tpu.memref_slice %arg19[%parallel_loop3A_474, %parallel_loop3A_482] : memref<80x128xf32, #tpu.memory_space<vmem>> -> memref<1x128xf32, #tpu.memory_space<vmem>>
        %parallel_loop3A_484 = tpu.memref_squeeze %parallel_loop3A_483 : memref<1x128xf32, #tpu.memory_space<vmem>> -> memref<128xf32, #tpu.memory_space<vmem>>
        %parallel_loop3A_485 = arith.constant 0 : index
        %parallel_loop3A_486 = tpu.vector_load %parallel_loop3A_484[%parallel_loop3A_485] {strides = array<i32>} : memref<128xf32, #tpu.memory_space<vmem>>, vector<16xf32>,
        %parallel_loop3A_487 = arith.addf %parallel_loop3A_481, %parallel_loop3A_486 : vector<16xf32>
        %parallel_loop3A_488 = arith.mulf %parallel_loop3A_487, %parallel_loop3A_476 : vector<16xf32>
        %parallel_loop3A_489 = arith.constant 0 : i32
        %parallel_loop3A_490 = tpu.memref_slice %arg20[%and3A_138, %parallel_loop3A_474, %parallel_loop3A_489] : memref<2x80x128xf32, #tpu.memory_space<vmem>> -> memref<1x1x128xf32, #tpu.memory_space<vmem>>
        %parallel_loop3A_491 = tpu.memref_squeeze %parallel_loop3A_490 : memref<1x1x128xf32, #tpu.memory_space<vmem>> -> memref<128xf32, #tpu.memory_space<vmem>>
        %parallel_loop3A_492 = arith.constant 0 : index
        %parallel_loop3A_493 = tpu.vector_load %parallel_loop3A_491[%parallel_loop3A_492] {strides = array<i32>} : memref<128xf32, #tpu.memory_space<vmem>>, vector<16xf32>,
        tpu.vector_store %parallel_loop3A_491[%parallel_loop3A_492], %parallel_loop3A_488 {strides = array<i32>} : memref<128xf32, #tpu.memory_space<vmem>>, vector<16xf32>,
        %parallel_loop3A_494 = arith.constant 0 : i32
        %parallel_loop3A_495 = tpu.memref_slice %arg18[%parallel_loop3A_474, %parallel_loop3A_494] : memref<80x128xf32, #tpu.memory_space<vmem>> -> memref<1x128xf32, #tpu.memory_space<vmem>>
        %parallel_loop3A_496 = tpu.memref_squeeze %parallel_loop3A_495 : memref<1x128xf32, #tpu.memory_space<vmem>> -> memref<128xf32, #tpu.memory_space<vmem>>
        %parallel_loop3A_497 = arith.constant 16 : index
        %parallel_loop3A_498 = tpu.vector_load %parallel_loop3A_496[%parallel_loop3A_497] {strides = array<i32>} : memref<128xf32, #tpu.memory_space<vmem>>, vector<16xf32>,
        %parallel_loop3A_499 = arith.constant 0 : i32
        %parallel_loop3A_500 = tpu.memref_slice %arg19[%parallel_loop3A_474, %parallel_loop3A_499] : memref<80x128xf32, #tpu.memory_space<vmem>> -> memref<1x128xf32, #tpu.memory_space<vmem>>
        %parallel_loop3A_501 = tpu.memref_squeeze %parallel_loop3A_500 : memref<1x128xf32, #tpu.memory_space<vmem>> -> memref<128xf32, #tpu.memory_space<vmem>>
        %parallel_loop3A_502 = arith.constant 16 : index
        %parallel_loop3A_503 = tpu.vector_load %parallel_loop3A_501[%parallel_loop3A_502] {strides = array<i32>} : memref<128xf32, #tpu.memory_space<vmem>>, vector<16xf32>,
        %parallel_loop3A_504 = arith.addf %parallel_loop3A_498, %parallel_loop3A_503 : vector<16xf32>
        %parallel_loop3A_505 = arith.mulf %parallel_loop3A_504, %parallel_loop3A_476 : vector<16xf32>
        %parallel_loop3A_506 = arith.constant 0 : i32
        %parallel_loop3A_507 = tpu.memref_slice %arg20[%and3A_138, %parallel_loop3A_474, %parallel_loop3A_506] : memref<2x80x128xf32, #tpu.memory_space<vmem>> -> memref<1x1x128xf32, #tpu.memory_space<vmem>>
        %parallel_loop3A_508 = tpu.memref_squeeze %parallel_loop3A_507 : memref<1x1x128xf32, #tpu.memory_space<vmem>> -> memref<128xf32, #tpu.memory_space<vmem>>
        %parallel_loop3A_509 = arith.constant 16 : index
        %parallel_loop3A_510 = tpu.vector_load %parallel_loop3A_508[%parallel_loop3A_509] {strides = array<i32>} : memref<128xf32, #tpu.memory_space<vmem>>, vector<16xf32>,
        tpu.vector_store %parallel_loop3A_508[%parallel_loop3A_509], %parallel_loop3A_505 {strides = array<i32>} : memref<128xf32, #tpu.memory_space<vmem>>, vector<16xf32>,
        %parallel_loop3A_511 = arith.constant 0 : i32
        %parallel_loop3A_512 = tpu.memref_slice %arg18[%parallel_loop3A_474, %parallel_loop3A_511] : memref<80x128xf32, #tpu.memory_space<vmem>> -> memref<1x128xf32, #tpu.memory_space<vmem>>
        %parallel_loop3A_513 = tpu.memref_squeeze %parallel_loop3A_512 : memref<1x128xf32, #tpu.memory_space<vmem>> -> memref<128xf32, #tpu.memory_space<vmem>>
        %parallel_loop3A_514 = arith.constant 32 : index
        %parallel_loop3A_515 = tpu.vector_load %parallel_loop3A_513[%parallel_loop3A_514] {strides = array<i32>} : memref<128xf32, #tpu.memory_space<vmem>>, vector<16xf32>,
        %parallel_loop3A_516 = arith.constant 0 : i32
        %parallel_loop3A_517 = tpu.memref_slice %arg19[%parallel_loop3A_474, %parallel_loop3A_516] : memref<80x128xf32, #tpu.memory_space<vmem>> -> memref<1x128xf32, #tpu.memory_space<vmem>>
        %parallel_loop3A_518 = tpu.memref_squeeze %parallel_loop3A_517 : memref<1x128xf32, #tpu.memory_space<vmem>> -> memref<128xf32, #tpu.memory_space<vmem>>
        %parallel_loop3A_519 = arith.constant 32 : index
        %parallel_loop3A_520 = tpu.vector_load %parallel_loop3A_518[%parallel_loop3A_519] {strides = array<i32>} : memref<128xf32, #tpu.memory_space<vmem>>, vector<16xf32>,
        %parallel_loop3A_521 = arith.addf %parallel_loop3A_515, %parallel_loop3A_520 : vector<16xf32>
        %parallel_loop3A_522 = arith.mulf %parallel_loop3A_521, %parallel_loop3A_476 : vector<16xf32>
        %parallel_loop3A_523 = arith.constant 0 : i32
        %parallel_loop3A_524 = tpu.memref_slice %arg20[%and3A_138, %parallel_loop3A_474, %parallel_loop3A_523] : memref<2x80x128xf32, #tpu.memory_space<vmem>> -> memref<1x1x128xf32, #tpu.memory_space<vmem>>
        %parallel_loop3A_525 = tpu.memref_squeeze %parallel_loop3A_524 : memref<1x1x128xf32, #tpu.memory_space<vmem>> -> memref<128xf32, #tpu.memory_space<vmem>>
        %parallel_loop3A_526 = arith.constant 32 : index
        %parallel_loop3A_527 = tpu.vector_load %parallel_loop3A_525[%parallel_loop3A_526] {strides = array<i32>} : memref<128xf32, #tpu.memory_space<vmem>>, vector<16xf32>,
        tpu.vector_store %parallel_loop3A_525[%parallel_loop3A_526], %parallel_loop3A_522 {strides = array<i32>} : memref<128xf32, #tpu.memory_space<vmem>>, vector<16xf32>,
        %parallel_loop3A_528 = arith.constant 0 : i32
        %parallel_loop3A_529 = tpu.memref_slice %arg18[%parallel_loop3A_474, %parallel_loop3A_528] : memref<80x128xf32, #tpu.memory_space<vmem>> -> memref<1x128xf32, #tpu.memory_space<vmem>>
        %parallel_loop3A_530 = tpu.memref_squeeze %parallel_loop3A_529 : memref<1x128xf32, #tpu.memory_space<vmem>> -> memref<128xf32, #tpu.memory_space<vmem>>
        %parallel_loop3A_531 = arith.constant 48 : index
        %parallel_loop3A_532 = tpu.vector_load %parallel_loop3A_530[%parallel_loop3A_531] {strides = array<i32>} : memref<128xf32, #tpu.memory_space<vmem>>, vector<16xf32>,
        %parallel_loop3A_533 = arith.constant 0 : i32
        %parallel_loop3A_534 = tpu.memref_slice %arg19[%parallel_loop3A_474, %parallel_loop3A_533] : memref<80x128xf32, #tpu.memory_space<vmem>> -> memref<1x128xf32, #tpu.memory_space<vmem>>
        %parallel_loop3A_535 = tpu.memref_squeeze %parallel_loop3A_534 : memref<1x128xf32, #tpu.memory_space<vmem>> -> memref<128xf32, #tpu.memory_space<vmem>>
        %parallel_loop3A_536 = arith.constant 48 : index
        %parallel_loop3A_537 = tpu.vector_load %parallel_loop3A_535[%parallel_loop3A_536] {strides = array<i32>} : memref<128xf32, #tpu.memory_space<vmem>>, vector<16xf32>,
        %parallel_loop3A_538 = arith.addf %parallel_loop3A_532, %parallel_loop3A_537 : vector<16xf32>
        %parallel_loop3A_539 = arith.mulf %parallel_loop3A_538, %parallel_loop3A_476 : vector<16xf32>
        %parallel_loop3A_540 = arith.constant 0 : i32
        %parallel_loop3A_541 = tpu.memref_slice %arg20[%and3A_138, %parallel_loop3A_474, %parallel_loop3A_540] : memref<2x80x128xf32, #tpu.memory_space<vmem>> -> memref<1x1x128xf32, #tpu.memory_space<vmem>>
        %parallel_loop3A_542 = tpu.memref_squeeze %parallel_loop3A_541 : memref<1x1x128xf32, #tpu.memory_space<vmem>> -> memref<128xf32, #tpu.memory_space<vmem>>
        %parallel_loop3A_543 = arith.constant 48 : index
        %parallel_loop3A_544 = tpu.vector_load %parallel_loop3A_542[%parallel_loop3A_543] {strides = array<i32>} : memref<128xf32, #tpu.memory_space<vmem>>, vector<16xf32>,
        tpu.vector_store %parallel_loop3A_542[%parallel_loop3A_543], %parallel_loop3A_539 {strides = array<i32>} : memref<128xf32, #tpu.memory_space<vmem>>, vector<16xf32>,
        %parallel_loop3A_545 = arith.constant 0 : i32
        %parallel_loop3A_546 = tpu.memref_slice %arg18[%parallel_loop3A_474, %parallel_loop3A_545] : memref<80x128xf32, #tpu.memory_space<vmem>> -> memref<1x128xf32, #tpu.memory_space<vmem>>
        %parallel_loop3A_547 = tpu.memref_squeeze %parallel_loop3A_546 : memref<1x128xf32, #tpu.memory_space<vmem>> -> memref<128xf32, #tpu.memory_space<vmem>>
        %parallel_loop3A_548 = arith.constant 64 : index
        %parallel_loop3A_549 = tpu.vector_load %parallel_loop3A_547[%parallel_loop3A_548] {strides = array<i32>} : memref<128xf32, #tpu.memory_space<vmem>>, vector<16xf32>,
        %parallel_loop3A_550 = arith.constant 0 : i32
        %parallel_loop3A_551 = tpu.memref_slice %arg19[%parallel_loop3A_474, %parallel_loop3A_550] : memref<80x128xf32, #tpu.memory_space<vmem>> -> memref<1x128xf32, #tpu.memory_space<vmem>>
        %parallel_loop3A_552 = tpu.memref_squeeze %parallel_loop3A_551 : memref<1x128xf32, #tpu.memory_space<vmem>> -> memref<128xf32, #tpu.memory_space<vmem>>
        %parallel_loop3A_553 = arith.constant 64 : index
        %parallel_loop3A_554 = tpu.vector_load %parallel_loop3A_552[%parallel_loop3A_553] {strides = array<i32>} : memref<128xf32, #tpu.memory_space<vmem>>, vector<16xf32>,
        %parallel_loop3A_555 = arith.addf %parallel_loop3A_549, %parallel_loop3A_554 : vector<16xf32>
        %parallel_loop3A_556 = arith.mulf %parallel_loop3A_555, %parallel_loop3A_476 : vector<16xf32>
        %parallel_loop3A_557 = arith.constant 0 : i32
        %parallel_loop3A_558 = tpu.memref_slice %arg20[%and3A_138, %parallel_loop3A_474, %parallel_loop3A_557] : memref<2x80x128xf32, #tpu.memory_space<vmem>> -> memref<1x1x128xf32, #tpu.memory_space<vmem>>
        %parallel_loop3A_559 = tpu.memref_squeeze %parallel_loop3A_558 : memref<1x1x128xf32, #tpu.memory_space<vmem>> -> memref<128xf32, #tpu.memory_space<vmem>>
        %parallel_loop3A_560 = arith.constant 64 : index
        %parallel_loop3A_561 = tpu.vector_load %parallel_loop3A_559[%parallel_loop3A_560] {strides = array<i32>} : memref<128xf32, #tpu.memory_space<vmem>>, vector<16xf32>,
        tpu.vector_store %parallel_loop3A_559[%parallel_loop3A_560], %parallel_loop3A_556 {strides = array<i32>} : memref<128xf32, #tpu.memory_space<vmem>>, vector<16xf32>,
        %parallel_loop3A_562 = arith.constant 0 : i32
        %parallel_loop3A_563 = tpu.memref_slice %arg18[%parallel_loop3A_474, %parallel_loop3A_562] : memref<80x128xf32, #tpu.memory_space<vmem>> -> memref<1x128xf32, #tpu.memory_space<vmem>>
        %parallel_loop3A_564 = tpu.memref_squeeze %parallel_loop3A_563 : memref<1x128xf32, #tpu.memory_space<vmem>> -> memref<128xf32, #tpu.memory_space<vmem>>
        %parallel_loop3A_565 = arith.constant 80 : index
        %parallel_loop3A_566 = tpu.vector_load %parallel_loop3A_564[%parallel_loop3A_565] {strides = array<i32>} : memref<128xf32, #tpu.memory_space<vmem>>, vector<16xf32>,
        %parallel_loop3A_567 = arith.constant 0 : i32
        %parallel_loop3A_568 = tpu.memref_slice %arg19[%parallel_loop3A_474, %parallel_loop3A_567] : memref<80x128xf32, #tpu.memory_space<vmem>> -> memref<1x128xf32, #tpu.memory_space<vmem>>
        %parallel_loop3A_569 = tpu.memref_squeeze %parallel_loop3A_568 : memref<1x128xf32, #tpu.memory_space<vmem>> -> memref<128xf32, #tpu.memory_space<vmem>>
        %parallel_loop3A_570 = arith.constant 80 : index
        %parallel_loop3A_571 = tpu.vector_load %parallel_loop3A_569[%parallel_loop3A_570] {strides = array<i32>} : memref<128xf32, #tpu.memory_space<vmem>>, vector<16xf32>,
        %parallel_loop3A_572 = arith.addf %parallel_loop3A_566, %parallel_loop3A_571 : vector<16xf32>
        %parallel_loop3A_573 = arith.mulf %parallel_loop3A_572, %parallel_loop3A_476 : vector<16xf32>
        %parallel_loop3A_574 = arith.constant 0 : i32
        %parallel_loop3A_575 = tpu.memref_slice %arg20[%and3A_138, %parallel_loop3A_474, %parallel_loop3A_574] : memref<2x80x128xf32, #tpu.memory_space<vmem>> -> memref<1x1x128xf32, #tpu.memory_space<vmem>>
        %parallel_loop3A_576 = tpu.memref_squeeze %parallel_loop3A_575 : memref<1x1x128xf32, #tpu.memory_space<vmem>> -> memref<128xf32, #tpu.memory_space<vmem>>
        %parallel_loop3A_577 = arith.constant 80 : index
        %parallel_loop3A_578 = tpu.vector_load %parallel_loop3A_576[%parallel_loop3A_577] {strides = array<i32>} : memref<128xf32, #tpu.memory_space<vmem>>, vector<16xf32>,
        tpu.vector_store %parallel_loop3A_576[%parallel_loop3A_577], %parallel_loop3A_573 {strides = array<i32>} : memref<128xf32, #tpu.memory_space<vmem>>, vector<16xf32>,
        %parallel_loop3A_579 = arith.constant 0 : i32
        %parallel_loop3A_580 = tpu.memref_slice %arg18[%parallel_loop3A_474, %parallel_loop3A_579] : memref<80x128xf32, #tpu.memory_space<vmem>> -> memref<1x128xf32, #tpu.memory_space<vmem>>
        %parallel_loop3A_581 = tpu.memref_squeeze %parallel_loop3A_580 : memref<1x128xf32, #tpu.memory_space<vmem>> -> memref<128xf32, #tpu.memory_space<vmem>>
        %parallel_loop3A_582 = arith.constant 96 : index
        %parallel_loop3A_583 = tpu.vector_load %parallel_loop3A_581[%parallel_loop3A_582] {strides = array<i32>} : memref<128xf32, #tpu.memory_space<vmem>>, vector<16xf32>,
        %parallel_loop3A_584 = arith.constant 0 : i32
        %parallel_loop3A_585 = tpu.memref_slice %arg19[%parallel_loop3A_474, %parallel_loop3A_584] : memref<80x128xf32, #tpu.memory_space<vmem>> -> memref<1x128xf32, #tpu.memory_space<vmem>>
        %parallel_loop3A_586 = tpu.memref_squeeze %parallel_loop3A_585 : memref<1x128xf32, #tpu.memory_space<vmem>> -> memref<128xf32, #tpu.memory_space<vmem>>
        %parallel_loop3A_587 = arith.constant 96 : index
        %parallel_loop3A_588 = tpu.vector_load %parallel_loop3A_586[%parallel_loop3A_587] {strides = array<i32>} : memref<128xf32, #tpu.memory_space<vmem>>, vector<16xf32>,
        %parallel_loop3A_589 = arith.addf %parallel_loop3A_583, %parallel_loop3A_588 : vector<16xf32>
        %parallel_loop3A_590 = arith.mulf %parallel_loop3A_589, %parallel_loop3A_476 : vector<16xf32>
        %parallel_loop3A_591 = arith.constant 0 : i32
        %parallel_loop3A_592 = tpu.memref_slice %arg20[%and3A_138, %parallel_loop3A_474, %parallel_loop3A_591] : memref<2x80x128xf32, #tpu.memory_space<vmem>> -> memref<1x1x128xf32, #tpu.memory_space<vmem>>
        %parallel_loop3A_593 = tpu.memref_squeeze %parallel_loop3A_592 : memref<1x1x128xf32, #tpu.memory_space<vmem>> -> memref<128xf32, #tpu.memory_space<vmem>>
        %parallel_loop3A_594 = arith.constant 96 : index
        %parallel_loop3A_595 = tpu.vector_load %parallel_loop3A_593[%parallel_loop3A_594] {strides = array<i32>} : memref<128xf32, #tpu.memory_space<vmem>>, vector<16xf32>,
        tpu.vector_store %parallel_loop3A_593[%parallel_loop3A_594], %parallel_loop3A_590 {strides = array<i32>} : memref<128xf32, #tpu.memory_space<vmem>>, vector<16xf32>,
        %parallel_loop3A_596 = arith.constant 0 : i32
        %parallel_loop3A_597 = tpu.memref_slice %arg18[%parallel_loop3A_474, %parallel_loop3A_596] : memref<80x128xf32, #tpu.memory_space<vmem>> -> memref<1x128xf32, #tpu.memory_space<vmem>>
        %parallel_loop3A_598 = tpu.memref_squeeze %parallel_loop3A_597 : memref<1x128xf32, #tpu.memory_space<vmem>> -> memref<128xf32, #tpu.memory_space<vmem>>
        %parallel_loop3A_599 = arith.constant 112 : index
        %parallel_loop3A_600 = tpu.vector_load %parallel_loop3A_598[%parallel_loop3A_599] {strides = array<i32>} : memref<128xf32, #tpu.memory_space<vmem>>, vector<16xf32>,
        %parallel_loop3A_601 = arith.constant 0 : i32
        %parallel_loop3A_602 = tpu.memref_slice %arg19[%parallel_loop3A_474, %parallel_loop3A_601] : memref<80x128xf32, #tpu.memory_space<vmem>> -> memref<1x128xf32, #tpu.memory_space<vmem>>
        %parallel_loop3A_603 = tpu.memref_squeeze %parallel_loop3A_602 : memref<1x128xf32, #tpu.memory_space<vmem>> -> memref<128xf32, #tpu.memory_space<vmem>>
        %parallel_loop3A_604 = arith.constant 112 : index
        %parallel_loop3A_605 = tpu.vector_load %parallel_loop3A_603[%parallel_loop3A_604] {strides = array<i32>} : memref<128xf32, #tpu.memory_space<vmem>>, vector<16xf32>,
        %parallel_loop3A_606 = arith.addf %parallel_loop3A_600, %parallel_loop3A_605 : vector<16xf32>
        %parallel_loop3A_607 = arith.mulf %parallel_loop3A_606, %parallel_loop3A_476 : vector<16xf32>
        %parallel_loop3A_608 = arith.constant 0 : i32
        %parallel_loop3A_609 = tpu.memref_slice %arg20[%and3A_138, %parallel_loop3A_474, %parallel_loop3A_608] : memref<2x80x128xf32, #tpu.memory_space<vmem>> -> memref<1x1x128xf32, #tpu.memory_space<vmem>>
        %parallel_loop3A_610 = tpu.memref_squeeze %parallel_loop3A_609 : memref<1x1x128xf32, #tpu.memory_space<vmem>> -> memref<128xf32, #tpu.memory_space<vmem>>
        %parallel_loop3A_611 = arith.constant 112 : index
        %parallel_loop3A_612 = tpu.vector_load %parallel_loop3A_610[%parallel_loop3A_611] {strides = array<i32>} : memref<128xf32, #tpu.memory_space<vmem>>, vector<16xf32>,
        tpu.vector_store %parallel_loop3A_610[%parallel_loop3A_611], %parallel_loop3A_607 {strides = array<i32>} : memref<128xf32, #tpu.memory_space<vmem>>, vector<16xf32>,
      } {sc.loop_unroll_factor = 4 : i64, sc.parallel_access}
      "tpu.trace_stop"() : () -> ()
      %dma_start3A_464 = arith.constant 0 : i32
      %dma_start3A_465 = arith.constant 0 : i32
      %dma_start3A_466 = tpu.memref_slice %arg20[%and3A_138, %dma_start3A_464, %dma_start3A_465] : memref<2x80x128xf32, #tpu.memory_space<vmem>> -> memref<1x80x128xf32, #tpu.memory_space<vmem>>
      %dma_start3A_467 = tpu.memref_squeeze %dma_start3A_466 : memref<1x80x128xf32, #tpu.memory_space<vmem>> -> memref<80x128xf32, #tpu.memory_space<vmem>>
      %dma_start3A_468 = arith.constant 0 : i32
      %dma_start3A_469 = tpu.memref_slice %arg14[%and3A_138, %dma_start3A_468] : memref<2x80xi32, #tpu.memory_space<vmem>> -> memref<1x80xi32, #tpu.memory_space<vmem>>
      %dma_start3A_470 = tpu.memref_squeeze %dma_start3A_469 : memref<1x80xi32, #tpu.memory_space<vmem>> -> memref<80xi32, #tpu.memory_space<vmem>>
      %dma_start3A_471 = arith.constant 0 : i32
      %dma_start3A_472 = arith.constant 0 : i32
      %dma_start3A_473 = tpu.memref_slice %arg23[%dma_start3A_471, %dma_start3A_472] : memref<5000x128xf32, #tpu.memory_space<vmem_shared>> -> memref<5000x128xf32, #tpu.memory_space<vmem_shared>>
      tpu.enqueue_indirect_dma source(%dma_start3A_467 : memref<80x128xf32, #tpu.memory_space<vmem>>) target(%dma_start3A_473 : memref<5000x128xf32, #tpu.memory_space<vmem_shared>>) offsets(%dma_start3A_470 : memref<80xi32, #tpu.memory_space<vmem>>) semaphore(%arg28 : memref<!tpu.dma_semaphore, #tpu.memory_space<semaphore_mem>>) {add = true}
      scf.yield %cond3A_159#0, %cond3A_159#1, %and3A_174, %squeeze3A : i32, i32, i32, i32
    }
    %gt3A_120 = arith.constant 0 : i32
    %gt3A_121 = arith.cmpi sgt, %select_n3A_94, %gt3A_120 : i32
    %convert_element_type3A_122 = arith.extui %gt3A_121 : i1 to i32
    %cond3A_123 = arith.constant 0 : i32
    %cond3A_124 = arith.cmpi ne, %convert_element_type3A_122, %cond3A_123 : i32
    scf.if %cond3A_124 {
      %sub3A_132 = arith.constant 1 : i32
      %sub3A_133 = arith.subi %select_n3A_94, %sub3A_132 : i32
      %and3A_134 = arith.constant 1 : i32
      %and3A_135 = arith.andi %sub3A_133, %and3A_134 : i32
      %dma_wait3A = arith.constant 0 : i32
      %dma_wait3A_136 = arith.constant 0 : i32
      %dma_wait3A_137 = tpu.memref_slice %arg20[%and3A_135, %dma_wait3A, %dma_wait3A_136] : memref<2x80x128xf32, #tpu.memory_space<vmem>> -> memref<1x80x128xf32, #tpu.memory_space<vmem>>
      %dma_wait3A_138 = tpu.memref_squeeze %dma_wait3A_137 : memref<1x80x128xf32, #tpu.memory_space<vmem>> -> memref<80x128xf32, #tpu.memory_space<vmem>>
      %dma_wait3A_139 = arith.constant 0 : i32
      %dma_wait3A_140 = tpu.memref_slice %arg14[%and3A_135, %dma_wait3A_139] : memref<2x80xi32, #tpu.memory_space<vmem>> -> memref<1x80xi32, #tpu.memory_space<vmem>>
      %dma_wait3A_141 = tpu.memref_squeeze %dma_wait3A_140 : memref<1x80xi32, #tpu.memory_space<vmem>> -> memref<80xi32, #tpu.memory_space<vmem>>
      %dma_wait3A_142 = arith.constant 0 : i32
      %dma_wait3A_143 = arith.constant 0 : i32
      %dma_wait3A_144 = tpu.memref_slice %arg23[%dma_wait3A_142, %dma_wait3A_143] : memref<5000x128xf32, #tpu.memory_space<vmem_shared>> -> memref<5000x128xf32, #tpu.memory_space<vmem_shared>>
      tpu.wait_indirect_dma semaphore(%arg28 : memref<!tpu.dma_semaphore, #tpu.memory_space<semaphore_mem>>) src(%dma_wait3A_138 : memref<80x128xf32, #tpu.memory_space<vmem>>) dst(%dma_wait3A_144 : memref<5000x128xf32, #tpu.memory_space<vmem_shared>>)
    } else {
    }
    %barrier3A_125 = arith.constant 0 : index
    tpu.barrier barrier_id(%barrier3A_125)
    %add3A_126 = arith.addi %mul3A_96, %mul3A_0 : i32
    %multiple_of3A = tpu.assume_multiple %add3A_126, 8 : i32
    "tpu.region"() ({
      %run_scoped3A = tpu.sem_alloc : memref<!tpu.dma_semaphore, #tpu.memory_space<semaphore_mem>>
      %dma_start3A = arith.constant 0 : i32
      %dma_start3A_132 = tpu.memref_slice %arg9[%multiple_of3A, %dma_start3A] : memref<10000x128xf32, #tpu.memory_space<hbm>> -> memref<312x128xf32, #tpu.memory_space<hbm>>
      %dma_start3A_133 = arith.constant 0 : i32
      %dma_start3A_134 = tpu.memref_slice %arg23[%mul3A_0, %dma_start3A_133] : memref<5000x128xf32, #tpu.memory_space<vmem_shared>> -> memref<312x128xf32, #tpu.memory_space<vmem_shared>>
      tpu.enqueue_dma source(%dma_start3A_134 : memref<312x128xf32, #tpu.memory_space<vmem_shared>>) target(%dma_start3A_132 : memref<312x128xf32, #tpu.memory_space<hbm>>) target_semaphore(%run_scoped3A : memref<!tpu.dma_semaphore, #tpu.memory_space<semaphore_mem>>)
      %dma_wait3A = arith.constant 0 : i32
      %dma_wait3A_135 = tpu.memref_slice %arg9[%multiple_of3A, %dma_wait3A] : memref<10000x128xf32, #tpu.memory_space<hbm>> -> memref<312x128xf32, #tpu.memory_space<hbm>>
      %dma_wait3A_136 = arith.constant 0 : i32
      %dma_wait3A_137 = tpu.memref_slice %arg23[%mul3A_0, %dma_wait3A_136] : memref<5000x128xf32, #tpu.memory_space<vmem_shared>> -> memref<312x128xf32, #tpu.memory_space<vmem_shared>>
      tpu.wait_dma2 semaphore(%run_scoped3A : memref<!tpu.dma_semaphore, #tpu.memory_space<semaphore_mem>>) src(%dma_wait3A_137 : memref<312x128xf32, #tpu.memory_space<vmem_shared>>) dst(%dma_wait3A_135 : memref<312x128xf32, #tpu.memory_space<hbm>>)
      tpu.yield
    }) : () -> ()
    %eq3A_127 = arith.constant 15 : i32
    %eq3A_128 = arith.cmpi eq, %arg1, %eq3A_127 : i32
    %convert_element_type3A_129 = arith.extui %eq3A_128 : i1 to i32
    %cond3A_130 = arith.constant 0 : i32
    %cond3A_131 = arith.cmpi ne, %convert_element_type3A_129, %cond3A_130 : i32
    scf.if %cond3A_131 {
      %add3A_132 = arith.constant 4992 : i32
      %add3A_133 = arith.addi %mul3A_96, %add3A_132 : i32
      %multiple_of3A_134 = tpu.assume_multiple %add3A_133, 8 : i32
      "tpu.region"() ({
        %run_scoped3A = tpu.sem_alloc : memref<!tpu.dma_semaphore, #tpu.memory_space<semaphore_mem>>
        %dma_start3A = arith.constant 0 : i32
        %dma_start3A_135 = tpu.memref_slice %arg9[%multiple_of3A_134, %dma_start3A] : memref<10000x128xf32, #tpu.memory_space<hbm>> -> memref<8x128xf32, #tpu.memory_space<hbm>>
        %dma_start3A_136 = arith.constant 4992 : i32
        %dma_start3A_137 = arith.constant 0 : i32
        %dma_start3A_138 = tpu.memref_slice %arg23[%dma_start3A_136, %dma_start3A_137] : memref<5000x128xf32, #tpu.memory_space<vmem_shared>> -> memref<8x128xf32, #tpu.memory_space<vmem_shared>>
        tpu.enqueue_dma source(%dma_start3A_138 : memref<8x128xf32, #tpu.memory_space<vmem_shared>>) target(%dma_start3A_135 : memref<8x128xf32, #tpu.memory_space<hbm>>) target_semaphore(%run_scoped3A : memref<!tpu.dma_semaphore, #tpu.memory_space<semaphore_mem>>)
        %dma_wait3A = arith.constant 0 : i32
        %dma_wait3A_139 = tpu.memref_slice %arg9[%multiple_of3A_134, %dma_wait3A] : memref<10000x128xf32, #tpu.memory_space<hbm>> -> memref<8x128xf32, #tpu.memory_space<hbm>>
        %dma_wait3A_140 = arith.constant 4992 : i32
        %dma_wait3A_141 = arith.constant 0 : i32
        %dma_wait3A_142 = tpu.memref_slice %arg23[%dma_wait3A_140, %dma_wait3A_141] : memref<5000x128xf32, #tpu.memory_space<vmem_shared>> -> memref<8x128xf32, #tpu.memory_space<vmem_shared>>
        tpu.wait_dma2 semaphore(%run_scoped3A : memref<!tpu.dma_semaphore, #tpu.memory_space<semaphore_mem>>) src(%dma_wait3A_142 : memref<8x128xf32, #tpu.memory_space<vmem_shared>>) dst(%dma_wait3A_139 : memref<8x128xf32, #tpu.memory_space<hbm>>)
        tpu.yield
      }) : () -> ()
    } else {
    }
    return
  }
}

module attributes {stable_mosaic.version = 14 : i64} {
  func.func @_proj_body(%arg0: i32, %arg1: memref<1000x128xf32, #tpu.memory_space<vmem>>, %arg2: memref<128x128xf32, #tpu.memory_space<vmem>>, %arg3: memref<1x128xf32, #tpu.memory_space<vmem>>, %arg4: memref<1000x128xf32, #tpu.memory_space<vmem>>) attributes {dimension_semantics = [#tpu.dimension_semantics<arbitrary>], iteration_bounds = array<i64: 10>, scalar_prefetch = 0 : i64, scratch_operands = 0 : i64, tpu.core_type = #tpu.core_type<tc>, window_params = [{transform_indices = @transform_0, window_bounds = array<i64: 1000, 128>}, {pipeline_mode = #tpu.pipeline_mode<synchronous>, transform_indices = @transform_1, window_bounds = array<i64: 128, 128>}, {pipeline_mode = #tpu.pipeline_mode<synchronous>, transform_indices = @transform_2, window_bounds = array<i64: 1, 128>}, {transform_indices = @transform_3, window_bounds = array<i64: 1000, 128>}]} {
    %get3A = arith.constant 0 : index
    %get3A_0 = arith.constant 0 : index
    %get3A_1 = vector.load %arg1[%get3A, %get3A_0] : memref<1000x128xf32, #tpu.memory_space<vmem>>, vector<1000x128xf32>
    %get3A_2 = arith.constant 0 : index
    %get3A_3 = arith.constant 0 : index
    %get3A_4 = vector.load %arg2[%get3A_2, %get3A_3] : memref<128x128xf32, #tpu.memory_space<vmem>>, vector<128x128xf32>
    %dot_general3A = arith.constant dense<0.000000e+00> : vector<1000x128xf32>
    %dot_general3A_5 = tpu.matmul %get3A_1, %get3A_4, %dot_general3A {dimension_numbers = #tpu.dot_dimension_numbers<[1], [0], [0], [1], [0, 0, 1, 1], [], []>, transpose_lhs_hint = false} : vector<1000x128xf32>, vector<128x128xf32>, vector<1000x128xf32> -> vector<1000x128xf32>
    %get3A_6 = arith.constant 0 : index
    %get3A_7 = arith.constant 0 : index
    %get3A_8 = vector.load %arg3[%get3A_6, %get3A_7] : memref<1x128xf32, #tpu.memory_space<vmem>>, vector<1x128xf32>
    %add3A = vector.broadcast %get3A_8 : vector<1x128xf32> to vector<1000x128xf32>
    %add3A_9 = arith.addf %dot_general3A_5, %add3A : vector<1000x128xf32>
    %swap3A = arith.constant 0 : index
    %swap3A_10 = arith.constant 0 : index
    %swap3A_11 = vector.load %arg4[%swap3A, %swap3A_10] : memref<1000x128xf32, #tpu.memory_space<vmem>>, vector<1000x128xf32>
    tpu.vector_store %arg4[%swap3A, %swap3A_10], %add3A_9 {strides = array<i32>} : memref<1000x128xf32, #tpu.memory_space<vmem>>, vector<1000x128xf32>,
    return
  }
  func.func @transform_0(%arg0: i32) -> (i32, i32) {
    %c0_i32 = arith.constant 0 : i32
    %c0_i32_0 = arith.constant 0 : i32
    return %arg0, %c0_i32 : i32, i32
  }
  func.func @transform_1(%arg0: i32) -> (i32, i32) {
    %c0_i32 = arith.constant 0 : i32
    %c0_i32_0 = arith.constant 0 : i32
    %c0_i32_1 = arith.constant 0 : i32
    return %c0_i32, %c0_i32_0 : i32, i32
  }
  func.func @transform_2(%arg0: i32) -> (i32, i32) {
    %c0_i32 = arith.constant 0 : i32
    %c0_i32_0 = arith.constant 0 : i32
    %c0_i32_1 = arith.constant 0 : i32
    return %c0_i32, %c0_i32_0 : i32, i32
  }
  func.func @transform_3(%arg0: i32) -> (i32, i32) {
    %c0_i32 = arith.constant 0 : i32
    %c0_i32_0 = arith.constant 0 : i32
    return %arg0, %c0_i32 : i32, i32
  }
}

</mosaic_0001>

<sc_bundles>
// kernel: kernel.4.cloned.1.call-start
scs
__scs_entry_jumppad:
0x0: {  	(pc) =	sbr.rel $0x88, $3  }
0x1: {  	(tag) =	ssettag $0x0;
	lr =	simm.s32 $0x1  }
0x2: {  	[smem:$0x3F99] =	sst lr;
	_ =	strace $0xD0000000  }
0x3: {  	_ = 	snop  }
0x4: {  	_ = 	snop  }
0x5: {  	_ = 	snop  }
0x6: {  	_ = 	snop  }
0x7: {  	_ = 	snop  }
__scs_overlays_trampoline_lowered:
0x8: {  	[smem:$0x3FA8] =	sst s0  }
0x9: {  	[smem:$0x3FA9] =	sst s1  }
0xa: {  	[smem:$0x3FAA] =	sst s2  }
0xb: {  	[smem:$0x3FAB] =	sst s3  }
0xc: {  	[smem:$0x3FAC] =	sst s4  }
0xd: {  	[smem:$0x3FAD] =	sst s5  }
0xe: {  	[smem:$0x3FAE] =	sst s6  }
0xf: {  	[smem:$0x3FAF] =	sst s7  }
0x10: {  	[smem:$0x3FB0] =	sst s8  }
0x11: {  	[smem:$0x3FB1] =	sst s9;
	s0 =	simm.s32 @!p0 $0x0  }
0x12: {  	s1 =	sld [smem:$0x3F97];
	s0 =	simm.s32 @p0 $0x1  }
0x13: {  	[smem:$0x3FB2] =	sst s0;
	s0 =	simm.s32 @!p1 $0x0  }
0x14: {  	s2 =	sld [smem:$0x3F96];
	s0 =	simm.s32 @p1 $0x1  }
0x15: {  	[smem:$0x3FB3] =	sst s0;
	s0 =	simm.s32 @!p2 $0x0  }
0x16: {  	s3 =	sld [smem:$0x3FDB];
	s0 =	simm.s32 @p2 $0x1  }
0x17: {  	s4 =	simm.s32 $0x1BF5;
	[smem:$0x3FB5] =	sst s0  }
0x18: {  	s0 =	sld [smem:$0x3F98];
	_ =	swait.ge [sflag:s4], $0x0  }
0x19: {  	s7 =	sld [smem:$0x3F99]  }
0x1a: {  	s8 =	sadd.s32 $0xFFFFE003, lr  }
0x1b: {  	s9 =	sadd.s32 $0xFFFFFEF7, lr;
	s5 =	simm.s32 $0xFFFFFFFF;
	p2 =	slt.u32 s8, $0xFFFFF086  }
0x1c: {  	p1 =	slt.u32 s9, $0xF7A;
	s5 =	simm.s32 @!p2 $0x0  }
0x1d: {  	s5 =	simm.s32 @p1 $0x1;
	p0 =	seq.s32 s7, s2  }
0x1e: {  	s7 =	smul.u32 @!p0 $0xF7A, s2;
	p2 =	seq.s32 @!p0 s5, $0x0  }
0x1f: {  	s9 =	smul.u32 $0xF7A, s1;
	s8 =	simm.s32 @!p0 $0x1BF5;
	p2 =	por !p2, p0  }
0x20: {  	[sflag:s8] =	ssyncset.s32 @!p0 $0xFFFFF086;
	s6 =	sadd.s32 @!p0 s3, s7;
	s7 =	simm.s32 @!p0 $0x108  }
0x21: {  	s3 =	sadd.s32 s3, s9;
	s6 =	sadd.s32 @!p0 $0x88, s6;
	s7 =	simm.s32 @p2 $0x1082  }
0x22: {  	[simem:s7], [sflag:s8] =	dma.local @!p0 [hbm:s6], $0xF7A  }
0x23: {  	s9 =	sor.u32 $0xD0000000, s2;
	s6 =	simm.s32 $0x108;
	_ =	swait.ge @!p0 [sflag:s8], $0x0  }
0x24: {  	s3 =	sadd.s32 $0x88, s3;
	s6 =	simm.s32 @!p1 $0x1082;
	[sflag:s4] =	ssyncset.s32 $0xFFFFF086  }
0x25: {  	[simem:s6], [sflag:s4] =	dma.local [hbm:s3], $0xF7A  }
0x26: {  	[smem:$0x3F99] =	sst s1;
	(tag) =	ssettag s2;
	_ =	strace s9  }
0x27: {  	s1 =	sld [smem:$0x3FA9]  }
0x28: {  	s2 =	sld [smem:$0x3FAA]  }
0x29: {  	s4 =	sld [smem:$0x3FAC]  }
0x2a: {  	p0 =	seq.s32 s5, $0x0;
	s5 =	sld [smem:$0x3FAD]  }
0x2b: {  	s6 =	sld [smem:$0x3FAE]  }
0x2c: {  	s7 =	sld [smem:$0x3FAF]  }
0x2d: {  	s3 =	simm.s32 $0x108;
	s8 =	sld [smem:$0x3FB0]  }
0x2e: {  	s3 =	simm.s32 @!p0 $0x1082;
	s9 =	sld [smem:$0x3FB1]  }
0x2f: {  	lr =	sadd.s32 s0, s3;
	s0 =	sld [smem:$0x3FA8]  }
0x30: {  	s3 =	sld [smem:$0x3FAB]  }
0x31: {  	[smem:$0x3FB4] =	sst s10  }
0x32: {  	s10 =	sld [smem:$0x3FB2];
	_ =	sdelay $0x3  }
0x33: {  	p0 =	seq.s32 s10, $0x1;
	s10 =	sld [smem:$0x3FB4];
	_ =	sdelay $0x3  }
0x34: {  	[smem:$0x3FB4] =	sst s10  }
0x35: {  	s10 =	sld [smem:$0x3FB3];
	_ =	sdelay $0x3  }
0x36: {  	p1 =	seq.s32 s10, $0x1;
	s10 =	sld [smem:$0x3FB4];
	_ =	sdelay $0x3  }
0x37: {  	[smem:$0x3FB4] =	sst s10  }
0x38: {  	s10 =	sld [smem:$0x3FB5]  }
0x39: {  	_ = 	snop;
	(pc) =	sbr.ind lr, $3  }
0x3a: {  	_ = 	snop  }
0x3b: {  	_ = 	snop  }
0x3c: {  	p2 =	seq.s32 s10, $0x1;
	s10 =	sld [smem:$0x3FB4]  }
0x3d: {  	_ =	shalt  }
0x3e: {  	_ =	shalt  }
0x3f: {  	_ =	shalt  }
0x40: {  	_ =	shalt  }
0x41: {  	_ =	shalt  }
0x42: {  	_ =	shalt  }
0x43: {  	_ =	shalt  }
0x44: {  	_ =	shalt  }
0x45: {  	_ =	shalt  }
0x46: {  	_ =	shalt  }
0x47: {  	_ =	shalt  }
0x48: {  	_ =	shalt  }
0x49: {  	_ =	shalt  }
0x4a: {  	_ =	shalt  }
0x4b: {  	_ =	shalt  }
0x4c: {  	_ =	shalt  }
0x4d: {  	_ =	shalt  }
0x4e: {  	_ =	shalt  }
0x4f: {  	_ =	shalt  }
0x50: {  	_ =	shalt  }
0x51: {  	_ =	shalt  }
0x52: {  	_ =	shalt  }
0x53: {  	_ =	shalt  }
0x54: {  	_ =	shalt  }
0x55: {  	_ =	shalt  }
0x56: {  	_ =	shalt  }
0x57: {  	_ =	shalt  }
0x58: {  	_ =	shalt  }
0x59: {  	_ =	shalt  }
0x5a: {  	_ =	shalt  }
0x5b: {  	_ =	shalt  }
0x5c: {  	_ =	shalt  }
0x5d: {  	_ =	shalt  }
0x5e: {  	_ =	shalt  }
0x5f: {  	_ =	shalt  }
0x60: {  	_ =	shalt  }
0x61: {  	_ =	shalt  }
0x62: {  	_ =	shalt  }
0x63: {  	_ =	shalt  }
0x64: {  	_ =	shalt  }
0x65: {  	_ =	shalt  }
0x66: {  	_ =	shalt  }
0x67: {  	_ =	shalt  }
0x68: {  	_ =	shalt  }
0x69: {  	_ =	shalt  }
0x6a: {  	_ =	shalt  }
0x6b: {  	_ =	shalt  }
0x6c: {  	_ =	shalt  }
0x6d: {  	_ =	shalt  }
0x6e: {  	_ =	shalt  }
0x6f: {  	_ =	shalt  }
0x70: {  	_ =	shalt  }
0x71: {  	_ =	shalt  }
0x72: {  	_ =	shalt  }
0x73: {  	_ =	shalt  }
0x74: {  	_ =	shalt  }
0x75: {  	_ =	shalt  }
0x76: {  	_ =	shalt  }
0x77: {  	_ =	shalt  }
0x78: {  	_ =	shalt  }
0x79: {  	_ =	shalt  }
0x7a: {  	_ =	shalt  }
0x7b: {  	_ =	shalt  }
0x7c: {  	_ =	shalt  }
0x7d: {  	_ =	shalt  }
0x7e: {  	_ =	shalt  }
0x7f: {  	_ =	shalt  }
0x80: {  	_ =	shalt  }
0x81: {  	_ =	shalt  }
0x82: {  	_ =	shalt  }
0x83: {  	_ =	shalt  }
0x84: {  	_ =	shalt  }
0x85: {  	_ =	shalt  }
0x86: {  	_ =	shalt  }
0x87: {  	_ =	shalt  }
.Lfunc_end0:
.L_simem_size_0:
called_computation_lowered:
.L_overlay_start_0:
0x88: {  	s2 =	sld [smem:$0x3FD9]  }
0x89: {  	s3 =	sld [smem:$0x3FFE];
	_ =	sdelay $0x1  }
0x8a: {  	s1 =	srdreg.scid  }
0x8b: {  	s0 =	sand.u32 $0x1, s1  }
0x8c: {  	s17 =	sshll.u32 s0, $0xA;
	s2 =	sadd.s32 s3, s2  }
0x8d: {  	s2 =	sadd.s32 s2, s17  }
0x8e: {  	[smem:$0x3FC0] =	sst s2  }
0x8f: {  	_ = 	snop  }
0x90: {  	s2 =	sld [smem:$0x3FC9]  }
0x91: {  	s18 =	sld [smem:$0x3FC8]  }
0x92: {  	s4 =	sld [smem:$0x3FC7]  }
0x93: {  	s5 =	sld [smem:$0x3FC4]  }
0x94: {  	s6 =	sld [smem:$0x3FC3]  }
0x95: {  	s7 =	sld [smem:$0x3FC2]  }
0x96: {  	s8 =	sld [smem:$0x3FD0];
	(tm) =	ssettm $0x1  }
0x97: {  	s9 =	sld [smem:$0x3FFB];
	_ =	sdelay $0x3  }
0x98: {  	_ =	strace s9  }
0x99: {  	s9 =	sld [smem:$0x3FFC];
	_ =	sdelay $0x3  }
0x9a: {  	_ =	strace s9  }
0x9b: {  	s9 =	sld [smem:$0x3FFD];
	_ =	sdelay $0x3  }
0x9c: {  	_ =	strace s9  }
0x9d: {  	_ =	strace $0x8FFFFFFF  }
0x9e: {  	s19 =	sld [smem:$0x3FDB];
	_ =	sdelay $0x1  }
0x9f: {  	s10 =	simm.s32 $_scs_section_size  }
0xa0: {  	s11 =	simm.s32 $_size__tile_overlayer_lowered;
	s12 =	simm.s32 $_tile_overlayer_lowered  }
0xa1: {  	s22 =	simm.s32 $0x1BFF;
	s21 =	sshll.u32 s12, $0x1;
	s9 =	sadd.s32 s10, s19  }
0xa2: {  	s13 =	simm.s32 $0x0;
	s20 =	sshll.u32 s11, $0x1;
	s11 =	sadd.s32 s21, s9  }
0xa3: {  	[timem:s13], [sflag:s22] =	dma.local [hbm:s11], s20  }
0xa4: {  	_ =	swait.ge [sflag:s22], s20  }
0xa5: {  	s10 =	ssub.s32 $0x0, s20;
	[sflag:s22] =	ssyncset.done $0x0  }
0xa6: {  	[sflag:s22] =	ssyncadd.s32 s10;
	_ =	sdelay $0x1  }
0xa7: {  	s23 =	simm.s32 $0x1B8B  }
0xa8: {  	_ =	swait.ge [sflag:s23], $0x1  }
0xa9: {  	[sflag:s23] =	ssyncset.done $0x0  }
0xaa: {  	s25 =	simm.s32 $0x1B8E;
	s24 =	sld [smem:$0x3FFE];
	[sflag:s23] =	ssyncadd.s32 $0xFFFFFFFF  }
0xab: {  	s26 =	simm.s32 $execute0_lowered;
	[smem:$0x3FD2] =	sst s25  }
0xac: {  	s11 =	sshll.u32 s26, $0x1;
	_ =	strace $0x80000046;
	[dreg:$0x1] =	wrdreg $0xFFFFFFFF  }
0xad: {  	s28 =	simm.s32 $_size_execute0_lowered;
	s9 =	sadd.s32 s9, s11;
	[dreg:$0x0] =	wrdreg $0x0  }
0xae: {  	s11 =	sshll.u32 s28, $0x1;
	[dreg:$0x2] =	wrdreg s9  }
0xaf: {  	[dreg:$0x3] =	wrdreg s11  }
0xb0: {  	[dreg:$0x4] =	wrdreg $0xC0  }
0xb1: {  	_ =	task [dreg:s13], $0x5FFFF  }
0xb2: {  	[dreg:$0x1] =	wrdreg $0xFFFFFFFF  }
0xb3: {  	[dreg:$0x0] =	wrdreg $0x60  }
0xb4: {  	[dreg:$0x2] =	wrdreg s2  }
0xb5: {  	[dreg:$0x3] =	wrdreg s18  }
0xb6: {  	[dreg:$0x4] =	wrdreg s4  }
0xb7: {  	[dreg:$0x5] =	wrdreg s5  }
0xb8: {  	[dreg:$0x6] =	wrdreg s6  }
0xb9: {  	[dreg:$0x7] =	wrdreg s7  }
0xba: {  	[dreg:$0x8] =	wrdreg s24  }
0xbb: {  	[dreg:$0x9] =	wrdreg s8  }
0xbc: {  	[dreg:$0xa] =	wrdreg $0x145800  }
0xbd: {  	[dreg:$0xb] =	wrdreg $0x9  }
0xbe: {  	_ =	task.clear_ibuf [dreg:s13], $0xCFFFF;
	_ =	strace $0x90000046  }
0xbf: {  	s29 =	simm.s32 $0x9;
	_ =	strace $0x8000004C  }
0xc0: {  	_ =	swait.ge [sflag:s29], $0x1  }
0xc1: {  	[sflag:s29] =	ssyncadd.s32 $0xFFFFFFFF  }
0xc2: {  	_ =	strace $0x9000004C  }
0xc3: {  	_ =	sfence  }
0xc4: {  	s30 =	sld [smem:$0x0];
	_ =	sdelay $0x2  }
0xc5: {  	s31 =	sshll.u32 s1, $0xD;
	s1 =	sshrl.u32 s1, $0x2  }
0xc6: {  	s3 =	sand.u32 $0x4000, s31;
	s1 =	sadd.s32 s1, s30  }
0xc7: {  	s0 =	sor.u32 s3, s0;
	s1 =	sshll.u32 s1, $0x11  }
0xc8: {  	s0 =	sor.u32 s1, s0  }
0xc9: {  	s0 =	sadd.s32 $0x8F2B, s0  }
0xca: {  	[sflag:s0] =	ssyncadd.remote.s32 $0x1  }
0xcb: {  	_ =	sfence.sel $0xFFFF  }
0xcc: {  	[dreg:$0x0] =	wrdreg $0xFFFFFFFF;
	(pc) =	sbr.abs _section_cstart, $3  }
0xcd: {  	[dreg:$0x1] =	wrdreg $0xFFFFFFFF  }
0xce: {  	_ =	task.clear_ibuf [dreg:s13], $0x2FFFF;
	_ =	strace $0x9FFFFFFF  }
0xcf: {  	(tm) =	ssettm $0x7FFFFFFF  }
tec
execute0_lowered:
.L_overlay_start_1:
0x0: {  	(tag) =	ssettag $0x1  }
0x1: {  	s1 =	rddreg [dreg:$0x1]  }
0x2: {  	s4 =	rddreg [dreg:$0x3]  }
0x3: {  	s0 =	rddreg [dreg:$0x6]  }
0x4: {  	s2 =	rddreg [dreg:$0x7]  }
0x5: {  	s13 =	rddreg [dreg:$0x8];
	s9 =	simm.s32 $0x0  }
0x6: {  	s3 =	srdreg.scid;
	s12 =	stileid.u32;
	s17 =	simm.s32 $0x6  }
0x7: {  	s19 =	simm.s32 $0x14500;
	s24 =	simm.s32 $0x3;
	s30 =	simm.s32 $0xA700  }
0x8: {  	s15 =	simm.s32 $0x0;
	[smem:$0x7FF] =	sst s9;
	s5 =	smul.u32 $0x138, s12  }
0x9: {  	s3 =	sand.u32 $0x1, s3;
	s7 =	smul.u32 $0x27000, s12;
	s0 =	sadd.s32 $0xA00, s0  }
0xa: {  	s10 =	sshll.u32 s12, $0x6;
	s29 =	sadd.s32 $0x1, s12;
	p0 =	sne.s32 s12, $0xF  }
0xb: {  	p2 =	seq.s32 s12, $0xF;
	s12 =	simm.s32 $0x500;
	_ =	strace $0x80000047  }
0xc: {  	s6 =	ssub.s32 $0x2, s3;
	[dreg:$0xa] =	wrdreg s0;
	s8 =	smul.u32 $0x1388, s3  }
0xd: {  	s11 =	smul.u32 $0x9C400, s3;
	s14 =	sor.u32 $0x1C06, s10;
	[dreg:$0xc] =	wrdreg s29  }
0xe: {  	s25 =	sshrl.u32 s6, $0x1;
	s7 =	sshrl.u32 s7, $0x2;
	[dreg:$0xb] =	wrdreg s14  }
0xf: {  	v0 =	vimm.s32 $0xEDCBA987;
	s0 =	ssub.s32 s6, s25;
	s26 =	sadd.s32 s7, s13;
	s7 =	sadd.s32 $0x9C000, s13  }
0x10: {  	v1 =	vimm.s32 $0x65432100;
	v0 =	vunpack.c.l.s4.s8 v0;
	s5 =	sadd.s32 s5, s8;
	s28 =	sshrl.u32 s11, $0x3;
	s0 =	smax.u32 s0, $0x1  }
.Ltmp0:
0x11: {  	v1 =	vunpack.c.l.s4.s8 v1;
	s11 =	sshrl.u32 s26, $0x3;
	[dreg:$0xf] =	wrdreg s0;
	(pc) =	sbr.rel .LBB2_1-.Ltmp0, $4  }
0x12: {  	vm0 =	vmmov $0x1;
	v0 =	vunpack.c.0.s8.s32 v0;
	s5 =	sshll.u32 s5, $0x4;
	s13 =	sshrl.u32 @!p0 s7, $0x3;
	[dreg:$0x10] =	wrdreg s11  }
0x13: {  	v3 =	vimm.s32 $0x2;
	v4 =	vimm.s32 $0x3;
	v1 =	vunpack.c.0.s8.s32 v1;
	s10 =	sadd.s32 s2, s28;
	s2 =	sadd.s32 s2, s5;
	[dreg:$0x11] =	wrdreg s13  }
0x14: {  	vm1 =	vmxor vm1, vm1;
	v5 =	vlaneseq.u32;
	p1 =	seq.s32 s3, $0x0;
	v2 =	vand.u32 $0xF, v0;
	s31 =	sadd.s32 $0x13800, s10;
	[dreg:$0xd] =	wrdreg s2  }
0x15: {  	s3 =	simm.s32 $0x680;
	s25 =	simm.s32 $0x50;
	v0 =	vmov s8;
	v1 =	vcombine.low v1, v2;
	v2 =	vimm.s32 $0x1;
	[dreg:$0xe] =	wrdreg s31  }
.LBB2_48:
0x16: {  	[bflag:$0x0] =	sbarrier.arrive $0xFFFF  }
.LBB2_46:
0x17: {  	[bflag:$0x0] =	sbarrier.arrive $0xFFFF  }
0x18: {  	s0 =	rddreg [dreg:$0xd]  }
0x19: {  	[hbm:s0], [sflag:s14] =	dma.local [spmem:s11], $0x1380  }
0x1a: {  	_ =	swait.ge [sflag:s17], $0x1380  }
0x1b: {  	[sflag:s17] =	ssyncset.done $0x0  }
0x1c: {  	s0 =	rddreg [dreg:$0xe];
	[sflag:s17] =	ssyncadd.s32 $0xFFFFEC80  }
0x1d: {  	[hbm:s0], [sflag:s14] =	dma.local @!p0 [spmem:s13], $0x80  }
0x1e: {  	s0 =	simm.s32 @!p0 $0x6  }
0x1f: {  	_ =	swait.ge @!p0 [sflag:s0], $0x80  }
0x20: {  	s15 =	sadd.s32 $0x1, s15;
	s2 =	rddreg [dreg:$0xf]  }
0x21: {  	p3 =	sne.s32 s15, s2  }
.Ltmp1:
0x22: {  	_ = 	snop;
	(pc) =	sbr.rel @!p3 .LBB2_47-.Ltmp1, $3  }
0x23: {  	_ =	sdelay $0x1  }
0x24: {  	[sflag:s0] =	ssyncset.done @!p0 $0x0  }
0x25: {  	[sflag:s0] =	ssyncadd.s32 @!p0 $0xFFFFFF80  }
.LBB2_1:
0x26: {  	s0 =	rddreg [dreg:$0xa]  }
0x27: {  	[spmem:s11], [sflag:s14] =	dma.local [hbm:s0], $0x1380  }
0x28: {  	_ =	swait.ge [sflag:s17], $0x1380  }
0x29: {  	[sflag:s17] =	ssyncset.done $0x0  }
0x2a: {  	[sflag:s17] =	ssyncadd.s32 $0xFFFFEC80  }
0x2b: {  	[spmem:s13], [sflag:s14] =	dma.local @!p0 [hbm:s0], $0x80  }
0x2c: {  	s0 =	simm.s32 $0x13880  }
0x2d: {  	s2 =	sand.u32 $0xFFFFFFF8, s0  }
0x2e: {  	s5 =	simm.s32 @!p0 $0x6;
	p3 =	slt.s32 s2, $0x270F0  }
0x2f: {  	_ =	swait.ge @!p0 [sflag:s5], $0x80;
	s2 =	simm.s32 @!p3 $0x270F0  }
0x30: {  	[sflag:s5] =	ssyncset.done @!p0 $0x0;
	s6 =	sshrl.u32 s2, $0x3;
	s2 =	ssub.s32 $0x13880, s2  }
0x31: {  	[sflag:s5] =	ssyncadd.s32 @!p0 $0xFFFFFF80;
	s29 =	sadd.s32 s4, s6;
	v6 =	vmov s2  }
0x32: {  	[tilespmem:s19], [sflag:$0x6] =	stream.linear.gather [hbm4b:s29+s9], $0x10, $0x38;
	[tilespmem:$0x1E1C0] =	vst v63  }
0x33: {  	_ =	swait.ge [sflag:s17], $0x10  }
0x34: {  	[sflag:s17] =	ssyncset.done $0x0  }
0x35: {  	[sflag:s17] =	ssyncadd.s32 $0xFFFFFFF0  }
0x36: {  	v6 =	vld.idx.msk [tilespmem:v6+s19+$0x0], $0xffff;
	_ =	sdelay $0x4  }
0x37: {  	(v2sf) =	vpush v6, $0x0;
	_ =	sdelay $0xd  }
0x38: {  	p4 =	por $0x1, $0x1  }
0x39: {  	s7 =	simm.s32 $0x0;
	s5 =	simm.s32 $0x11;
	s31 =	spop (v2sf)  }
0x3a: {  	s2 =	simm.s32 $0x27100;
	s6 =	simm.s32 $0x13881;
	p3 =	slt.s32 s31, $0x1388  }
0x3b: {  	s7 =	smov.u32 @p3 s6;
	s0 =	smov.u32 @p3 s2;
	s6 =	simm.s32 $0x0  }
.LBB2_2:
0x3c: {  	p3 =	sne.s32 s5, $0x1;
	s6 =	smov.u32 @p4 s7;
	s2 =	smov.u32 @p4 s0  }
0x3d: {  	s5 =	sadd.s32 $0xFFFFFFFF, s5;
	s0 =	sadd.s32 s6, s2  }
0x3e: {  	s0 =	sshra.s32 s0, $0x1  }
0x3f: {  	s7 =	sand.u32 $0xFFFFFFF8, s0  }
0x40: {  	p4 =	slt.s32 s7, $0x270F0  }
0x41: {  	s7 =	simm.s32 @!p4 $0x270F0  }
0x42: {  	s8 =	sshrl.u32 s7, $0x3;
	s7 =	ssub.s32 s0, s7  }
0x43: {  	s8 =	sadd.s32 s4, s8;
	v6 =	vmov s7  }
0x44: {  	[tilespmem:s19], [sflag:$0x6] =	stream.linear.gather [hbm4b:s8+s9], $0x10, $0x38;
	[tilespmem:$0x1E1C0] =	vst v63  }
0x45: {  	_ =	swait.ge [sflag:s17], $0x10  }
0x46: {  	[sflag:s17] =	ssyncset.done $0x0  }
0x47: {  	[sflag:s17] =	ssyncadd.s32 $0xFFFFFFF0  }
0x48: {  	v6 =	vld.idx.msk [tilespmem:v6+s19+$0x0], $0xffff;
	_ =	sdelay $0x5  }
0x49: {  	(v2sf) =	vpush v6, $0x0;
	_ =	sdelay $0xc  }
.Ltmp2:
0x4a: {  	(pc) =	sbr.rel @p3 .LBB2_2-.Ltmp2, $4  }
0x4b: {  	_ = 	snop  }
0x4c: {  	s7 =	spop (v2sf)  }
0x4d: {  	s8 =	sadd.s32 $0x1, s0;
	p5 =	slt.s32 s7, $0x1388;
	s7 =	smov.u32 s6  }
0x4e: {  	p4 =	slt.s32 s6, s2;
	s7 =	smov.u32 @p5 s8;
	s0 =	smov.u32 @p5 s2  }
0x4f: {  	s6 =	smov.u32 @p4 s7  }
0x50: {  	s0 =	sadd.s32 $0x7, s6  }
0x51: {  	s0 =	sand.u32 $0xFFFFFFF8, s0  }
0x52: {  	p3 =	slt.s32 s0, $0x27100  }
0x53: {  	s2 =	sand.u32 $0xFFFFFFF8, s6;
	s0 =	simm.s32 @!p3 $0x27100  }
0x54: {  	s2 =	simm.s32 @p1 $0x0;
	s0 =	simm.s32 @!p1 $0x27100  }
0x55: {  	s5 =	ssub.s32 s0, s2  }
0x56: {  	s5 =	sadd.s32 $0xF, s5  }
0x57: {  	s21 =	sshra.s32 s5, $0x1F  }
0x58: {  	s22 =	sshrl.u32 s21, $0x1C  }
0x59: {  	s5 =	sadd.s32 s22, s5  }
0x5a: {  	s5 =	sshra.s32 s5, $0x4  }
0x5b: {  	s23 =	rddreg [dreg:$0xc];
	s5 =	sadd.s32 s21, s5  }
0x5c: {  	s26 =	stileid.u32;
	s6 =	smul.u32 s23, s5  }
0x5d: {  	s5 =	smul.u32 s26, s5  }
0x5e: {  	s6 =	sadd.s32 s2, s6  }
0x5f: {  	s2 =	sadd.s32 s2, s5;
	s5 =	smov.u32 s0;
	p3 =	slt.s32 s6, s0  }
0x60: {  	s7 =	smov.u32 s0;
	p4 =	slt.s32 s2, s0;
	s5 =	smov.u32 @p3 s6  }
0x61: {  	s7 =	smov.u32 @p4 s2;
	s10 =	sand.u32 $0xFFFFFFF8, s5  }
0x62: {  	s23 =	sand.u32 $0xFFFFFFF8, s7;
	s10 =	smov.u32 @p2 s0  }
0x63: {  	s0 =	ssub.s32 s10, s23  }
0x64: {  	s28 =	sadd.s32 $0x4F, s0  }
0x65: {  	s29 =	smulhi.u32 $0x66666667, s28;
	s31 =	sshra.s32 s28, $0x1F  }
0x66: {  	s6 =	smul.u32 $0x66666667, s31;
	_ =	sdelay $0x1  }
0x67: {  	s5 =	sadd.s32 s6, s29  }
0x68: {  	s6 =	sshrl.u32 s5, $0x1F;
	s5 =	sshra.s32 s5, $0x5  }
0x69: {  	s5 =	sadd.s32 s6, s5  }
0x6a: {  	s6 =	smul.u32 $0xFFFFFFB0, s5  }
0x6b: {  	s0 =	ssub.s32 $0xFFFFFFB1, s0  }
0x6c: {  	p5 =	slt.s32 s28, $0x0;
	p6 =	sne.s32 s6, s0  }
0x6d: {  	p3 =	por !p5, !p6  }
0x6e: {  	s0 =	simm.s32 $0x1;
	p3 =	por !p3, !p3  }
0x6f: {  	s0 =	simm.s32 @!p3 $0x0  }
0x70: {  	s7 =	ssub.s32 s5, s0  }
0x71: {  	p3 =	slt.s32 s7, $0x1  }
.Ltmp3:
0x72: {  	_ = 	snop;
	(pc) =	sbr.rel @p3 .LBB2_48-.Ltmp3, $1  }
0x73: {  	_ =	sdelay $0x3  }
0x74: {  	p3 =	slt.s32 s23, $0x270B0;
	s0 =	smov.u32 s23  }
0x75: {  	s0 =	simm.s32 @!p3 $0x270B0  }
0x76: {  	s0 =	sshrl.u32 s0, $0x3  }
0x77: {  	s13 =	rddreg [dreg:$0x4];
	s2 =	sadd.s32 s4, s0  }
0x78: {  	[tilespmem:s9], [sflag:$0x3] =	stream.linear.gather [hbm4b:s2+s9], $0x50, $0x38;
	[tilespmem:$0x1E1C0] =	vst v63  }
0x79: {  	s5 =	simm.s32 $0x100;
	s14 =	rddreg [dreg:$0x5];
	s2 =	sadd.s32 s13, s0  }
0x7a: {  	[tilespmem:s5], [sflag:$0x3] =	stream.linear.gather [hbm4b:s2+s9], $0x50, $0x38;
	[tilespmem:$0x1E1C0] =	vst v63  }
0x7b: {  	s16 =	simm.s32 $0x200;
	s18 =	rddreg [dreg:$0x2];
	s2 =	sadd.s32 s14, s0  }
0x7c: {  	[tilespmem:s16], [sflag:$0x3] =	stream.linear.gather [hbm4b:s2+s9], $0x50, $0x38;
	[tilespmem:$0x1E1C0] =	vst v63  }
0x7d: {  	s20 =	simm.s32 $0x300;
	s0 =	sadd.s32 s18, s0  }
0x7e: {  	[tilespmem:s20], [sflag:$0x3] =	stream.linear.gather [hbm4b:s0+s9], $0x50, $0x38;
	[tilespmem:$0x1E1C0] =	vst v63  }
0x7f: {  	[bflag:$0x0] =	sbarrier.arrive $0xFFFF  }
0x80: {  	_ =	swait.ge [sflag:s24], $0x50  }
0x81: {  	[sflag:s24] =	ssyncset.done $0x0  }
0x82: {  	[sflag:s24] =	ssyncadd.s32 $0xFFFFFFB0  }
0x83: {  	_ =	swait.ge [sflag:s24], $0x50  }
0x84: {  	[sflag:s24] =	ssyncset.done $0x0  }
0x85: {  	[sflag:s24] =	ssyncadd.s32 $0xFFFFFFB0  }
0x86: {  	_ =	swait.ge [sflag:s24], $0x50  }
0x87: {  	[sflag:s24] =	ssyncset.done $0x0  }
0x88: {  	[sflag:s24] =	ssyncadd.s32 $0xFFFFFFB0  }
0x89: {  	_ =	swait.ge [sflag:s24], $0x50  }
0x8a: {  	[sflag:s24] =	ssyncset.done $0x0  }
0x8b: {  	[sflag:s24] =	ssyncadd.s32 $0xFFFFFFB0  }
0x8c: {  	v6 =	vld [tilespmem:$0x0]  }
0x8d: {  	v7 =	vld.idx.msk [tilespmem:v1+s9+$0x0], $0xffff;
	_ =	sdelay $0x4  }
0x8e: {  	vm2 =	vne.s32 v6, v7  }
0x8f: {  	vm2 =	vmor vm2, vm0  }
0x90: {  	v7 =	vmpcnt.ones.xlane vm2;
	_ =	sdelay $0x1  }
0x91: {  	(v2sf) =	vpush v7, $0x0;
	_ =	sdelay $0x7  }
0x92: {  	[tilespmem:s12+$0x0] =	vst.msk vm2, v6  }
0x93: {  	v6 =	vld [tilespmem:$0x10]  }
0x94: {  	v7 =	vld [tilespmem:$0xF];
	_ =	sdelay $0x4  }
0x95: {  	vm2 =	vne.s32 v6, v7;
	s21 =	spop (v2sf)  }
0x96: {  	[tilespmem:s21+$0x500] =	vst.msk vm2, v6;
	v6 =	vmpcnt.ones.xlane vm2  }
0x97: {  	v7 =	vld [tilespmem:$0x20]  }
0x98: {  	(v2sf) =	vpush v6, $0x0;
	v6 =	vld [tilespmem:$0x1F];
	_ =	sdelay $0x4  }
0x99: {  	vm2 =	vne.s32 v7, v6  }
0x9a: {  	v6 =	vmpcnt.ones.xlane vm2;
	_ =	sdelay $0x1  }
0x9b: {  	(v2sf) =	vpush v6, $0x0;
	_ =	sdelay $0x6  }
0x9c: {  	s22 =	spop (v2sf)  }
0x9d: {  	s0 =	sadd.s32 s21, s22  }
0x9e: {  	[tilespmem:s0+$0x500] =	vst.msk vm2, v7  }
0x9f: {  	v6 =	vld [tilespmem:$0x30]  }
0xa0: {  	v7 =	vld [tilespmem:$0x2F];
	_ =	sdelay $0x3  }
0xa1: {  	s26 =	spop (v2sf)  }
0xa2: {  	vm2 =	vne.s32 v6, v7;
	s0 =	sadd.s32 s0, s26  }
0xa3: {  	[tilespmem:s0+$0x500] =	vst.msk vm2, v6  }
0xa4: {  	v6 =	vld [tilespmem:$0x40]  }
0xa5: {  	v7 =	vld [tilespmem:$0x3F];
	_ =	sdelay $0x4  }
0xa6: {  	v8 =	vmpcnt.ones.xlane vm2;
	vm2 =	vne.s32 v6, v7  }
0xa7: {  	v7 =	vmpcnt.ones.xlane vm2  }
0xa8: {  	(v2sf) =	vpush v8, $0x0  }
0xa9: {  	(v2sf) =	vpush v7, $0x0;
	_ =	sdelay $0xd  }
0xaa: {  	s29 =	spop (v2sf)  }
0xab: {  	s0 =	sadd.s32 s0, s29;
	s31 =	spop (v2sf)  }
0xac: {  	s28 =	sadd.s32 s0, s31  }
0xad: {  	p3 =	slt.s32 s28, $0x1  }
.Ltmp4:
0xae: {  	_ = 	snop;
	(pc) =	sbr.rel @p3 .LBB2_17-.Ltmp4, $2  }
0xaf: {  	_ =	sdelay $0x2  }
0xb0: {  	[tilespmem:s0+$0x500] =	vst.msk vm2, v6  }
0xb1: {  	v6 =	vld.msk [tilespmem:s12+$0x0], $0xffff;
	_ =	sdelay $0x4  }
0xb2: {  	(v2sf) =	vpush v6, $0x0;
	_ =	sdelay $0xe  }
0xb3: {  	s0 =	spop (v2sf)  }
0xb4: {  	s2 =	sshrl.u32 s0, $0x3  }
0xb5: {  	s0 =	sshll.u32 s0, $0x7;
	s2 =	smul.u32 $0x13C00, s2  }
0xb6: {  	s0 =	sand.u32 $0x380, s0  }
0xb7: {  	s0 =	sor.u32 s0, s2  }
0xb8: {  	s0 =	sshrl.u32 s0, $0x3  }
0xb9: {  	s5 =	simm.s32 $0x80;
	s0 =	sadd.s32 s1, s0  }
0xba: {  	s6 =	simm.s32 $0xA900;
	s2 =	simm.s32 $0xA700;
	s8 =	sadd.s32 $0x0, s0  }
.LBB2_6:
0xbb: {  	[tilespmem:s2], [sflag:$0x4] =	stream.linear.gather [hbm4b:s8+s9], $0x80, $0x38;
	[tilespmem:$0x1E1C0] =	vst v63  }
0xbc: {  	s8 =	smov.u32 s5;
	s2 =	smov.u32 s6;
	p3 =	sne.s32 s5, $0x2700  }
.Ltmp5:
0xbd: {  	s5 =	sadd.s32 $0x80, s5;
	(pc) =	sbr.rel @p3 .LBB2_6-.Ltmp5, $2  }
0xbe: {  	_ =	sdelay $0x2  }
0xbf: {  	s6 =	sadd.s32 $0x200, s6;
	s8 =	sadd.s32 s8, s0  }
0xc0: {  	p3 =	seq.s32 s28, $0x1  }
.Ltmp6:
0xc1: {  	_ = 	snop;
	(pc) =	sbr.rel @p3 .LBB2_17-.Ltmp6, $2  }
0xc2: {  	_ =	sdelay $0x2  }
0xc3: {  	[tilespmem:s2], [sflag:$0x4] =	stream.linear.gather [hbm4b:s8+s9], $0x80, $0x38;
	[tilespmem:$0x1E1C0] =	vst v63  }
0xc4: {  	_ =	sdelay $0x3  }
0xc5: {  	v6 =	vld.idx.msk [tilespmem:v2+s12+$0x0], $0xffff;
	_ =	sdelay $0x4  }
0xc6: {  	(v2sf) =	vpush v6, $0x0;
	_ =	sdelay $0xe  }
0xc7: {  	s0 =	spop (v2sf)  }
0xc8: {  	s2 =	sshrl.u32 s0, $0x3  }
0xc9: {  	s0 =	sshll.u32 s0, $0x7;
	s2 =	smul.u32 $0x13C00, s2  }
0xca: {  	s0 =	sand.u32 $0x380, s0  }
0xcb: {  	s0 =	sor.u32 s0, s2  }
0xcc: {  	s0 =	sshrl.u32 s0, $0x3  }
0xcd: {  	s5 =	simm.s32 $0x80;
	s0 =	sadd.s32 s1, s0  }
0xce: {  	s6 =	simm.s32 $0xA980;
	s2 =	simm.s32 $0xA780;
	s8 =	sadd.s32 $0x0, s0  }
.LBB2_9:
0xcf: {  	[tilespmem:s2], [sflag:$0x4] =	stream.linear.gather [hbm4b:s8+s9], $0x80, $0x38;
	[tilespmem:$0x1E1C0] =	vst v63  }
0xd0: {  	s8 =	smov.u32 s5;
	s2 =	smov.u32 s6;
	p3 =	sne.s32 s5, $0x2700  }
.Ltmp7:
0xd1: {  	s5 =	sadd.s32 $0x80, s5;
	(pc) =	sbr.rel @p3 .LBB2_9-.Ltmp7, $2  }
0xd2: {  	_ =	sdelay $0x2  }
0xd3: {  	s6 =	sadd.s32 $0x200, s6;
	s8 =	sadd.s32 s8, s0  }
0xd4: {  	p3 =	slt.u32 s28, $0x3  }
.Ltmp8:
0xd5: {  	_ = 	snop;
	(pc) =	sbr.rel @p3 .LBB2_17-.Ltmp8, $2  }
0xd6: {  	_ =	sdelay $0x2  }
0xd7: {  	[tilespmem:s2], [sflag:$0x4] =	stream.linear.gather [hbm4b:s8+s9], $0x80, $0x38;
	[tilespmem:$0x1E1C0] =	vst v63  }
0xd8: {  	_ =	sdelay $0x3  }
0xd9: {  	v6 =	vld.idx.msk [tilespmem:v3+s12+$0x0], $0xffff;
	_ =	sdelay $0x4  }
0xda: {  	(v2sf) =	vpush v6, $0x0;
	_ =	sdelay $0xe  }
0xdb: {  	s0 =	spop (v2sf)  }
0xdc: {  	s2 =	sshrl.u32 s0, $0x3  }
0xdd: {  	s0 =	sshll.u32 s0, $0x7;
	s2 =	smul.u32 $0x13C00, s2  }
0xde: {  	s0 =	sand.u32 $0x380, s0  }
0xdf: {  	s0 =	sor.u32 s0, s2  }
0xe0: {  	s0 =	sshrl.u32 s0, $0x3  }
0xe1: {  	s5 =	simm.s32 $0x80;
	s0 =	sadd.s32 s1, s0  }
0xe2: {  	s6 =	simm.s32 $0xAA00;
	s2 =	simm.s32 $0xA800;
	s8 =	sadd.s32 $0x0, s0  }
.LBB2_12:
0xe3: {  	[tilespmem:s2], [sflag:$0x4] =	stream.linear.gather [hbm4b:s8+s9], $0x80, $0x38;
	[tilespmem:$0x1E1C0] =	vst v63  }
0xe4: {  	s8 =	smov.u32 s5;
	s2 =	smov.u32 s6;
	p3 =	sne.s32 s5, $0x2700  }
.Ltmp9:
0xe5: {  	s5 =	sadd.s32 $0x80, s5;
	(pc) =	sbr.rel @p3 .LBB2_12-.Ltmp9, $2  }
0xe6: {  	_ =	sdelay $0x2  }
0xe7: {  	s6 =	sadd.s32 $0x200, s6;
	s8 =	sadd.s32 s8, s0  }
0xe8: {  	p3 =	seq.s32 s28, $0x3  }
.Ltmp10:
0xe9: {  	_ = 	snop;
	(pc) =	sbr.rel @p3 .LBB2_17-.Ltmp10, $2  }
0xea: {  	_ =	sdelay $0x2  }
0xeb: {  	[tilespmem:s2], [sflag:$0x4] =	stream.linear.gather [hbm4b:s8+s9], $0x80, $0x38;
	[tilespmem:$0x1E1C0] =	vst v63  }
0xec: {  	_ =	sdelay $0x3  }
0xed: {  	v6 =	vld.idx.msk [tilespmem:v4+s12+$0x0], $0xffff;
	_ =	sdelay $0x4  }
0xee: {  	(v2sf) =	vpush v6, $0x0;
	_ =	sdelay $0xe  }
0xef: {  	s0 =	spop (v2sf)  }
0xf0: {  	s2 =	sshrl.u32 s0, $0x3  }
0xf1: {  	s0 =	sshll.u32 s0, $0x7;
	s2 =	smul.u32 $0x13C00, s2  }
0xf2: {  	s0 =	sand.u32 $0x380, s0  }
0xf3: {  	s0 =	sor.u32 s0, s2  }
0xf4: {  	s0 =	sshrl.u32 s0, $0x3  }
0xf5: {  	s5 =	simm.s32 $0x80;
	s0 =	sadd.s32 s1, s0  }
0xf6: {  	s6 =	simm.s32 $0xAA80;
	s2 =	simm.s32 $0xA880;
	s8 =	sadd.s32 $0x0, s0  }
.LBB2_15:
0xf7: {  	[tilespmem:s2], [sflag:$0x4] =	stream.linear.gather [hbm4b:s8+s9], $0x80, $0x38;
	[tilespmem:$0x1E1C0] =	vst v63  }
0xf8: {  	s8 =	smov.u32 s5;
	s2 =	smov.u32 s6;
	p3 =	sne.s32 s5, $0x2700  }
.Ltmp11:
0xf9: {  	s5 =	sadd.s32 $0x80, s5;
	(pc) =	sbr.rel @p3 .LBB2_15-.Ltmp11, $2  }
0xfa: {  	_ =	sdelay $0x2  }
0xfb: {  	s6 =	sadd.s32 $0x200, s6;
	s8 =	sadd.s32 s8, s0  }
0xfc: {  	[tilespmem:s2], [sflag:$0x4] =	stream.linear.gather [hbm4b:s8+s9], $0x80, $0x38;
	[tilespmem:$0x1E1C0] =	vst v63  }
.LBB2_17:
0xfd: {  	p3 =	seq.s32 s7, $0x1  }
0xfe: {  	s0 =	sadd.s32 @!p3 $0x50, s23  }
0xff: {  	p4 =	slt.s32 @!p3 s0, $0x270B0  }
0x100: {  	p4 =	por !p4, p3  }
0x101: {  	s0 =	simm.s32 @p4 $0x270B0  }
0x102: {  	s0 =	sshrl.u32 @!p3 s0, $0x3  }
0x103: {  	s5 =	simm.s32 @!p3 $0x0;
	s6 =	simm.s32 @!p3 $0x80;
	s2 =	sadd.s32 @!p3 s4, s0  }
0x104: {  	[tilespmem:s6], [sflag:$0x3] =	stream.linear.gather @!p3 [hbm4b:s2+s5], $0x50, $0x38;
	[tilespmem:$0x1E1C0] =	vst v63  }
0x105: {  	s2 =	rddreg [dreg:$0x4]  }
0x106: {  	s6 =	simm.s32 @!p3 $0x180;
	s2 =	sadd.s32 @!p3 s2, s0  }
0x107: {  	[tilespmem:s6], [sflag:$0x3] =	stream.linear.gather @!p3 [hbm4b:s2+s5], $0x50, $0x38;
	[tilespmem:$0x1E1C0] =	vst v63  }
0x108: {  	s2 =	rddreg [dreg:$0x5]  }
0x109: {  	[dreg:$0x12] =	wrdreg s15;
	s6 =	simm.s32 @!p3 $0x280;
	s2 =	sadd.s32 @!p3 s2, s0  }
0x10a: {  	[tilespmem:s6], [sflag:$0x3] =	stream.linear.gather @!p3 [hbm4b:s2+s5], $0x50, $0x38;
	[tilespmem:$0x1E1C0] =	vst v63  }
0x10b: {  	s12 =	simm.s32 $0xFFFFFFFF;
	s2 =	rddreg [dreg:$0x2]  }
0x10c: {  	s11 =	simm.s32 $0x0;
	s0 =	sadd.s32 @!p3 s2, s0;
	s2 =	simm.s32 @!p3 $0x380  }
0x10d: {  	[tilespmem:s2], [sflag:$0x3] =	stream.linear.gather @!p3 [hbm4b:s0+s5], $0x50, $0x38;
	[tilespmem:$0x1E1C0] =	vst v63  }
0x10e: {  	v6 =	vmov s10;
	s21 =	simm.s32 $0x0;
	s5 =	simm.s32 $0x0;
	p3 =	por $0x0, $0x0  }
.LBB2_18:
0x10f: {  	s10 =	sand.u32 $0x1, s21  }
0x110: {  	s15 =	sshll.u32 s10, $0x7  }
0x111: {  	s0 =	rddreg [dreg:$0x0];
	s2 =	simm.s32 $0x700;
	s18 =	sor.u32 $0x100, s15  }
0x112: {  	[tilespmem:s2], [sflag:$0x1] =	stream.indirect.gather [hbm4b:s0+s25], $0x80, s18, s25, $0xb8;
	[tilespmem:$0x1E1C0] =	vst v63  }
0x113: {  	s31 =	simm.s32 $0x2F00;
	s22 =	sor.u32 $0x200, s15  }
0x114: {  	[tilespmem:s31], [sflag:$0x2] =	stream.indirect.gather [hbm4b:s0+s25], $0x80, s22, s25, $0xb8;
	[tilespmem:$0x1E1C0] =	vst v63  }
0x115: {  	v7 =	vld [tilespmem:s15+$0x40];
	_ =	sdelay $0x4  }
0x116: {  	(v2sf) =	vpush v7, $0xF;
	_ =	sdelay $0x8  }
0x117: {  	s16 =	sadd.s32 $0x1, s21  }
0x118: {  	p4 =	sge.s32 s16, s7  }
.Ltmp12:
0x119: {  	_ = 	snop;
	(pc) =	sbr.rel @p4 .LBB2_20-.Ltmp12, $2  }
0x11a: {  	_ =	sdelay $0x2  }
0x11b: {  	s14 =	simm.s32 $0x0;
	s13 =	simm.s32 $0x0;
	s0 =	spop (v2sf)  }
0x11c: {  	_ =	strace $0x80000048  }
0x11d: {  	_ =	swait.ge [sflag:s24], $0x50  }
0x11e: {  	[sflag:s24] =	ssyncset.done $0x0  }
0x11f: {  	[sflag:s24] =	ssyncadd.s32 $0xFFFFFFB0  }
0x120: {  	_ =	swait.ge [sflag:s24], $0x50  }
0x121: {  	[sflag:s24] =	ssyncset.done $0x0  }
0x122: {  	[sflag:s24] =	ssyncadd.s32 $0xFFFFFFB0  }
0x123: {  	_ =	swait.ge [sflag:s24], $0x50  }
0x124: {  	[sflag:s24] =	ssyncset.done $0x0  }
0x125: {  	[sflag:s24] =	ssyncadd.s32 $0xFFFFFFB0  }
0x126: {  	_ =	swait.ge [sflag:s24], $0x50  }
0x127: {  	[sflag:s24] =	ssyncset.done $0x0  }
0x128: {  	[sflag:s24] =	ssyncadd.s32 $0xFFFFFFB0  }
0x129: {  	s2 =	sxor.u32 $0x80, s15;
	_ =	strace $0x90000048  }
0x12a: {  	v7 =	vld [tilespmem:s2+$0x0];
	_ =	sdelay $0x4  }
0x12b: {  	(v2sf) =	vpush v7, $0x0;
	_ =	sdelay $0x9  }
0x12c: {  	s20 =	smul.u32 $0x50, s21  }
0x12d: {  	s6 =	smul.u32 $0x50, s16;
	s8 =	sshll.u32 s16, $0x7  }
0x12e: {  	s8 =	sand.u32 $0x80, s8;
	s2 =	sadd.s32 s23, s20  }
0x12f: {  	s6 =	sadd.s32 s23, s6;
	v8 =	vld.idx.msk [tilespmem:v1+s8+$0x0], $0xffff;
	p5 =	slt.s32 s2, $0x270B0  }
0x130: {  	p6 =	slt.s32 s6, $0x270B0;
	s2 =	simm.s32 @!p5 $0x270B0;
	v7 =	vld [tilespmem:s8+$0x0]  }
0x131: {  	s6 =	simm.s32 @!p6 $0x270B0;
	s2 =	sadd.s32 $0x50, s2;
	s13 =	spop (v2sf)  }
0x132: {  	p5 =	seq.s32 s6, s2;
	p6 =	seq.s32 s13, s0  }
0x133: {  	vm2 =	vmmov vm1;
	p5 =	por !p5, !p6  }
0x134: {  	vm2 =	vmneg @p5 vm2  }
0x135: {  	vm3 =	vne.s32 v7, v8;
	vm2 =	vmand vm2, vm0  }
0x136: {  	vm2 =	vmor vm3, vm2  }
0x137: {  	v8 =	vmpcnt.ones.xlane vm2;
	_ =	sdelay $0x1  }
0x138: {  	(v2sf) =	vpush v8, $0x0;
	_ =	sdelay $0x9  }
0x139: {  	s2 =	sor.u32 $0x500, s8  }
0x13a: {  	[tilespmem:s2+$0x0] =	vst.msk vm2, v7  }
0x13b: {  	v7 =	vld [tilespmem:s8+$0x10]  }
0x13c: {  	v8 =	vld [tilespmem:s8+$0xF];
	_ =	sdelay $0x1  }
0x13d: {  	s25 =	spop (v2sf)  }
0x13e: {  	s26 =	sand.u32 $0xFFFFFF80, s25  }
0x13f: {  	s14 =	sand.u32 $0x7F, s25;
	s13 =	sadd.s32 s26, s2  }
0x140: {  	vm2 =	vne.s32 v7, v8;
	s13 =	sor.u32 s14, s13  }
0x141: {  	[tilespmem:s13+$0x0] =	vst.msk vm2, v7;
	v7 =	vmpcnt.ones.xlane vm2  }
0x142: {  	v8 =	vld [tilespmem:s8+$0x20]  }
0x143: {  	(v2sf) =	vpush v7, $0x0;
	v7 =	vld [tilespmem:s8+$0x1F];
	_ =	sdelay $0x4  }
0x144: {  	vm2 =	vne.s32 v8, v7  }
0x145: {  	v7 =	vmpcnt.ones.xlane vm2;
	_ =	sdelay $0x1  }
0x146: {  	(v2sf) =	vpush v7, $0x0;
	_ =	sdelay $0x6  }
0x147: {  	s29 =	spop (v2sf)  }
0x148: {  	s6 =	sadd.s32 s25, s29  }
0x149: {  	s13 =	sand.u32 $0xFFFFFF80, s6  }
0x14a: {  	s31 =	sand.u32 $0x7F, s6;
	s13 =	sadd.s32 s13, s2  }
0x14b: {  	s13 =	sor.u32 s31, s13  }
0x14c: {  	[tilespmem:s13+$0x0] =	vst.msk vm2, v8  }
0x14d: {  	v7 =	vld [tilespmem:s8+$0x30]  }
0x14e: {  	v8 =	vld [tilespmem:s8+$0x2F]  }
0x14f: {  	s20 =	spop (v2sf)  }
0x150: {  	s6 =	sadd.s32 s6, s20  }
0x151: {  	s13 =	sand.u32 $0xFFFFFF80, s6  }
0x152: {  	s25 =	sand.u32 $0x7F, s6;
	s13 =	sadd.s32 s13, s2  }
0x153: {  	vm2 =	vne.s32 v7, v8;
	s13 =	sor.u32 s25, s13  }
0x154: {  	[tilespmem:s13+$0x0] =	vst.msk vm2, v7  }
0x155: {  	v7 =	vld [tilespmem:s8+$0x40]  }
0x156: {  	v8 =	vld [tilespmem:s8+$0x3F];
	_ =	sdelay $0x1  }
0x157: {  	v9 =	vmpcnt.ones.xlane vm2;
	_ =	sdelay $0x1  }
0x158: {  	(v2sf) =	vpush v9, $0x0  }
0x159: {  	vm2 =	vne.s32 v7, v8  }
0x15a: {  	v8 =	vmpcnt.ones.xlane vm2;
	_ =	sdelay $0x1  }
0x15b: {  	(v2sf) =	vpush v8, $0x0;
	_ =	sdelay $0xa  }
0x15c: {  	s26 =	spop (v2sf)  }
0x15d: {  	s6 =	sadd.s32 s6, s26  }
0x15e: {  	s8 =	sand.u32 $0xFFFFFF80, s6  }
0x15f: {  	p5 =	por !p5, !p5;
	s29 =	sand.u32 $0x7F, s6;
	s2 =	sadd.s32 s8, s2  }
0x160: {  	s13 =	simm.s32 $0x1;
	s2 =	sor.u32 s29, s2;
	s31 =	spop (v2sf)  }
0x161: {  	s13 =	simm.s32 @!p5 $0x0;
	[tilespmem:s2+$0x0] =	vst.msk vm2, v7;
	s14 =	sadd.s32 s6, s31  }
.LBB2_20:
0x162: {  	s28 =	sadd.s32 s28, s11  }
0x163: {  	p5 =	slt.s32 s28, $0x1  }
.Ltmp13:
0x164: {  	_ = 	snop;
	(pc) =	sbr.rel @p5 .LBB2_27-.Ltmp13, $2  }
0x165: {  	_ =	sdelay $0x2  }
0x166: {  	_ =	strace $0x80000049  }
.Ltmp14:
0x167: {  	(pc) =	sbr.rel .LBB2_22-.Ltmp14, $3  }
0x168: {  	_ =	sdelay $0x1  }
0x169: {  	s29 =	sor.u32 $0x500, s15  }
0x16a: {  	s2 =	simm.s32 $0x0;
	p5 =	seq.s32 s11, $0x0;
	s25 =	smov.u32 s5  }
.LBB2_26:
0x16b: {  	s2 =	sadd.s32 $0x1, s2  }
0x16c: {  	p6 =	sne.s32 s2, s28  }
.Ltmp15:
0x16d: {  	_ = 	snop;
	(pc) =	sbr.rel @!p6 .LBB2_27-.Ltmp15, $2  }
0x16e: {  	_ =	sdelay $0x2  }
0x16f: {  	s25 =	sadd.s32 $0x1, s25  }
.LBB2_22:
0x170: {  	s6 =	ssub.s32 s2, s11  }
0x171: {  	v7 =	vmov s6;
	_ =	sdelay $0x4  }
0x172: {  	v7 =	vld.idx.msk [tilespmem:v7+s29+$0x0], $0xffff;
	_ =	sdelay $0x4  }
0x173: {  	(v2sf) =	vpush v7, $0x0;
	_ =	sdelay $0xd  }
0x174: {  	p6 =	slt.s32 s2, s11  }
0x175: {  	s6 =	simm.s32 @!p6 $0x4;
	s20 =	spop (v2sf)  }
0x176: {  	_ =	swait.ge @!p6 [sflag:s6], $0x2780  }
0x177: {  	[sflag:s6] =	ssyncset.done @!p6 $0x0  }
0x178: {  	[sflag:s6] =	ssyncadd.s32 @!p6 $0xFFFFD880  }
0x179: {  	v7 =	vld [tilespmem:s18+$0x0]  }
0x17a: {  	v8 =	vld [tilespmem:s22+$0x0];
	_ =	sdelay $0x3  }
0x17b: {  	s31 =	sadd.s32 s5, s2;
	v9 =	vshll.u32 v7, $0x2  }
0x17c: {  	s6 =	sand.u32 $0x3, s31;
	v7 =	vand.u32 $0x7F, v7;
	v10 =	vshll.u32 v8, $0x2;
	v9 =	vand.u32 $0xFFFFFE00, v9  }
0x17d: {  	s6 =	sshll.u32 s6, $0x7;
	v8 =	vand.u32 $0x7F, v8;
	v37 =	vand.u32 $0xFFFFFE00, v10;
	v7 =	vor.u32 v9, v7  }
0x17e: {  	v8 =	vor.u32 v37, v8;
	v7 =	vor.u32 s6, v7  }
0x17f: {  	v8 =	vor.u32 s6, v8  }
0x180: {  	v38 =	vld [tilespmem:s15+$0x0]  }
0x181: {  	v39 =	vld [tilespmem:$0x600]  }
0x182: {  	v11 =	vld [tilespmem:$0x680]  }
0x183: {  	v7 =	vld.idx.msk [tilespmem:v7+s30+$0x0], $0xffff  }
0x184: {  	s8 =	smov.u32 s12;
	v8 =	vld.idx.msk [tilespmem:v8+s30+$0x0], $0xffff  }
0x185: {  	s8 =	smov.u32 @p5 s20;
	p6 =	sne.s32 s2, $0x0  }
0x186: {  	s8 =	smov.u32 @p6 s20  }
0x187: {  	vm2 =	veq.s32 v38, s8  }
0x188: {  	v7 =	vsel vm2, v7, v39  }
0x189: {  	[tilespmem:$0x600] =	vst v7;
	v7 =	vsel vm2, v8, v11  }
0x18a: {  	[tilespmem:$0x680] =	vst v7  }
0x18b: {  	v7 =	vld [tilespmem:s15+$0x110]  }
0x18c: {  	v8 =	vld [tilespmem:s15+$0x210];
	_ =	sdelay $0x3  }
0x18d: {  	v40 =	vshll.u32 v7, $0x2  }
0x18e: {  	v7 =	vand.u32 $0x7F, v7;
	v41 =	vshll.u32 v8, $0x2;
	v9 =	vand.u32 $0xFFFFFE00, v40  }
0x18f: {  	v8 =	vand.u32 $0x7F, v8;
	v42 =	vand.u32 $0xFFFFFE00, v41;
	v7 =	vor.u32 v9, v7  }
0x190: {  	v8 =	vor.u32 v42, v8;
	v7 =	vor.u32 s6, v7  }
0x191: {  	v8 =	vor.u32 s6, v8  }
0x192: {  	v44 =	vld [tilespmem:$0x610]  }
0x193: {  	v45 =	vld [tilespmem:$0x690]  }
0x194: {  	v43 =	vld [tilespmem:s15+$0x10]  }
0x195: {  	v7 =	vld.idx.msk [tilespmem:v7+s30+$0x0], $0xffff  }
0x196: {  	v8 =	vld.idx.msk [tilespmem:v8+s30+$0x0], $0xffff;
	_ =	sdelay $0x2  }
0x197: {  	vm2 =	veq.s32 v43, s8  }
0x198: {  	v7 =	vsel vm2, v7, v44  }
0x199: {  	[tilespmem:$0x610] =	vst v7;
	v7 =	vsel vm2, v8, v45  }
0x19a: {  	[tilespmem:$0x690] =	vst v7  }
0x19b: {  	v7 =	vld [tilespmem:s15+$0x120]  }
0x19c: {  	v8 =	vld [tilespmem:s15+$0x220];
	_ =	sdelay $0x3  }
0x19d: {  	v46 =	vshll.u32 v7, $0x2  }
0x19e: {  	v7 =	vand.u32 $0x7F, v7;
	v47 =	vshll.u32 v8, $0x2;
	v9 =	vand.u32 $0xFFFFFE00, v46  }
0x19f: {  	v8 =	vand.u32 $0x7F, v8;
	v48 =	vand.u32 $0xFFFFFE00, v47;
	v7 =	vor.u32 v9, v7  }
0x1a0: {  	v8 =	vor.u32 v48, v8;
	v7 =	vor.u32 s6, v7  }
0x1a1: {  	v8 =	vor.u32 s6, v8  }
0x1a2: {  	v50 =	vld [tilespmem:$0x620]  }
0x1a3: {  	v51 =	vld [tilespmem:$0x6A0]  }
0x1a4: {  	v49 =	vld [tilespmem:s15+$0x20]  }
0x1a5: {  	v7 =	vld.idx.msk [tilespmem:v7+s30+$0x0], $0xffff  }
0x1a6: {  	v8 =	vld.idx.msk [tilespmem:v8+s30+$0x0], $0xffff;
	_ =	sdelay $0x2  }
0x1a7: {  	vm2 =	veq.s32 v49, s8  }
0x1a8: {  	v7 =	vsel vm2, v7, v50  }
0x1a9: {  	[tilespmem:$0x620] =	vst v7;
	v7 =	vsel vm2, v8, v51  }
0x1aa: {  	[tilespmem:$0x6A0] =	vst v7  }
0x1ab: {  	v7 =	vld [tilespmem:s15+$0x130]  }
0x1ac: {  	v8 =	vld [tilespmem:s15+$0x230];
	_ =	sdelay $0x3  }
0x1ad: {  	v52 =	vshll.u32 v7, $0x2  }
0x1ae: {  	v7 =	vand.u32 $0x7F, v7;
	v53 =	vshll.u32 v8, $0x2;
	v9 =	vand.u32 $0xFFFFFE00, v52  }
0x1af: {  	v8 =	vand.u32 $0x7F, v8;
	v54 =	vand.u32 $0xFFFFFE00, v53;
	v7 =	vor.u32 v9, v7  }
0x1b0: {  	v8 =	vor.u32 v54, v8;
	v7 =	vor.u32 s6, v7  }
0x1b1: {  	v8 =	vor.u32 s6, v8  }
0x1b2: {  	v56 =	vld [tilespmem:$0x630]  }
0x1b3: {  	v57 =	vld [tilespmem:$0x6B0]  }
0x1b4: {  	v55 =	vld [tilespmem:s15+$0x30]  }
0x1b5: {  	v7 =	vld.idx.msk [tilespmem:v7+s30+$0x0], $0xffff  }
0x1b6: {  	v8 =	vld.idx.msk [tilespmem:v8+s30+$0x0], $0xffff;
	_ =	sdelay $0x2  }
0x1b7: {  	vm2 =	veq.s32 v55, s8  }
0x1b8: {  	v7 =	vsel vm2, v7, v56  }
0x1b9: {  	[tilespmem:$0x630] =	vst v7;
	v7 =	vsel vm2, v8, v57  }
0x1ba: {  	[tilespmem:$0x6B0] =	vst v7  }
0x1bb: {  	v7 =	vld [tilespmem:s15+$0x140]  }
0x1bc: {  	v8 =	vld [tilespmem:s15+$0x240];
	_ =	sdelay $0x3  }
0x1bd: {  	v58 =	vshll.u32 v7, $0x2  }
0x1be: {  	v7 =	vand.u32 $0x7F, v7;
	v59 =	vshll.u32 v8, $0x2;
	v9 =	vand.u32 $0xFFFFFE00, v58  }
0x1bf: {  	v8 =	vand.u32 $0x7F, v8;
	v60 =	vand.u32 $0xFFFFFE00, v59;
	v7 =	vor.u32 v9, v7  }
0x1c0: {  	v8 =	vor.u32 v60, v8;
	v7 =	vor.u32 s6, v7  }
0x1c1: {  	v8 =	vor.u32 s6, v8  }
0x1c2: {  	v62 =	vld [tilespmem:$0x640]  }
0x1c3: {  	v63 =	vld [tilespmem:$0x6C0]  }
0x1c4: {  	v61 =	vld [tilespmem:s15+$0x40]  }
0x1c5: {  	v7 =	vld.idx.msk [tilespmem:v7+s30+$0x0], $0xffff  }
0x1c6: {  	s6 =	sadd.s32 $0x4, s2;
	v8 =	vld.idx.msk [tilespmem:v8+s30+$0x0], $0xffff  }
0x1c7: {  	p6 =	sge.s32 s6, s28  }
.Ltmp16:
0x1c8: {  	_ = 	snop;
	(pc) =	sbr.rel @p6 .LBB2_26-.Ltmp16, $4  }
0x1c9: {  	vm2 =	veq.s32 v61, s8  }
0x1ca: {  	v7 =	vsel vm2, v7, v62  }
0x1cb: {  	[tilespmem:$0x640] =	vst v7;
	v7 =	vsel vm2, v8, v63  }
0x1cc: {  	[tilespmem:$0x6C0] =	vst v7  }
0x1cd: {  	s6 =	ssub.s32 s6, s11  }
0x1ce: {  	v7 =	vmov s6;
	_ =	sdelay $0x4  }
0x1cf: {  	v7 =	vld.idx.msk [tilespmem:v7+s29+$0x0], $0xffff;
	_ =	sdelay $0x4  }
0x1d0: {  	(v2sf) =	vpush v7, $0x0;
	_ =	sdelay $0xe  }
0x1d1: {  	s26 =	spop (v2sf)  }
0x1d2: {  	s8 =	sshrl.u32 s26, $0x3  }
0x1d3: {  	s6 =	sshll.u32 s26, $0x7;
	s8 =	smul.u32 $0x13C00, s8  }
0x1d4: {  	s6 =	sand.u32 $0x380, s6  }
0x1d5: {  	s20 =	sand.u32 $0x3, s25;
	s6 =	sor.u32 s6, s8  }
0x1d6: {  	s20 =	sshll.u32 s20, $0x7;
	s26 =	sshrl.u32 s6, $0x3  }
0x1d7: {  	s6 =	sadd.s32 $0xA700, s20;
	s8 =	sadd.s32 s1, s26  }
0x1d8: {  	s20 =	simm.s32 $0x80;
	s26 =	sadd.s32 $0x200, s6;
	s31 =	sadd.s32 $0x0, s8  }
.LBB2_24:
0x1d9: {  	[tilespmem:s6], [sflag:$0x4] =	stream.linear.gather [hbm4b:s31+s9], $0x80, $0x200038;
	[tilespmem:$0x1E1C0] =	vst v63  }
0x1da: {  	s31 =	smov.u32 s20;
	s6 =	smov.u32 s26;
	p6 =	sne.s32 s20, $0x2700  }
.Ltmp17:
0x1db: {  	s20 =	sadd.s32 $0x80, s20;
	(pc) =	sbr.rel @p6 .LBB2_24-.Ltmp17, $2  }
0x1dc: {  	_ =	sdelay $0x2  }
0x1dd: {  	s26 =	sadd.s32 $0x200, s26;
	s31 =	sadd.s32 s31, s8  }
.Ltmp18:
0x1de: {  	(pc) =	sbr.rel .LBB2_26-.Ltmp18, $2  }
0x1df: {  	_ =	sdelay $0x2  }
0x1e0: {  	[tilespmem:s6], [sflag:$0x4] =	stream.linear.gather [hbm4b:s31+s9], $0x80, $0x200038;
	[tilespmem:$0x1E1C0] =	vst v63  }
.LBB2_27:
.Ltmp19:
0x1e1: {  	(pc) =	sbr.rel @p4 .LBB2_42-.Ltmp19, $4  }
0x1e2: {  	_ = 	snop  }
0x1e3: {  	s2 =	sadd.s32 s28, s5  }
0x1e4: {  	s8 =	ssub.s32 s2, s13  }
0x1e5: {  	_ =	strace $0x90000049;
	s25 =	simm.s32 $0x50;
	s5 =	sand.u32 $0x3, s8  }
0x1e6: {  	p4 =	sne.s32 s13, $0x0;
	s2 =	sadd.s32 s14, s13  }
0x1e7: {  	p5 =	slt.s32 @!p4 s2, $0x1  }
0x1e8: {  	p4 =	por p4, p5  }
.Ltmp20:
0x1e9: {  	_ = 	snop;
	(pc) =	sbr.rel @p4 .LBB2_32-.Ltmp20, $3  }
0x1ea: {  	_ =	sdelay $0x1  }
0x1eb: {  	s6 =	sshll.u32 s16, $0x7  }
0x1ec: {  	s6 =	sand.u32 $0x80, s6  }
0x1ed: {  	s11 =	sor.u32 $0x500, s6  }
0x1ee: {  	v7 =	vld.msk [tilespmem:s11+$0x0], $0xffff;
	_ =	sdelay $0x4  }
0x1ef: {  	(v2sf) =	vpush v7, $0x0;
	_ =	sdelay $0xe  }
0x1f0: {  	s29 =	spop (v2sf)  }
0x1f1: {  	s12 =	sshrl.u32 s29, $0x3  }
0x1f2: {  	s11 =	sshll.u32 s29, $0x7;
	s12 =	smul.u32 $0x13C00, s12  }
0x1f3: {  	s11 =	sand.u32 $0x380, s11  }
0x1f4: {  	s11 =	sor.u32 s11, s12  }
0x1f5: {  	s31 =	sshll.u32 s5, $0x7;
	s18 =	sshrl.u32 s11, $0x3  }
0x1f6: {  	s11 =	sadd.s32 $0xA700, s31;
	s12 =	sadd.s32 s1, s18  }
0x1f7: {  	s18 =	simm.s32 $0x80;
	s20 =	sadd.s32 $0x200, s11;
	s22 =	sadd.s32 $0x0, s12  }
.LBB2_30:
0x1f8: {  	[tilespmem:s11], [sflag:$0x4] =	stream.linear.gather [hbm4b:s22+s9], $0x80, $0x38;
	[tilespmem:$0x1E1C0] =	vst v63  }
0x1f9: {  	s22 =	smov.u32 s18;
	s11 =	smov.u32 s20;
	p4 =	sne.s32 s18, $0x2700  }
.Ltmp21:
0x1fa: {  	s18 =	sadd.s32 $0x80, s18;
	(pc) =	sbr.rel @p4 .LBB2_30-.Ltmp21, $2  }
0x1fb: {  	_ =	sdelay $0x2  }
0x1fc: {  	s20 =	sadd.s32 $0x200, s20;
	s22 =	sadd.s32 s22, s12  }
0x1fd: {  	[tilespmem:s11], [sflag:$0x4] =	stream.linear.gather [hbm4b:s22+s9], $0x80, $0x38;
	[tilespmem:$0x1E1C0] =	vst v63  }
.LBB2_32:
0x1fe: {  	p4 =	slt.s32 s2, $0x2  }
.Ltmp22:
0x1ff: {  	_ = 	snop;
	(pc) =	sbr.rel @p4 .LBB2_42-.Ltmp22, $1  }
0x200: {  	_ =	sdelay $0x3  }
0x201: {  	s11 =	sxor.u32 $0x1, s13  }
0x202: {  	v7 =	vmov s11;
	_ =	sdelay $0x3  }
0x203: {  	s6 =	sor.u32 $0x500, s6  }
0x204: {  	v7 =	vld.idx.msk [tilespmem:v7+s6+$0x0], $0xffff;
	_ =	sdelay $0x4  }
0x205: {  	(v2sf) =	vpush v7, $0x0;
	_ =	sdelay $0xe  }
0x206: {  	s28 =	spop (v2sf)  }
0x207: {  	s12 =	sshrl.u32 s28, $0x3  }
0x208: {  	s11 =	sshll.u32 s28, $0x7;
	s12 =	smul.u32 $0x13C00, s12  }
0x209: {  	s8 =	sshll.u32 s8, $0x7;
	s11 =	sand.u32 $0x380, s11  }
0x20a: {  	s18 =	sadd.s32 $0x80, s8;
	s11 =	sor.u32 s11, s12  }
0x20b: {  	s29 =	sand.u32 $0x180, s18;
	s31 =	sshrl.u32 s11, $0x3  }
0x20c: {  	s11 =	sadd.s32 $0xA700, s29;
	s12 =	sadd.s32 s1, s31  }
0x20d: {  	s18 =	simm.s32 $0x80;
	s20 =	sadd.s32 $0x200, s11;
	s22 =	sadd.s32 $0x0, s12  }
.LBB2_34:
0x20e: {  	[tilespmem:s11], [sflag:$0x4] =	stream.linear.gather [hbm4b:s22+s9], $0x80, $0x38;
	[tilespmem:$0x1E1C0] =	vst v63  }
0x20f: {  	s22 =	smov.u32 s18;
	s11 =	smov.u32 s20;
	p4 =	sne.s32 s18, $0x2700  }
.Ltmp23:
0x210: {  	s18 =	sadd.s32 $0x80, s18;
	(pc) =	sbr.rel @p4 .LBB2_34-.Ltmp23, $2  }
0x211: {  	_ =	sdelay $0x2  }
0x212: {  	s20 =	sadd.s32 $0x200, s20;
	s22 =	sadd.s32 s22, s12  }
0x213: {  	p4 =	seq.s32 s2, $0x2  }
.Ltmp24:
0x214: {  	_ = 	snop;
	(pc) =	sbr.rel @p4 .LBB2_42-.Ltmp24, $2  }
0x215: {  	_ =	sdelay $0x2  }
0x216: {  	[tilespmem:s11], [sflag:$0x4] =	stream.linear.gather [hbm4b:s22+s9], $0x80, $0x38;
	[tilespmem:$0x1E1C0] =	vst v63  }
0x217: {  	s11 =	ssub.s32 $0x2, s13  }
0x218: {  	v7 =	vmov s11;
	_ =	sdelay $0x4  }
0x219: {  	v7 =	vld.idx.msk [tilespmem:v7+s6+$0x0], $0xffff;
	_ =	sdelay $0x4  }
0x21a: {  	(v2sf) =	vpush v7, $0x0;
	_ =	sdelay $0xe  }
0x21b: {  	s28 =	spop (v2sf)  }
0x21c: {  	s12 =	sshrl.u32 s28, $0x3  }
0x21d: {  	s11 =	sshll.u32 s28, $0x7;
	s12 =	smul.u32 $0x13C00, s12  }
0x21e: {  	s11 =	sand.u32 $0x380, s11  }
0x21f: {  	s18 =	sand.u32 $0x180, s8;
	s11 =	sor.u32 s11, s12  }
0x220: {  	s29 =	sxor.u32 $0x100, s18;
	s31 =	sshrl.u32 s11, $0x3  }
0x221: {  	s11 =	sadd.s32 $0xA700, s29;
	s12 =	sadd.s32 s1, s31  }
0x222: {  	s18 =	simm.s32 $0x80;
	s20 =	sadd.s32 $0x200, s11;
	s22 =	sadd.s32 $0x0, s12  }
.LBB2_37:
0x223: {  	[tilespmem:s11], [sflag:$0x4] =	stream.linear.gather [hbm4b:s22+s9], $0x80, $0x38;
	[tilespmem:$0x1E1C0] =	vst v63  }
0x224: {  	s22 =	smov.u32 s18;
	s11 =	smov.u32 s20;
	p4 =	sne.s32 s18, $0x2700  }
.Ltmp25:
0x225: {  	s18 =	sadd.s32 $0x80, s18;
	(pc) =	sbr.rel @p4 .LBB2_37-.Ltmp25, $2  }
0x226: {  	_ =	sdelay $0x2  }
0x227: {  	s20 =	sadd.s32 $0x200, s20;
	s22 =	sadd.s32 s22, s12  }
0x228: {  	p4 =	slt.u32 s2, $0x4  }
.Ltmp26:
0x229: {  	_ = 	snop;
	(pc) =	sbr.rel @p4 .LBB2_42-.Ltmp26, $2  }
0x22a: {  	_ =	sdelay $0x2  }
0x22b: {  	[tilespmem:s11], [sflag:$0x4] =	stream.linear.gather [hbm4b:s22+s9], $0x80, $0x38;
	[tilespmem:$0x1E1C0] =	vst v63  }
0x22c: {  	s2 =	sxor.u32 $0x3, s13  }
0x22d: {  	v7 =	vmov s2;
	_ =	sdelay $0x4  }
0x22e: {  	v7 =	vld.idx.msk [tilespmem:v7+s6+$0x0], $0xffff;
	_ =	sdelay $0x4  }
0x22f: {  	(v2sf) =	vpush v7, $0x0;
	_ =	sdelay $0xe  }
0x230: {  	s26 =	spop (v2sf)  }
0x231: {  	s28 =	sshrl.u32 s26, $0x3  }
0x232: {  	s2 =	sshll.u32 s26, $0x7;
	s6 =	smul.u32 $0x13C00, s28  }
0x233: {  	s2 =	sand.u32 $0x380, s2  }
0x234: {  	s8 =	sadd.s32 $0x180, s8;
	s2 =	sor.u32 s2, s6  }
0x235: {  	s29 =	sand.u32 $0x180, s8;
	s31 =	sshrl.u32 s2, $0x3  }
0x236: {  	s2 =	sadd.s32 $0xA700, s29;
	s6 =	sadd.s32 s1, s31  }
0x237: {  	s8 =	simm.s32 $0x80;
	s11 =	sadd.s32 $0x200, s2;
	s12 =	sadd.s32 $0x0, s6  }
.LBB2_40:
0x238: {  	[tilespmem:s2], [sflag:$0x4] =	stream.linear.gather [hbm4b:s12+s9], $0x80, $0x38;
	[tilespmem:$0x1E1C0] =	vst v63  }
0x239: {  	s12 =	smov.u32 s8;
	s2 =	smov.u32 s11;
	p4 =	sne.s32 s8, $0x2700  }
.Ltmp27:
0x23a: {  	s8 =	sadd.s32 $0x80, s8;
	(pc) =	sbr.rel @p4 .LBB2_40-.Ltmp27, $2  }
0x23b: {  	_ =	sdelay $0x2  }
0x23c: {  	s11 =	sadd.s32 $0x200, s11;
	s12 =	sadd.s32 s12, s6  }
0x23d: {  	[tilespmem:s2], [sflag:$0x4] =	stream.linear.gather [hbm4b:s12+s9], $0x80, $0x38;
	[tilespmem:$0x1E1C0] =	vst v63  }
.LBB2_42:
0x23e: {  	v7 =	vld [tilespmem:s15+$0x300]  }
0x23f: {  	s2 =	smul.u32 $0x50, s21;
	v8 =	vld [tilespmem:$0x600]  }
0x240: {  	v9 =	vld [tilespmem:s15+$0x0]  }
0x241: {  	v10 =	vld [tilespmem:$0x680];
	s2 =	sadd.s32 s23, s2  }
0x242: {  	p4 =	slt.s32 s2, $0x270B0;
	s6 =	smov.u32 s2  }
0x243: {  	s6 =	simm.s32 @!p4 $0x270B0  }
0x244: {  	v11 =	vadd.s32 s6, v5;
	v7 =	vmul.f32 v8, v7  }
0x245: {  	v8 =	vsub.s32 v9, v0;
	vm2 =	vge.s32 v11, s2;
	vm3 =	vlt.s32 v11, v6  }
0x246: {  	vm2 =	vmand vm2, vm3;
	vm3 =	vlt.u32 v8, $0x1388;
	v7 =	vmul.f32 v10, v7  }
0x247: {  	vm2 =	vmand vm2, vm3;
	vm3 =	vgt.s32 v8, $0x0  }
0x248: {  	v7 =	vnsel vm2, $0x0, v7;
	v8 =	vnsel vm3, $0x0, v8  }
0x249: {  	[tilespmem:$0x680] =	vst v7;
	v7 =	vmin.u32 v8, $0x1387  }
0x24a: {  	[tilespmem:s15+$0x400] =	vst v7;
	v7 =	vld [tilespmem:s15+$0x310]  }
0x24b: {  	v8 =	vld [tilespmem:$0x610]  }
0x24c: {  	v9 =	vld [tilespmem:s15+$0x10]  }
0x24d: {  	v10 =	vld [tilespmem:$0x690];
	_ =	sdelay $0x1  }
0x24e: {  	s8 =	sadd.s32 $0x10, s6  }
0x24f: {  	v11 =	vadd.s32 s8, v5;
	v7 =	vmul.f32 v8, v7  }
0x250: {  	vm2 =	vge.s32 v11, s2;
	vm3 =	vlt.s32 v11, v6;
	v8 =	vsub.s32 v9, v0  }
0x251: {  	vm2 =	vmand vm2, vm3;
	vm3 =	vlt.u32 v8, $0x1388;
	v7 =	vmul.f32 v10, v7  }
0x252: {  	vm2 =	vmand vm2, vm3;
	vm3 =	vgt.s32 v8, $0x0  }
0x253: {  	v8 =	vnsel vm3, $0x0, v8;
	v7 =	vnsel vm2, $0x0, v7  }
0x254: {  	[tilespmem:$0x690] =	vst v7;
	v7 =	vmin.u32 v8, $0x1387  }
0x255: {  	[tilespmem:s15+$0x410] =	vst v7;
	v7 =	vld [tilespmem:s15+$0x320]  }
0x256: {  	v8 =	vld [tilespmem:$0x620]  }
0x257: {  	v9 =	vld [tilespmem:s15+$0x20]  }
0x258: {  	v10 =	vld [tilespmem:$0x6A0];
	_ =	sdelay $0x1  }
0x259: {  	s12 =	sadd.s32 $0x20, s6  }
0x25a: {  	v11 =	vadd.s32 s12, v5;
	v7 =	vmul.f32 v8, v7  }
0x25b: {  	vm3 =	vlt.s32 v11, v6;
	vm2 =	vge.s32 v11, s2;
	v8 =	vsub.s32 v9, v0  }
0x25c: {  	vm2 =	vmand vm2, vm3;
	vm3 =	vlt.u32 v8, $0x1388;
	v7 =	vmul.f32 v10, v7  }
0x25d: {  	vm2 =	vmand vm2, vm3;
	vm3 =	vgt.s32 v8, $0x0  }
0x25e: {  	v8 =	vnsel vm3, $0x0, v8;
	v7 =	vnsel vm2, $0x0, v7  }
0x25f: {  	[tilespmem:$0x6A0] =	vst v7;
	v7 =	vmin.u32 v8, $0x1387  }
0x260: {  	[tilespmem:s15+$0x420] =	vst v7;
	v7 =	vld [tilespmem:s15+$0x330]  }
0x261: {  	v8 =	vld [tilespmem:$0x630]  }
0x262: {  	v9 =	vld [tilespmem:s15+$0x30]  }
0x263: {  	v10 =	vld [tilespmem:$0x6B0];
	_ =	sdelay $0x1  }
0x264: {  	s18 =	sadd.s32 $0x30, s6  }
0x265: {  	v11 =	vadd.s32 s18, v5;
	v7 =	vmul.f32 v8, v7  }
0x266: {  	vm3 =	vlt.s32 v11, v6;
	vm2 =	vge.s32 v11, s2;
	v8 =	vsub.s32 v9, v0  }
0x267: {  	vm2 =	vmand vm2, vm3;
	vm3 =	vlt.u32 v8, $0x1388;
	v7 =	vmul.f32 v10, v7  }
0x268: {  	vm2 =	vmand vm2, vm3;
	vm3 =	vgt.s32 v8, $0x0  }
0x269: {  	v8 =	vnsel vm3, $0x0, v8;
	v7 =	vnsel vm2, $0x0, v7  }
0x26a: {  	[tilespmem:$0x6B0] =	vst v7;
	v7 =	vmin.u32 v8, $0x1387  }
0x26b: {  	[tilespmem:s15+$0x430] =	vst v7;
	v7 =	vld [tilespmem:s15+$0x340]  }
0x26c: {  	v8 =	vld [tilespmem:$0x640]  }
0x26d: {  	v9 =	vld [tilespmem:s15+$0x40]  }
0x26e: {  	v10 =	vld [tilespmem:$0x6C0];
	_ =	sdelay $0x1  }
0x26f: {  	s6 =	sadd.s32 $0x40, s6  }
0x270: {  	v11 =	vadd.s32 s6, v5;
	v7 =	vmul.f32 v8, v7  }
0x271: {  	vm3 =	vlt.s32 v11, v6;
	vm2 =	vge.s32 v11, s2;
	v8 =	vsub.s32 v9, v0  }
0x272: {  	vm2 =	vmand vm2, vm3;
	vm3 =	vlt.u32 v8, $0x1388;
	v7 =	vmul.f32 v10, v7  }
0x273: {  	vm2 =	vmand vm2, vm3;
	vm3 =	vgt.s32 v8, $0x0  }
0x274: {  	v8 =	vnsel vm3, $0x0, v8;
	v7 =	vnsel vm2, $0x0, v7  }
0x275: {  	s2 =	sadd.s32 $0x2, s21;
	[tilespmem:$0x6C0] =	vst v7;
	v7 =	vmin.u32 v8, $0x1387  }
0x276: {  	p4 =	sge.s32 s2, s7;
	[tilespmem:s15+$0x440] =	vst v7  }
0x277: {  	s20 =	simm.s32 $0x1;
	s2 =	smul.u32 @!p4 $0x50, s2;
	_ =	strace $0x8000004A  }
0x278: {  	_ =	swait.ge [sflag:s20], $0x2800  }
0x279: {  	s2 =	sadd.s32 @!p4 s23, s2;
	[sflag:s20] =	ssyncset.done $0x0  }
0x27a: {  	s22 =	simm.s32 $0x2;
	p5 =	slt.s32 @!p4 s2, $0x270B0;
	[sflag:s20] =	ssyncadd.s32 $0xFFFFD800  }
0x27b: {  	p5 =	por !p5, p4;
	_ =	swait.ge [sflag:s22], $0x2800  }
0x27c: {  	s6 =	sshll.u32 @!p4 s21, $0x7;
	s2 =	simm.s32 @p5 $0x270B0;
	[sflag:s22] =	ssyncset.done $0x0  }
0x27d: {  	s11 =	simm.s32 @!p4 $0x0;
	s2 =	sshrl.u32 @!p4 s2, $0x3;
	[sflag:s22] =	ssyncadd.s32 $0xFFFFD800  }
0x27e: {  	s6 =	sand.u32 @!p4 $0x80, s6;
	s8 =	sadd.s32 @!p4 s4, s2;
	_ =	strace $0x9000004A  }
0x27f: {  	[tilespmem:s6], [sflag:$0x3] =	stream.linear.gather @!p4 [hbm4b:s8+s11], $0x50, $0x38;
	[tilespmem:$0x1E1C0] =	vst v63  }
0x280: {  	s12 =	rddreg [dreg:$0x4]  }
0x281: {  	s8 =	sor.u32 @!p4 $0x100, s6;
	s12 =	sadd.s32 @!p4 s12, s2  }
0x282: {  	[tilespmem:s8], [sflag:$0x3] =	stream.linear.gather @!p4 [hbm4b:s12+s11], $0x50, $0x38;
	[tilespmem:$0x1E1C0] =	vst v63  }
0x283: {  	s12 =	rddreg [dreg:$0x5]  }
0x284: {  	s8 =	sor.u32 @!p4 $0x200, s6;
	s12 =	sadd.s32 @!p4 s12, s2  }
0x285: {  	[tilespmem:s8], [sflag:$0x3] =	stream.linear.gather @!p4 [hbm4b:s12+s11], $0x50, $0x38;
	[tilespmem:$0x1E1C0] =	vst v63  }
0x286: {  	s26 =	simm.s32 $0x0;
	s12 =	rddreg [dreg:$0x2]  }
0x287: {  	v7 =	vmov s26;
	s6 =	sor.u32 @!p4 $0x300, s6;
	s2 =	sadd.s32 @!p4 s12, s2  }
0x288: {  	v7 =	vand.u32 $0xFFFFFFFC, v7;
	[tilespmem:s6], [sflag:$0x3] =	stream.linear.gather @!p4 [hbm4b:s2+s11], $0x50, $0x38;
	[tilespmem:$0x1E1C0] =	vst v63  }
0x289: {  	v7 =	vbroadcast v7, $0x0;
	p4 =	seq.s32 s21, $0x0  }
0x28a: {  	s2 =	simm.s32 @!p4 $0x5  }
0x28b: {  	s8 =	simm.s32 $0x2;
	_ =	swait.ge @!p4 [sflag:s2], $0x2800  }
0x28c: {  	v9 =	vmov s8;
	[sflag:s2] =	ssyncset.done @!p4 $0x0  }
0x28d: {  	v9 =	vand.u32 $0xFFFFFFFE, v9;
	[sflag:s2] =	ssyncadd.s32 @!p4 $0xFFFFD800  }
0x28e: {  	s31 =	simm.s32 $0x1;
	v9 =	vbroadcast v9, $0x0;
	_ =	strace $0x8000004B  }
0x28f: {  	v8 =	vmov s31;
	s21 =	simm.s32 $0x800;
	v7 =	vld.idx.msk [tilespmem:v7+s3+$0x0], $0xffff  }
0x290: {  	s18 =	simm.s32 $0x3000;
	v8 =	vand.u32 $0xFFFFFFFD, v8;
	v10 =	vld [tilespmem:s21+$0x0]  }
0x291: {  	v8 =	vbroadcast v8, $0x0;
	v11 =	vld [tilespmem:s18+$0x0]  }
0x292: {  	v12 =	vld [tilespmem:s21+$0xFFFFFF00]  }
0x293: {  	v13 =	vld [tilespmem:s18+$0xFFFFFF00]  }
0x294: {  	v9 =	vld.idx.msk [tilespmem:v9+s3+$0x0], $0xffff  }
0x295: {  	s11 =	simm.s32 $0x3;
	s2 =	simm.s32 $0x1;
	v15 =	vld [tilespmem:s21+$0xFFFFFF80]  }
0x296: {  	v14 =	vmov s11;
	s2 =	simm.s32 @!p3 $0x0;
	v16 =	vld [tilespmem:s18+$0xFFFFFF80]  }
0x297: {  	v8 =	vld.idx.msk [tilespmem:v8+s3+$0x0], $0xffff;
	s2 =	smul.u32 $0xA000, s2;
	v10 =	vadd.f32 v11, v10  }
0x298: {  	v18 =	vld [tilespmem:s18+$0x80]  }
0x299: {  	s2 =	sshrl.u32 s2, $0x2;
	v11 =	vld [tilespmem:s21+$0x80];
	v12 =	vadd.f32 v13, v12;
	v17 =	vmul.f32 v10, v9  }
0x29a: {  	s11 =	sadd.s32 $0x5800, s2  }
0x29b: {  	v13 =	vadd.f32 v16, v15;
	v10 =	vld.idx.msk [tilespmem:v14+s3+$0x0], $0xffff;
	v12 =	vmul.f32 v12, v7;
	[tilespmem:s11+$0x0] =	vst v17  }
0x29c: {  	v14 =	vld [tilespmem:s21+$0x10]  }
0x29d: {  	[tilespmem:s11+$0xFFFFFF00] =	vst v12;
	v12 =	vmul.f32 v13, v8;
	v15 =	vld [tilespmem:s18+$0x10]  }
0x29e: {  	v11 =	vadd.f32 v18, v11;
	v13 =	vld [tilespmem:s21+$0xFFFFFF10]  }
0x29f: {  	v16 =	vld [tilespmem:s18+$0xFFFFFF10];
	[tilespmem:s11+$0xFFFFFF80] =	vst v12  }
0x2a0: {  	v11 =	vmul.f32 v11, v10;
	v12 =	vld [tilespmem:s21+$0xFFFFFF90]  }
0x2a1: {  	v17 =	vld [tilespmem:s18+$0xFFFFFF90]  }
0x2a2: {  	[tilespmem:s11+$0x80] =	vst v11;
	v14 =	vadd.f32 v15, v14  }
0x2a3: {  	v11 =	vld [tilespmem:s21+$0x90]  }
0x2a4: {  	v15 =	vld [tilespmem:s18+$0x90];
	v13 =	vadd.f32 v16, v13;
	v14 =	vmul.f32 v14, v9;
	_ =	sdelay $0x1  }
0x2a5: {  	v13 =	vmul.f32 v13, v7;
	v12 =	vadd.f32 v17, v12;
	[tilespmem:s11+$0x10] =	vst v14  }
0x2a6: {  	v14 =	vld [tilespmem:s21+$0x20]  }
0x2a7: {  	[tilespmem:s11+$0xFFFFFF10] =	vst v13;
	v12 =	vmul.f32 v12, v8;
	v16 =	vld [tilespmem:s18+$0x20]  }
0x2a8: {  	v11 =	vadd.f32 v15, v11;
	v13 =	vld [tilespmem:s21+$0xFFFFFF20]  }
0x2a9: {  	v15 =	vld [tilespmem:s18+$0xFFFFFF20];
	[tilespmem:s11+$0xFFFFFF90] =	vst v12  }
0x2aa: {  	v11 =	vmul.f32 v11, v10;
	v12 =	vld [tilespmem:s21+$0xFFFFFFA0]  }
0x2ab: {  	v17 =	vld [tilespmem:s18+$0xFFFFFFA0]  }
0x2ac: {  	[tilespmem:s11+$0x90] =	vst v11;
	v14 =	vadd.f32 v16, v14  }
0x2ad: {  	v11 =	vld [tilespmem:s21+$0xA0]  }
0x2ae: {  	v16 =	vld [tilespmem:s18+$0xA0];
	v13 =	vadd.f32 v15, v13;
	v14 =	vmul.f32 v14, v9;
	_ =	sdelay $0x1  }
0x2af: {  	v13 =	vmul.f32 v13, v7;
	v12 =	vadd.f32 v17, v12;
	[tilespmem:s11+$0x20] =	vst v14  }
0x2b0: {  	v14 =	vld [tilespmem:s21+$0x30]  }
0x2b1: {  	[tilespmem:s11+$0xFFFFFF20] =	vst v13;
	v12 =	vmul.f32 v12, v8;
	v15 =	vld [tilespmem:s18+$0x30]  }
0x2b2: {  	v11 =	vadd.f32 v16, v11;
	v13 =	vld [tilespmem:s21+$0xFFFFFF30]  }
0x2b3: {  	v16 =	vld [tilespmem:s18+$0xFFFFFF30];
	[tilespmem:s11+$0xFFFFFFA0] =	vst v12  }
0x2b4: {  	v11 =	vmul.f32 v11, v10;
	v12 =	vld [tilespmem:s21+$0xFFFFFFB0]  }
0x2b5: {  	v17 =	vld [tilespmem:s18+$0xFFFFFFB0]  }
0x2b6: {  	[tilespmem:s11+$0xA0] =	vst v11;
	v14 =	vadd.f32 v15, v14  }
0x2b7: {  	v11 =	vld [tilespmem:s21+$0xB0]  }
0x2b8: {  	v15 =	vld [tilespmem:s18+$0xB0];
	v13 =	vadd.f32 v16, v13;
	v14 =	vmul.f32 v14, v9;
	_ =	sdelay $0x1  }
0x2b9: {  	v13 =	vmul.f32 v13, v7;
	v12 =	vadd.f32 v17, v12;
	[tilespmem:s11+$0x30] =	vst v14  }
0x2ba: {  	v14 =	vld [tilespmem:s21+$0x40]  }
0x2bb: {  	[tilespmem:s11+$0xFFFFFF30] =	vst v13;
	v12 =	vmul.f32 v12, v8;
	v16 =	vld [tilespmem:s18+$0x40]  }
0x2bc: {  	v11 =	vadd.f32 v15, v11;
	v13 =	vld [tilespmem:s21+$0xFFFFFF40]  }
0x2bd: {  	v15 =	vld [tilespmem:s18+$0xFFFFFF40];
	[tilespmem:s11+$0xFFFFFFB0] =	vst v12  }
0x2be: {  	v11 =	vmul.f32 v11, v10;
	v12 =	vld [tilespmem:s21+$0xFFFFFFC0]  }
0x2bf: {  	v17 =	vld [tilespmem:s18+$0xFFFFFFC0]  }
0x2c0: {  	[tilespmem:s11+$0xB0] =	vst v11;
	v14 =	vadd.f32 v16, v14  }
0x2c1: {  	v16 =	vld [tilespmem:s21+$0xC0]  }
0x2c2: {  	v18 =	vld [tilespmem:s18+$0xC0];
	v13 =	vadd.f32 v15, v13;
	v14 =	vmul.f32 v14, v9;
	_ =	sdelay $0x1  }
0x2c3: {  	s20 =	simm.s32 $0x4;
	v13 =	vmul.f32 v13, v7;
	v12 =	vadd.f32 v17, v12;
	[tilespmem:s11+$0x40] =	vst v14  }
0x2c4: {  	s22 =	simm.s32 $0x5;
	v14 =	vmov s20;
	v15 =	vld [tilespmem:s21+$0x50]  }
0x2c5: {  	v19 =	vmov s22;
	[tilespmem:s11+$0xFFFFFF40] =	vst v13;
	v12 =	vmul.f32 v12, v8;
	v14 =	vand.u32 $0xFFFFFFFC, v14;
	v17 =	vld [tilespmem:s18+$0x50]  }
0x2c6: {  	v13 =	vadd.f32 v18, v16;
	v16 =	vand.u32 $0xFFFFFFFD, v19;
	v18 =	vld [tilespmem:s21+$0xFFFFFF50];
	v14 =	vbroadcast v14, $0x0  }
0x2c7: {  	v19 =	vld [tilespmem:s18+$0xFFFFFF50];
	v16 =	vbroadcast v16, $0x0  }
0x2c8: {  	[tilespmem:s11+$0xFFFFFFC0] =	vst v12;
	v12 =	vmul.f32 v13, v10  }
0x2c9: {  	v20 =	vld [tilespmem:s21+$0xFFFFFFD0]  }
0x2ca: {  	s12 =	simm.s32 $0x7;
	v21 =	vld [tilespmem:s18+$0xFFFFFFD0];
	[tilespmem:s11+$0xC0] =	vst v12  }
0x2cb: {  	v11 =	vmov s12;
	v13 =	vadd.f32 v17, v15;
	v15 =	vld [tilespmem:s21+$0xD0]  }
0x2cc: {  	s31 =	simm.s32 $0x6;
	v12 =	vld.idx.msk [tilespmem:v14+s3+$0x0], $0xffff;
	v14 =	vadd.f32 v19, v18  }
0x2cd: {  	v17 =	vmul.f32 v13, v9;
	v13 =	vld.idx.msk [tilespmem:v16+s3+$0x0], $0xffff;
	v16 =	vmov s31  }
0x2ce: {  	v22 =	vld [tilespmem:s18+$0xD0];
	v23 =	vmul.f32 v14, v7;
	v14 =	vand.u32 $0xFFFFFFFE, v16  }
0x2cf: {  	v14 =	vbroadcast v14, $0x0  }
0x2d0: {  	s26 =	smul.u32 $0xA000, s10;
	v11 =	vld.idx.msk [tilespmem:v11+s3+$0x0], $0xffff;
	[tilespmem:s11+$0x50] =	vst v17  }
0x2d1: {  	s29 =	simm.s32 $0x8;
	v20 =	vadd.f32 v21, v20;
	v17 =	vld [tilespmem:s21+$0x60]  }
0x2d2: {  	s28 =	simm.s32 $0x3200;
	s8 =	simm.s32 $0xA00;
	s2 =	sshrl.u32 s26, $0x2;
	v18 =	vld [tilespmem:s18+$0x60]  }
0x2d3: {  	s10 =	sor.u32 $0x400, s15;
	s15 =	sadd.s32 $0x5700, s2;
	s22 =	smov.u32 s11;
	v19 =	vld [tilespmem:s8+$0x0];
	v16 =	vmul.f32 v20, v8;
	v15 =	vadd.f32 v22, v15;
	[tilespmem:s11+$0xFFFFFF50] =	vst v23  }
.LBB2_43:
0x2d4: {  	p4 =	slt.u32 s29, $0x4C;
	v20 =	vld [tilespmem:s28+$0x0]  }
0x2d5: {  	v14 =	vld.idx.msk [tilespmem:v14+s3+$0x0], $0xffff;
	[tilespmem:s11+$0xFFFFFFD0] =	vst v16;
	v15 =	vmul.f32 v15, v10  }
0x2d6: {  	v16 =	vld [tilespmem:s8+$0xFFFFFF00]  }
0x2d7: {  	v21 =	vld [tilespmem:s28+$0xFFFFFF00];
	v17 =	vadd.f32 v18, v17;
	[tilespmem:s11+$0xD0] =	vst v15  }
0x2d8: {  	v15 =	vld [tilespmem:s8+$0xFFFFFF80]  }
0x2d9: {  	v18 =	vld [tilespmem:s28+$0xFFFFFF80];
	v19 =	vadd.f32 v20, v19;
	v17 =	vmul.f32 v17, v9  }
0x2da: {  	v20 =	vld [tilespmem:s8+$0x80]  }
0x2db: {  	v19 =	vmul.f32 v19, v14;
	v22 =	vld [tilespmem:s28+$0x80];
	[tilespmem:s11+$0x60] =	vst v17  }
0x2dc: {  	s11 =	sadd.s32 $0x200, s11;
	v16 =	vadd.f32 v21, v16;
	v17 =	vld [tilespmem:s21+$0x70]  }
0x2dd: {  	[tilespmem:s11+$0x0] =	vst v19;
	v19 =	vld [tilespmem:s18+$0x70]  }
0x2de: {  	v16 =	vmul.f32 v16, v12;
	v15 =	vadd.f32 v18, v15;
	v18 =	vld [tilespmem:s8+$0x10]  }
0x2df: {  	v21 =	vld [tilespmem:s28+$0x10]  }
0x2e0: {  	[tilespmem:s11+$0xFFFFFF00] =	vst v16;
	v15 =	vmul.f32 v15, v13;
	v16 =	vadd.f32 v22, v20;
	v20 =	vld [tilespmem:s21+$0xFFFFFFE0]  }
0x2e1: {  	v22 =	vld [tilespmem:s8+$0xFFFFFF10]  }
0x2e2: {  	v23 =	vld [tilespmem:s28+$0xFFFFFF10];
	[tilespmem:s11+$0xFFFFFF80] =	vst v15;
	v15 =	vmul.f32 v16, v11;
	v16 =	vadd.f32 v19, v17  }
0x2e3: {  	v17 =	vld [tilespmem:s8+$0xFFFFFF90]  }
0x2e4: {  	v19 =	vld [tilespmem:s28+$0xFFFFFF90];
	v18 =	vadd.f32 v21, v18;
	[tilespmem:s11+$0x80] =	vst v15;
	v15 =	vmul.f32 v16, v9;
	v9 =	vmov v14  }
0x2e5: {  	v14 =	vld [tilespmem:s8+$0x90]  }
0x2e6: {  	v16 =	vmul.f32 v18, v9;
	v18 =	vld [tilespmem:s28+$0x90];
	[tilespmem:s22+$0x70] =	vst v15  }
0x2e7: {  	v15 =	vadd.f32 v23, v22;
	v21 =	vld [tilespmem:s18+$0xFFFFFFE0]  }
0x2e8: {  	[tilespmem:s11+$0x10] =	vst v16;
	v16 =	vld [tilespmem:s21+$0xFFFFFF60]  }
0x2e9: {  	v15 =	vmul.f32 v15, v12;
	v17 =	vadd.f32 v19, v17;
	v19 =	vld [tilespmem:s8+$0x20]  }
0x2ea: {  	v22 =	vld [tilespmem:s28+$0x20]  }
0x2eb: {  	[tilespmem:s11+$0xFFFFFF10] =	vst v15;
	v15 =	vmul.f32 v17, v13;
	v14 =	vadd.f32 v18, v14;
	v17 =	vld [tilespmem:s18+$0xFFFFFF60]  }
0x2ec: {  	v18 =	vld [tilespmem:s8+$0xFFFFFF20];
	v20 =	vadd.f32 v21, v20  }
0x2ed: {  	v21 =	vld [tilespmem:s28+$0xFFFFFF20];
	[tilespmem:s11+$0xFFFFFF90] =	vst v15;
	v14 =	vmul.f32 v14, v11  }
0x2ee: {  	v15 =	vld [tilespmem:s8+$0xFFFFFFA0];
	v20 =	vmul.f32 v20, v8  }
0x2ef: {  	v23 =	vld [tilespmem:s28+$0xFFFFFFA0];
	v19 =	vadd.f32 v22, v19;
	[tilespmem:s11+$0x90] =	vst v14  }
0x2f0: {  	v14 =	vld [tilespmem:s8+$0xA0];
	v16 =	vadd.f32 v17, v16;
	[tilespmem:s22+$0xFFFFFFE0] =	vst v20  }
0x2f1: {  	v17 =	vmul.f32 v19, v9;
	v19 =	vld [tilespmem:s28+$0xA0]  }
0x2f2: {  	v18 =	vadd.f32 v21, v18;
	v16 =	vmul.f32 v16, v7;
	v20 =	vld [tilespmem:s21+$0xE0]  }
0x2f3: {  	[tilespmem:s11+$0x20] =	vst v17;
	v17 =	vld [tilespmem:s18+$0xE0]  }
0x2f4: {  	v18 =	vmul.f32 v18, v12;
	v15 =	vadd.f32 v23, v15;
	v21 =	vld [tilespmem:s8+$0x30];
	[tilespmem:s22+$0xFFFFFF60] =	vst v16  }
0x2f5: {  	v16 =	vld [tilespmem:s28+$0x30]  }
0x2f6: {  	[tilespmem:s11+$0xFFFFFF20] =	vst v18;
	v15 =	vmul.f32 v15, v13;
	v14 =	vadd.f32 v19, v14;
	v18 =	vld [tilespmem:s21+$0xFFFFFFF0]  }
0x2f7: {  	v19 =	vld [tilespmem:s8+$0xFFFFFF30]  }
0x2f8: {  	v22 =	vld [tilespmem:s28+$0xFFFFFF30];
	[tilespmem:s11+$0xFFFFFFA0] =	vst v15;
	v14 =	vmul.f32 v14, v11;
	v15 =	vadd.f32 v17, v20  }
0x2f9: {  	v17 =	vld [tilespmem:s8+$0xFFFFFFB0]  }
0x2fa: {  	v20 =	vld [tilespmem:s28+$0xFFFFFFB0];
	v16 =	vadd.f32 v16, v21;
	[tilespmem:s11+$0xA0] =	vst v14;
	v14 =	vmul.f32 v15, v10  }
0x2fb: {  	v15 =	vld [tilespmem:s8+$0xB0]  }
0x2fc: {  	v16 =	vmul.f32 v16, v9;
	v21 =	vld [tilespmem:s28+$0xB0];
	[tilespmem:s22+$0xE0] =	vst v14  }
0x2fd: {  	v14 =	vadd.f32 v22, v19;
	v19 =	vld [tilespmem:s18+$0xFFFFFFF0]  }
0x2fe: {  	[tilespmem:s11+$0x30] =	vst v16;
	v16 =	vld [tilespmem:s21+$0xFFFFFF70]  }
0x2ff: {  	v14 =	vmul.f32 v14, v12;
	v17 =	vadd.f32 v20, v17;
	v20 =	vld [tilespmem:s8+$0x40]  }
0x300: {  	v22 =	vld [tilespmem:s28+$0x40]  }
0x301: {  	[tilespmem:s11+$0xFFFFFF30] =	vst v14;
	v14 =	vmul.f32 v17, v13;
	v15 =	vadd.f32 v21, v15;
	v17 =	vld [tilespmem:s18+$0xFFFFFF70]  }
0x302: {  	v21 =	vld [tilespmem:s8+$0xFFFFFF40];
	v18 =	vadd.f32 v19, v18  }
0x303: {  	v19 =	vld [tilespmem:s28+$0xFFFFFF40];
	[tilespmem:s11+$0xFFFFFFB0] =	vst v14;
	v14 =	vmul.f32 v15, v11  }
0x304: {  	v15 =	vld [tilespmem:s8+$0xFFFFFFC0];
	v18 =	vmul.f32 v18, v8;
	v8 =	vmov v13  }
0x305: {  	v13 =	vld [tilespmem:s28+$0xFFFFFFC0];
	v20 =	vadd.f32 v22, v20;
	[tilespmem:s11+$0xB0] =	vst v14  }
0x306: {  	s2 =	sadd.s32 $0x3, s29;
	v14 =	vld [tilespmem:s8+$0xC0];
	v16 =	vadd.f32 v17, v16;
	[tilespmem:s22+$0xFFFFFFF0] =	vst v18  }
0x307: {  	v17 =	vmov s2;
	v18 =	vmul.f32 v20, v9;
	v20 =	vld [tilespmem:s28+$0xC0]  }
0x308: {  	v19 =	vadd.f32 v19, v21;
	v16 =	vmul.f32 v16, v7;
	v21 =	vld [tilespmem:s21+$0xF0];
	v7 =	vmov v12;
	s21 =	smov.u32 s8  }
0x309: {  	[tilespmem:s11+$0x40] =	vst v18;
	v12 =	vld [tilespmem:s18+$0xF0];
	s18 =	smov.u32 s28  }
0x30a: {  	v18 =	vmov s29;
	v19 =	vmul.f32 v19, v7;
	v13 =	vadd.f32 v13, v15;
	v15 =	vld [tilespmem:s8+$0x50];
	[tilespmem:s22+$0xFFFFFF70] =	vst v16  }
0x30b: {  	s2 =	sadd.s32 $0x1, s29;
	v16 =	vand.u32 $0xFFFFFFFC, v18;
	v18 =	vld [tilespmem:s28+$0x50]  }
0x30c: {  	v22 =	vmov s2;
	v17 =	vld.idx.msk [tilespmem:v17+s3+$0x0], $0xffff;
	[tilespmem:s11+$0xFFFFFF40] =	vst v19;
	v13 =	vmul.f32 v13, v8;
	v14 =	vadd.f32 v20, v14  }
0x30d: {  	v16 =	vbroadcast v16, $0x0;
	v19 =	vand.u32 $0xFFFFFFFD, v22;
	v20 =	vld [tilespmem:s8+$0xFFFFFF50]  }
0x30e: {  	v19 =	vbroadcast v19, $0x0;
	v22 =	vld [tilespmem:s28+$0xFFFFFF50];
	[tilespmem:s11+$0xFFFFFFC0] =	vst v13;
	v13 =	vmul.f32 v14, v11;
	v12 =	vadd.f32 v12, v21  }
0x30f: {  	v21 =	vld [tilespmem:s8+$0xFFFFFFD0]  }
0x310: {  	s2 =	sadd.s32 $0x2, s29;
	v23 =	vld [tilespmem:s28+$0xFFFFFFD0];
	v14 =	vadd.f32 v18, v15;
	[tilespmem:s11+$0xC0] =	vst v13;
	v12 =	vmul.f32 v12, v10;
	v10 =	vmov v11  }
0x311: {  	v25 =	vmov s2;
	v15 =	vld [tilespmem:s8+$0xD0]  }
0x312: {  	v13 =	vand.u32 $0xFFFFFFFE, v25;
	v11 =	vmov v17;
	v18 =	vmul.f32 v14, v9;
	v24 =	vld [tilespmem:s28+$0xD0];
	[tilespmem:s22+$0xF0] =	vst v12;
	s22 =	smov.u32 s11  }
.Ltmp28:
0x313: {  	v14 =	vbroadcast v13, $0x0;
	v12 =	vld.idx.msk [tilespmem:v16+s3+$0x0], $0xffff;
	v16 =	vadd.f32 v22, v20;
	(pc) =	sbr.rel @p4 .LBB2_43-.Ltmp28, $4  }
0x314: {  	v13 =	vld.idx.msk [tilespmem:v19+s3+$0x0], $0xffff;
	[tilespmem:s11+$0x50] =	vst v18  }
0x315: {  	v16 =	vmul.f32 v16, v7;
	v20 =	vadd.f32 v23, v21;
	v17 =	vld [tilespmem:s8+$0x60]  }
0x316: {  	s8 =	sadd.s32 $0x200, s8;
	v18 =	vld [tilespmem:s28+$0x60]  }
0x317: {  	s29 =	sadd.s32 $0x4, s29;
	s28 =	sadd.s32 $0x200, s28;
	v19 =	vld [tilespmem:s8+$0x0];
	[tilespmem:s11+$0xFFFFFF50] =	vst v16;
	v16 =	vmul.f32 v20, v8;
	v15 =	vadd.f32 v24, v15  }
0x318: {  	_ =	sdelay $0x2  }
0x319: {  	v20 =	vld [tilespmem:s28+$0x0]  }
0x31a: {  	v14 =	vld.idx.msk [tilespmem:v14+s3+$0x0], $0xffff  }
0x31b: {  	v21 =	vld [tilespmem:s8+$0xFFFFFF80]  }
0x31c: {  	v22 =	vld [tilespmem:s28+$0xFFFFFF80]  }
0x31d: {  	v23 =	vld [tilespmem:s8+$0xFFFFFF00]  }
0x31e: {  	v24 =	vld [tilespmem:s28+$0xFFFFFF00]  }
0x31f: {  	v63 =	vld [tilespmem:s8+$0x80];
	v19 =	vadd.f32 v20, v19  }
0x320: {  	v25 =	vld [tilespmem:s28+$0x80]  }
0x321: {  	v21 =	vadd.f32 v22, v21;
	v19 =	vmul.f32 v19, v14  }
0x322: {  	s29 =	sadd.s32 $0x200, s11  }
0x323: {  	v27 =	vadd.f32 v24, v23;
	v28 =	vmul.f32 v21, v13;
	[tilespmem:s29+$0x0] =	vst v19  }
0x324: {  	v29 =	vld [tilespmem:s8+$0x10]  }
0x325: {  	v20 =	vadd.f32 v25, v63;
	v22 =	vmul.f32 v27, v12;
	[tilespmem:s29+$0xFFFFFF80] =	vst v28;
	v30 =	vld [tilespmem:s28+$0x10]  }
0x326: {  	v19 =	vld [tilespmem:s8+$0xFFFFFF90]  }
0x327: {  	v20 =	vmul.f32 v20, v11;
	[tilespmem:s29+$0xFFFFFF00] =	vst v22;
	v31 =	vld [tilespmem:s28+$0xFFFFFF90]  }
0x328: {  	v32 =	vld [tilespmem:s8+$0xFFFFFF10]  }
0x329: {  	[tilespmem:s29+$0x80] =	vst v20;
	v33 =	vld [tilespmem:s28+$0xFFFFFF10]  }
0x32a: {  	v35 =	vld [tilespmem:s8+$0x90];
	v34 =	vadd.f32 v30, v29  }
0x32b: {  	v36 =	vld [tilespmem:s28+$0x90]  }
0x32c: {  	v19 =	vadd.f32 v31, v19;
	v20 =	vmul.f32 v34, v14;
	_ =	sdelay $0x1  }
0x32d: {  	v37 =	vadd.f32 v33, v32;
	v19 =	vmul.f32 v19, v13;
	[tilespmem:s29+$0x10] =	vst v20  }
0x32e: {  	v20 =	vld [tilespmem:s8+$0x20]  }
0x32f: {  	v21 =	vadd.f32 v36, v35;
	v22 =	vmul.f32 v37, v12;
	[tilespmem:s29+$0xFFFFFF90] =	vst v19;
	v38 =	vld [tilespmem:s28+$0x20]  }
0x330: {  	v19 =	vld [tilespmem:s8+$0xFFFFFFA0]  }
0x331: {  	v21 =	vmul.f32 v21, v11;
	[tilespmem:s29+$0xFFFFFF10] =	vst v22;
	v39 =	vld [tilespmem:s28+$0xFFFFFFA0]  }
0x332: {  	v40 =	vld [tilespmem:s8+$0xFFFFFF20]  }
0x333: {  	[tilespmem:s29+$0x90] =	vst v21;
	v41 =	vld [tilespmem:s28+$0xFFFFFF20]  }
0x334: {  	v21 =	vld [tilespmem:s8+$0xA0];
	v20 =	vadd.f32 v38, v20  }
0x335: {  	v42 =	vld [tilespmem:s28+$0xA0]  }
0x336: {  	v19 =	vadd.f32 v39, v19;
	v43 =	vmul.f32 v20, v14  }
0x337: {  	v26 =	vld [tilespmem:s21+$0xFFFFFF60];
	v17 =	vadd.f32 v18, v17  }
0x338: {  	v61 =	vld [tilespmem:s18+$0xFFFFFF60];
	v18 =	vadd.f32 v41, v40;
	v44 =	vmul.f32 v19, v13;
	[tilespmem:s29+$0x20] =	vst v43  }
0x339: {  	v17 =	vmul.f32 v17, v9;
	v45 =	vld [tilespmem:s8+$0x30]  }
0x33a: {  	v21 =	vadd.f32 v42, v21;
	v18 =	vmul.f32 v18, v12;
	[tilespmem:s29+$0xFFFFFFA0] =	vst v44;
	v46 =	vld [tilespmem:s28+$0x30]  }
0x33b: {  	[tilespmem:s11+$0x60] =	vst v17;
	v17 =	vld [tilespmem:s8+$0xFFFFFFB0]  }
0x33c: {  	v47 =	vmul.f32 v21, v11;
	[tilespmem:s29+$0xFFFFFF20] =	vst v18;
	v48 =	vld [tilespmem:s28+$0xFFFFFFB0]  }
0x33d: {  	v49 =	vld [tilespmem:s8+$0xFFFFFF30]  }
0x33e: {  	[tilespmem:s29+$0xA0] =	vst v47;
	v50 =	vld [tilespmem:s28+$0xFFFFFF30]  }
0x33f: {  	v52 =	vld [tilespmem:s8+$0xB0];
	v51 =	vadd.f32 v46, v45  }
0x340: {  	[tilespmem:s11+$0xFFFFFFD0] =	vst v16;
	v15 =	vmul.f32 v15, v10;
	v53 =	vld [tilespmem:s28+$0xB0]  }
0x341: {  	v54 =	vld [tilespmem:s21+$0xFFFFFFE0];
	v17 =	vadd.f32 v48, v17;
	v18 =	vmul.f32 v51, v14  }
0x342: {  	v55 =	vld [tilespmem:s18+$0xFFFFFFE0];
	[tilespmem:s11+$0xD0] =	vst v15  }
0x343: {  	v62 =	vld [tilespmem:s21+$0xE0];
	v24 =	vadd.f32 v50, v49;
	v17 =	vmul.f32 v17, v13;
	[tilespmem:s29+$0x30] =	vst v18  }
0x344: {  	v18 =	vld [tilespmem:s8+$0x40]  }
0x345: {  	v16 =	vadd.f32 v53, v52;
	v24 =	vmul.f32 v24, v12;
	[tilespmem:s29+$0xFFFFFFB0] =	vst v17;
	v56 =	vld [tilespmem:s28+$0x40]  }
0x346: {  	v17 =	vld [tilespmem:s8+$0xFFFFFFC0]  }
0x347: {  	v16 =	vmul.f32 v16, v11;
	[tilespmem:s29+$0xFFFFFF30] =	vst v24;
	v57 =	vld [tilespmem:s28+$0xFFFFFFC0]  }
0x348: {  	v15 =	vadd.f32 v61, v26;
	v24 =	vld [tilespmem:s8+$0xFFFFFF40]  }
0x349: {  	[tilespmem:s29+$0xB0] =	vst v16;
	v27 =	vld [tilespmem:s28+$0xFFFFFF40]  }
0x34a: {  	v15 =	vmul.f32 v15, v7;
	v59 =	vld [tilespmem:s8+$0xC0];
	v58 =	vadd.f32 v56, v18  }
0x34b: {  	v60 =	vld [tilespmem:s28+$0xC0]  }
0x34c: {  	v28 =	vld [tilespmem:s18+$0xE0];
	[tilespmem:s22+$0xFFFFFF60] =	vst v15;
	v17 =	vadd.f32 v57, v17;
	v16 =	vmul.f32 v58, v14  }
0x34d: {  	v37 =	vld [tilespmem:s21+$0xFFFFFF70]  }
0x34e: {  	v22 =	vld [tilespmem:s18+$0x70];
	v24 =	vadd.f32 v27, v24;
	v63 =	vmul.f32 v17, v13;
	[tilespmem:s29+$0x40] =	vst v16  }
0x34f: {  	v30 =	vld [tilespmem:s8+$0x50]  }
0x350: {  	v18 =	vadd.f32 v60, v59;
	v24 =	vmul.f32 v24, v12;
	[tilespmem:s29+$0xFFFFFFC0] =	vst v63;
	v31 =	vld [tilespmem:s28+$0x50]  }
0x351: {  	v16 =	vld [tilespmem:s8+$0xFFFFFFD0]  }
0x352: {  	v18 =	vmul.f32 v18, v11;
	[tilespmem:s29+$0xFFFFFF40] =	vst v24;
	v32 =	vld [tilespmem:s28+$0xFFFFFFD0]  }
0x353: {  	v24 =	vld [tilespmem:s8+$0xFFFFFF50]  }
0x354: {  	v21 =	vadd.f32 v55, v54;
	[tilespmem:s29+$0xC0] =	vst v18;
	v33 =	vld [tilespmem:s28+$0xFFFFFF50]  }
0x355: {  	v18 =	vld [tilespmem:s8+$0xD0];
	v17 =	vadd.f32 v31, v30  }
0x356: {  	v21 =	vmul.f32 v21, v8;
	v34 =	vld [tilespmem:s28+$0xD0]  }
0x357: {  	v20 =	vld [tilespmem:s21+$0x70];
	v16 =	vadd.f32 v32, v16;
	v17 =	vmul.f32 v17, v14  }
0x358: {  	v43 =	vld [tilespmem:s18+$0xFFFFFF70];
	[tilespmem:s22+$0xFFFFFFE0] =	vst v21  }
0x359: {  	v35 =	vld [tilespmem:s21+$0xFFFFFFF0];
	v24 =	vadd.f32 v33, v24;
	v16 =	vmul.f32 v16, v13;
	[tilespmem:s29+$0x50] =	vst v17  }
0x35a: {  	v17 =	vld [tilespmem:s8+$0x60]  }
0x35b: {  	v18 =	vadd.f32 v34, v18;
	v24 =	vmul.f32 v24, v12;
	[tilespmem:s29+$0xFFFFFFD0] =	vst v16;
	v38 =	vld [tilespmem:s28+$0x60]  }
0x35c: {  	v16 =	vld [tilespmem:s8+$0xFFFFFFE0]  }
0x35d: {  	v18 =	vmul.f32 v18, v11;
	[tilespmem:s29+$0xFFFFFF50] =	vst v24;
	v39 =	vld [tilespmem:s28+$0xFFFFFFE0]  }
0x35e: {  	v19 =	vadd.f32 v28, v62;
	v24 =	vld [tilespmem:s8+$0xFFFFFF60]  }
0x35f: {  	[tilespmem:s29+$0xD0] =	vst v18;
	v40 =	vld [tilespmem:s28+$0xFFFFFF60]  }
0x360: {  	v19 =	vmul.f32 v19, v10;
	v41 =	vld [tilespmem:s8+$0xE0];
	v17 =	vadd.f32 v38, v17  }
0x361: {  	v42 =	vld [tilespmem:s28+$0xE0]  }
0x362: {  	[tilespmem:s22+$0xE0] =	vst v19;
	v36 =	vld [tilespmem:s18+$0xFFFFFFF0];
	v16 =	vadd.f32 v39, v16;
	v17 =	vmul.f32 v17, v14  }
0x363: {  	v44 =	vld [tilespmem:s21+$0xF0]  }
0x364: {  	v45 =	vld [tilespmem:s18+$0xF0];
	v46 =	vadd.f32 v40, v24;
	v16 =	vmul.f32 v16, v13;
	[tilespmem:s29+$0x60] =	vst v17  }
0x365: {  	v47 =	vld [tilespmem:s8+$0x70]  }
0x366: {  	v50 =	vadd.f32 v42, v41;
	v49 =	vmul.f32 v46, v12;
	[tilespmem:s29+$0xFFFFFFE0] =	vst v16;
	v48 =	vld [tilespmem:s28+$0x70]  }
0x367: {  	v51 =	vld [tilespmem:s8+$0xFFFFFFF0]  }
0x368: {  	v52 =	vmul.f32 v50, v11;
	[tilespmem:s29+$0xFFFFFF60] =	vst v49;
	v53 =	vld [tilespmem:s28+$0xFFFFFFF0]  }
0x369: {  	v54 =	vld [tilespmem:s8+$0xFFFFFF70]  }
0x36a: {  	v19 =	vadd.f32 v43, v37;
	[tilespmem:s29+$0xE0] =	vst v52;
	v55 =	vld [tilespmem:s28+$0xFFFFFF70]  }
0x36b: {  	v15 =	vadd.f32 v36, v35;
	v56 =	vld [tilespmem:s8+$0xF0]  }
0x36c: {  	v20 =	vadd.f32 v22, v20;
	v7 =	vmul.f32 v19, v7;
	v58 =	vld [tilespmem:s28+$0xF0]  }
0x36d: {  	v8 =	vmul.f32 v15, v8;
	v59 =	vadd.f32 v45, v44  }
0x36e: {  	[tilespmem:s22+$0xFFFFFF70] =	vst v7;
	v57 =	vmul.f32 v20, v9;
	v60 =	vadd.f32 v48, v47  }
0x36f: {  	[tilespmem:s22+$0xFFFFFFF0] =	vst v8;
	v8 =	vmul.f32 v59, v10;
	v61 =	vadd.f32 v53, v51  }
0x370: {  	[tilespmem:s22+$0x70] =	vst v57;
	v62 =	vadd.f32 v55, v54;
	v7 =	vmul.f32 v60, v14  }
0x371: {  	[tilespmem:s22+$0xF0] =	vst v8;
	v63 =	vadd.f32 v58, v56;
	v8 =	vmul.f32 v61, v13  }
0x372: {  	[tilespmem:s29+$0x70] =	vst v7;
	v7 =	vmul.f32 v62, v12  }
0x373: {  	p4 =	sne.s32 s16, s7;
	[tilespmem:s29+$0xFFFFFFF0] =	vst v8;
	v8 =	vmul.f32 v63, v11  }
.Ltmp29:
0x374: {  	[tilespmem:s29+$0xFFFFFF70] =	vst v7;
	(pc) =	sbr.rel @p4 .LBB2_18-.Ltmp29, $4  }
0x375: {  	p3 =	por !p3, !p3;
	[tilespmem:s29+$0xF0] =	vst v8  }
0x376: {  	s12 =	smov.u32 s0;
	s11 =	smov.u32 s13;
	_ =	strace $0x9000004B  }
0x377: {  	s21 =	smov.u32 s16;
	s28 =	smov.u32 s14;
	s2 =	rddreg [dreg:$0x8]  }
0x378: {  	[spmem:s2] =	stream.indirect.scatter.add.f32 [tilespmem:s15], [sflag:$0x5], $0x80, s10, s25, $0xb8;
	[tilespmem:$0x1E1C0] =	vst v63  }
0x379: {  	s0 =	simm.s32 $0x5  }
.Ltmp30:
0x37a: {  	_ =	swait.ge [sflag:s0], $0x2800;
	(pc) =	sbr.rel .LBB2_46-.Ltmp30, $4  }
0x37b: {  	s14 =	rddreg [dreg:$0xb]  }
0x37c: {  	s11 =	rddreg [dreg:$0x10]  }
0x37d: {  	[sflag:s0] =	ssyncset.done $0x0;
	s13 =	rddreg [dreg:$0x11]  }
0x37e: {  	s12 =	simm.s32 $0x500;
	s15 =	rddreg [dreg:$0x12];
	[sflag:s0] =	ssyncadd.s32 $0xFFFFD800  }
.LBB2_47:
0x37f: {  	_ =	sfence.sel $0x180000  }
0x380: {  	[bflag:$0x0] =	sbarrier.arrive $0xFFFF  }
0x381: {  	_ =	strace $0x90000047  }
0x382: {  	s0 =	stileid.u32;
	[bflag:$0x2] =	sbarrier.arrive $0xFFFF  }
0x383: {  	p0 =	sne.s32 s0, $0x0;
	s0 =	rddreg [dreg:$0x9]  }
0x384: {  	s0 =	sadd.s32 @!p0 $0x100000, s0  }
0x385: {  	[sflag:s0] =	ssyncadd.tile.s32 @!p0 $0x1;
	_ =	shalt  }
.Lfunc_end2:
_tile_overlayer_lowered:
.L_overlay_start_2:
0x386: {  	(tag) =	ssettag $0x2  }
0x387: {  	s0 =	rddreg [dreg:$0x0];
	s2 =	stileid.u32  }
0x388: {  	s1 =	rddreg [dreg:$0x1];
	p0 =	sne.s32 s2, $0x0  }
0x389: {  	s3 =	rddreg [dreg:$0x2];
	[bflag:$0x3] =	sbarrier.arrive $0xFFFF;
	s2 =	simm.s32 @!p0 $0x1C06  }
0x38a: {  	[timem:s3], [sflag:s2] =	dma.local @!p0 [hbm:s0], s1  }
0x38b: {  	s0 =	simm.s32 @!p0 $0x6  }
0x38c: {  	_ =	swait.ge @!p0 [sflag:s0], s1  }
0x38d: {  	s1 =	ssub.s32 @!p0 $0x0, s1;
	[sflag:s0] =	ssyncset.done @!p0 $0x0  }
0x38e: {  	[sflag:s0] =	ssyncadd.s32 @!p0 s1  }
0x38f: {  	[bflag:$0x3] =	sbarrier.arrive $0xFFFF  }
0x390: {  	_ =	shalt  }

</sc_bundles>
